<compile_context>
chip_gen: v7x
topology: tpu7x:2x2x1
jax: 0.10.2.dev20260603
libtpu: 0.0.44.dev20260713+nightly
codegen_flags: <defaults>
</compile_context>

<pallas_src>
import functools

import jax
import jax.numpy as jnp
from jax import lax
from jax.experimental import pallas as pl
from jax.experimental.pallas import tpu as pltpu
from jax.experimental.pallas import tpu_sc as plsc

N = 10000
NPAD = 10240
E = 320000
HC = 256
G = 64

NS = 16
CHB = 32
NCHB = E // NS // CHB
CHD = 80
NCHD = E // (2 * NS) // CHD

_f32 = jnp.float32


def _mesh():
    return plsc.VectorSubcoreMesh(core_axis_name="c", subcore_axis_name="s")


def _proj_kernel(x_ref, w_ref, o_ref):
    o_ref[...] = jnp.dot(x_ref[...], w_ref[...],
                         preferred_element_type=jnp.float32)


def _proj(x, wcat):
    return pl.pallas_call(
        _proj_kernel,
        grid=(5,),
        in_specs=[pl.BlockSpec((2000, 128), lambda i: (i, 0)),
                  pl.BlockSpec((128, 512), lambda i: (0, 0))],
        out_specs=pl.BlockSpec((2000, 512), lambda i: (i, 0)),
        out_shape=jax.ShapeDtypeStruct((N, 512), jnp.float32),
    )(x, wcat)


def _gat1_body(xlcat, xrcat, edges4, attp, out,
               srcb, dstb, dsto, dsts, xl_rows, xr_rows, msg, att_v,
               tbl, sem_i, sem_e, sem_g, sem_s):
    cid = lax.axis_index("c")
    sid = lax.axis_index("s")
    off = cid * N

    pltpu.async_copy(attp.at[cid], att_v, sem_i).wait()

    @pl.loop(0, CHB)
    def _zero_msg(r):
        for j in range(144 // 16):
            msg[0, r, pl.ds(16 * j, 16)] = jnp.zeros((16,), _f32)

    for k in range(20):
        pltpu.sync_copy(msg.at[0], tbl.at[pl.ds(sid * 640 + k * CHB, CHB), :])
    plsc.subcore_barrier()

    att_vecs = [att_v[pl.ds(16 * j, 16)] for j in range(8)]
    lane = lax.iota(jnp.int32, 16)
    ohs = [jnp.where(lane == h, 1.0, 0.0).astype(_f32) for h in range(4)]
    bfly = [lane ^ (1 << k) for k in range(4)]

    def hsum_splat(v):
        for k in range(4):
            v = v + jnp.take_along_axis(v, bfly[k], axis=0)
        return v

    def start_idx(i):
        p = lax.rem(i, 2)
        pltpu.async_copy(edges4.at[0, sid, i], srcb.at[p], sem_e.at[p])
        pltpu.async_copy(edges4.at[1, sid, i], dstb.at[p], sem_e.at[p])

    def wait_idx(i):
        p = lax.rem(i, 2)
        pltpu.make_async_copy(edges4.at[0, sid, i], srcb.at[p],
                              sem_e.at[p]).wait()
        pltpu.make_async_copy(edges4.at[0, sid, i], dstb.at[p],
                              sem_e.at[p]).wait()

    def start_gathers(i):
        p = lax.rem(i, 2)
        p3 = lax.rem(i, 3)
        for g in range(CHB // 16):
            sl = pl.ds(g * 16, 16)
            srcb[p, sl] = srcb[p, sl] + off
            d = dstb[p, sl]
            dsts[p3, sl] = d
            dsto[p, sl] = d + off
        pltpu.async_copy(xlcat.at[srcb.at[p]], xl_rows.at[p], sem_g.at[p])
        pltpu.async_copy(xrcat.at[dsto.at[p]], xr_rows.at[p], sem_g.at[p])

    def wait_gathers(b):
        pltpu.make_async_copy(xlcat.at[srcb.at[b]], xl_rows.at[b],
                              sem_g.at[b]).wait()
        pltpu.make_async_copy(xlcat.at[srcb.at[b]], xr_rows.at[b],
                              sem_g.at[b]).wait()

    def wait_scatter(b):
        pltpu.make_async_copy(msg.at[b], tbl.at[pl.ds(0, CHB), :],
                              sem_s.at[b]).wait()

    start_idx(0)
    wait_idx(0)
    start_gathers(0)
    start_idx(1)

    @pl.loop(0, NCHB)
    def _chunk(i):
        b = lax.rem(i, 2)
        p3 = lax.rem(i, 3)

        wait_gathers(b)

        @pl.when(i + 2 < NCHB)
        def _pf_idx():
            start_idx(i + 2)

        @pl.when(i >= 2)
        def _drain_scatter():
            wait_scatter(b)

        @pl.when(i + 1 < NCHB)
        def _pf_rows():
            wait_idx(i + 1)
            start_gathers(i + 1)

        @plsc.parallel_loop(0, CHB, unroll=2)
        def _edge(e):
            xlv = [xl_rows[b, e, pl.ds(16 * j, 16)] for j in range(8)]
            xrv = [xr_rows[b, e, pl.ds(16 * j, 16)] for j in range(8)]
            pv = []
            for j in range(8):
                t = xlv[j] + xrv[j]
                m = jnp.maximum(t, 0.2 * t)
                pv.append(m * att_vecs[j])
            evs = []
            den = None
            for h in range(4):
                ev = jnp.exp(hsum_splat(pv[2 * h] + pv[2 * h + 1]))
                evs.append(ev)
                d = ev * ohs[h]
                den = d if den is None else den + d
            for h in range(4):
                msg[b, e, pl.ds(32 * h, 16)] = evs[h] * xlv[2 * h]
                msg[b, e, pl.ds(32 * h + 16, 16)] = evs[h] * xlv[2 * h + 1]
            msg[b, e, pl.ds(128, 16)] = den

        pltpu.async_copy(msg.at[b], tbl.at[dsts.at[p3]], sem_s.at[b],
                         add=True)

    wait_scatter(0)
    wait_scatter(1)
    plsc.subcore_barrier()

    for k in range(20):
        r0 = sid * 640 + k * CHB
        pltpu.sync_copy(tbl.at[pl.ds(r0, CHB), :],
                        out.at[cid, pl.ds(r0, CHB), :])


def _gat1(xlcat, xrcat, edges3, attp):
    f = functools.partial(
        pl.kernel,
        out_type=jax.ShapeDtypeStruct((2, NPAD, 144), jnp.float32),
        mesh=_mesh(),
        compiler_params=pltpu.CompilerParams(use_tc_tiling_on_sc=False),
        scratch_types=[
            pltpu.VMEM((2, CHB), jnp.int32),
            pltpu.VMEM((2, CHB), jnp.int32),
            pltpu.VMEM((2, CHB), jnp.int32),
            pltpu.VMEM((3, CHB), jnp.int32),
            pltpu.VMEM((2, CHB, 128), jnp.float32),
            pltpu.VMEM((2, CHB, 128), jnp.float32),
            pltpu.VMEM((2, CHB, 144), jnp.float32),
            pltpu.VMEM((128,), jnp.float32),
            pltpu.VMEM_SHARED((NPAD, 144), jnp.float32),
            pltpu.SemaphoreType.DMA,
            pltpu.SemaphoreType.DMA((2,)),
            pltpu.SemaphoreType.DMA((2,)),
            pltpu.SemaphoreType.DMA((2,)),
        ],
    )(_gat1_body)
    return f(xlcat, xrcat, edges3, attp)


def _mid_kernel(msg_ref, den_ref, b1_ref, g1_ref, be1_ref, w2_ref, o_ref):
    u = msg_ref[...] / (den_ref[...] + 1e-16) + b1_ref[...]
    mu = jnp.mean(u, axis=0, keepdims=True)
    var = jnp.mean((u - mu) * (u - mu), axis=0, keepdims=True)
    hn = (u - mu) / jnp.sqrt(var + 1e-5) * g1_ref[...] + be1_ref[...]
    h = jnp.maximum(hn, 0.01 * hn)
    o_ref[...] = jnp.dot(h, w2_ref[...], preferred_element_type=jnp.float32)


def _mid(msg, denrep, b1, g1, be1, w2cat):
    return pl.pallas_call(
        _mid_kernel,
        out_shape=jax.ShapeDtypeStruct((N, 2), jnp.float32),
    )(msg, denrep, b1.reshape(1, HC), g1.reshape(1, HC), be1.reshape(1, HC),
      w2cat)


def _gat2_body(xl2, xr2, edges4, att2v, den_out, out_out,
               srcb, dstb, dsts, xl_vals, xr_vals, ea_buf, eaa_buf, zbuf,
               att_v, den_s, out_s, sem_i, sem_e, sem_g, sem_s):
    cid = lax.axis_index("c")
    sid = lax.axis_index("s")
    wid = cid * NS + sid

    @pl.loop(0, 40)
    def _zero(r):
        zbuf[pl.ds(16 * r, 16)] = jnp.zeros((16,), _f32)

    pltpu.sync_copy(zbuf, den_s.at[pl.ds(sid * 640, 640)])
    pltpu.sync_copy(zbuf, out_s.at[pl.ds(sid * 640, 640)])
    plsc.subcore_barrier()

    pltpu.async_copy(att2v.at[:], att_v, sem_i).wait()
    attv = att_v[...]

    def start_idx(i):
        p = lax.rem(i, 2)
        pltpu.async_copy(edges4.at[0, wid, i], srcb.at[p], sem_e.at[p])
        pltpu.async_copy(edges4.at[1, wid, i], dstb.at[p], sem_e.at[p])

    def wait_idx(i):
        p = lax.rem(i, 2)
        pltpu.make_async_copy(edges4.at[0, wid, i], srcb.at[p],
                              sem_e.at[p]).wait()
        pltpu.make_async_copy(edges4.at[0, wid, i], dstb.at[p],
                              sem_e.at[p]).wait()

    def start_gathers(i):
        p = lax.rem(i, 2)
        p3 = lax.rem(i, 3)
        for g in range(CHD // 16):
            sl = pl.ds(g * 16, 16)
            dsts[p3, sl] = dstb[p, sl]
        pltpu.async_copy(xl2.at[srcb.at[p]], xl_vals.at[p], sem_g.at[p])
        pltpu.async_copy(xr2.at[dstb.at[p]], xr_vals.at[p], sem_g.at[p])

    def wait_gathers(b):
        pltpu.make_async_copy(xl2.at[srcb.at[b]], xl_vals.at[b],
                              sem_g.at[b]).wait()
        pltpu.make_async_copy(xl2.at[srcb.at[b]], xr_vals.at[b],
                              sem_g.at[b]).wait()

    def wait_scatter(b):
        pltpu.make_async_copy(ea_buf.at[b], den_s.at[pl.ds(0, CHD)],
                              sem_s.at[b]).wait()
        pltpu.make_async_copy(eaa_buf.at[b], out_s.at[pl.ds(0, CHD)],
                              sem_s.at[b]).wait()

    start_idx(0)
    wait_idx(0)
    start_gathers(0)
    start_idx(1)

    @pl.loop(0, NCHD)
    def _chunk(i):
        b = lax.rem(i, 2)
        p3 = lax.rem(i, 3)

        wait_gathers(b)

        @pl.when(i + 2 < NCHD)
        def _pf_idx():
            start_idx(i + 2)

        @pl.when(i >= 2)
        def _drain():
            wait_scatter(b)

        @pl.when(i + 1 < NCHD)
        def _pf_rows():
            wait_idx(i + 1)
            start_gathers(i + 1)

        for g in range(CHD // 16):
            sl = pl.ds(g * 16, 16)
            a = xl_vals[b, sl]
            r = xr_vals[b, sl]
            t = a + r
            m = jnp.maximum(t, 0.2 * t)
            ea = jnp.exp(m * attv)
            ea_buf[b, sl] = ea
            eaa_buf[b, sl] = ea * a

        pltpu.async_copy(ea_buf.at[b], den_s.at[dsts.at[p3]], sem_s.at[b],
                         add=True)
        pltpu.async_copy(eaa_buf.at[b], out_s.at[dsts.at[p3]], sem_s.at[b],
                         add=True)

    wait_scatter(0)
    wait_scatter(1)
    plsc.subcore_barrier()

    pltpu.sync_copy(den_s.at[pl.ds(sid * 640, 640)],
                    den_out.at[cid, pl.ds(sid * 640, 640)])
    pltpu.sync_copy(out_s.at[pl.ds(sid * 640, 640)],
                    out_out.at[cid, pl.ds(sid * 640, 640)])


def _gat2(xl2p, xr2p, edges3, att2v):
    f = functools.partial(
        pl.kernel,
        out_type=(jax.ShapeDtypeStruct((2, NPAD), jnp.float32),
                  jax.ShapeDtypeStruct((2, NPAD), jnp.float32)),
        mesh=_mesh(),
        compiler_params=pltpu.CompilerParams(use_tc_tiling_on_sc=False),
        scratch_types=[
            pltpu.VMEM((2, CHD), jnp.int32),
            pltpu.VMEM((2, CHD), jnp.int32),
            pltpu.VMEM((3, CHD), jnp.int32),
            pltpu.VMEM((2, CHD), jnp.float32),
            pltpu.VMEM((2, CHD), jnp.float32),
            pltpu.VMEM((2, CHD), jnp.float32),
            pltpu.VMEM((2, CHD), jnp.float32),
            pltpu.VMEM((640,), jnp.float32),
            pltpu.VMEM((16,), jnp.float32),
            pltpu.VMEM_SHARED((NPAD,), jnp.float32),
            pltpu.VMEM_SHARED((NPAD,), jnp.float32),
            pltpu.SemaphoreType.DMA,
            pltpu.SemaphoreType.DMA((2,)),
            pltpu.SemaphoreType.DMA((2,)),
            pltpu.SemaphoreType.DMA((2,)),
        ],
    )(_gat2_body)
    return f(xl2p, xr2p, edges3, att2v)


def _tail_kernel(o2_ref, d2_ref, batch_ref, b2_ref, g2_ref, be2_ref,
                 w3_ref, b3_ref, w4_ref, b4_ref, o_ref):
    o2 = o2_ref[...]
    d2 = d2_ref[...]
    osum = jnp.sum(o2, axis=0, keepdims=True)
    dsum = jnp.sum(d2, axis=0, keepdims=True)
    h2 = osum / (dsum + 1e-16) + b2_ref[...]
    mu = jnp.mean(h2, axis=1, keepdims=True)
    var = jnp.mean((h2 - mu) * (h2 - mu), axis=1, keepdims=True)
    hn = (h2 - mu) / jnp.sqrt(var + 1e-5) * g2_ref[...] + be2_ref[...]
    h = jnp.maximum(hn, 0.01 * hn)
    gids = lax.broadcasted_iota(jnp.int32, (G, N), 0)
    onehot = jnp.where(gids == batch_ref[...], 1.0, 0.0).astype(jnp.float32)
    s = jnp.sum(onehot * h, axis=1, keepdims=True)
    cnt = jnp.sum(onehot, axis=1, keepdims=True)
    p = s / jnp.maximum(cnt, 1.0)
    p2 = p * w3_ref[...] + b3_ref[...]
    p2 = jnp.maximum(p2, 0.01 * p2)
    o_ref[...] = jnp.sum(p2 * w4_ref[...], axis=1,
                         keepdims=True) + b4_ref[...]


def _tail(out2, den2, batch, b2, g2, be2, W3, b3, W4, b4):
    return pl.pallas_call(
        _tail_kernel,
        out_shape=jax.ShapeDtypeStruct((G, 1), jnp.float32),
    )(out2, den2, batch.reshape(1, N), b2.reshape(1, 1), g2.reshape(1, 1),
      be2.reshape(1, 1), W3.reshape(1, 128), b3.reshape(1, 128),
      W4.reshape(1, 128), b4.reshape(1, 1))


def kernel(x, edge_index, batch, Wl1, Wr1, att1, b1, g1, be1,
           Wl2, Wr2, att2, b2, g2, be2, W3, b3, W4, b4):
    wcat = jnp.concatenate([Wl1, Wr1], axis=1)
    y = _proj(x, wcat)
    xlcat = jnp.concatenate([y[:, 0:128], y[:, 128:256]], axis=0)
    xrcat = jnp.concatenate([y[:, 256:384], y[:, 384:512]], axis=0)
    attf = att1.reshape(HC)
    attp = jnp.stack([attf[:128], attf[128:]])
    edges4b = edge_index.reshape(2, NS, NCHB, CHB)
    edges4d = edge_index.reshape(2, 2 * NS, NCHD, CHD)

    tblout = _gat1(xlcat, xrcat, edges4b, attp)

    msg = jnp.concatenate([tblout[0, :N, :128], tblout[1, :N, :128]], axis=1)
    den8 = jnp.concatenate([tblout[0, :N, 128:132],
                            tblout[1, :N, 128:132]], axis=1)
    denrep = jnp.repeat(den8, 32, axis=1)

    w2cat = jnp.concatenate([Wl2, Wr2], axis=1)
    y2 = _mid(msg, denrep, b1, g1, be1, w2cat)

    xl2p = jnp.pad(y2[:, 0], (0, NPAD - N))
    xr2p = jnp.pad(y2[:, 1], (0, NPAD - N))
    att2v = jnp.full((16,), att2[0, 0], jnp.float32)

    den2, out2 = _gat2(xl2p, xr2p, edges4d, att2v)

    return _tail(out2[:, :N], den2[:, :N], batch,
                 b2, g2, be2, W3, b3, W4, b4)

# --- scband reference (transcript-rebuilt; emitter-appended) ---
"""Pipeline reference for scband-gcn-g2-d2-86320252715553 (READ-ONLY COPY).

The authoritative reference and input builder live on the scoring server;
editing this copy changes nothing except your own understanding.
"""

import jax, jax.numpy as jnp
import numpy as np

N = 10000
E = 320000
F_IN = 128
H = 8
C = 32
D_OUT = 1
G = 64
DH = 128


def setup_inputs(seed: int = 0) -> dict:
    key = jax.random.key(seed)
    ks = jax.random.split(key, 20)
    x = jax.random.normal(ks[0], (N, F_IN), dtype=jnp.float32)
    edge_index = jax.random.randint(ks[1], (2, E), 0, N, dtype=jnp.int32)
    batch = jnp.sort(jax.random.randint(ks[2], (N,), 0, G, dtype=jnp.int32))
    s = 0.05
    return {
        'x': x,
        'edge_index': edge_index,
        'batch': batch,
        'Wl1': jax.random.normal(ks[3], (F_IN, H * C), dtype=jnp.float32) * s,
        'Wr1': jax.random.normal(ks[4], (F_IN, H * C), dtype=jnp.float32) * s,
        'att1': jax.random.normal(ks[5], (H, C), dtype=jnp.float32) * s,
        'b1': jnp.zeros((H * C,), dtype=jnp.float32),
        'g1': jnp.ones((H * C,), dtype=jnp.float32),
        'be1': jnp.zeros((H * C,), dtype=jnp.float32),
        'Wl2': jax.random.normal(ks[6], (H * C, 1 * D_OUT), dtype=jnp.float32) * s,
        'Wr2': jax.random.normal(ks[7], (H * C, 1 * D_OUT), dtype=jnp.float32) * s,
        'att2': jax.random.normal(ks[8], (1, D_OUT), dtype=jnp.float32) * s,
        'b2': jnp.zeros((D_OUT,), dtype=jnp.float32),
        'g2': jnp.ones((D_OUT,), dtype=jnp.float32),
        'be2': jnp.zeros((D_OUT,), dtype=jnp.float32),
        'W3': jax.random.normal(ks[9], (D_OUT, DH), dtype=jnp.float32) * s,
        'b3': jnp.zeros((DH,), dtype=jnp.float32),
        'W4': jax.random.normal(ks[10], (DH, D_OUT), dtype=jnp.float32) * s,
        'b4': jnp.zeros((D_OUT,), dtype=jnp.float32),
    }


def _gatv2(x, edge_index, Wl, Wr, att, b, heads, ch, concat):
    n = x.shape[0]
    src = edge_index[0]
    dst = edge_index[1]
    xl = (x @ Wl).reshape(n, heads, ch)
    xr = (x @ Wr).reshape(n, heads, ch)
    m = xl[src] + xr[dst]                       # gather [E, H, C]
    m = jax.nn.leaky_relu(m, 0.2)
    alpha = jnp.sum(m * att[None, :, :], axis=-1)  # [E, H]
    amax = jax.ops.segment_max(alpha, dst, num_segments=n)
    amax = jnp.where(jnp.isfinite(amax), amax, 0.0)
    ea = jnp.exp(alpha - amax[dst])
    denom = jax.ops.segment_sum(ea, dst, num_segments=n)
    a = ea / (denom[dst] + 1e-16)               # softmax per dst node
    msg = xl[src] * a[:, :, None]
    out = jax.ops.segment_sum(msg, dst, num_segments=n)  # scatter-add [N, H, C]
    if concat:
        out = out.reshape(n, heads * ch)
    else:
        out = out.mean(axis=1)
    return out + b


def _bn(x, g, be):
    mu = jnp.mean(x, axis=0)
    var = jnp.var(x, axis=0)
    return (x - mu) / jnp.sqrt(var + 1e-5) * g + be


def reference(x, edge_index, batch, Wl1, Wr1, att1, b1, g1, be1, Wl2, Wr2, att2, b2, g2, be2, W3, b3, W4, b4):
    h = _gatv2(x, edge_index, Wl1, Wr1, att1, b1, H, C, True)
    h = _bn(h, g1, be1)
    h = jax.nn.leaky_relu(h, 0.01)
    # dropout: identity in eval/deterministic reference
    h = _gatv2(h, edge_index, Wl2, Wr2, att2, b2, 1, D_OUT, False)
    h = _bn(h, g2, be2)
    h = jax.nn.leaky_relu(h, 0.01)
    s = jax.ops.segment_sum(h, batch, num_segments=G)
    cnt = jax.ops.segment_sum(jnp.ones((h.shape[0], 1), h.dtype), batch, num_segments=G)
    p = s / jnp.maximum(cnt, 1.0)                # global_mean_pool -> [G, D_OUT]
    p = jax.nn.leaky_relu(p @ W3 + b3, 0.01)
    return p @ W4 + b4

if __name__ == "__main__":
    import jax
    _d = setup_inputs()
    print(jax.jit(kernel)(*tuple(_d.values())))

</pallas_src>

<mosaic_0001>
#map = affine_map<(d0, d1) -> (0, 0)>
#map1 = affine_map<(d0, d1) -> (0, 0, 0, 0)>
#map2 = affine_map<(d0, d1) -> (0, 0, 0)>
module attributes {stable_mosaic.version = 14 : i64} {
  func.func @_gat1_body(%arg0: i32, %arg1: i32, %arg2: memref<20000x128xf32, #tpu.memory_space<hbm>>, %arg3: memref<20000x128xf32, #tpu.memory_space<hbm>>, %arg4: memref<2x16x625x32xi32, #tpu.memory_space<hbm>>, %arg5: memref<2x128xf32, #tpu.memory_space<hbm>>, %arg6: memref<2x10240x144xf32, #tpu.memory_space<hbm>>, %arg7: memref<2x32xi32, #tpu.memory_space<vmem>>, %arg8: memref<2x32xi32, #tpu.memory_space<vmem>>, %arg9: memref<2x32xi32, #tpu.memory_space<vmem>>, %arg10: memref<3x32xi32, #tpu.memory_space<vmem>>, %arg11: memref<2x32x128xf32, #tpu.memory_space<vmem>>, %arg12: memref<2x32x128xf32, #tpu.memory_space<vmem>>, %arg13: memref<2x32x144xf32, #tpu.memory_space<vmem>>, %arg14: memref<128xf32, #tpu.memory_space<vmem>>, %arg15: memref<10240x144xf32, #tpu.memory_space<vmem_shared>>, %arg16: memref<!tpu.dma_semaphore, #tpu.memory_space<semaphore_mem>>, %arg17: memref<2x!tpu.dma_semaphore, #tpu.memory_space<semaphore_mem>>, %arg18: memref<2x!tpu.dma_semaphore, #tpu.memory_space<semaphore_mem>>, %arg19: memref<2x!tpu.dma_semaphore, #tpu.memory_space<semaphore_mem>>) attributes {dimension_semantics = [#tpu.dimension_semantics<core_parallel>, #tpu.dimension_semantics<subcore_parallel>], iteration_bounds = array<i64: 2, 16>, scalar_prefetch = 0 : i64, scratch_operands = 13 : i64, tpu.core_type = #tpu.core_type<sc_vector_subcore>, window_params = [{transform_indices = #map}, {transform_indices = #map}, {transform_indices = #map1}, {transform_indices = #map}, {transform_indices = #map2}]} {
    %mul3A = arith.constant 10000 : i32
    %mul3A_0 = arith.muli %arg0, %mul3A : i32
    %dma_start3A = arith.constant 0 : i32
    %dma_start3A_1 = tpu.memref_slice %arg5[%arg0, %dma_start3A] : memref<2x128xf32, #tpu.memory_space<hbm>> -> memref<1x128xf32, #tpu.memory_space<hbm>>
    %dma_start3A_2 = tpu.memref_squeeze %dma_start3A_1 : memref<1x128xf32, #tpu.memory_space<hbm>> -> memref<128xf32, #tpu.memory_space<hbm>>
    %dma_start3A_3 = arith.constant 0 : i32
    %dma_start3A_4 = tpu.memref_slice %arg5[%arg0, %dma_start3A_3] : memref<2x128xf32, #tpu.memory_space<hbm>> -> memref<1x128xf32, #tpu.memory_space<hbm>>
    %dma_start3A_5 = tpu.memref_squeeze %dma_start3A_4 : memref<1x128xf32, #tpu.memory_space<hbm>> -> memref<128xf32, #tpu.memory_space<hbm>>
    tpu.enqueue_dma source(%dma_start3A_5 : memref<128xf32, #tpu.memory_space<hbm>>) target(%arg14 : memref<128xf32, #tpu.memory_space<vmem>>) target_semaphore(%arg16 : memref<!tpu.dma_semaphore, #tpu.memory_space<semaphore_mem>>)
    %dma_wait3A = arith.constant 0 : i32
    %dma_wait3A_6 = tpu.memref_slice %arg5[%arg0, %dma_wait3A] : memref<2x128xf32, #tpu.memory_space<hbm>> -> memref<1x128xf32, #tpu.memory_space<hbm>>
    %dma_wait3A_7 = tpu.memref_squeeze %dma_wait3A_6 : memref<1x128xf32, #tpu.memory_space<hbm>> -> memref<128xf32, #tpu.memory_space<hbm>>
    %dma_wait3A_8 = arith.constant 0 : i32
    %dma_wait3A_9 = tpu.memref_slice %arg5[%arg0, %dma_wait3A_8] : memref<2x128xf32, #tpu.memory_space<hbm>> -> memref<1x128xf32, #tpu.memory_space<hbm>>
    %dma_wait3A_10 = tpu.memref_squeeze %dma_wait3A_9 : memref<1x128xf32, #tpu.memory_space<hbm>> -> memref<128xf32, #tpu.memory_space<hbm>>
    tpu.wait_dma2 semaphore(%arg16 : memref<!tpu.dma_semaphore, #tpu.memory_space<semaphore_mem>>) src(%dma_wait3A_10 : memref<128xf32, #tpu.memory_space<hbm>>) dst(%arg14 : memref<128xf32, #tpu.memory_space<vmem>>)
    %scan3A = arith.constant 0 : i32
    %scan3A_11 = arith.constant 32 : i32
    %scan3A_12 = arith.addi %scan3A, %scan3A_11 : i32
    %scan3A_13 = arith.constant 1 : i32
    scf.for %scan3A_484 = %scan3A to %scan3A_12 step %scan3A_13  : i32 {
      %mul3A_485 = arith.constant 1 : i32
      %mul3A_486 = arith.muli %scan3A_484, %mul3A_485 : i32
      %add3A_487 = arith.constant 0 : i32
      %add3A_488 = arith.addi %add3A_487, %mul3A_486 : i32
      %broadcast_in_dim3A_489 = arith.constant 0.000000e+00 : f32
      %broadcast_in_dim3A_490 = vector.broadcast %broadcast_in_dim3A_489 : f32 to vector<16xf32>
      %swap3A_491 = arith.constant 0 : i32
      %swap3A_492 = arith.index_cast %swap3A_491 : i32 to index
      %swap3A_493 = arith.index_cast %add3A_488 : i32 to index
      %swap3A_494 = arith.constant 0 : index
      %swap3A_495 = tpu.vector_load %arg13[%swap3A_492, %swap3A_493, %swap3A_494] {strides = array<i32>} : memref<2x32x144xf32, #tpu.memory_space<vmem>>, vector<1x1x16xf32>,
      %swap3A_496 = vector.shape_cast %swap3A_495 : vector<1x1x16xf32> to vector<16xf32>
      %swap3A_497 = vector.shape_cast %broadcast_in_dim3A_490 : vector<16xf32> to vector<1x1x16xf32>
      tpu.vector_store %arg13[%swap3A_492, %swap3A_493, %swap3A_494], %swap3A_497 {strides = array<i32>} : memref<2x32x144xf32, #tpu.memory_space<vmem>>, vector<1x1x16xf32>,
      %broadcast_in_dim3A_498 = arith.constant 0.000000e+00 : f32
      %broadcast_in_dim3A_499 = vector.broadcast %broadcast_in_dim3A_498 : f32 to vector<16xf32>
      %swap3A_500 = arith.constant 0 : i32
      %swap3A_501 = arith.index_cast %swap3A_500 : i32 to index
      %swap3A_502 = arith.index_cast %add3A_488 : i32 to index
      %swap3A_503 = arith.constant 16 : index
      %swap3A_504 = tpu.vector_load %arg13[%swap3A_501, %swap3A_502, %swap3A_503] {strides = array<i32>} : memref<2x32x144xf32, #tpu.memory_space<vmem>>, vector<1x1x16xf32>,
      %swap3A_505 = vector.shape_cast %swap3A_504 : vector<1x1x16xf32> to vector<16xf32>
      %swap3A_506 = vector.shape_cast %broadcast_in_dim3A_499 : vector<16xf32> to vector<1x1x16xf32>
      tpu.vector_store %arg13[%swap3A_501, %swap3A_502, %swap3A_503], %swap3A_506 {strides = array<i32>} : memref<2x32x144xf32, #tpu.memory_space<vmem>>, vector<1x1x16xf32>,
      %broadcast_in_dim3A_507 = arith.constant 0.000000e+00 : f32
      %broadcast_in_dim3A_508 = vector.broadcast %broadcast_in_dim3A_507 : f32 to vector<16xf32>
      %swap3A_509 = arith.constant 0 : i32
      %swap3A_510 = arith.index_cast %swap3A_509 : i32 to index
      %swap3A_511 = arith.index_cast %add3A_488 : i32 to index
      %swap3A_512 = arith.constant 32 : index
      %swap3A_513 = tpu.vector_load %arg13[%swap3A_510, %swap3A_511, %swap3A_512] {strides = array<i32>} : memref<2x32x144xf32, #tpu.memory_space<vmem>>, vector<1x1x16xf32>,
      %swap3A_514 = vector.shape_cast %swap3A_513 : vector<1x1x16xf32> to vector<16xf32>
      %swap3A_515 = vector.shape_cast %broadcast_in_dim3A_508 : vector<16xf32> to vector<1x1x16xf32>
      tpu.vector_store %arg13[%swap3A_510, %swap3A_511, %swap3A_512], %swap3A_515 {strides = array<i32>} : memref<2x32x144xf32, #tpu.memory_space<vmem>>, vector<1x1x16xf32>,
      %broadcast_in_dim3A_516 = arith.constant 0.000000e+00 : f32
      %broadcast_in_dim3A_517 = vector.broadcast %broadcast_in_dim3A_516 : f32 to vector<16xf32>
      %swap3A_518 = arith.constant 0 : i32
      %swap3A_519 = arith.index_cast %swap3A_518 : i32 to index
      %swap3A_520 = arith.index_cast %add3A_488 : i32 to index
      %swap3A_521 = arith.constant 48 : index
      %swap3A_522 = tpu.vector_load %arg13[%swap3A_519, %swap3A_520, %swap3A_521] {strides = array<i32>} : memref<2x32x144xf32, #tpu.memory_space<vmem>>, vector<1x1x16xf32>,
      %swap3A_523 = vector.shape_cast %swap3A_522 : vector<1x1x16xf32> to vector<16xf32>
      %swap3A_524 = vector.shape_cast %broadcast_in_dim3A_517 : vector<16xf32> to vector<1x1x16xf32>
      tpu.vector_store %arg13[%swap3A_519, %swap3A_520, %swap3A_521], %swap3A_524 {strides = array<i32>} : memref<2x32x144xf32, #tpu.memory_space<vmem>>, vector<1x1x16xf32>,
      %broadcast_in_dim3A_525 = arith.constant 0.000000e+00 : f32
      %broadcast_in_dim3A_526 = vector.broadcast %broadcast_in_dim3A_525 : f32 to vector<16xf32>
      %swap3A_527 = arith.constant 0 : i32
      %swap3A_528 = arith.index_cast %swap3A_527 : i32 to index
      %swap3A_529 = arith.index_cast %add3A_488 : i32 to index
      %swap3A_530 = arith.constant 64 : index
      %swap3A_531 = tpu.vector_load %arg13[%swap3A_528, %swap3A_529, %swap3A_530] {strides = array<i32>} : memref<2x32x144xf32, #tpu.memory_space<vmem>>, vector<1x1x16xf32>,
      %swap3A_532 = vector.shape_cast %swap3A_531 : vector<1x1x16xf32> to vector<16xf32>
      %swap3A_533 = vector.shape_cast %broadcast_in_dim3A_526 : vector<16xf32> to vector<1x1x16xf32>
      tpu.vector_store %arg13[%swap3A_528, %swap3A_529, %swap3A_530], %swap3A_533 {strides = array<i32>} : memref<2x32x144xf32, #tpu.memory_space<vmem>>, vector<1x1x16xf32>,
      %broadcast_in_dim3A_534 = arith.constant 0.000000e+00 : f32
      %broadcast_in_dim3A_535 = vector.broadcast %broadcast_in_dim3A_534 : f32 to vector<16xf32>
      %swap3A_536 = arith.constant 0 : i32
      %swap3A_537 = arith.index_cast %swap3A_536 : i32 to index
      %swap3A_538 = arith.index_cast %add3A_488 : i32 to index
      %swap3A_539 = arith.constant 80 : index
      %swap3A_540 = tpu.vector_load %arg13[%swap3A_537, %swap3A_538, %swap3A_539] {strides = array<i32>} : memref<2x32x144xf32, #tpu.memory_space<vmem>>, vector<1x1x16xf32>,
      %swap3A_541 = vector.shape_cast %swap3A_540 : vector<1x1x16xf32> to vector<16xf32>
      %swap3A_542 = vector.shape_cast %broadcast_in_dim3A_535 : vector<16xf32> to vector<1x1x16xf32>
      tpu.vector_store %arg13[%swap3A_537, %swap3A_538, %swap3A_539], %swap3A_542 {strides = array<i32>} : memref<2x32x144xf32, #tpu.memory_space<vmem>>, vector<1x1x16xf32>,
      %broadcast_in_dim3A_543 = arith.constant 0.000000e+00 : f32
      %broadcast_in_dim3A_544 = vector.broadcast %broadcast_in_dim3A_543 : f32 to vector<16xf32>
      %swap3A_545 = arith.constant 0 : i32
      %swap3A_546 = arith.index_cast %swap3A_545 : i32 to index
      %swap3A_547 = arith.index_cast %add3A_488 : i32 to index
      %swap3A_548 = arith.constant 96 : index
      %swap3A_549 = tpu.vector_load %arg13[%swap3A_546, %swap3A_547, %swap3A_548] {strides = array<i32>} : memref<2x32x144xf32, #tpu.memory_space<vmem>>, vector<1x1x16xf32>,
      %swap3A_550 = vector.shape_cast %swap3A_549 : vector<1x1x16xf32> to vector<16xf32>
      %swap3A_551 = vector.shape_cast %broadcast_in_dim3A_544 : vector<16xf32> to vector<1x1x16xf32>
      tpu.vector_store %arg13[%swap3A_546, %swap3A_547, %swap3A_548], %swap3A_551 {strides = array<i32>} : memref<2x32x144xf32, #tpu.memory_space<vmem>>, vector<1x1x16xf32>,
      %broadcast_in_dim3A_552 = arith.constant 0.000000e+00 : f32
      %broadcast_in_dim3A_553 = vector.broadcast %broadcast_in_dim3A_552 : f32 to vector<16xf32>
      %swap3A_554 = arith.constant 0 : i32
      %swap3A_555 = arith.index_cast %swap3A_554 : i32 to index
      %swap3A_556 = arith.index_cast %add3A_488 : i32 to index
      %swap3A_557 = arith.constant 112 : index
      %swap3A_558 = tpu.vector_load %arg13[%swap3A_555, %swap3A_556, %swap3A_557] {strides = array<i32>} : memref<2x32x144xf32, #tpu.memory_space<vmem>>, vector<1x1x16xf32>,
      %swap3A_559 = vector.shape_cast %swap3A_558 : vector<1x1x16xf32> to vector<16xf32>
      %swap3A_560 = vector.shape_cast %broadcast_in_dim3A_553 : vector<16xf32> to vector<1x1x16xf32>
      tpu.vector_store %arg13[%swap3A_555, %swap3A_556, %swap3A_557], %swap3A_560 {strides = array<i32>} : memref<2x32x144xf32, #tpu.memory_space<vmem>>, vector<1x1x16xf32>,
      %broadcast_in_dim3A_561 = arith.constant 0.000000e+00 : f32
      %broadcast_in_dim3A_562 = vector.broadcast %broadcast_in_dim3A_561 : f32 to vector<16xf32>
      %swap3A_563 = arith.constant 0 : i32
      %swap3A_564 = arith.index_cast %swap3A_563 : i32 to index
      %swap3A_565 = arith.index_cast %add3A_488 : i32 to index
      %swap3A_566 = arith.constant 128 : index
      %swap3A_567 = tpu.vector_load %arg13[%swap3A_564, %swap3A_565, %swap3A_566] {strides = array<i32>} : memref<2x32x144xf32, #tpu.memory_space<vmem>>, vector<1x1x16xf32>,
      %swap3A_568 = vector.shape_cast %swap3A_567 : vector<1x1x16xf32> to vector<16xf32>
      %swap3A_569 = vector.shape_cast %broadcast_in_dim3A_562 : vector<16xf32> to vector<1x1x16xf32>
      tpu.vector_store %arg13[%swap3A_564, %swap3A_565, %swap3A_566], %swap3A_569 {strides = array<i32>} : memref<2x32x144xf32, #tpu.memory_space<vmem>>, vector<1x1x16xf32>,
    }
    %scan3A_14 = arith.constant 32 : i32
    %mul3A_15 = arith.constant 640 : i32
    %mul3A_16 = arith.muli %arg1, %mul3A_15 : i32
    %add3A = arith.constant 0 : i32
    %add3A_17 = arith.addi %mul3A_16, %add3A : i32
    %run_scoped3A = arith.constant 0 : i32
    "tpu.region"() ({
      %run_scoped3A_484 = tpu.sem_alloc : memref<!tpu.dma_semaphore, #tpu.memory_space<semaphore_mem>>
      %dma_start3A_485 = arith.constant 0 : i32
      %dma_start3A_486 = arith.constant 0 : i32
      %dma_start3A_487 = tpu.memref_slice %arg13[%run_scoped3A, %dma_start3A_485, %dma_start3A_486] : memref<2x32x144xf32, #tpu.memory_space<vmem>> -> memref<1x32x144xf32, #tpu.memory_space<vmem>>
      %dma_start3A_488 = tpu.memref_squeeze %dma_start3A_487 : memref<1x32x144xf32, #tpu.memory_space<vmem>> -> memref<32x144xf32, #tpu.memory_space<vmem>>
      %dma_start3A_489 = arith.constant 0 : i32
      %dma_start3A_490 = tpu.memref_slice %arg15[%add3A_17, %dma_start3A_489] : memref<10240x144xf32, #tpu.memory_space<vmem_shared>> -> memref<32x144xf32, #tpu.memory_space<vmem_shared>>
      %dma_start3A_491 = arith.constant 0 : i32
      %dma_start3A_492 = tpu.memref_slice %arg15[%add3A_17, %dma_start3A_491] : memref<10240x144xf32, #tpu.memory_space<vmem_shared>> -> memref<32x144xf32, #tpu.memory_space<vmem_shared>>
      %dma_start3A_493 = arith.constant 0 : i32
      %dma_start3A_494 = arith.constant 0 : i32
      %dma_start3A_495 = tpu.memref_slice %arg13[%run_scoped3A, %dma_start3A_493, %dma_start3A_494] : memref<2x32x144xf32, #tpu.memory_space<vmem>> -> memref<1x32x144xf32, #tpu.memory_space<vmem>>
      %dma_start3A_496 = tpu.memref_squeeze %dma_start3A_495 : memref<1x32x144xf32, #tpu.memory_space<vmem>> -> memref<32x144xf32, #tpu.memory_space<vmem>>
      tpu.enqueue_dma source(%dma_start3A_496 : memref<32x144xf32, #tpu.memory_space<vmem>>) target(%dma_start3A_492 : memref<32x144xf32, #tpu.memory_space<vmem_shared>>) target_semaphore(%run_scoped3A_484 : memref<!tpu.dma_semaphore, #tpu.memory_space<semaphore_mem>>)
      %dma_wait3A_497 = arith.constant 0 : i32
      %dma_wait3A_498 = arith.constant 0 : i32
      %dma_wait3A_499 = tpu.memref_slice %arg13[%run_scoped3A, %dma_wait3A_497, %dma_wait3A_498] : memref<2x32x144xf32, #tpu.memory_space<vmem>> -> memref<1x32x144xf32, #tpu.memory_space<vmem>>
      %dma_wait3A_500 = tpu.memref_squeeze %dma_wait3A_499 : memref<1x32x144xf32, #tpu.memory_space<vmem>> -> memref<32x144xf32, #tpu.memory_space<vmem>>
      %dma_wait3A_501 = arith.constant 0 : i32
      %dma_wait3A_502 = tpu.memref_slice %arg15[%add3A_17, %dma_wait3A_501] : memref<10240x144xf32, #tpu.memory_space<vmem_shared>> -> memref<32x144xf32, #tpu.memory_space<vmem_shared>>
      %dma_wait3A_503 = arith.constant 0 : i32
      %dma_wait3A_504 = tpu.memref_slice %arg15[%add3A_17, %dma_wait3A_503] : memref<10240x144xf32, #tpu.memory_space<vmem_shared>> -> memref<32x144xf32, #tpu.memory_space<vmem_shared>>
      %dma_wait3A_505 = arith.constant 0 : i32
      %dma_wait3A_506 = arith.constant 0 : i32
      %dma_wait3A_507 = tpu.memref_slice %arg13[%run_scoped3A, %dma_wait3A_505, %dma_wait3A_506] : memref<2x32x144xf32, #tpu.memory_space<vmem>> -> memref<1x32x144xf32, #tpu.memory_space<vmem>>
      %dma_wait3A_508 = tpu.memref_squeeze %dma_wait3A_507 : memref<1x32x144xf32, #tpu.memory_space<vmem>> -> memref<32x144xf32, #tpu.memory_space<vmem>>
      tpu.wait_dma2 semaphore(%run_scoped3A_484 : memref<!tpu.dma_semaphore, #tpu.memory_space<semaphore_mem>>) src(%dma_wait3A_508 : memref<32x144xf32, #tpu.memory_space<vmem>>) dst(%dma_wait3A_504 : memref<32x144xf32, #tpu.memory_space<vmem_shared>>)
      tpu.yield
    }) : () -> ()
    %mul3A_18 = arith.constant 640 : i32
    %mul3A_19 = arith.muli %arg1, %mul3A_18 : i32
    %add3A_20 = arith.constant 32 : i32
    %add3A_21 = arith.addi %mul3A_19, %add3A_20 : i32
    %run_scoped3A_22 = arith.constant 0 : i32
    "tpu.region"() ({
      %run_scoped3A_484 = tpu.sem_alloc : memref<!tpu.dma_semaphore, #tpu.memory_space<semaphore_mem>>
      %dma_start3A_485 = arith.constant 0 : i32
      %dma_start3A_486 = arith.constant 0 : i32
      %dma_start3A_487 = tpu.memref_slice %arg13[%run_scoped3A_22, %dma_start3A_485, %dma_start3A_486] : memref<2x32x144xf32, #tpu.memory_space<vmem>> -> memref<1x32x144xf32, #tpu.memory_space<vmem>>
      %dma_start3A_488 = tpu.memref_squeeze %dma_start3A_487 : memref<1x32x144xf32, #tpu.memory_space<vmem>> -> memref<32x144xf32, #tpu.memory_space<vmem>>
      %dma_start3A_489 = arith.constant 0 : i32
      %dma_start3A_490 = tpu.memref_slice %arg15[%add3A_21, %dma_start3A_489] : memref<10240x144xf32, #tpu.memory_space<vmem_shared>> -> memref<32x144xf32, #tpu.memory_space<vmem_shared>>
      %dma_start3A_491 = arith.constant 0 : i32
      %dma_start3A_492 = tpu.memref_slice %arg15[%add3A_21, %dma_start3A_491] : memref<10240x144xf32, #tpu.memory_space<vmem_shared>> -> memref<32x144xf32, #tpu.memory_space<vmem_shared>>
      %dma_start3A_493 = arith.constant 0 : i32
      %dma_start3A_494 = arith.constant 0 : i32
      %dma_start3A_495 = tpu.memref_slice %arg13[%run_scoped3A_22, %dma_start3A_493, %dma_start3A_494] : memref<2x32x144xf32, #tpu.memory_space<vmem>> -> memref<1x32x144xf32, #tpu.memory_space<vmem>>
      %dma_start3A_496 = tpu.memref_squeeze %dma_start3A_495 : memref<1x32x144xf32, #tpu.memory_space<vmem>> -> memref<32x144xf32, #tpu.memory_space<vmem>>
      tpu.enqueue_dma source(%dma_start3A_496 : memref<32x144xf32, #tpu.memory_space<vmem>>) target(%dma_start3A_492 : memref<32x144xf32, #tpu.memory_space<vmem_shared>>) target_semaphore(%run_scoped3A_484 : memref<!tpu.dma_semaphore, #tpu.memory_space<semaphore_mem>>)
      %dma_wait3A_497 = arith.constant 0 : i32
      %dma_wait3A_498 = arith.constant 0 : i32
      %dma_wait3A_499 = tpu.memref_slice %arg13[%run_scoped3A_22, %dma_wait3A_497, %dma_wait3A_498] : memref<2x32x144xf32, #tpu.memory_space<vmem>> -> memref<1x32x144xf32, #tpu.memory_space<vmem>>
      %dma_wait3A_500 = tpu.memref_squeeze %dma_wait3A_499 : memref<1x32x144xf32, #tpu.memory_space<vmem>> -> memref<32x144xf32, #tpu.memory_space<vmem>>
      %dma_wait3A_501 = arith.constant 0 : i32
      %dma_wait3A_502 = tpu.memref_slice %arg15[%add3A_21, %dma_wait3A_501] : memref<10240x144xf32, #tpu.memory_space<vmem_shared>> -> memref<32x144xf32, #tpu.memory_space<vmem_shared>>
      %dma_wait3A_503 = arith.constant 0 : i32
      %dma_wait3A_504 = tpu.memref_slice %arg15[%add3A_21, %dma_wait3A_503] : memref<10240x144xf32, #tpu.memory_space<vmem_shared>> -> memref<32x144xf32, #tpu.memory_space<vmem_shared>>
      %dma_wait3A_505 = arith.constant 0 : i32
      %dma_wait3A_506 = arith.constant 0 : i32
      %dma_wait3A_507 = tpu.memref_slice %arg13[%run_scoped3A_22, %dma_wait3A_505, %dma_wait3A_506] : memref<2x32x144xf32, #tpu.memory_space<vmem>> -> memref<1x32x144xf32, #tpu.memory_space<vmem>>
      %dma_wait3A_508 = tpu.memref_squeeze %dma_wait3A_507 : memref<1x32x144xf32, #tpu.memory_space<vmem>> -> memref<32x144xf32, #tpu.memory_space<vmem>>
      tpu.wait_dma2 semaphore(%run_scoped3A_484 : memref<!tpu.dma_semaphore, #tpu.memory_space<semaphore_mem>>) src(%dma_wait3A_508 : memref<32x144xf32, #tpu.memory_space<vmem>>) dst(%dma_wait3A_504 : memref<32x144xf32, #tpu.memory_space<vmem_shared>>)
      tpu.yield
    }) : () -> ()
    %mul3A_23 = arith.constant 640 : i32
    %mul3A_24 = arith.muli %arg1, %mul3A_23 : i32
    %add3A_25 = arith.constant 64 : i32
    %add3A_26 = arith.addi %mul3A_24, %add3A_25 : i32
    %run_scoped3A_27 = arith.constant 0 : i32
    "tpu.region"() ({
      %run_scoped3A_484 = tpu.sem_alloc : memref<!tpu.dma_semaphore, #tpu.memory_space<semaphore_mem>>
      %dma_start3A_485 = arith.constant 0 : i32
      %dma_start3A_486 = arith.constant 0 : i32
      %dma_start3A_487 = tpu.memref_slice %arg13[%run_scoped3A_27, %dma_start3A_485, %dma_start3A_486] : memref<2x32x144xf32, #tpu.memory_space<vmem>> -> memref<1x32x144xf32, #tpu.memory_space<vmem>>
      %dma_start3A_488 = tpu.memref_squeeze %dma_start3A_487 : memref<1x32x144xf32, #tpu.memory_space<vmem>> -> memref<32x144xf32, #tpu.memory_space<vmem>>
      %dma_start3A_489 = arith.constant 0 : i32
      %dma_start3A_490 = tpu.memref_slice %arg15[%add3A_26, %dma_start3A_489] : memref<10240x144xf32, #tpu.memory_space<vmem_shared>> -> memref<32x144xf32, #tpu.memory_space<vmem_shared>>
      %dma_start3A_491 = arith.constant 0 : i32
      %dma_start3A_492 = tpu.memref_slice %arg15[%add3A_26, %dma_start3A_491] : memref<10240x144xf32, #tpu.memory_space<vmem_shared>> -> memref<32x144xf32, #tpu.memory_space<vmem_shared>>
      %dma_start3A_493 = arith.constant 0 : i32
      %dma_start3A_494 = arith.constant 0 : i32
      %dma_start3A_495 = tpu.memref_slice %arg13[%run_scoped3A_27, %dma_start3A_493, %dma_start3A_494] : memref<2x32x144xf32, #tpu.memory_space<vmem>> -> memref<1x32x144xf32, #tpu.memory_space<vmem>>
      %dma_start3A_496 = tpu.memref_squeeze %dma_start3A_495 : memref<1x32x144xf32, #tpu.memory_space<vmem>> -> memref<32x144xf32, #tpu.memory_space<vmem>>
      tpu.enqueue_dma source(%dma_start3A_496 : memref<32x144xf32, #tpu.memory_space<vmem>>) target(%dma_start3A_492 : memref<32x144xf32, #tpu.memory_space<vmem_shared>>) target_semaphore(%run_scoped3A_484 : memref<!tpu.dma_semaphore, #tpu.memory_space<semaphore_mem>>)
      %dma_wait3A_497 = arith.constant 0 : i32
      %dma_wait3A_498 = arith.constant 0 : i32
      %dma_wait3A_499 = tpu.memref_slice %arg13[%run_scoped3A_27, %dma_wait3A_497, %dma_wait3A_498] : memref<2x32x144xf32, #tpu.memory_space<vmem>> -> memref<1x32x144xf32, #tpu.memory_space<vmem>>
      %dma_wait3A_500 = tpu.memref_squeeze %dma_wait3A_499 : memref<1x32x144xf32, #tpu.memory_space<vmem>> -> memref<32x144xf32, #tpu.memory_space<vmem>>
      %dma_wait3A_501 = arith.constant 0 : i32
      %dma_wait3A_502 = tpu.memref_slice %arg15[%add3A_26, %dma_wait3A_501] : memref<10240x144xf32, #tpu.memory_space<vmem_shared>> -> memref<32x144xf32, #tpu.memory_space<vmem_shared>>
      %dma_wait3A_503 = arith.constant 0 : i32
      %dma_wait3A_504 = tpu.memref_slice %arg15[%add3A_26, %dma_wait3A_503] : memref<10240x144xf32, #tpu.memory_space<vmem_shared>> -> memref<32x144xf32, #tpu.memory_space<vmem_shared>>
      %dma_wait3A_505 = arith.constant 0 : i32
      %dma_wait3A_506 = arith.constant 0 : i32
      %dma_wait3A_507 = tpu.memref_slice %arg13[%run_scoped3A_27, %dma_wait3A_505, %dma_wait3A_506] : memref<2x32x144xf32, #tpu.memory_space<vmem>> -> memref<1x32x144xf32, #tpu.memory_space<vmem>>
      %dma_wait3A_508 = tpu.memref_squeeze %dma_wait3A_507 : memref<1x32x144xf32, #tpu.memory_space<vmem>> -> memref<32x144xf32, #tpu.memory_space<vmem>>
      tpu.wait_dma2 semaphore(%run_scoped3A_484 : memref<!tpu.dma_semaphore, #tpu.memory_space<semaphore_mem>>) src(%dma_wait3A_508 : memref<32x144xf32, #tpu.memory_space<vmem>>) dst(%dma_wait3A_504 : memref<32x144xf32, #tpu.memory_space<vmem_shared>>)
      tpu.yield
    }) : () -> ()
    %mul3A_28 = arith.constant 640 : i32
    %mul3A_29 = arith.muli %arg1, %mul3A_28 : i32
    %add3A_30 = arith.constant 96 : i32
    %add3A_31 = arith.addi %mul3A_29, %add3A_30 : i32
    %run_scoped3A_32 = arith.constant 0 : i32
    "tpu.region"() ({
      %run_scoped3A_484 = tpu.sem_alloc : memref<!tpu.dma_semaphore, #tpu.memory_space<semaphore_mem>>
      %dma_start3A_485 = arith.constant 0 : i32
      %dma_start3A_486 = arith.constant 0 : i32
      %dma_start3A_487 = tpu.memref_slice %arg13[%run_scoped3A_32, %dma_start3A_485, %dma_start3A_486] : memref<2x32x144xf32, #tpu.memory_space<vmem>> -> memref<1x32x144xf32, #tpu.memory_space<vmem>>
      %dma_start3A_488 = tpu.memref_squeeze %dma_start3A_487 : memref<1x32x144xf32, #tpu.memory_space<vmem>> -> memref<32x144xf32, #tpu.memory_space<vmem>>
      %dma_start3A_489 = arith.constant 0 : i32
      %dma_start3A_490 = tpu.memref_slice %arg15[%add3A_31, %dma_start3A_489] : memref<10240x144xf32, #tpu.memory_space<vmem_shared>> -> memref<32x144xf32, #tpu.memory_space<vmem_shared>>
      %dma_start3A_491 = arith.constant 0 : i32
      %dma_start3A_492 = tpu.memref_slice %arg15[%add3A_31, %dma_start3A_491] : memref<10240x144xf32, #tpu.memory_space<vmem_shared>> -> memref<32x144xf32, #tpu.memory_space<vmem_shared>>
      %dma_start3A_493 = arith.constant 0 : i32
      %dma_start3A_494 = arith.constant 0 : i32
      %dma_start3A_495 = tpu.memref_slice %arg13[%run_scoped3A_32, %dma_start3A_493, %dma_start3A_494] : memref<2x32x144xf32, #tpu.memory_space<vmem>> -> memref<1x32x144xf32, #tpu.memory_space<vmem>>
      %dma_start3A_496 = tpu.memref_squeeze %dma_start3A_495 : memref<1x32x144xf32, #tpu.memory_space<vmem>> -> memref<32x144xf32, #tpu.memory_space<vmem>>
      tpu.enqueue_dma source(%dma_start3A_496 : memref<32x144xf32, #tpu.memory_space<vmem>>) target(%dma_start3A_492 : memref<32x144xf32, #tpu.memory_space<vmem_shared>>) target_semaphore(%run_scoped3A_484 : memref<!tpu.dma_semaphore, #tpu.memory_space<semaphore_mem>>)
      %dma_wait3A_497 = arith.constant 0 : i32
      %dma_wait3A_498 = arith.constant 0 : i32
      %dma_wait3A_499 = tpu.memref_slice %arg13[%run_scoped3A_32, %dma_wait3A_497, %dma_wait3A_498] : memref<2x32x144xf32, #tpu.memory_space<vmem>> -> memref<1x32x144xf32, #tpu.memory_space<vmem>>
      %dma_wait3A_500 = tpu.memref_squeeze %dma_wait3A_499 : memref<1x32x144xf32, #tpu.memory_space<vmem>> -> memref<32x144xf32, #tpu.memory_space<vmem>>
      %dma_wait3A_501 = arith.constant 0 : i32
      %dma_wait3A_502 = tpu.memref_slice %arg15[%add3A_31, %dma_wait3A_501] : memref<10240x144xf32, #tpu.memory_space<vmem_shared>> -> memref<32x144xf32, #tpu.memory_space<vmem_shared>>
      %dma_wait3A_503 = arith.constant 0 : i32
      %dma_wait3A_504 = tpu.memref_slice %arg15[%add3A_31, %dma_wait3A_503] : memref<10240x144xf32, #tpu.memory_space<vmem_shared>> -> memref<32x144xf32, #tpu.memory_space<vmem_shared>>
      %dma_wait3A_505 = arith.constant 0 : i32
      %dma_wait3A_506 = arith.constant 0 : i32
      %dma_wait3A_507 = tpu.memref_slice %arg13[%run_scoped3A_32, %dma_wait3A_505, %dma_wait3A_506] : memref<2x32x144xf32, #tpu.memory_space<vmem>> -> memref<1x32x144xf32, #tpu.memory_space<vmem>>
      %dma_wait3A_508 = tpu.memref_squeeze %dma_wait3A_507 : memref<1x32x144xf32, #tpu.memory_space<vmem>> -> memref<32x144xf32, #tpu.memory_space<vmem>>
      tpu.wait_dma2 semaphore(%run_scoped3A_484 : memref<!tpu.dma_semaphore, #tpu.memory_space<semaphore_mem>>) src(%dma_wait3A_508 : memref<32x144xf32, #tpu.memory_space<vmem>>) dst(%dma_wait3A_504 : memref<32x144xf32, #tpu.memory_space<vmem_shared>>)
      tpu.yield
    }) : () -> ()
    %mul3A_33 = arith.constant 640 : i32
    %mul3A_34 = arith.muli %arg1, %mul3A_33 : i32
    %add3A_35 = arith.constant 128 : i32
    %add3A_36 = arith.addi %mul3A_34, %add3A_35 : i32
    %run_scoped3A_37 = arith.constant 0 : i32
    "tpu.region"() ({
      %run_scoped3A_484 = tpu.sem_alloc : memref<!tpu.dma_semaphore, #tpu.memory_space<semaphore_mem>>
      %dma_start3A_485 = arith.constant 0 : i32
      %dma_start3A_486 = arith.constant 0 : i32
      %dma_start3A_487 = tpu.memref_slice %arg13[%run_scoped3A_37, %dma_start3A_485, %dma_start3A_486] : memref<2x32x144xf32, #tpu.memory_space<vmem>> -> memref<1x32x144xf32, #tpu.memory_space<vmem>>
      %dma_start3A_488 = tpu.memref_squeeze %dma_start3A_487 : memref<1x32x144xf32, #tpu.memory_space<vmem>> -> memref<32x144xf32, #tpu.memory_space<vmem>>
      %dma_start3A_489 = arith.constant 0 : i32
      %dma_start3A_490 = tpu.memref_slice %arg15[%add3A_36, %dma_start3A_489] : memref<10240x144xf32, #tpu.memory_space<vmem_shared>> -> memref<32x144xf32, #tpu.memory_space<vmem_shared>>
      %dma_start3A_491 = arith.constant 0 : i32
      %dma_start3A_492 = tpu.memref_slice %arg15[%add3A_36, %dma_start3A_491] : memref<10240x144xf32, #tpu.memory_space<vmem_shared>> -> memref<32x144xf32, #tpu.memory_space<vmem_shared>>
      %dma_start3A_493 = arith.constant 0 : i32
      %dma_start3A_494 = arith.constant 0 : i32
      %dma_start3A_495 = tpu.memref_slice %arg13[%run_scoped3A_37, %dma_start3A_493, %dma_start3A_494] : memref<2x32x144xf32, #tpu.memory_space<vmem>> -> memref<1x32x144xf32, #tpu.memory_space<vmem>>
      %dma_start3A_496 = tpu.memref_squeeze %dma_start3A_495 : memref<1x32x144xf32, #tpu.memory_space<vmem>> -> memref<32x144xf32, #tpu.memory_space<vmem>>
      tpu.enqueue_dma source(%dma_start3A_496 : memref<32x144xf32, #tpu.memory_space<vmem>>) target(%dma_start3A_492 : memref<32x144xf32, #tpu.memory_space<vmem_shared>>) target_semaphore(%run_scoped3A_484 : memref<!tpu.dma_semaphore, #tpu.memory_space<semaphore_mem>>)
      %dma_wait3A_497 = arith.constant 0 : i32
      %dma_wait3A_498 = arith.constant 0 : i32
      %dma_wait3A_499 = tpu.memref_slice %arg13[%run_scoped3A_37, %dma_wait3A_497, %dma_wait3A_498] : memref<2x32x144xf32, #tpu.memory_space<vmem>> -> memref<1x32x144xf32, #tpu.memory_space<vmem>>
      %dma_wait3A_500 = tpu.memref_squeeze %dma_wait3A_499 : memref<1x32x144xf32, #tpu.memory_space<vmem>> -> memref<32x144xf32, #tpu.memory_space<vmem>>
      %dma_wait3A_501 = arith.constant 0 : i32
      %dma_wait3A_502 = tpu.memref_slice %arg15[%add3A_36, %dma_wait3A_501] : memref<10240x144xf32, #tpu.memory_space<vmem_shared>> -> memref<32x144xf32, #tpu.memory_space<vmem_shared>>
      %dma_wait3A_503 = arith.constant 0 : i32
      %dma_wait3A_504 = tpu.memref_slice %arg15[%add3A_36, %dma_wait3A_503] : memref<10240x144xf32, #tpu.memory_space<vmem_shared>> -> memref<32x144xf32, #tpu.memory_space<vmem_shared>>
      %dma_wait3A_505 = arith.constant 0 : i32
      %dma_wait3A_506 = arith.constant 0 : i32
      %dma_wait3A_507 = tpu.memref_slice %arg13[%run_scoped3A_37, %dma_wait3A_505, %dma_wait3A_506] : memref<2x32x144xf32, #tpu.memory_space<vmem>> -> memref<1x32x144xf32, #tpu.memory_space<vmem>>
      %dma_wait3A_508 = tpu.memref_squeeze %dma_wait3A_507 : memref<1x32x144xf32, #tpu.memory_space<vmem>> -> memref<32x144xf32, #tpu.memory_space<vmem>>
      tpu.wait_dma2 semaphore(%run_scoped3A_484 : memref<!tpu.dma_semaphore, #tpu.memory_space<semaphore_mem>>) src(%dma_wait3A_508 : memref<32x144xf32, #tpu.memory_space<vmem>>) dst(%dma_wait3A_504 : memref<32x144xf32, #tpu.memory_space<vmem_shared>>)
      tpu.yield
    }) : () -> ()
    %mul3A_38 = arith.constant 640 : i32
    %mul3A_39 = arith.muli %arg1, %mul3A_38 : i32
    %add3A_40 = arith.constant 160 : i32
    %add3A_41 = arith.addi %mul3A_39, %add3A_40 : i32
    %run_scoped3A_42 = arith.constant 0 : i32
    "tpu.region"() ({
      %run_scoped3A_484 = tpu.sem_alloc : memref<!tpu.dma_semaphore, #tpu.memory_space<semaphore_mem>>
      %dma_start3A_485 = arith.constant 0 : i32
      %dma_start3A_486 = arith.constant 0 : i32
      %dma_start3A_487 = tpu.memref_slice %arg13[%run_scoped3A_42, %dma_start3A_485, %dma_start3A_486] : memref<2x32x144xf32, #tpu.memory_space<vmem>> -> memref<1x32x144xf32, #tpu.memory_space<vmem>>
      %dma_start3A_488 = tpu.memref_squeeze %dma_start3A_487 : memref<1x32x144xf32, #tpu.memory_space<vmem>> -> memref<32x144xf32, #tpu.memory_space<vmem>>
      %dma_start3A_489 = arith.constant 0 : i32
      %dma_start3A_490 = tpu.memref_slice %arg15[%add3A_41, %dma_start3A_489] : memref<10240x144xf32, #tpu.memory_space<vmem_shared>> -> memref<32x144xf32, #tpu.memory_space<vmem_shared>>
      %dma_start3A_491 = arith.constant 0 : i32
      %dma_start3A_492 = tpu.memref_slice %arg15[%add3A_41, %dma_start3A_491] : memref<10240x144xf32, #tpu.memory_space<vmem_shared>> -> memref<32x144xf32, #tpu.memory_space<vmem_shared>>
      %dma_start3A_493 = arith.constant 0 : i32
      %dma_start3A_494 = arith.constant 0 : i32
      %dma_start3A_495 = tpu.memref_slice %arg13[%run_scoped3A_42, %dma_start3A_493, %dma_start3A_494] : memref<2x32x144xf32, #tpu.memory_space<vmem>> -> memref<1x32x144xf32, #tpu.memory_space<vmem>>
      %dma_start3A_496 = tpu.memref_squeeze %dma_start3A_495 : memref<1x32x144xf32, #tpu.memory_space<vmem>> -> memref<32x144xf32, #tpu.memory_space<vmem>>
      tpu.enqueue_dma source(%dma_start3A_496 : memref<32x144xf32, #tpu.memory_space<vmem>>) target(%dma_start3A_492 : memref<32x144xf32, #tpu.memory_space<vmem_shared>>) target_semaphore(%run_scoped3A_484 : memref<!tpu.dma_semaphore, #tpu.memory_space<semaphore_mem>>)
      %dma_wait3A_497 = arith.constant 0 : i32
      %dma_wait3A_498 = arith.constant 0 : i32
      %dma_wait3A_499 = tpu.memref_slice %arg13[%run_scoped3A_42, %dma_wait3A_497, %dma_wait3A_498] : memref<2x32x144xf32, #tpu.memory_space<vmem>> -> memref<1x32x144xf32, #tpu.memory_space<vmem>>
      %dma_wait3A_500 = tpu.memref_squeeze %dma_wait3A_499 : memref<1x32x144xf32, #tpu.memory_space<vmem>> -> memref<32x144xf32, #tpu.memory_space<vmem>>
      %dma_wait3A_501 = arith.constant 0 : i32
      %dma_wait3A_502 = tpu.memref_slice %arg15[%add3A_41, %dma_wait3A_501] : memref<10240x144xf32, #tpu.memory_space<vmem_shared>> -> memref<32x144xf32, #tpu.memory_space<vmem_shared>>
      %dma_wait3A_503 = arith.constant 0 : i32
      %dma_wait3A_504 = tpu.memref_slice %arg15[%add3A_41, %dma_wait3A_503] : memref<10240x144xf32, #tpu.memory_space<vmem_shared>> -> memref<32x144xf32, #tpu.memory_space<vmem_shared>>
      %dma_wait3A_505 = arith.constant 0 : i32
      %dma_wait3A_506 = arith.constant 0 : i32
      %dma_wait3A_507 = tpu.memref_slice %arg13[%run_scoped3A_42, %dma_wait3A_505, %dma_wait3A_506] : memref<2x32x144xf32, #tpu.memory_space<vmem>> -> memref<1x32x144xf32, #tpu.memory_space<vmem>>
      %dma_wait3A_508 = tpu.memref_squeeze %dma_wait3A_507 : memref<1x32x144xf32, #tpu.memory_space<vmem>> -> memref<32x144xf32, #tpu.memory_space<vmem>>
      tpu.wait_dma2 semaphore(%run_scoped3A_484 : memref<!tpu.dma_semaphore, #tpu.memory_space<semaphore_mem>>) src(%dma_wait3A_508 : memref<32x144xf32, #tpu.memory_space<vmem>>) dst(%dma_wait3A_504 : memref<32x144xf32, #tpu.memory_space<vmem_shared>>)
      tpu.yield
    }) : () -> ()
    %mul3A_43 = arith.constant 640 : i32
    %mul3A_44 = arith.muli %arg1, %mul3A_43 : i32
    %add3A_45 = arith.constant 192 : i32
    %add3A_46 = arith.addi %mul3A_44, %add3A_45 : i32
    %run_scoped3A_47 = arith.constant 0 : i32
    "tpu.region"() ({
      %run_scoped3A_484 = tpu.sem_alloc : memref<!tpu.dma_semaphore, #tpu.memory_space<semaphore_mem>>
      %dma_start3A_485 = arith.constant 0 : i32
      %dma_start3A_486 = arith.constant 0 : i32
      %dma_start3A_487 = tpu.memref_slice %arg13[%run_scoped3A_47, %dma_start3A_485, %dma_start3A_486] : memref<2x32x144xf32, #tpu.memory_space<vmem>> -> memref<1x32x144xf32, #tpu.memory_space<vmem>>
      %dma_start3A_488 = tpu.memref_squeeze %dma_start3A_487 : memref<1x32x144xf32, #tpu.memory_space<vmem>> -> memref<32x144xf32, #tpu.memory_space<vmem>>
      %dma_start3A_489 = arith.constant 0 : i32
      %dma_start3A_490 = tpu.memref_slice %arg15[%add3A_46, %dma_start3A_489] : memref<10240x144xf32, #tpu.memory_space<vmem_shared>> -> memref<32x144xf32, #tpu.memory_space<vmem_shared>>
      %dma_start3A_491 = arith.constant 0 : i32
      %dma_start3A_492 = tpu.memref_slice %arg15[%add3A_46, %dma_start3A_491] : memref<10240x144xf32, #tpu.memory_space<vmem_shared>> -> memref<32x144xf32, #tpu.memory_space<vmem_shared>>
      %dma_start3A_493 = arith.constant 0 : i32
      %dma_start3A_494 = arith.constant 0 : i32
      %dma_start3A_495 = tpu.memref_slice %arg13[%run_scoped3A_47, %dma_start3A_493, %dma_start3A_494] : memref<2x32x144xf32, #tpu.memory_space<vmem>> -> memref<1x32x144xf32, #tpu.memory_space<vmem>>
      %dma_start3A_496 = tpu.memref_squeeze %dma_start3A_495 : memref<1x32x144xf32, #tpu.memory_space<vmem>> -> memref<32x144xf32, #tpu.memory_space<vmem>>
      tpu.enqueue_dma source(%dma_start3A_496 : memref<32x144xf32, #tpu.memory_space<vmem>>) target(%dma_start3A_492 : memref<32x144xf32, #tpu.memory_space<vmem_shared>>) target_semaphore(%run_scoped3A_484 : memref<!tpu.dma_semaphore, #tpu.memory_space<semaphore_mem>>)
      %dma_wait3A_497 = arith.constant 0 : i32
      %dma_wait3A_498 = arith.constant 0 : i32
      %dma_wait3A_499 = tpu.memref_slice %arg13[%run_scoped3A_47, %dma_wait3A_497, %dma_wait3A_498] : memref<2x32x144xf32, #tpu.memory_space<vmem>> -> memref<1x32x144xf32, #tpu.memory_space<vmem>>
      %dma_wait3A_500 = tpu.memref_squeeze %dma_wait3A_499 : memref<1x32x144xf32, #tpu.memory_space<vmem>> -> memref<32x144xf32, #tpu.memory_space<vmem>>
      %dma_wait3A_501 = arith.constant 0 : i32
      %dma_wait3A_502 = tpu.memref_slice %arg15[%add3A_46, %dma_wait3A_501] : memref<10240x144xf32, #tpu.memory_space<vmem_shared>> -> memref<32x144xf32, #tpu.memory_space<vmem_shared>>
      %dma_wait3A_503 = arith.constant 0 : i32
      %dma_wait3A_504 = tpu.memref_slice %arg15[%add3A_46, %dma_wait3A_503] : memref<10240x144xf32, #tpu.memory_space<vmem_shared>> -> memref<32x144xf32, #tpu.memory_space<vmem_shared>>
      %dma_wait3A_505 = arith.constant 0 : i32
      %dma_wait3A_506 = arith.constant 0 : i32
      %dma_wait3A_507 = tpu.memref_slice %arg13[%run_scoped3A_47, %dma_wait3A_505, %dma_wait3A_506] : memref<2x32x144xf32, #tpu.memory_space<vmem>> -> memref<1x32x144xf32, #tpu.memory_space<vmem>>
      %dma_wait3A_508 = tpu.memref_squeeze %dma_wait3A_507 : memref<1x32x144xf32, #tpu.memory_space<vmem>> -> memref<32x144xf32, #tpu.memory_space<vmem>>
      tpu.wait_dma2 semaphore(%run_scoped3A_484 : memref<!tpu.dma_semaphore, #tpu.memory_space<semaphore_mem>>) src(%dma_wait3A_508 : memref<32x144xf32, #tpu.memory_space<vmem>>) dst(%dma_wait3A_504 : memref<32x144xf32, #tpu.memory_space<vmem_shared>>)
      tpu.yield
    }) : () -> ()
    %mul3A_48 = arith.constant 640 : i32
    %mul3A_49 = arith.muli %arg1, %mul3A_48 : i32
    %add3A_50 = arith.constant 224 : i32
    %add3A_51 = arith.addi %mul3A_49, %add3A_50 : i32
    %run_scoped3A_52 = arith.constant 0 : i32
    "tpu.region"() ({
      %run_scoped3A_484 = tpu.sem_alloc : memref<!tpu.dma_semaphore, #tpu.memory_space<semaphore_mem>>
      %dma_start3A_485 = arith.constant 0 : i32
      %dma_start3A_486 = arith.constant 0 : i32
      %dma_start3A_487 = tpu.memref_slice %arg13[%run_scoped3A_52, %dma_start3A_485, %dma_start3A_486] : memref<2x32x144xf32, #tpu.memory_space<vmem>> -> memref<1x32x144xf32, #tpu.memory_space<vmem>>
      %dma_start3A_488 = tpu.memref_squeeze %dma_start3A_487 : memref<1x32x144xf32, #tpu.memory_space<vmem>> -> memref<32x144xf32, #tpu.memory_space<vmem>>
      %dma_start3A_489 = arith.constant 0 : i32
      %dma_start3A_490 = tpu.memref_slice %arg15[%add3A_51, %dma_start3A_489] : memref<10240x144xf32, #tpu.memory_space<vmem_shared>> -> memref<32x144xf32, #tpu.memory_space<vmem_shared>>
      %dma_start3A_491 = arith.constant 0 : i32
      %dma_start3A_492 = tpu.memref_slice %arg15[%add3A_51, %dma_start3A_491] : memref<10240x144xf32, #tpu.memory_space<vmem_shared>> -> memref<32x144xf32, #tpu.memory_space<vmem_shared>>
      %dma_start3A_493 = arith.constant 0 : i32
      %dma_start3A_494 = arith.constant 0 : i32
      %dma_start3A_495 = tpu.memref_slice %arg13[%run_scoped3A_52, %dma_start3A_493, %dma_start3A_494] : memref<2x32x144xf32, #tpu.memory_space<vmem>> -> memref<1x32x144xf32, #tpu.memory_space<vmem>>
      %dma_start3A_496 = tpu.memref_squeeze %dma_start3A_495 : memref<1x32x144xf32, #tpu.memory_space<vmem>> -> memref<32x144xf32, #tpu.memory_space<vmem>>
      tpu.enqueue_dma source(%dma_start3A_496 : memref<32x144xf32, #tpu.memory_space<vmem>>) target(%dma_start3A_492 : memref<32x144xf32, #tpu.memory_space<vmem_shared>>) target_semaphore(%run_scoped3A_484 : memref<!tpu.dma_semaphore, #tpu.memory_space<semaphore_mem>>)
      %dma_wait3A_497 = arith.constant 0 : i32
      %dma_wait3A_498 = arith.constant 0 : i32
      %dma_wait3A_499 = tpu.memref_slice %arg13[%run_scoped3A_52, %dma_wait3A_497, %dma_wait3A_498] : memref<2x32x144xf32, #tpu.memory_space<vmem>> -> memref<1x32x144xf32, #tpu.memory_space<vmem>>
      %dma_wait3A_500 = tpu.memref_squeeze %dma_wait3A_499 : memref<1x32x144xf32, #tpu.memory_space<vmem>> -> memref<32x144xf32, #tpu.memory_space<vmem>>
      %dma_wait3A_501 = arith.constant 0 : i32
      %dma_wait3A_502 = tpu.memref_slice %arg15[%add3A_51, %dma_wait3A_501] : memref<10240x144xf32, #tpu.memory_space<vmem_shared>> -> memref<32x144xf32, #tpu.memory_space<vmem_shared>>
      %dma_wait3A_503 = arith.constant 0 : i32
      %dma_wait3A_504 = tpu.memref_slice %arg15[%add3A_51, %dma_wait3A_503] : memref<10240x144xf32, #tpu.memory_space<vmem_shared>> -> memref<32x144xf32, #tpu.memory_space<vmem_shared>>
      %dma_wait3A_505 = arith.constant 0 : i32
      %dma_wait3A_506 = arith.constant 0 : i32
      %dma_wait3A_507 = tpu.memref_slice %arg13[%run_scoped3A_52, %dma_wait3A_505, %dma_wait3A_506] : memref<2x32x144xf32, #tpu.memory_space<vmem>> -> memref<1x32x144xf32, #tpu.memory_space<vmem>>
      %dma_wait3A_508 = tpu.memref_squeeze %dma_wait3A_507 : memref<1x32x144xf32, #tpu.memory_space<vmem>> -> memref<32x144xf32, #tpu.memory_space<vmem>>
      tpu.wait_dma2 semaphore(%run_scoped3A_484 : memref<!tpu.dma_semaphore, #tpu.memory_space<semaphore_mem>>) src(%dma_wait3A_508 : memref<32x144xf32, #tpu.memory_space<vmem>>) dst(%dma_wait3A_504 : memref<32x144xf32, #tpu.memory_space<vmem_shared>>)
      tpu.yield
    }) : () -> ()
    %mul3A_53 = arith.constant 640 : i32
    %mul3A_54 = arith.muli %arg1, %mul3A_53 : i32
    %add3A_55 = arith.constant 256 : i32
    %add3A_56 = arith.addi %mul3A_54, %add3A_55 : i32
    %run_scoped3A_57 = arith.constant 0 : i32
    "tpu.region"() ({
      %run_scoped3A_484 = tpu.sem_alloc : memref<!tpu.dma_semaphore, #tpu.memory_space<semaphore_mem>>
      %dma_start3A_485 = arith.constant 0 : i32
      %dma_start3A_486 = arith.constant 0 : i32
      %dma_start3A_487 = tpu.memref_slice %arg13[%run_scoped3A_57, %dma_start3A_485, %dma_start3A_486] : memref<2x32x144xf32, #tpu.memory_space<vmem>> -> memref<1x32x144xf32, #tpu.memory_space<vmem>>
      %dma_start3A_488 = tpu.memref_squeeze %dma_start3A_487 : memref<1x32x144xf32, #tpu.memory_space<vmem>> -> memref<32x144xf32, #tpu.memory_space<vmem>>
      %dma_start3A_489 = arith.constant 0 : i32
      %dma_start3A_490 = tpu.memref_slice %arg15[%add3A_56, %dma_start3A_489] : memref<10240x144xf32, #tpu.memory_space<vmem_shared>> -> memref<32x144xf32, #tpu.memory_space<vmem_shared>>
      %dma_start3A_491 = arith.constant 0 : i32
      %dma_start3A_492 = tpu.memref_slice %arg15[%add3A_56, %dma_start3A_491] : memref<10240x144xf32, #tpu.memory_space<vmem_shared>> -> memref<32x144xf32, #tpu.memory_space<vmem_shared>>
      %dma_start3A_493 = arith.constant 0 : i32
      %dma_start3A_494 = arith.constant 0 : i32
      %dma_start3A_495 = tpu.memref_slice %arg13[%run_scoped3A_57, %dma_start3A_493, %dma_start3A_494] : memref<2x32x144xf32, #tpu.memory_space<vmem>> -> memref<1x32x144xf32, #tpu.memory_space<vmem>>
      %dma_start3A_496 = tpu.memref_squeeze %dma_start3A_495 : memref<1x32x144xf32, #tpu.memory_space<vmem>> -> memref<32x144xf32, #tpu.memory_space<vmem>>
      tpu.enqueue_dma source(%dma_start3A_496 : memref<32x144xf32, #tpu.memory_space<vmem>>) target(%dma_start3A_492 : memref<32x144xf32, #tpu.memory_space<vmem_shared>>) target_semaphore(%run_scoped3A_484 : memref<!tpu.dma_semaphore, #tpu.memory_space<semaphore_mem>>)
      %dma_wait3A_497 = arith.constant 0 : i32
      %dma_wait3A_498 = arith.constant 0 : i32
      %dma_wait3A_499 = tpu.memref_slice %arg13[%run_scoped3A_57, %dma_wait3A_497, %dma_wait3A_498] : memref<2x32x144xf32, #tpu.memory_space<vmem>> -> memref<1x32x144xf32, #tpu.memory_space<vmem>>
      %dma_wait3A_500 = tpu.memref_squeeze %dma_wait3A_499 : memref<1x32x144xf32, #tpu.memory_space<vmem>> -> memref<32x144xf32, #tpu.memory_space<vmem>>
      %dma_wait3A_501 = arith.constant 0 : i32
      %dma_wait3A_502 = tpu.memref_slice %arg15[%add3A_56, %dma_wait3A_501] : memref<10240x144xf32, #tpu.memory_space<vmem_shared>> -> memref<32x144xf32, #tpu.memory_space<vmem_shared>>
      %dma_wait3A_503 = arith.constant 0 : i32
      %dma_wait3A_504 = tpu.memref_slice %arg15[%add3A_56, %dma_wait3A_503] : memref<10240x144xf32, #tpu.memory_space<vmem_shared>> -> memref<32x144xf32, #tpu.memory_space<vmem_shared>>
      %dma_wait3A_505 = arith.constant 0 : i32
      %dma_wait3A_506 = arith.constant 0 : i32
      %dma_wait3A_507 = tpu.memref_slice %arg13[%run_scoped3A_57, %dma_wait3A_505, %dma_wait3A_506] : memref<2x32x144xf32, #tpu.memory_space<vmem>> -> memref<1x32x144xf32, #tpu.memory_space<vmem>>
      %dma_wait3A_508 = tpu.memref_squeeze %dma_wait3A_507 : memref<1x32x144xf32, #tpu.memory_space<vmem>> -> memref<32x144xf32, #tpu.memory_space<vmem>>
      tpu.wait_dma2 semaphore(%run_scoped3A_484 : memref<!tpu.dma_semaphore, #tpu.memory_space<semaphore_mem>>) src(%dma_wait3A_508 : memref<32x144xf32, #tpu.memory_space<vmem>>) dst(%dma_wait3A_504 : memref<32x144xf32, #tpu.memory_space<vmem_shared>>)
      tpu.yield
    }) : () -> ()
    %mul3A_58 = arith.constant 640 : i32
    %mul3A_59 = arith.muli %arg1, %mul3A_58 : i32
    %add3A_60 = arith.constant 288 : i32
    %add3A_61 = arith.addi %mul3A_59, %add3A_60 : i32
    %run_scoped3A_62 = arith.constant 0 : i32
    "tpu.region"() ({
      %run_scoped3A_484 = tpu.sem_alloc : memref<!tpu.dma_semaphore, #tpu.memory_space<semaphore_mem>>
      %dma_start3A_485 = arith.constant 0 : i32
      %dma_start3A_486 = arith.constant 0 : i32
      %dma_start3A_487 = tpu.memref_slice %arg13[%run_scoped3A_62, %dma_start3A_485, %dma_start3A_486] : memref<2x32x144xf32, #tpu.memory_space<vmem>> -> memref<1x32x144xf32, #tpu.memory_space<vmem>>
      %dma_start3A_488 = tpu.memref_squeeze %dma_start3A_487 : memref<1x32x144xf32, #tpu.memory_space<vmem>> -> memref<32x144xf32, #tpu.memory_space<vmem>>
      %dma_start3A_489 = arith.constant 0 : i32
      %dma_start3A_490 = tpu.memref_slice %arg15[%add3A_61, %dma_start3A_489] : memref<10240x144xf32, #tpu.memory_space<vmem_shared>> -> memref<32x144xf32, #tpu.memory_space<vmem_shared>>
      %dma_start3A_491 = arith.constant 0 : i32
      %dma_start3A_492 = tpu.memref_slice %arg15[%add3A_61, %dma_start3A_491] : memref<10240x144xf32, #tpu.memory_space<vmem_shared>> -> memref<32x144xf32, #tpu.memory_space<vmem_shared>>
      %dma_start3A_493 = arith.constant 0 : i32
      %dma_start3A_494 = arith.constant 0 : i32
      %dma_start3A_495 = tpu.memref_slice %arg13[%run_scoped3A_62, %dma_start3A_493, %dma_start3A_494] : memref<2x32x144xf32, #tpu.memory_space<vmem>> -> memref<1x32x144xf32, #tpu.memory_space<vmem>>
      %dma_start3A_496 = tpu.memref_squeeze %dma_start3A_495 : memref<1x32x144xf32, #tpu.memory_space<vmem>> -> memref<32x144xf32, #tpu.memory_space<vmem>>
      tpu.enqueue_dma source(%dma_start3A_496 : memref<32x144xf32, #tpu.memory_space<vmem>>) target(%dma_start3A_492 : memref<32x144xf32, #tpu.memory_space<vmem_shared>>) target_semaphore(%run_scoped3A_484 : memref<!tpu.dma_semaphore, #tpu.memory_space<semaphore_mem>>)
      %dma_wait3A_497 = arith.constant 0 : i32
      %dma_wait3A_498 = arith.constant 0 : i32
      %dma_wait3A_499 = tpu.memref_slice %arg13[%run_scoped3A_62, %dma_wait3A_497, %dma_wait3A_498] : memref<2x32x144xf32, #tpu.memory_space<vmem>> -> memref<1x32x144xf32, #tpu.memory_space<vmem>>
      %dma_wait3A_500 = tpu.memref_squeeze %dma_wait3A_499 : memref<1x32x144xf32, #tpu.memory_space<vmem>> -> memref<32x144xf32, #tpu.memory_space<vmem>>
      %dma_wait3A_501 = arith.constant 0 : i32
      %dma_wait3A_502 = tpu.memref_slice %arg15[%add3A_61, %dma_wait3A_501] : memref<10240x144xf32, #tpu.memory_space<vmem_shared>> -> memref<32x144xf32, #tpu.memory_space<vmem_shared>>
      %dma_wait3A_503 = arith.constant 0 : i32
      %dma_wait3A_504 = tpu.memref_slice %arg15[%add3A_61, %dma_wait3A_503] : memref<10240x144xf32, #tpu.memory_space<vmem_shared>> -> memref<32x144xf32, #tpu.memory_space<vmem_shared>>
      %dma_wait3A_505 = arith.constant 0 : i32
      %dma_wait3A_506 = arith.constant 0 : i32
      %dma_wait3A_507 = tpu.memref_slice %arg13[%run_scoped3A_62, %dma_wait3A_505, %dma_wait3A_506] : memref<2x32x144xf32, #tpu.memory_space<vmem>> -> memref<1x32x144xf32, #tpu.memory_space<vmem>>
      %dma_wait3A_508 = tpu.memref_squeeze %dma_wait3A_507 : memref<1x32x144xf32, #tpu.memory_space<vmem>> -> memref<32x144xf32, #tpu.memory_space<vmem>>
      tpu.wait_dma2 semaphore(%run_scoped3A_484 : memref<!tpu.dma_semaphore, #tpu.memory_space<semaphore_mem>>) src(%dma_wait3A_508 : memref<32x144xf32, #tpu.memory_space<vmem>>) dst(%dma_wait3A_504 : memref<32x144xf32, #tpu.memory_space<vmem_shared>>)
      tpu.yield
    }) : () -> ()
    %mul3A_63 = arith.constant 640 : i32
    %mul3A_64 = arith.muli %arg1, %mul3A_63 : i32
    %add3A_65 = arith.constant 320 : i32
    %add3A_66 = arith.addi %mul3A_64, %add3A_65 : i32
    %run_scoped3A_67 = arith.constant 0 : i32
    "tpu.region"() ({
      %run_scoped3A_484 = tpu.sem_alloc : memref<!tpu.dma_semaphore, #tpu.memory_space<semaphore_mem>>
      %dma_start3A_485 = arith.constant 0 : i32
      %dma_start3A_486 = arith.constant 0 : i32
      %dma_start3A_487 = tpu.memref_slice %arg13[%run_scoped3A_67, %dma_start3A_485, %dma_start3A_486] : memref<2x32x144xf32, #tpu.memory_space<vmem>> -> memref<1x32x144xf32, #tpu.memory_space<vmem>>
      %dma_start3A_488 = tpu.memref_squeeze %dma_start3A_487 : memref<1x32x144xf32, #tpu.memory_space<vmem>> -> memref<32x144xf32, #tpu.memory_space<vmem>>
      %dma_start3A_489 = arith.constant 0 : i32
      %dma_start3A_490 = tpu.memref_slice %arg15[%add3A_66, %dma_start3A_489] : memref<10240x144xf32, #tpu.memory_space<vmem_shared>> -> memref<32x144xf32, #tpu.memory_space<vmem_shared>>
      %dma_start3A_491 = arith.constant 0 : i32
      %dma_start3A_492 = tpu.memref_slice %arg15[%add3A_66, %dma_start3A_491] : memref<10240x144xf32, #tpu.memory_space<vmem_shared>> -> memref<32x144xf32, #tpu.memory_space<vmem_shared>>
      %dma_start3A_493 = arith.constant 0 : i32
      %dma_start3A_494 = arith.constant 0 : i32
      %dma_start3A_495 = tpu.memref_slice %arg13[%run_scoped3A_67, %dma_start3A_493, %dma_start3A_494] : memref<2x32x144xf32, #tpu.memory_space<vmem>> -> memref<1x32x144xf32, #tpu.memory_space<vmem>>
      %dma_start3A_496 = tpu.memref_squeeze %dma_start3A_495 : memref<1x32x144xf32, #tpu.memory_space<vmem>> -> memref<32x144xf32, #tpu.memory_space<vmem>>
      tpu.enqueue_dma source(%dma_start3A_496 : memref<32x144xf32, #tpu.memory_space<vmem>>) target(%dma_start3A_492 : memref<32x144xf32, #tpu.memory_space<vmem_shared>>) target_semaphore(%run_scoped3A_484 : memref<!tpu.dma_semaphore, #tpu.memory_space<semaphore_mem>>)
      %dma_wait3A_497 = arith.constant 0 : i32
      %dma_wait3A_498 = arith.constant 0 : i32
      %dma_wait3A_499 = tpu.memref_slice %arg13[%run_scoped3A_67, %dma_wait3A_497, %dma_wait3A_498] : memref<2x32x144xf32, #tpu.memory_space<vmem>> -> memref<1x32x144xf32, #tpu.memory_space<vmem>>
      %dma_wait3A_500 = tpu.memref_squeeze %dma_wait3A_499 : memref<1x32x144xf32, #tpu.memory_space<vmem>> -> memref<32x144xf32, #tpu.memory_space<vmem>>
      %dma_wait3A_501 = arith.constant 0 : i32
      %dma_wait3A_502 = tpu.memref_slice %arg15[%add3A_66, %dma_wait3A_501] : memref<10240x144xf32, #tpu.memory_space<vmem_shared>> -> memref<32x144xf32, #tpu.memory_space<vmem_shared>>
      %dma_wait3A_503 = arith.constant 0 : i32
      %dma_wait3A_504 = tpu.memref_slice %arg15[%add3A_66, %dma_wait3A_503] : memref<10240x144xf32, #tpu.memory_space<vmem_shared>> -> memref<32x144xf32, #tpu.memory_space<vmem_shared>>
      %dma_wait3A_505 = arith.constant 0 : i32
      %dma_wait3A_506 = arith.constant 0 : i32
      %dma_wait3A_507 = tpu.memref_slice %arg13[%run_scoped3A_67, %dma_wait3A_505, %dma_wait3A_506] : memref<2x32x144xf32, #tpu.memory_space<vmem>> -> memref<1x32x144xf32, #tpu.memory_space<vmem>>
      %dma_wait3A_508 = tpu.memref_squeeze %dma_wait3A_507 : memref<1x32x144xf32, #tpu.memory_space<vmem>> -> memref<32x144xf32, #tpu.memory_space<vmem>>
      tpu.wait_dma2 semaphore(%run_scoped3A_484 : memref<!tpu.dma_semaphore, #tpu.memory_space<semaphore_mem>>) src(%dma_wait3A_508 : memref<32x144xf32, #tpu.memory_space<vmem>>) dst(%dma_wait3A_504 : memref<32x144xf32, #tpu.memory_space<vmem_shared>>)
      tpu.yield
    }) : () -> ()
    %mul3A_68 = arith.constant 640 : i32
    %mul3A_69 = arith.muli %arg1, %mul3A_68 : i32
    %add3A_70 = arith.constant 352 : i32
    %add3A_71 = arith.addi %mul3A_69, %add3A_70 : i32
    %run_scoped3A_72 = arith.constant 0 : i32
    "tpu.region"() ({
      %run_scoped3A_484 = tpu.sem_alloc : memref<!tpu.dma_semaphore, #tpu.memory_space<semaphore_mem>>
      %dma_start3A_485 = arith.constant 0 : i32
      %dma_start3A_486 = arith.constant 0 : i32
      %dma_start3A_487 = tpu.memref_slice %arg13[%run_scoped3A_72, %dma_start3A_485, %dma_start3A_486] : memref<2x32x144xf32, #tpu.memory_space<vmem>> -> memref<1x32x144xf32, #tpu.memory_space<vmem>>
      %dma_start3A_488 = tpu.memref_squeeze %dma_start3A_487 : memref<1x32x144xf32, #tpu.memory_space<vmem>> -> memref<32x144xf32, #tpu.memory_space<vmem>>
      %dma_start3A_489 = arith.constant 0 : i32
      %dma_start3A_490 = tpu.memref_slice %arg15[%add3A_71, %dma_start3A_489] : memref<10240x144xf32, #tpu.memory_space<vmem_shared>> -> memref<32x144xf32, #tpu.memory_space<vmem_shared>>
      %dma_start3A_491 = arith.constant 0 : i32
      %dma_start3A_492 = tpu.memref_slice %arg15[%add3A_71, %dma_start3A_491] : memref<10240x144xf32, #tpu.memory_space<vmem_shared>> -> memref<32x144xf32, #tpu.memory_space<vmem_shared>>
      %dma_start3A_493 = arith.constant 0 : i32
      %dma_start3A_494 = arith.constant 0 : i32
      %dma_start3A_495 = tpu.memref_slice %arg13[%run_scoped3A_72, %dma_start3A_493, %dma_start3A_494] : memref<2x32x144xf32, #tpu.memory_space<vmem>> -> memref<1x32x144xf32, #tpu.memory_space<vmem>>
      %dma_start3A_496 = tpu.memref_squeeze %dma_start3A_495 : memref<1x32x144xf32, #tpu.memory_space<vmem>> -> memref<32x144xf32, #tpu.memory_space<vmem>>
      tpu.enqueue_dma source(%dma_start3A_496 : memref<32x144xf32, #tpu.memory_space<vmem>>) target(%dma_start3A_492 : memref<32x144xf32, #tpu.memory_space<vmem_shared>>) target_semaphore(%run_scoped3A_484 : memref<!tpu.dma_semaphore, #tpu.memory_space<semaphore_mem>>)
      %dma_wait3A_497 = arith.constant 0 : i32
      %dma_wait3A_498 = arith.constant 0 : i32
      %dma_wait3A_499 = tpu.memref_slice %arg13[%run_scoped3A_72, %dma_wait3A_497, %dma_wait3A_498] : memref<2x32x144xf32, #tpu.memory_space<vmem>> -> memref<1x32x144xf32, #tpu.memory_space<vmem>>
      %dma_wait3A_500 = tpu.memref_squeeze %dma_wait3A_499 : memref<1x32x144xf32, #tpu.memory_space<vmem>> -> memref<32x144xf32, #tpu.memory_space<vmem>>
      %dma_wait3A_501 = arith.constant 0 : i32
      %dma_wait3A_502 = tpu.memref_slice %arg15[%add3A_71, %dma_wait3A_501] : memref<10240x144xf32, #tpu.memory_space<vmem_shared>> -> memref<32x144xf32, #tpu.memory_space<vmem_shared>>
      %dma_wait3A_503 = arith.constant 0 : i32
      %dma_wait3A_504 = tpu.memref_slice %arg15[%add3A_71, %dma_wait3A_503] : memref<10240x144xf32, #tpu.memory_space<vmem_shared>> -> memref<32x144xf32, #tpu.memory_space<vmem_shared>>
      %dma_wait3A_505 = arith.constant 0 : i32
      %dma_wait3A_506 = arith.constant 0 : i32
      %dma_wait3A_507 = tpu.memref_slice %arg13[%run_scoped3A_72, %dma_wait3A_505, %dma_wait3A_506] : memref<2x32x144xf32, #tpu.memory_space<vmem>> -> memref<1x32x144xf32, #tpu.memory_space<vmem>>
      %dma_wait3A_508 = tpu.memref_squeeze %dma_wait3A_507 : memref<1x32x144xf32, #tpu.memory_space<vmem>> -> memref<32x144xf32, #tpu.memory_space<vmem>>
      tpu.wait_dma2 semaphore(%run_scoped3A_484 : memref<!tpu.dma_semaphore, #tpu.memory_space<semaphore_mem>>) src(%dma_wait3A_508 : memref<32x144xf32, #tpu.memory_space<vmem>>) dst(%dma_wait3A_504 : memref<32x144xf32, #tpu.memory_space<vmem_shared>>)
      tpu.yield
    }) : () -> ()
    %mul3A_73 = arith.constant 640 : i32
    %mul3A_74 = arith.muli %arg1, %mul3A_73 : i32
    %add3A_75 = arith.constant 384 : i32
    %add3A_76 = arith.addi %mul3A_74, %add3A_75 : i32
    %run_scoped3A_77 = arith.constant 0 : i32
    "tpu.region"() ({
      %run_scoped3A_484 = tpu.sem_alloc : memref<!tpu.dma_semaphore, #tpu.memory_space<semaphore_mem>>
      %dma_start3A_485 = arith.constant 0 : i32
      %dma_start3A_486 = arith.constant 0 : i32
      %dma_start3A_487 = tpu.memref_slice %arg13[%run_scoped3A_77, %dma_start3A_485, %dma_start3A_486] : memref<2x32x144xf32, #tpu.memory_space<vmem>> -> memref<1x32x144xf32, #tpu.memory_space<vmem>>
      %dma_start3A_488 = tpu.memref_squeeze %dma_start3A_487 : memref<1x32x144xf32, #tpu.memory_space<vmem>> -> memref<32x144xf32, #tpu.memory_space<vmem>>
      %dma_start3A_489 = arith.constant 0 : i32
      %dma_start3A_490 = tpu.memref_slice %arg15[%add3A_76, %dma_start3A_489] : memref<10240x144xf32, #tpu.memory_space<vmem_shared>> -> memref<32x144xf32, #tpu.memory_space<vmem_shared>>
      %dma_start3A_491 = arith.constant 0 : i32
      %dma_start3A_492 = tpu.memref_slice %arg15[%add3A_76, %dma_start3A_491] : memref<10240x144xf32, #tpu.memory_space<vmem_shared>> -> memref<32x144xf32, #tpu.memory_space<vmem_shared>>
      %dma_start3A_493 = arith.constant 0 : i32
      %dma_start3A_494 = arith.constant 0 : i32
      %dma_start3A_495 = tpu.memref_slice %arg13[%run_scoped3A_77, %dma_start3A_493, %dma_start3A_494] : memref<2x32x144xf32, #tpu.memory_space<vmem>> -> memref<1x32x144xf32, #tpu.memory_space<vmem>>
      %dma_start3A_496 = tpu.memref_squeeze %dma_start3A_495 : memref<1x32x144xf32, #tpu.memory_space<vmem>> -> memref<32x144xf32, #tpu.memory_space<vmem>>
      tpu.enqueue_dma source(%dma_start3A_496 : memref<32x144xf32, #tpu.memory_space<vmem>>) target(%dma_start3A_492 : memref<32x144xf32, #tpu.memory_space<vmem_shared>>) target_semaphore(%run_scoped3A_484 : memref<!tpu.dma_semaphore, #tpu.memory_space<semaphore_mem>>)
      %dma_wait3A_497 = arith.constant 0 : i32
      %dma_wait3A_498 = arith.constant 0 : i32
      %dma_wait3A_499 = tpu.memref_slice %arg13[%run_scoped3A_77, %dma_wait3A_497, %dma_wait3A_498] : memref<2x32x144xf32, #tpu.memory_space<vmem>> -> memref<1x32x144xf32, #tpu.memory_space<vmem>>
      %dma_wait3A_500 = tpu.memref_squeeze %dma_wait3A_499 : memref<1x32x144xf32, #tpu.memory_space<vmem>> -> memref<32x144xf32, #tpu.memory_space<vmem>>
      %dma_wait3A_501 = arith.constant 0 : i32
      %dma_wait3A_502 = tpu.memref_slice %arg15[%add3A_76, %dma_wait3A_501] : memref<10240x144xf32, #tpu.memory_space<vmem_shared>> -> memref<32x144xf32, #tpu.memory_space<vmem_shared>>
      %dma_wait3A_503 = arith.constant 0 : i32
      %dma_wait3A_504 = tpu.memref_slice %arg15[%add3A_76, %dma_wait3A_503] : memref<10240x144xf32, #tpu.memory_space<vmem_shared>> -> memref<32x144xf32, #tpu.memory_space<vmem_shared>>
      %dma_wait3A_505 = arith.constant 0 : i32
      %dma_wait3A_506 = arith.constant 0 : i32
      %dma_wait3A_507 = tpu.memref_slice %arg13[%run_scoped3A_77, %dma_wait3A_505, %dma_wait3A_506] : memref<2x32x144xf32, #tpu.memory_space<vmem>> -> memref<1x32x144xf32, #tpu.memory_space<vmem>>
      %dma_wait3A_508 = tpu.memref_squeeze %dma_wait3A_507 : memref<1x32x144xf32, #tpu.memory_space<vmem>> -> memref<32x144xf32, #tpu.memory_space<vmem>>
      tpu.wait_dma2 semaphore(%run_scoped3A_484 : memref<!tpu.dma_semaphore, #tpu.memory_space<semaphore_mem>>) src(%dma_wait3A_508 : memref<32x144xf32, #tpu.memory_space<vmem>>) dst(%dma_wait3A_504 : memref<32x144xf32, #tpu.memory_space<vmem_shared>>)
      tpu.yield
    }) : () -> ()
    %mul3A_78 = arith.constant 640 : i32
    %mul3A_79 = arith.muli %arg1, %mul3A_78 : i32
    %add3A_80 = arith.constant 416 : i32
    %add3A_81 = arith.addi %mul3A_79, %add3A_80 : i32
    %run_scoped3A_82 = arith.constant 0 : i32
    "tpu.region"() ({
      %run_scoped3A_484 = tpu.sem_alloc : memref<!tpu.dma_semaphore, #tpu.memory_space<semaphore_mem>>
      %dma_start3A_485 = arith.constant 0 : i32
      %dma_start3A_486 = arith.constant 0 : i32
      %dma_start3A_487 = tpu.memref_slice %arg13[%run_scoped3A_82, %dma_start3A_485, %dma_start3A_486] : memref<2x32x144xf32, #tpu.memory_space<vmem>> -> memref<1x32x144xf32, #tpu.memory_space<vmem>>
      %dma_start3A_488 = tpu.memref_squeeze %dma_start3A_487 : memref<1x32x144xf32, #tpu.memory_space<vmem>> -> memref<32x144xf32, #tpu.memory_space<vmem>>
      %dma_start3A_489 = arith.constant 0 : i32
      %dma_start3A_490 = tpu.memref_slice %arg15[%add3A_81, %dma_start3A_489] : memref<10240x144xf32, #tpu.memory_space<vmem_shared>> -> memref<32x144xf32, #tpu.memory_space<vmem_shared>>
      %dma_start3A_491 = arith.constant 0 : i32
      %dma_start3A_492 = tpu.memref_slice %arg15[%add3A_81, %dma_start3A_491] : memref<10240x144xf32, #tpu.memory_space<vmem_shared>> -> memref<32x144xf32, #tpu.memory_space<vmem_shared>>
      %dma_start3A_493 = arith.constant 0 : i32
      %dma_start3A_494 = arith.constant 0 : i32
      %dma_start3A_495 = tpu.memref_slice %arg13[%run_scoped3A_82, %dma_start3A_493, %dma_start3A_494] : memref<2x32x144xf32, #tpu.memory_space<vmem>> -> memref<1x32x144xf32, #tpu.memory_space<vmem>>
      %dma_start3A_496 = tpu.memref_squeeze %dma_start3A_495 : memref<1x32x144xf32, #tpu.memory_space<vmem>> -> memref<32x144xf32, #tpu.memory_space<vmem>>
      tpu.enqueue_dma source(%dma_start3A_496 : memref<32x144xf32, #tpu.memory_space<vmem>>) target(%dma_start3A_492 : memref<32x144xf32, #tpu.memory_space<vmem_shared>>) target_semaphore(%run_scoped3A_484 : memref<!tpu.dma_semaphore, #tpu.memory_space<semaphore_mem>>)
      %dma_wait3A_497 = arith.constant 0 : i32
      %dma_wait3A_498 = arith.constant 0 : i32
      %dma_wait3A_499 = tpu.memref_slice %arg13[%run_scoped3A_82, %dma_wait3A_497, %dma_wait3A_498] : memref<2x32x144xf32, #tpu.memory_space<vmem>> -> memref<1x32x144xf32, #tpu.memory_space<vmem>>
      %dma_wait3A_500 = tpu.memref_squeeze %dma_wait3A_499 : memref<1x32x144xf32, #tpu.memory_space<vmem>> -> memref<32x144xf32, #tpu.memory_space<vmem>>
      %dma_wait3A_501 = arith.constant 0 : i32
      %dma_wait3A_502 = tpu.memref_slice %arg15[%add3A_81, %dma_wait3A_501] : memref<10240x144xf32, #tpu.memory_space<vmem_shared>> -> memref<32x144xf32, #tpu.memory_space<vmem_shared>>
      %dma_wait3A_503 = arith.constant 0 : i32
      %dma_wait3A_504 = tpu.memref_slice %arg15[%add3A_81, %dma_wait3A_503] : memref<10240x144xf32, #tpu.memory_space<vmem_shared>> -> memref<32x144xf32, #tpu.memory_space<vmem_shared>>
      %dma_wait3A_505 = arith.constant 0 : i32
      %dma_wait3A_506 = arith.constant 0 : i32
      %dma_wait3A_507 = tpu.memref_slice %arg13[%run_scoped3A_82, %dma_wait3A_505, %dma_wait3A_506] : memref<2x32x144xf32, #tpu.memory_space<vmem>> -> memref<1x32x144xf32, #tpu.memory_space<vmem>>
      %dma_wait3A_508 = tpu.memref_squeeze %dma_wait3A_507 : memref<1x32x144xf32, #tpu.memory_space<vmem>> -> memref<32x144xf32, #tpu.memory_space<vmem>>
      tpu.wait_dma2 semaphore(%run_scoped3A_484 : memref<!tpu.dma_semaphore, #tpu.memory_space<semaphore_mem>>) src(%dma_wait3A_508 : memref<32x144xf32, #tpu.memory_space<vmem>>) dst(%dma_wait3A_504 : memref<32x144xf32, #tpu.memory_space<vmem_shared>>)
      tpu.yield
    }) : () -> ()
    %mul3A_83 = arith.constant 640 : i32
    %mul3A_84 = arith.muli %arg1, %mul3A_83 : i32
    %add3A_85 = arith.constant 448 : i32
    %add3A_86 = arith.addi %mul3A_84, %add3A_85 : i32
    %run_scoped3A_87 = arith.constant 0 : i32
    "tpu.region"() ({
      %run_scoped3A_484 = tpu.sem_alloc : memref<!tpu.dma_semaphore, #tpu.memory_space<semaphore_mem>>
      %dma_start3A_485 = arith.constant 0 : i32
      %dma_start3A_486 = arith.constant 0 : i32
      %dma_start3A_487 = tpu.memref_slice %arg13[%run_scoped3A_87, %dma_start3A_485, %dma_start3A_486] : memref<2x32x144xf32, #tpu.memory_space<vmem>> -> memref<1x32x144xf32, #tpu.memory_space<vmem>>
      %dma_start3A_488 = tpu.memref_squeeze %dma_start3A_487 : memref<1x32x144xf32, #tpu.memory_space<vmem>> -> memref<32x144xf32, #tpu.memory_space<vmem>>
      %dma_start3A_489 = arith.constant 0 : i32
      %dma_start3A_490 = tpu.memref_slice %arg15[%add3A_86, %dma_start3A_489] : memref<10240x144xf32, #tpu.memory_space<vmem_shared>> -> memref<32x144xf32, #tpu.memory_space<vmem_shared>>
      %dma_start3A_491 = arith.constant 0 : i32
      %dma_start3A_492 = tpu.memref_slice %arg15[%add3A_86, %dma_start3A_491] : memref<10240x144xf32, #tpu.memory_space<vmem_shared>> -> memref<32x144xf32, #tpu.memory_space<vmem_shared>>
      %dma_start3A_493 = arith.constant 0 : i32
      %dma_start3A_494 = arith.constant 0 : i32
      %dma_start3A_495 = tpu.memref_slice %arg13[%run_scoped3A_87, %dma_start3A_493, %dma_start3A_494] : memref<2x32x144xf32, #tpu.memory_space<vmem>> -> memref<1x32x144xf32, #tpu.memory_space<vmem>>
      %dma_start3A_496 = tpu.memref_squeeze %dma_start3A_495 : memref<1x32x144xf32, #tpu.memory_space<vmem>> -> memref<32x144xf32, #tpu.memory_space<vmem>>
      tpu.enqueue_dma source(%dma_start3A_496 : memref<32x144xf32, #tpu.memory_space<vmem>>) target(%dma_start3A_492 : memref<32x144xf32, #tpu.memory_space<vmem_shared>>) target_semaphore(%run_scoped3A_484 : memref<!tpu.dma_semaphore, #tpu.memory_space<semaphore_mem>>)
      %dma_wait3A_497 = arith.constant 0 : i32
      %dma_wait3A_498 = arith.constant 0 : i32
      %dma_wait3A_499 = tpu.memref_slice %arg13[%run_scoped3A_87, %dma_wait3A_497, %dma_wait3A_498] : memref<2x32x144xf32, #tpu.memory_space<vmem>> -> memref<1x32x144xf32, #tpu.memory_space<vmem>>
      %dma_wait3A_500 = tpu.memref_squeeze %dma_wait3A_499 : memref<1x32x144xf32, #tpu.memory_space<vmem>> -> memref<32x144xf32, #tpu.memory_space<vmem>>
      %dma_wait3A_501 = arith.constant 0 : i32
      %dma_wait3A_502 = tpu.memref_slice %arg15[%add3A_86, %dma_wait3A_501] : memref<10240x144xf32, #tpu.memory_space<vmem_shared>> -> memref<32x144xf32, #tpu.memory_space<vmem_shared>>
      %dma_wait3A_503 = arith.constant 0 : i32
      %dma_wait3A_504 = tpu.memref_slice %arg15[%add3A_86, %dma_wait3A_503] : memref<10240x144xf32, #tpu.memory_space<vmem_shared>> -> memref<32x144xf32, #tpu.memory_space<vmem_shared>>
      %dma_wait3A_505 = arith.constant 0 : i32
      %dma_wait3A_506 = arith.constant 0 : i32
      %dma_wait3A_507 = tpu.memref_slice %arg13[%run_scoped3A_87, %dma_wait3A_505, %dma_wait3A_506] : memref<2x32x144xf32, #tpu.memory_space<vmem>> -> memref<1x32x144xf32, #tpu.memory_space<vmem>>
      %dma_wait3A_508 = tpu.memref_squeeze %dma_wait3A_507 : memref<1x32x144xf32, #tpu.memory_space<vmem>> -> memref<32x144xf32, #tpu.memory_space<vmem>>
      tpu.wait_dma2 semaphore(%run_scoped3A_484 : memref<!tpu.dma_semaphore, #tpu.memory_space<semaphore_mem>>) src(%dma_wait3A_508 : memref<32x144xf32, #tpu.memory_space<vmem>>) dst(%dma_wait3A_504 : memref<32x144xf32, #tpu.memory_space<vmem_shared>>)
      tpu.yield
    }) : () -> ()
    %mul3A_88 = arith.constant 640 : i32
    %mul3A_89 = arith.muli %arg1, %mul3A_88 : i32
    %add3A_90 = arith.constant 480 : i32
    %add3A_91 = arith.addi %mul3A_89, %add3A_90 : i32
    %run_scoped3A_92 = arith.constant 0 : i32
    "tpu.region"() ({
      %run_scoped3A_484 = tpu.sem_alloc : memref<!tpu.dma_semaphore, #tpu.memory_space<semaphore_mem>>
      %dma_start3A_485 = arith.constant 0 : i32
      %dma_start3A_486 = arith.constant 0 : i32
      %dma_start3A_487 = tpu.memref_slice %arg13[%run_scoped3A_92, %dma_start3A_485, %dma_start3A_486] : memref<2x32x144xf32, #tpu.memory_space<vmem>> -> memref<1x32x144xf32, #tpu.memory_space<vmem>>
      %dma_start3A_488 = tpu.memref_squeeze %dma_start3A_487 : memref<1x32x144xf32, #tpu.memory_space<vmem>> -> memref<32x144xf32, #tpu.memory_space<vmem>>
      %dma_start3A_489 = arith.constant 0 : i32
      %dma_start3A_490 = tpu.memref_slice %arg15[%add3A_91, %dma_start3A_489] : memref<10240x144xf32, #tpu.memory_space<vmem_shared>> -> memref<32x144xf32, #tpu.memory_space<vmem_shared>>
      %dma_start3A_491 = arith.constant 0 : i32
      %dma_start3A_492 = tpu.memref_slice %arg15[%add3A_91, %dma_start3A_491] : memref<10240x144xf32, #tpu.memory_space<vmem_shared>> -> memref<32x144xf32, #tpu.memory_space<vmem_shared>>
      %dma_start3A_493 = arith.constant 0 : i32
      %dma_start3A_494 = arith.constant 0 : i32
      %dma_start3A_495 = tpu.memref_slice %arg13[%run_scoped3A_92, %dma_start3A_493, %dma_start3A_494] : memref<2x32x144xf32, #tpu.memory_space<vmem>> -> memref<1x32x144xf32, #tpu.memory_space<vmem>>
      %dma_start3A_496 = tpu.memref_squeeze %dma_start3A_495 : memref<1x32x144xf32, #tpu.memory_space<vmem>> -> memref<32x144xf32, #tpu.memory_space<vmem>>
      tpu.enqueue_dma source(%dma_start3A_496 : memref<32x144xf32, #tpu.memory_space<vmem>>) target(%dma_start3A_492 : memref<32x144xf32, #tpu.memory_space<vmem_shared>>) target_semaphore(%run_scoped3A_484 : memref<!tpu.dma_semaphore, #tpu.memory_space<semaphore_mem>>)
      %dma_wait3A_497 = arith.constant 0 : i32
      %dma_wait3A_498 = arith.constant 0 : i32
      %dma_wait3A_499 = tpu.memref_slice %arg13[%run_scoped3A_92, %dma_wait3A_497, %dma_wait3A_498] : memref<2x32x144xf32, #tpu.memory_space<vmem>> -> memref<1x32x144xf32, #tpu.memory_space<vmem>>
      %dma_wait3A_500 = tpu.memref_squeeze %dma_wait3A_499 : memref<1x32x144xf32, #tpu.memory_space<vmem>> -> memref<32x144xf32, #tpu.memory_space<vmem>>
      %dma_wait3A_501 = arith.constant 0 : i32
      %dma_wait3A_502 = tpu.memref_slice %arg15[%add3A_91, %dma_wait3A_501] : memref<10240x144xf32, #tpu.memory_space<vmem_shared>> -> memref<32x144xf32, #tpu.memory_space<vmem_shared>>
      %dma_wait3A_503 = arith.constant 0 : i32
      %dma_wait3A_504 = tpu.memref_slice %arg15[%add3A_91, %dma_wait3A_503] : memref<10240x144xf32, #tpu.memory_space<vmem_shared>> -> memref<32x144xf32, #tpu.memory_space<vmem_shared>>
      %dma_wait3A_505 = arith.constant 0 : i32
      %dma_wait3A_506 = arith.constant 0 : i32
      %dma_wait3A_507 = tpu.memref_slice %arg13[%run_scoped3A_92, %dma_wait3A_505, %dma_wait3A_506] : memref<2x32x144xf32, #tpu.memory_space<vmem>> -> memref<1x32x144xf32, #tpu.memory_space<vmem>>
      %dma_wait3A_508 = tpu.memref_squeeze %dma_wait3A_507 : memref<1x32x144xf32, #tpu.memory_space<vmem>> -> memref<32x144xf32, #tpu.memory_space<vmem>>
      tpu.wait_dma2 semaphore(%run_scoped3A_484 : memref<!tpu.dma_semaphore, #tpu.memory_space<semaphore_mem>>) src(%dma_wait3A_508 : memref<32x144xf32, #tpu.memory_space<vmem>>) dst(%dma_wait3A_504 : memref<32x144xf32, #tpu.memory_space<vmem_shared>>)
      tpu.yield
    }) : () -> ()
    %mul3A_93 = arith.constant 640 : i32
    %mul3A_94 = arith.muli %arg1, %mul3A_93 : i32
    %add3A_95 = arith.constant 512 : i32
    %add3A_96 = arith.addi %mul3A_94, %add3A_95 : i32
    %run_scoped3A_97 = arith.constant 0 : i32
    "tpu.region"() ({
      %run_scoped3A_484 = tpu.sem_alloc : memref<!tpu.dma_semaphore, #tpu.memory_space<semaphore_mem>>
      %dma_start3A_485 = arith.constant 0 : i32
      %dma_start3A_486 = arith.constant 0 : i32
      %dma_start3A_487 = tpu.memref_slice %arg13[%run_scoped3A_97, %dma_start3A_485, %dma_start3A_486] : memref<2x32x144xf32, #tpu.memory_space<vmem>> -> memref<1x32x144xf32, #tpu.memory_space<vmem>>
      %dma_start3A_488 = tpu.memref_squeeze %dma_start3A_487 : memref<1x32x144xf32, #tpu.memory_space<vmem>> -> memref<32x144xf32, #tpu.memory_space<vmem>>
      %dma_start3A_489 = arith.constant 0 : i32
      %dma_start3A_490 = tpu.memref_slice %arg15[%add3A_96, %dma_start3A_489] : memref<10240x144xf32, #tpu.memory_space<vmem_shared>> -> memref<32x144xf32, #tpu.memory_space<vmem_shared>>
      %dma_start3A_491 = arith.constant 0 : i32
      %dma_start3A_492 = tpu.memref_slice %arg15[%add3A_96, %dma_start3A_491] : memref<10240x144xf32, #tpu.memory_space<vmem_shared>> -> memref<32x144xf32, #tpu.memory_space<vmem_shared>>
      %dma_start3A_493 = arith.constant 0 : i32
      %dma_start3A_494 = arith.constant 0 : i32
      %dma_start3A_495 = tpu.memref_slice %arg13[%run_scoped3A_97, %dma_start3A_493, %dma_start3A_494] : memref<2x32x144xf32, #tpu.memory_space<vmem>> -> memref<1x32x144xf32, #tpu.memory_space<vmem>>
      %dma_start3A_496 = tpu.memref_squeeze %dma_start3A_495 : memref<1x32x144xf32, #tpu.memory_space<vmem>> -> memref<32x144xf32, #tpu.memory_space<vmem>>
      tpu.enqueue_dma source(%dma_start3A_496 : memref<32x144xf32, #tpu.memory_space<vmem>>) target(%dma_start3A_492 : memref<32x144xf32, #tpu.memory_space<vmem_shared>>) target_semaphore(%run_scoped3A_484 : memref<!tpu.dma_semaphore, #tpu.memory_space<semaphore_mem>>)
      %dma_wait3A_497 = arith.constant 0 : i32
      %dma_wait3A_498 = arith.constant 0 : i32
      %dma_wait3A_499 = tpu.memref_slice %arg13[%run_scoped3A_97, %dma_wait3A_497, %dma_wait3A_498] : memref<2x32x144xf32, #tpu.memory_space<vmem>> -> memref<1x32x144xf32, #tpu.memory_space<vmem>>
      %dma_wait3A_500 = tpu.memref_squeeze %dma_wait3A_499 : memref<1x32x144xf32, #tpu.memory_space<vmem>> -> memref<32x144xf32, #tpu.memory_space<vmem>>
      %dma_wait3A_501 = arith.constant 0 : i32
      %dma_wait3A_502 = tpu.memref_slice %arg15[%add3A_96, %dma_wait3A_501] : memref<10240x144xf32, #tpu.memory_space<vmem_shared>> -> memref<32x144xf32, #tpu.memory_space<vmem_shared>>
      %dma_wait3A_503 = arith.constant 0 : i32
      %dma_wait3A_504 = tpu.memref_slice %arg15[%add3A_96, %dma_wait3A_503] : memref<10240x144xf32, #tpu.memory_space<vmem_shared>> -> memref<32x144xf32, #tpu.memory_space<vmem_shared>>
      %dma_wait3A_505 = arith.constant 0 : i32
      %dma_wait3A_506 = arith.constant 0 : i32
      %dma_wait3A_507 = tpu.memref_slice %arg13[%run_scoped3A_97, %dma_wait3A_505, %dma_wait3A_506] : memref<2x32x144xf32, #tpu.memory_space<vmem>> -> memref<1x32x144xf32, #tpu.memory_space<vmem>>
      %dma_wait3A_508 = tpu.memref_squeeze %dma_wait3A_507 : memref<1x32x144xf32, #tpu.memory_space<vmem>> -> memref<32x144xf32, #tpu.memory_space<vmem>>
      tpu.wait_dma2 semaphore(%run_scoped3A_484 : memref<!tpu.dma_semaphore, #tpu.memory_space<semaphore_mem>>) src(%dma_wait3A_508 : memref<32x144xf32, #tpu.memory_space<vmem>>) dst(%dma_wait3A_504 : memref<32x144xf32, #tpu.memory_space<vmem_shared>>)
      tpu.yield
    }) : () -> ()
    %mul3A_98 = arith.constant 640 : i32
    %mul3A_99 = arith.muli %arg1, %mul3A_98 : i32
    %add3A_100 = arith.constant 544 : i32
    %add3A_101 = arith.addi %mul3A_99, %add3A_100 : i32
    %run_scoped3A_102 = arith.constant 0 : i32
    "tpu.region"() ({
      %run_scoped3A_484 = tpu.sem_alloc : memref<!tpu.dma_semaphore, #tpu.memory_space<semaphore_mem>>
      %dma_start3A_485 = arith.constant 0 : i32
      %dma_start3A_486 = arith.constant 0 : i32
      %dma_start3A_487 = tpu.memref_slice %arg13[%run_scoped3A_102, %dma_start3A_485, %dma_start3A_486] : memref<2x32x144xf32, #tpu.memory_space<vmem>> -> memref<1x32x144xf32, #tpu.memory_space<vmem>>
      %dma_start3A_488 = tpu.memref_squeeze %dma_start3A_487 : memref<1x32x144xf32, #tpu.memory_space<vmem>> -> memref<32x144xf32, #tpu.memory_space<vmem>>
      %dma_start3A_489 = arith.constant 0 : i32
      %dma_start3A_490 = tpu.memref_slice %arg15[%add3A_101, %dma_start3A_489] : memref<10240x144xf32, #tpu.memory_space<vmem_shared>> -> memref<32x144xf32, #tpu.memory_space<vmem_shared>>
      %dma_start3A_491 = arith.constant 0 : i32
      %dma_start3A_492 = tpu.memref_slice %arg15[%add3A_101, %dma_start3A_491] : memref<10240x144xf32, #tpu.memory_space<vmem_shared>> -> memref<32x144xf32, #tpu.memory_space<vmem_shared>>
      %dma_start3A_493 = arith.constant 0 : i32
      %dma_start3A_494 = arith.constant 0 : i32
      %dma_start3A_495 = tpu.memref_slice %arg13[%run_scoped3A_102, %dma_start3A_493, %dma_start3A_494] : memref<2x32x144xf32, #tpu.memory_space<vmem>> -> memref<1x32x144xf32, #tpu.memory_space<vmem>>
      %dma_start3A_496 = tpu.memref_squeeze %dma_start3A_495 : memref<1x32x144xf32, #tpu.memory_space<vmem>> -> memref<32x144xf32, #tpu.memory_space<vmem>>
      tpu.enqueue_dma source(%dma_start3A_496 : memref<32x144xf32, #tpu.memory_space<vmem>>) target(%dma_start3A_492 : memref<32x144xf32, #tpu.memory_space<vmem_shared>>) target_semaphore(%run_scoped3A_484 : memref<!tpu.dma_semaphore, #tpu.memory_space<semaphore_mem>>)
      %dma_wait3A_497 = arith.constant 0 : i32
      %dma_wait3A_498 = arith.constant 0 : i32
      %dma_wait3A_499 = tpu.memref_slice %arg13[%run_scoped3A_102, %dma_wait3A_497, %dma_wait3A_498] : memref<2x32x144xf32, #tpu.memory_space<vmem>> -> memref<1x32x144xf32, #tpu.memory_space<vmem>>
      %dma_wait3A_500 = tpu.memref_squeeze %dma_wait3A_499 : memref<1x32x144xf32, #tpu.memory_space<vmem>> -> memref<32x144xf32, #tpu.memory_space<vmem>>
      %dma_wait3A_501 = arith.constant 0 : i32
      %dma_wait3A_502 = tpu.memref_slice %arg15[%add3A_101, %dma_wait3A_501] : memref<10240x144xf32, #tpu.memory_space<vmem_shared>> -> memref<32x144xf32, #tpu.memory_space<vmem_shared>>
      %dma_wait3A_503 = arith.constant 0 : i32
      %dma_wait3A_504 = tpu.memref_slice %arg15[%add3A_101, %dma_wait3A_503] : memref<10240x144xf32, #tpu.memory_space<vmem_shared>> -> memref<32x144xf32, #tpu.memory_space<vmem_shared>>
      %dma_wait3A_505 = arith.constant 0 : i32
      %dma_wait3A_506 = arith.constant 0 : i32
      %dma_wait3A_507 = tpu.memref_slice %arg13[%run_scoped3A_102, %dma_wait3A_505, %dma_wait3A_506] : memref<2x32x144xf32, #tpu.memory_space<vmem>> -> memref<1x32x144xf32, #tpu.memory_space<vmem>>
      %dma_wait3A_508 = tpu.memref_squeeze %dma_wait3A_507 : memref<1x32x144xf32, #tpu.memory_space<vmem>> -> memref<32x144xf32, #tpu.memory_space<vmem>>
      tpu.wait_dma2 semaphore(%run_scoped3A_484 : memref<!tpu.dma_semaphore, #tpu.memory_space<semaphore_mem>>) src(%dma_wait3A_508 : memref<32x144xf32, #tpu.memory_space<vmem>>) dst(%dma_wait3A_504 : memref<32x144xf32, #tpu.memory_space<vmem_shared>>)
      tpu.yield
    }) : () -> ()
    %mul3A_103 = arith.constant 640 : i32
    %mul3A_104 = arith.muli %arg1, %mul3A_103 : i32
    %add3A_105 = arith.constant 576 : i32
    %add3A_106 = arith.addi %mul3A_104, %add3A_105 : i32
    %run_scoped3A_107 = arith.constant 0 : i32
    "tpu.region"() ({
      %run_scoped3A_484 = tpu.sem_alloc : memref<!tpu.dma_semaphore, #tpu.memory_space<semaphore_mem>>
      %dma_start3A_485 = arith.constant 0 : i32
      %dma_start3A_486 = arith.constant 0 : i32
      %dma_start3A_487 = tpu.memref_slice %arg13[%run_scoped3A_107, %dma_start3A_485, %dma_start3A_486] : memref<2x32x144xf32, #tpu.memory_space<vmem>> -> memref<1x32x144xf32, #tpu.memory_space<vmem>>
      %dma_start3A_488 = tpu.memref_squeeze %dma_start3A_487 : memref<1x32x144xf32, #tpu.memory_space<vmem>> -> memref<32x144xf32, #tpu.memory_space<vmem>>
      %dma_start3A_489 = arith.constant 0 : i32
      %dma_start3A_490 = tpu.memref_slice %arg15[%add3A_106, %dma_start3A_489] : memref<10240x144xf32, #tpu.memory_space<vmem_shared>> -> memref<32x144xf32, #tpu.memory_space<vmem_shared>>
      %dma_start3A_491 = arith.constant 0 : i32
      %dma_start3A_492 = tpu.memref_slice %arg15[%add3A_106, %dma_start3A_491] : memref<10240x144xf32, #tpu.memory_space<vmem_shared>> -> memref<32x144xf32, #tpu.memory_space<vmem_shared>>
      %dma_start3A_493 = arith.constant 0 : i32
      %dma_start3A_494 = arith.constant 0 : i32
      %dma_start3A_495 = tpu.memref_slice %arg13[%run_scoped3A_107, %dma_start3A_493, %dma_start3A_494] : memref<2x32x144xf32, #tpu.memory_space<vmem>> -> memref<1x32x144xf32, #tpu.memory_space<vmem>>
      %dma_start3A_496 = tpu.memref_squeeze %dma_start3A_495 : memref<1x32x144xf32, #tpu.memory_space<vmem>> -> memref<32x144xf32, #tpu.memory_space<vmem>>
      tpu.enqueue_dma source(%dma_start3A_496 : memref<32x144xf32, #tpu.memory_space<vmem>>) target(%dma_start3A_492 : memref<32x144xf32, #tpu.memory_space<vmem_shared>>) target_semaphore(%run_scoped3A_484 : memref<!tpu.dma_semaphore, #tpu.memory_space<semaphore_mem>>)
      %dma_wait3A_497 = arith.constant 0 : i32
      %dma_wait3A_498 = arith.constant 0 : i32
      %dma_wait3A_499 = tpu.memref_slice %arg13[%run_scoped3A_107, %dma_wait3A_497, %dma_wait3A_498] : memref<2x32x144xf32, #tpu.memory_space<vmem>> -> memref<1x32x144xf32, #tpu.memory_space<vmem>>
      %dma_wait3A_500 = tpu.memref_squeeze %dma_wait3A_499 : memref<1x32x144xf32, #tpu.memory_space<vmem>> -> memref<32x144xf32, #tpu.memory_space<vmem>>
      %dma_wait3A_501 = arith.constant 0 : i32
      %dma_wait3A_502 = tpu.memref_slice %arg15[%add3A_106, %dma_wait3A_501] : memref<10240x144xf32, #tpu.memory_space<vmem_shared>> -> memref<32x144xf32, #tpu.memory_space<vmem_shared>>
      %dma_wait3A_503 = arith.constant 0 : i32
      %dma_wait3A_504 = tpu.memref_slice %arg15[%add3A_106, %dma_wait3A_503] : memref<10240x144xf32, #tpu.memory_space<vmem_shared>> -> memref<32x144xf32, #tpu.memory_space<vmem_shared>>
      %dma_wait3A_505 = arith.constant 0 : i32
      %dma_wait3A_506 = arith.constant 0 : i32
      %dma_wait3A_507 = tpu.memref_slice %arg13[%run_scoped3A_107, %dma_wait3A_505, %dma_wait3A_506] : memref<2x32x144xf32, #tpu.memory_space<vmem>> -> memref<1x32x144xf32, #tpu.memory_space<vmem>>
      %dma_wait3A_508 = tpu.memref_squeeze %dma_wait3A_507 : memref<1x32x144xf32, #tpu.memory_space<vmem>> -> memref<32x144xf32, #tpu.memory_space<vmem>>
      tpu.wait_dma2 semaphore(%run_scoped3A_484 : memref<!tpu.dma_semaphore, #tpu.memory_space<semaphore_mem>>) src(%dma_wait3A_508 : memref<32x144xf32, #tpu.memory_space<vmem>>) dst(%dma_wait3A_504 : memref<32x144xf32, #tpu.memory_space<vmem_shared>>)
      tpu.yield
    }) : () -> ()
    %mul3A_108 = arith.constant 640 : i32
    %mul3A_109 = arith.muli %arg1, %mul3A_108 : i32
    %add3A_110 = arith.constant 608 : i32
    %add3A_111 = arith.addi %mul3A_109, %add3A_110 : i32
    %run_scoped3A_112 = arith.constant 0 : i32
    "tpu.region"() ({
      %run_scoped3A_484 = tpu.sem_alloc : memref<!tpu.dma_semaphore, #tpu.memory_space<semaphore_mem>>
      %dma_start3A_485 = arith.constant 0 : i32
      %dma_start3A_486 = arith.constant 0 : i32
      %dma_start3A_487 = tpu.memref_slice %arg13[%run_scoped3A_112, %dma_start3A_485, %dma_start3A_486] : memref<2x32x144xf32, #tpu.memory_space<vmem>> -> memref<1x32x144xf32, #tpu.memory_space<vmem>>
      %dma_start3A_488 = tpu.memref_squeeze %dma_start3A_487 : memref<1x32x144xf32, #tpu.memory_space<vmem>> -> memref<32x144xf32, #tpu.memory_space<vmem>>
      %dma_start3A_489 = arith.constant 0 : i32
      %dma_start3A_490 = tpu.memref_slice %arg15[%add3A_111, %dma_start3A_489] : memref<10240x144xf32, #tpu.memory_space<vmem_shared>> -> memref<32x144xf32, #tpu.memory_space<vmem_shared>>
      %dma_start3A_491 = arith.constant 0 : i32
      %dma_start3A_492 = tpu.memref_slice %arg15[%add3A_111, %dma_start3A_491] : memref<10240x144xf32, #tpu.memory_space<vmem_shared>> -> memref<32x144xf32, #tpu.memory_space<vmem_shared>>
      %dma_start3A_493 = arith.constant 0 : i32
      %dma_start3A_494 = arith.constant 0 : i32
      %dma_start3A_495 = tpu.memref_slice %arg13[%run_scoped3A_112, %dma_start3A_493, %dma_start3A_494] : memref<2x32x144xf32, #tpu.memory_space<vmem>> -> memref<1x32x144xf32, #tpu.memory_space<vmem>>
      %dma_start3A_496 = tpu.memref_squeeze %dma_start3A_495 : memref<1x32x144xf32, #tpu.memory_space<vmem>> -> memref<32x144xf32, #tpu.memory_space<vmem>>
      tpu.enqueue_dma source(%dma_start3A_496 : memref<32x144xf32, #tpu.memory_space<vmem>>) target(%dma_start3A_492 : memref<32x144xf32, #tpu.memory_space<vmem_shared>>) target_semaphore(%run_scoped3A_484 : memref<!tpu.dma_semaphore, #tpu.memory_space<semaphore_mem>>)
      %dma_wait3A_497 = arith.constant 0 : i32
      %dma_wait3A_498 = arith.constant 0 : i32
      %dma_wait3A_499 = tpu.memref_slice %arg13[%run_scoped3A_112, %dma_wait3A_497, %dma_wait3A_498] : memref<2x32x144xf32, #tpu.memory_space<vmem>> -> memref<1x32x144xf32, #tpu.memory_space<vmem>>
      %dma_wait3A_500 = tpu.memref_squeeze %dma_wait3A_499 : memref<1x32x144xf32, #tpu.memory_space<vmem>> -> memref<32x144xf32, #tpu.memory_space<vmem>>
      %dma_wait3A_501 = arith.constant 0 : i32
      %dma_wait3A_502 = tpu.memref_slice %arg15[%add3A_111, %dma_wait3A_501] : memref<10240x144xf32, #tpu.memory_space<vmem_shared>> -> memref<32x144xf32, #tpu.memory_space<vmem_shared>>
      %dma_wait3A_503 = arith.constant 0 : i32
      %dma_wait3A_504 = tpu.memref_slice %arg15[%add3A_111, %dma_wait3A_503] : memref<10240x144xf32, #tpu.memory_space<vmem_shared>> -> memref<32x144xf32, #tpu.memory_space<vmem_shared>>
      %dma_wait3A_505 = arith.constant 0 : i32
      %dma_wait3A_506 = arith.constant 0 : i32
      %dma_wait3A_507 = tpu.memref_slice %arg13[%run_scoped3A_112, %dma_wait3A_505, %dma_wait3A_506] : memref<2x32x144xf32, #tpu.memory_space<vmem>> -> memref<1x32x144xf32, #tpu.memory_space<vmem>>
      %dma_wait3A_508 = tpu.memref_squeeze %dma_wait3A_507 : memref<1x32x144xf32, #tpu.memory_space<vmem>> -> memref<32x144xf32, #tpu.memory_space<vmem>>
      tpu.wait_dma2 semaphore(%run_scoped3A_484 : memref<!tpu.dma_semaphore, #tpu.memory_space<semaphore_mem>>) src(%dma_wait3A_508 : memref<32x144xf32, #tpu.memory_space<vmem>>) dst(%dma_wait3A_504 : memref<32x144xf32, #tpu.memory_space<vmem_shared>>)
      tpu.yield
    }) : () -> ()
    %barrier3A = arith.constant 0 : index
    tpu.barrier barrier_id(%barrier3A)
    %get3A = arith.constant 0 : index
    %get3A_113 = tpu.vector_load %arg14[%get3A] {strides = array<i32>} : memref<128xf32, #tpu.memory_space<vmem>>, vector<16xf32>,
    %get3A_114 = vector.shape_cast %get3A_113 : vector<16xf32> to vector<16xf32>
    %get3A_115 = arith.constant 16 : index
    %get3A_116 = tpu.vector_load %arg14[%get3A_115] {strides = array<i32>} : memref<128xf32, #tpu.memory_space<vmem>>, vector<16xf32>,
    %get3A_117 = vector.shape_cast %get3A_116 : vector<16xf32> to vector<16xf32>
    %get3A_118 = arith.constant 32 : index
    %get3A_119 = tpu.vector_load %arg14[%get3A_118] {strides = array<i32>} : memref<128xf32, #tpu.memory_space<vmem>>, vector<16xf32>,
    %get3A_120 = vector.shape_cast %get3A_119 : vector<16xf32> to vector<16xf32>
    %get3A_121 = arith.constant 48 : index
    %get3A_122 = tpu.vector_load %arg14[%get3A_121] {strides = array<i32>} : memref<128xf32, #tpu.memory_space<vmem>>, vector<16xf32>,
    %get3A_123 = vector.shape_cast %get3A_122 : vector<16xf32> to vector<16xf32>
    %get3A_124 = arith.constant 64 : index
    %get3A_125 = tpu.vector_load %arg14[%get3A_124] {strides = array<i32>} : memref<128xf32, #tpu.memory_space<vmem>>, vector<16xf32>,
    %get3A_126 = vector.shape_cast %get3A_125 : vector<16xf32> to vector<16xf32>
    %get3A_127 = arith.constant 80 : index
    %get3A_128 = tpu.vector_load %arg14[%get3A_127] {strides = array<i32>} : memref<128xf32, #tpu.memory_space<vmem>>, vector<16xf32>,
    %get3A_129 = vector.shape_cast %get3A_128 : vector<16xf32> to vector<16xf32>
    %get3A_130 = arith.constant 96 : index
    %get3A_131 = tpu.vector_load %arg14[%get3A_130] {strides = array<i32>} : memref<128xf32, #tpu.memory_space<vmem>>, vector<16xf32>,
    %get3A_132 = vector.shape_cast %get3A_131 : vector<16xf32> to vector<16xf32>
    %get3A_133 = arith.constant 112 : index
    %get3A_134 = tpu.vector_load %arg14[%get3A_133] {strides = array<i32>} : memref<128xf32, #tpu.memory_space<vmem>>, vector<16xf32>,
    %get3A_135 = vector.shape_cast %get3A_134 : vector<16xf32> to vector<16xf32>
    %iota3A = tpu.iota {dimensions = array<i32: 0>} : vector<16xi32>
    %eq3A = arith.constant 0 : i32
    %eq3A_136 = vector.broadcast %eq3A : i32 to vector<16xi32>
    %eq3A_137 = arith.cmpi eq, %iota3A, %eq3A_136 : vector<16xi32>
    %jit3A = arith.constant 1.000000e+00 : f32
    %jit3A_138 = arith.constant 0.000000e+00 : f32
    %broadcast_in_dim3A = vector.broadcast %jit3A : f32 to vector<16xf32>
    %broadcast_in_dim3A_139 = vector.broadcast %jit3A_138 : f32 to vector<16xf32>
    %select_n3A = arith.select %eq3A_137, %broadcast_in_dim3A, %broadcast_in_dim3A_139 : vector<16xi1>, vector<16xf32>
    %eq3A_140 = arith.constant 1 : i32
    %eq3A_141 = vector.broadcast %eq3A_140 : i32 to vector<16xi32>
    %eq3A_142 = arith.cmpi eq, %iota3A, %eq3A_141 : vector<16xi32>
    %jit3A_143 = arith.constant 1.000000e+00 : f32
    %jit3A_144 = arith.constant 0.000000e+00 : f32
    %broadcast_in_dim3A_145 = vector.broadcast %jit3A_143 : f32 to vector<16xf32>
    %broadcast_in_dim3A_146 = vector.broadcast %jit3A_144 : f32 to vector<16xf32>
    %select_n3A_147 = arith.select %eq3A_142, %broadcast_in_dim3A_145, %broadcast_in_dim3A_146 : vector<16xi1>, vector<16xf32>
    %eq3A_148 = arith.constant 2 : i32
    %eq3A_149 = vector.broadcast %eq3A_148 : i32 to vector<16xi32>
    %eq3A_150 = arith.cmpi eq, %iota3A, %eq3A_149 : vector<16xi32>
    %jit3A_151 = arith.constant 1.000000e+00 : f32
    %jit3A_152 = arith.constant 0.000000e+00 : f32
    %broadcast_in_dim3A_153 = vector.broadcast %jit3A_151 : f32 to vector<16xf32>
    %broadcast_in_dim3A_154 = vector.broadcast %jit3A_152 : f32 to vector<16xf32>
    %select_n3A_155 = arith.select %eq3A_150, %broadcast_in_dim3A_153, %broadcast_in_dim3A_154 : vector<16xi1>, vector<16xf32>
    %eq3A_156 = arith.constant 3 : i32
    %eq3A_157 = vector.broadcast %eq3A_156 : i32 to vector<16xi32>
    %eq3A_158 = arith.cmpi eq, %iota3A, %eq3A_157 : vector<16xi32>
    %jit3A_159 = arith.constant 1.000000e+00 : f32
    %jit3A_160 = arith.constant 0.000000e+00 : f32
    %broadcast_in_dim3A_161 = vector.broadcast %jit3A_159 : f32 to vector<16xf32>
    %broadcast_in_dim3A_162 = vector.broadcast %jit3A_160 : f32 to vector<16xf32>
    %select_n3A_163 = arith.select %eq3A_158, %broadcast_in_dim3A_161, %broadcast_in_dim3A_162 : vector<16xi1>, vector<16xf32>
    %xor3A = arith.constant 1 : i32
    %xor3A_164 = vector.broadcast %xor3A : i32 to vector<16xi32>
    %xor3A_165 = arith.xori %iota3A, %xor3A_164 : vector<16xi32>
    %xor3A_166 = arith.constant 2 : i32
    %xor3A_167 = vector.broadcast %xor3A_166 : i32 to vector<16xi32>
    %xor3A_168 = arith.xori %iota3A, %xor3A_167 : vector<16xi32>
    %xor3A_169 = arith.constant 4 : i32
    %xor3A_170 = vector.broadcast %xor3A_169 : i32 to vector<16xi32>
    %xor3A_171 = arith.xori %iota3A, %xor3A_170 : vector<16xi32>
    %xor3A_172 = arith.constant 8 : i32
    %xor3A_173 = vector.broadcast %xor3A_172 : i32 to vector<16xi32>
    %xor3A_174 = arith.xori %iota3A, %xor3A_173 : vector<16xi32>
    %rem3A = arith.constant 0 : i32
    %rem3A_175 = arith.constant 2 : i32
    %rem3A_176 = arith.remsi %rem3A, %rem3A_175 : i32
    %dma_start3A_177 = arith.constant 0 : i32
    %dma_start3A_178 = arith.constant 0 : i32
    %dma_start3A_179 = arith.constant 0 : i32
    %dma_start3A_180 = tpu.memref_slice %arg7[%rem3A_176, %dma_start3A_179] : memref<2x32xi32, #tpu.memory_space<vmem>> -> memref<1x32xi32, #tpu.memory_space<vmem>>
    %dma_start3A_181 = tpu.memref_squeeze %dma_start3A_180 : memref<1x32xi32, #tpu.memory_space<vmem>> -> memref<32xi32, #tpu.memory_space<vmem>>
    %dma_start3A_182 = arith.constant 0 : i32
    %dma_start3A_183 = tpu.memref_slice %arg4[%dma_start3A_177, %arg1, %dma_start3A_178, %dma_start3A_182] : memref<2x16x625x32xi32, #tpu.memory_space<hbm>> -> memref<1x1x1x32xi32, #tpu.memory_space<hbm>>
    %dma_start3A_184 = tpu.memref_squeeze %dma_start3A_183 : memref<1x1x1x32xi32, #tpu.memory_space<hbm>> -> memref<32xi32, #tpu.memory_space<hbm>>
    %dma_start3A_185 = tpu.memref_slice %arg17[%rem3A_176] : memref<2x!tpu.dma_semaphore, #tpu.memory_space<semaphore_mem>> -> memref<1x!tpu.dma_semaphore, #tpu.memory_space<semaphore_mem>>
    %dma_start3A_186 = tpu.memref_squeeze %dma_start3A_185 : memref<1x!tpu.dma_semaphore, #tpu.memory_space<semaphore_mem>> -> memref<!tpu.dma_semaphore, #tpu.memory_space<semaphore_mem>>
    %dma_start3A_187 = arith.constant 0 : i32
    %dma_start3A_188 = tpu.memref_slice %arg7[%rem3A_176, %dma_start3A_187] : memref<2x32xi32, #tpu.memory_space<vmem>> -> memref<1x32xi32, #tpu.memory_space<vmem>>
    %dma_start3A_189 = tpu.memref_squeeze %dma_start3A_188 : memref<1x32xi32, #tpu.memory_space<vmem>> -> memref<32xi32, #tpu.memory_space<vmem>>
    %dma_start3A_190 = arith.constant 0 : i32
    %dma_start3A_191 = tpu.memref_slice %arg4[%dma_start3A_177, %arg1, %dma_start3A_178, %dma_start3A_190] : memref<2x16x625x32xi32, #tpu.memory_space<hbm>> -> memref<1x1x1x32xi32, #tpu.memory_space<hbm>>
    %dma_start3A_192 = tpu.memref_squeeze %dma_start3A_191 : memref<1x1x1x32xi32, #tpu.memory_space<hbm>> -> memref<32xi32, #tpu.memory_space<hbm>>
    tpu.enqueue_dma source(%dma_start3A_192 : memref<32xi32, #tpu.memory_space<hbm>>) target(%dma_start3A_189 : memref<32xi32, #tpu.memory_space<vmem>>) target_semaphore(%dma_start3A_186 : memref<!tpu.dma_semaphore, #tpu.memory_space<semaphore_mem>>)
    %dma_start3A_193 = arith.constant 1 : i32
    %dma_start3A_194 = arith.constant 0 : i32
    %dma_start3A_195 = arith.constant 0 : i32
    %dma_start3A_196 = tpu.memref_slice %arg8[%rem3A_176, %dma_start3A_195] : memref<2x32xi32, #tpu.memory_space<vmem>> -> memref<1x32xi32, #tpu.memory_space<vmem>>
    %dma_start3A_197 = tpu.memref_squeeze %dma_start3A_196 : memref<1x32xi32, #tpu.memory_space<vmem>> -> memref<32xi32, #tpu.memory_space<vmem>>
    %dma_start3A_198 = arith.constant 0 : i32
    %dma_start3A_199 = tpu.memref_slice %arg4[%dma_start3A_193, %arg1, %dma_start3A_194, %dma_start3A_198] : memref<2x16x625x32xi32, #tpu.memory_space<hbm>> -> memref<1x1x1x32xi32, #tpu.memory_space<hbm>>
    %dma_start3A_200 = tpu.memref_squeeze %dma_start3A_199 : memref<1x1x1x32xi32, #tpu.memory_space<hbm>> -> memref<32xi32, #tpu.memory_space<hbm>>
    %dma_start3A_201 = tpu.memref_slice %arg17[%rem3A_176] : memref<2x!tpu.dma_semaphore, #tpu.memory_space<semaphore_mem>> -> memref<1x!tpu.dma_semaphore, #tpu.memory_space<semaphore_mem>>
    %dma_start3A_202 = tpu.memref_squeeze %dma_start3A_201 : memref<1x!tpu.dma_semaphore, #tpu.memory_space<semaphore_mem>> -> memref<!tpu.dma_semaphore, #tpu.memory_space<semaphore_mem>>
    %dma_start3A_203 = arith.constant 0 : i32
    %dma_start3A_204 = tpu.memref_slice %arg8[%rem3A_176, %dma_start3A_203] : memref<2x32xi32, #tpu.memory_space<vmem>> -> memref<1x32xi32, #tpu.memory_space<vmem>>
    %dma_start3A_205 = tpu.memref_squeeze %dma_start3A_204 : memref<1x32xi32, #tpu.memory_space<vmem>> -> memref<32xi32, #tpu.memory_space<vmem>>
    %dma_start3A_206 = arith.constant 0 : i32
    %dma_start3A_207 = tpu.memref_slice %arg4[%dma_start3A_193, %arg1, %dma_start3A_194, %dma_start3A_206] : memref<2x16x625x32xi32, #tpu.memory_space<hbm>> -> memref<1x1x1x32xi32, #tpu.memory_space<hbm>>
    %dma_start3A_208 = tpu.memref_squeeze %dma_start3A_207 : memref<1x1x1x32xi32, #tpu.memory_space<hbm>> -> memref<32xi32, #tpu.memory_space<hbm>>
    tpu.enqueue_dma source(%dma_start3A_208 : memref<32xi32, #tpu.memory_space<hbm>>) target(%dma_start3A_205 : memref<32xi32, #tpu.memory_space<vmem>>) target_semaphore(%dma_start3A_202 : memref<!tpu.dma_semaphore, #tpu.memory_space<semaphore_mem>>)
    %rem3A_209 = arith.constant 0 : i32
    %rem3A_210 = arith.constant 2 : i32
    %rem3A_211 = arith.remsi %rem3A_209, %rem3A_210 : i32
    %dma_wait3A_212 = arith.constant 0 : i32
    %dma_wait3A_213 = arith.constant 0 : i32
    %dma_wait3A_214 = arith.constant 0 : i32
    %dma_wait3A_215 = tpu.memref_slice %arg7[%rem3A_211, %dma_wait3A_214] : memref<2x32xi32, #tpu.memory_space<vmem>> -> memref<1x32xi32, #tpu.memory_space<vmem>>
    %dma_wait3A_216 = tpu.memref_squeeze %dma_wait3A_215 : memref<1x32xi32, #tpu.memory_space<vmem>> -> memref<32xi32, #tpu.memory_space<vmem>>
    %dma_wait3A_217 = arith.constant 0 : i32
    %dma_wait3A_218 = tpu.memref_slice %arg4[%dma_wait3A_212, %arg1, %dma_wait3A_213, %dma_wait3A_217] : memref<2x16x625x32xi32, #tpu.memory_space<hbm>> -> memref<1x1x1x32xi32, #tpu.memory_space<hbm>>
    %dma_wait3A_219 = tpu.memref_squeeze %dma_wait3A_218 : memref<1x1x1x32xi32, #tpu.memory_space<hbm>> -> memref<32xi32, #tpu.memory_space<hbm>>
    %dma_wait3A_220 = tpu.memref_slice %arg17[%rem3A_211] : memref<2x!tpu.dma_semaphore, #tpu.memory_space<semaphore_mem>> -> memref<1x!tpu.dma_semaphore, #tpu.memory_space<semaphore_mem>>
    %dma_wait3A_221 = tpu.memref_squeeze %dma_wait3A_220 : memref<1x!tpu.dma_semaphore, #tpu.memory_space<semaphore_mem>> -> memref<!tpu.dma_semaphore, #tpu.memory_space<semaphore_mem>>
    %dma_wait3A_222 = arith.constant 0 : i32
    %dma_wait3A_223 = tpu.memref_slice %arg7[%rem3A_211, %dma_wait3A_222] : memref<2x32xi32, #tpu.memory_space<vmem>> -> memref<1x32xi32, #tpu.memory_space<vmem>>
    %dma_wait3A_224 = tpu.memref_squeeze %dma_wait3A_223 : memref<1x32xi32, #tpu.memory_space<vmem>> -> memref<32xi32, #tpu.memory_space<vmem>>
    %dma_wait3A_225 = arith.constant 0 : i32
    %dma_wait3A_226 = tpu.memref_slice %arg4[%dma_wait3A_212, %arg1, %dma_wait3A_213, %dma_wait3A_225] : memref<2x16x625x32xi32, #tpu.memory_space<hbm>> -> memref<1x1x1x32xi32, #tpu.memory_space<hbm>>
    %dma_wait3A_227 = tpu.memref_squeeze %dma_wait3A_226 : memref<1x1x1x32xi32, #tpu.memory_space<hbm>> -> memref<32xi32, #tpu.memory_space<hbm>>
    tpu.wait_dma2 semaphore(%dma_wait3A_221 : memref<!tpu.dma_semaphore, #tpu.memory_space<semaphore_mem>>) src(%dma_wait3A_227 : memref<32xi32, #tpu.memory_space<hbm>>) dst(%dma_wait3A_224 : memref<32xi32, #tpu.memory_space<vmem>>)
    %dma_wait3A_228 = arith.constant 0 : i32
    %dma_wait3A_229 = arith.constant 0 : i32
    %dma_wait3A_230 = arith.constant 0 : i32
    %dma_wait3A_231 = tpu.memref_slice %arg8[%rem3A_211, %dma_wait3A_230] : memref<2x32xi32, #tpu.memory_space<vmem>> -> memref<1x32xi32, #tpu.memory_space<vmem>>
    %dma_wait3A_232 = tpu.memref_squeeze %dma_wait3A_231 : memref<1x32xi32, #tpu.memory_space<vmem>> -> memref<32xi32, #tpu.memory_space<vmem>>
    %dma_wait3A_233 = arith.constant 0 : i32
    %dma_wait3A_234 = tpu.memref_slice %arg4[%dma_wait3A_228, %arg1, %dma_wait3A_229, %dma_wait3A_233] : memref<2x16x625x32xi32, #tpu.memory_space<hbm>> -> memref<1x1x1x32xi32, #tpu.memory_space<hbm>>
    %dma_wait3A_235 = tpu.memref_squeeze %dma_wait3A_234 : memref<1x1x1x32xi32, #tpu.memory_space<hbm>> -> memref<32xi32, #tpu.memory_space<hbm>>
    %dma_wait3A_236 = tpu.memref_slice %arg17[%rem3A_211] : memref<2x!tpu.dma_semaphore, #tpu.memory_space<semaphore_mem>> -> memref<1x!tpu.dma_semaphore, #tpu.memory_space<semaphore_mem>>
    %dma_wait3A_237 = tpu.memref_squeeze %dma_wait3A_236 : memref<1x!tpu.dma_semaphore, #tpu.memory_space<semaphore_mem>> -> memref<!tpu.dma_semaphore, #tpu.memory_space<semaphore_mem>>
    %dma_wait3A_238 = arith.constant 0 : i32
    %dma_wait3A_239 = tpu.memref_slice %arg8[%rem3A_211, %dma_wait3A_238] : memref<2x32xi32, #tpu.memory_space<vmem>> -> memref<1x32xi32, #tpu.memory_space<vmem>>
    %dma_wait3A_240 = tpu.memref_squeeze %dma_wait3A_239 : memref<1x32xi32, #tpu.memory_space<vmem>> -> memref<32xi32, #tpu.memory_space<vmem>>
    %dma_wait3A_241 = arith.constant 0 : i32
    %dma_wait3A_242 = tpu.memref_slice %arg4[%dma_wait3A_228, %arg1, %dma_wait3A_229, %dma_wait3A_241] : memref<2x16x625x32xi32, #tpu.memory_space<hbm>> -> memref<1x1x1x32xi32, #tpu.memory_space<hbm>>
    %dma_wait3A_243 = tpu.memref_squeeze %dma_wait3A_242 : memref<1x1x1x32xi32, #tpu.memory_space<hbm>> -> memref<32xi32, #tpu.memory_space<hbm>>
    tpu.wait_dma2 semaphore(%dma_wait3A_237 : memref<!tpu.dma_semaphore, #tpu.memory_space<semaphore_mem>>) src(%dma_wait3A_243 : memref<32xi32, #tpu.memory_space<hbm>>) dst(%dma_wait3A_240 : memref<32xi32, #tpu.memory_space<vmem>>)
    %rem3A_244 = arith.constant 0 : i32
    %rem3A_245 = arith.constant 2 : i32
    %rem3A_246 = arith.remsi %rem3A_244, %rem3A_245 : i32
    %rem3A_247 = arith.constant 0 : i32
    %rem3A_248 = arith.constant 3 : i32
    %rem3A_249 = arith.remsi %rem3A_247, %rem3A_248 : i32
    %get3A_250 = arith.index_cast %rem3A_246 : i32 to index
    %get3A_251 = arith.constant 0 : index
    %get3A_252 = tpu.vector_load %arg7[%get3A_250, %get3A_251] {strides = array<i32>} : memref<2x32xi32, #tpu.memory_space<vmem>>, vector<1x16xi32>,
    %get3A_253 = vector.shape_cast %get3A_252 : vector<1x16xi32> to vector<16xi32>
    %add3A_254 = vector.broadcast %mul3A_0 : i32 to vector<16xi32>
    %add3A_255 = arith.addi %get3A_253, %add3A_254 : vector<16xi32>
    %swap3A = arith.index_cast %rem3A_246 : i32 to index
    %swap3A_256 = arith.constant 0 : index
    %swap3A_257 = tpu.vector_load %arg7[%swap3A, %swap3A_256] {strides = array<i32>} : memref<2x32xi32, #tpu.memory_space<vmem>>, vector<1x16xi32>,
    %swap3A_258 = vector.shape_cast %swap3A_257 : vector<1x16xi32> to vector<16xi32>
    %swap3A_259 = vector.shape_cast %add3A_255 : vector<16xi32> to vector<1x16xi32>
    tpu.vector_store %arg7[%swap3A, %swap3A_256], %swap3A_259 {strides = array<i32>} : memref<2x32xi32, #tpu.memory_space<vmem>>, vector<1x16xi32>,
    %get3A_260 = arith.index_cast %rem3A_246 : i32 to index
    %get3A_261 = arith.constant 0 : index
    %get3A_262 = tpu.vector_load %arg8[%get3A_260, %get3A_261] {strides = array<i32>} : memref<2x32xi32, #tpu.memory_space<vmem>>, vector<1x16xi32>,
    %get3A_263 = vector.shape_cast %get3A_262 : vector<1x16xi32> to vector<16xi32>
    %swap3A_264 = arith.index_cast %rem3A_249 : i32 to index
    %swap3A_265 = arith.constant 0 : index
    %swap3A_266 = tpu.vector_load %arg10[%swap3A_264, %swap3A_265] {strides = array<i32>} : memref<3x32xi32, #tpu.memory_space<vmem>>, vector<1x16xi32>,
    %swap3A_267 = vector.shape_cast %swap3A_266 : vector<1x16xi32> to vector<16xi32>
    %swap3A_268 = vector.shape_cast %get3A_263 : vector<16xi32> to vector<1x16xi32>
    tpu.vector_store %arg10[%swap3A_264, %swap3A_265], %swap3A_268 {strides = array<i32>} : memref<3x32xi32, #tpu.memory_space<vmem>>, vector<1x16xi32>,
    %add3A_269 = vector.broadcast %mul3A_0 : i32 to vector<16xi32>
    %add3A_270 = arith.addi %get3A_263, %add3A_269 : vector<16xi32>
    %swap3A_271 = arith.index_cast %rem3A_246 : i32 to index
    %swap3A_272 = arith.constant 0 : index
    %swap3A_273 = tpu.vector_load %arg9[%swap3A_271, %swap3A_272] {strides = array<i32>} : memref<2x32xi32, #tpu.memory_space<vmem>>, vector<1x16xi32>,
    %swap3A_274 = vector.shape_cast %swap3A_273 : vector<1x16xi32> to vector<16xi32>
    %swap3A_275 = vector.shape_cast %add3A_270 : vector<16xi32> to vector<1x16xi32>
    tpu.vector_store %arg9[%swap3A_271, %swap3A_272], %swap3A_275 {strides = array<i32>} : memref<2x32xi32, #tpu.memory_space<vmem>>, vector<1x16xi32>,
    %get3A_276 = arith.index_cast %rem3A_246 : i32 to index
    %get3A_277 = arith.constant 16 : index
    %get3A_278 = tpu.vector_load %arg7[%get3A_276, %get3A_277] {strides = array<i32>} : memref<2x32xi32, #tpu.memory_space<vmem>>, vector<1x16xi32>,
    %get3A_279 = vector.shape_cast %get3A_278 : vector<1x16xi32> to vector<16xi32>
    %add3A_280 = vector.broadcast %mul3A_0 : i32 to vector<16xi32>
    %add3A_281 = arith.addi %get3A_279, %add3A_280 : vector<16xi32>
    %swap3A_282 = arith.index_cast %rem3A_246 : i32 to index
    %swap3A_283 = arith.constant 16 : index
    %swap3A_284 = tpu.vector_load %arg7[%swap3A_282, %swap3A_283] {strides = array<i32>} : memref<2x32xi32, #tpu.memory_space<vmem>>, vector<1x16xi32>,
    %swap3A_285 = vector.shape_cast %swap3A_284 : vector<1x16xi32> to vector<16xi32>
    %swap3A_286 = vector.shape_cast %add3A_281 : vector<16xi32> to vector<1x16xi32>
    tpu.vector_store %arg7[%swap3A_282, %swap3A_283], %swap3A_286 {strides = array<i32>} : memref<2x32xi32, #tpu.memory_space<vmem>>, vector<1x16xi32>,
    %get3A_287 = arith.index_cast %rem3A_246 : i32 to index
    %get3A_288 = arith.constant 16 : index
    %get3A_289 = tpu.vector_load %arg8[%get3A_287, %get3A_288] {strides = array<i32>} : memref<2x32xi32, #tpu.memory_space<vmem>>, vector<1x16xi32>,
    %get3A_290 = vector.shape_cast %get3A_289 : vector<1x16xi32> to vector<16xi32>
    %swap3A_291 = arith.index_cast %rem3A_249 : i32 to index
    %swap3A_292 = arith.constant 16 : index
    %swap3A_293 = tpu.vector_load %arg10[%swap3A_291, %swap3A_292] {strides = array<i32>} : memref<3x32xi32, #tpu.memory_space<vmem>>, vector<1x16xi32>,
    %swap3A_294 = vector.shape_cast %swap3A_293 : vector<1x16xi32> to vector<16xi32>
    %swap3A_295 = vector.shape_cast %get3A_290 : vector<16xi32> to vector<1x16xi32>
    tpu.vector_store %arg10[%swap3A_291, %swap3A_292], %swap3A_295 {strides = array<i32>} : memref<3x32xi32, #tpu.memory_space<vmem>>, vector<1x16xi32>,
    %add3A_296 = vector.broadcast %mul3A_0 : i32 to vector<16xi32>
    %add3A_297 = arith.addi %get3A_290, %add3A_296 : vector<16xi32>
    %swap3A_298 = arith.index_cast %rem3A_246 : i32 to index
    %swap3A_299 = arith.constant 16 : index
    %swap3A_300 = tpu.vector_load %arg9[%swap3A_298, %swap3A_299] {strides = array<i32>} : memref<2x32xi32, #tpu.memory_space<vmem>>, vector<1x16xi32>,
    %swap3A_301 = vector.shape_cast %swap3A_300 : vector<1x16xi32> to vector<16xi32>
    %swap3A_302 = vector.shape_cast %add3A_297 : vector<16xi32> to vector<1x16xi32>
    tpu.vector_store %arg9[%swap3A_298, %swap3A_299], %swap3A_302 {strides = array<i32>} : memref<2x32xi32, #tpu.memory_space<vmem>>, vector<1x16xi32>,
    %dma_start3A_303 = arith.constant 0 : i32
    %dma_start3A_304 = arith.constant 0 : i32
    %dma_start3A_305 = tpu.memref_slice %arg11[%rem3A_246, %dma_start3A_303, %dma_start3A_304] : memref<2x32x128xf32, #tpu.memory_space<vmem>> -> memref<1x32x128xf32, #tpu.memory_space<vmem>>
    %dma_start3A_306 = tpu.memref_squeeze %dma_start3A_305 : memref<1x32x128xf32, #tpu.memory_space<vmem>> -> memref<32x128xf32, #tpu.memory_space<vmem>>
    %dma_start3A_307 = arith.constant 0 : i32
    %dma_start3A_308 = tpu.memref_slice %arg7[%rem3A_246, %dma_start3A_307] : memref<2x32xi32, #tpu.memory_space<vmem>> -> memref<1x32xi32, #tpu.memory_space<vmem>>
    %dma_start3A_309 = tpu.memref_squeeze %dma_start3A_308 : memref<1x32xi32, #tpu.memory_space<vmem>> -> memref<32xi32, #tpu.memory_space<vmem>>
    %dma_start3A_310 = arith.constant 0 : i32
    %dma_start3A_311 = arith.constant 0 : i32
    %dma_start3A_312 = tpu.memref_slice %arg2[%dma_start3A_310, %dma_start3A_311] : memref<20000x128xf32, #tpu.memory_space<hbm>> -> memref<20000x128xf32, #tpu.memory_space<hbm>>
    %dma_start3A_313 = tpu.memref_slice %arg18[%rem3A_246] : memref<2x!tpu.dma_semaphore, #tpu.memory_space<semaphore_mem>> -> memref<1x!tpu.dma_semaphore, #tpu.memory_space<semaphore_mem>>
    %dma_start3A_314 = tpu.memref_squeeze %dma_start3A_313 : memref<1x!tpu.dma_semaphore, #tpu.memory_space<semaphore_mem>> -> memref<!tpu.dma_semaphore, #tpu.memory_space<semaphore_mem>>
    tpu.enqueue_indirect_dma source(%dma_start3A_312 : memref<20000x128xf32, #tpu.memory_space<hbm>>) target(%dma_start3A_306 : memref<32x128xf32, #tpu.memory_space<vmem>>) offsets(%dma_start3A_309 : memref<32xi32, #tpu.memory_space<vmem>>) semaphore(%dma_start3A_314 : memref<!tpu.dma_semaphore, #tpu.memory_space<semaphore_mem>>)
    %dma_start3A_315 = arith.constant 0 : i32
    %dma_start3A_316 = arith.constant 0 : i32
    %dma_start3A_317 = tpu.memref_slice %arg12[%rem3A_246, %dma_start3A_315, %dma_start3A_316] : memref<2x32x128xf32, #tpu.memory_space<vmem>> -> memref<1x32x128xf32, #tpu.memory_space<vmem>>
    %dma_start3A_318 = tpu.memref_squeeze %dma_start3A_317 : memref<1x32x128xf32, #tpu.memory_space<vmem>> -> memref<32x128xf32, #tpu.memory_space<vmem>>
    %dma_start3A_319 = arith.constant 0 : i32
    %dma_start3A_320 = tpu.memref_slice %arg9[%rem3A_246, %dma_start3A_319] : memref<2x32xi32, #tpu.memory_space<vmem>> -> memref<1x32xi32, #tpu.memory_space<vmem>>
    %dma_start3A_321 = tpu.memref_squeeze %dma_start3A_320 : memref<1x32xi32, #tpu.memory_space<vmem>> -> memref<32xi32, #tpu.memory_space<vmem>>
    %dma_start3A_322 = arith.constant 0 : i32
    %dma_start3A_323 = arith.constant 0 : i32
    %dma_start3A_324 = tpu.memref_slice %arg3[%dma_start3A_322, %dma_start3A_323] : memref<20000x128xf32, #tpu.memory_space<hbm>> -> memref<20000x128xf32, #tpu.memory_space<hbm>>
    %dma_start3A_325 = tpu.memref_slice %arg18[%rem3A_246] : memref<2x!tpu.dma_semaphore, #tpu.memory_space<semaphore_mem>> -> memref<1x!tpu.dma_semaphore, #tpu.memory_space<semaphore_mem>>
    %dma_start3A_326 = tpu.memref_squeeze %dma_start3A_325 : memref<1x!tpu.dma_semaphore, #tpu.memory_space<semaphore_mem>> -> memref<!tpu.dma_semaphore, #tpu.memory_space<semaphore_mem>>
    tpu.enqueue_indirect_dma source(%dma_start3A_324 : memref<20000x128xf32, #tpu.memory_space<hbm>>) target(%dma_start3A_318 : memref<32x128xf32, #tpu.memory_space<vmem>>) offsets(%dma_start3A_321 : memref<32xi32, #tpu.memory_space<vmem>>) semaphore(%dma_start3A_326 : memref<!tpu.dma_semaphore, #tpu.memory_space<semaphore_mem>>)
    %rem3A_327 = arith.constant 1 : i32
    %rem3A_328 = arith.constant 2 : i32
    %rem3A_329 = arith.remsi %rem3A_327, %rem3A_328 : i32
    %dma_start3A_330 = arith.constant 0 : i32
    %dma_start3A_331 = arith.constant 1 : i32
    %dma_start3A_332 = arith.constant 0 : i32
    %dma_start3A_333 = tpu.memref_slice %arg7[%rem3A_329, %dma_start3A_332] : memref<2x32xi32, #tpu.memory_space<vmem>> -> memref<1x32xi32, #tpu.memory_space<vmem>>
    %dma_start3A_334 = tpu.memref_squeeze %dma_start3A_333 : memref<1x32xi32, #tpu.memory_space<vmem>> -> memref<32xi32, #tpu.memory_space<vmem>>
    %dma_start3A_335 = arith.constant 0 : i32
    %dma_start3A_336 = tpu.memref_slice %arg4[%dma_start3A_330, %arg1, %dma_start3A_331, %dma_start3A_335] : memref<2x16x625x32xi32, #tpu.memory_space<hbm>> -> memref<1x1x1x32xi32, #tpu.memory_space<hbm>>
    %dma_start3A_337 = tpu.memref_squeeze %dma_start3A_336 : memref<1x1x1x32xi32, #tpu.memory_space<hbm>> -> memref<32xi32, #tpu.memory_space<hbm>>
    %dma_start3A_338 = tpu.memref_slice %arg17[%rem3A_329] : memref<2x!tpu.dma_semaphore, #tpu.memory_space<semaphore_mem>> -> memref<1x!tpu.dma_semaphore, #tpu.memory_space<semaphore_mem>>
    %dma_start3A_339 = tpu.memref_squeeze %dma_start3A_338 : memref<1x!tpu.dma_semaphore, #tpu.memory_space<semaphore_mem>> -> memref<!tpu.dma_semaphore, #tpu.memory_space<semaphore_mem>>
    %dma_start3A_340 = arith.constant 0 : i32
    %dma_start3A_341 = tpu.memref_slice %arg7[%rem3A_329, %dma_start3A_340] : memref<2x32xi32, #tpu.memory_space<vmem>> -> memref<1x32xi32, #tpu.memory_space<vmem>>
    %dma_start3A_342 = tpu.memref_squeeze %dma_start3A_341 : memref<1x32xi32, #tpu.memory_space<vmem>> -> memref<32xi32, #tpu.memory_space<vmem>>
    %dma_start3A_343 = arith.constant 0 : i32
    %dma_start3A_344 = tpu.memref_slice %arg4[%dma_start3A_330, %arg1, %dma_start3A_331, %dma_start3A_343] : memref<2x16x625x32xi32, #tpu.memory_space<hbm>> -> memref<1x1x1x32xi32, #tpu.memory_space<hbm>>
    %dma_start3A_345 = tpu.memref_squeeze %dma_start3A_344 : memref<1x1x1x32xi32, #tpu.memory_space<hbm>> -> memref<32xi32, #tpu.memory_space<hbm>>
    tpu.enqueue_dma source(%dma_start3A_345 : memref<32xi32, #tpu.memory_space<hbm>>) target(%dma_start3A_342 : memref<32xi32, #tpu.memory_space<vmem>>) target_semaphore(%dma_start3A_339 : memref<!tpu.dma_semaphore, #tpu.memory_space<semaphore_mem>>)
    %dma_start3A_346 = arith.constant 1 : i32
    %dma_start3A_347 = arith.constant 1 : i32
    %dma_start3A_348 = arith.constant 0 : i32
    %dma_start3A_349 = tpu.memref_slice %arg8[%rem3A_329, %dma_start3A_348] : memref<2x32xi32, #tpu.memory_space<vmem>> -> memref<1x32xi32, #tpu.memory_space<vmem>>
    %dma_start3A_350 = tpu.memref_squeeze %dma_start3A_349 : memref<1x32xi32, #tpu.memory_space<vmem>> -> memref<32xi32, #tpu.memory_space<vmem>>
    %dma_start3A_351 = arith.constant 0 : i32
    %dma_start3A_352 = tpu.memref_slice %arg4[%dma_start3A_346, %arg1, %dma_start3A_347, %dma_start3A_351] : memref<2x16x625x32xi32, #tpu.memory_space<hbm>> -> memref<1x1x1x32xi32, #tpu.memory_space<hbm>>
    %dma_start3A_353 = tpu.memref_squeeze %dma_start3A_352 : memref<1x1x1x32xi32, #tpu.memory_space<hbm>> -> memref<32xi32, #tpu.memory_space<hbm>>
    %dma_start3A_354 = tpu.memref_slice %arg17[%rem3A_329] : memref<2x!tpu.dma_semaphore, #tpu.memory_space<semaphore_mem>> -> memref<1x!tpu.dma_semaphore, #tpu.memory_space<semaphore_mem>>
    %dma_start3A_355 = tpu.memref_squeeze %dma_start3A_354 : memref<1x!tpu.dma_semaphore, #tpu.memory_space<semaphore_mem>> -> memref<!tpu.dma_semaphore, #tpu.memory_space<semaphore_mem>>
    %dma_start3A_356 = arith.constant 0 : i32
    %dma_start3A_357 = tpu.memref_slice %arg8[%rem3A_329, %dma_start3A_356] : memref<2x32xi32, #tpu.memory_space<vmem>> -> memref<1x32xi32, #tpu.memory_space<vmem>>
    %dma_start3A_358 = tpu.memref_squeeze %dma_start3A_357 : memref<1x32xi32, #tpu.memory_space<vmem>> -> memref<32xi32, #tpu.memory_space<vmem>>
    %dma_start3A_359 = arith.constant 0 : i32
    %dma_start3A_360 = tpu.memref_slice %arg4[%dma_start3A_346, %arg1, %dma_start3A_347, %dma_start3A_359] : memref<2x16x625x32xi32, #tpu.memory_space<hbm>> -> memref<1x1x1x32xi32, #tpu.memory_space<hbm>>
    %dma_start3A_361 = tpu.memref_squeeze %dma_start3A_360 : memref<1x1x1x32xi32, #tpu.memory_space<hbm>> -> memref<32xi32, #tpu.memory_space<hbm>>
    tpu.enqueue_dma source(%dma_start3A_361 : memref<32xi32, #tpu.memory_space<hbm>>) target(%dma_start3A_358 : memref<32xi32, #tpu.memory_space<vmem>>) target_semaphore(%dma_start3A_355 : memref<!tpu.dma_semaphore, #tpu.memory_space<semaphore_mem>>)
    %scan3A_362 = arith.constant 0 : i32
    %scan3A_363 = arith.constant 625 : i32
    %scan3A_364 = arith.addi %scan3A_362, %scan3A_363 : i32
    %scan3A_365 = arith.constant 1 : i32
    scf.for %scan3A_484 = %scan3A_362 to %scan3A_364 step %scan3A_365  : i32 {
      %mul3A_485 = arith.constant 1 : i32
      %mul3A_486 = arith.muli %scan3A_484, %mul3A_485 : i32
      %add3A_487 = arith.constant 0 : i32
      %add3A_488 = arith.addi %add3A_487, %mul3A_486 : i32
      %rem3A_489 = arith.constant 2 : i32
      %rem3A_490 = arith.remsi %add3A_488, %rem3A_489 : i32
      %rem3A_491 = arith.constant 3 : i32
      %rem3A_492 = arith.remsi %add3A_488, %rem3A_491 : i32
      %dma_wait3A_493 = arith.constant 0 : i32
      %dma_wait3A_494 = arith.constant 0 : i32
      %dma_wait3A_495 = tpu.memref_slice %arg11[%rem3A_490, %dma_wait3A_493, %dma_wait3A_494] : memref<2x32x128xf32, #tpu.memory_space<vmem>> -> memref<1x32x128xf32, #tpu.memory_space<vmem>>
      %dma_wait3A_496 = tpu.memref_squeeze %dma_wait3A_495 : memref<1x32x128xf32, #tpu.memory_space<vmem>> -> memref<32x128xf32, #tpu.memory_space<vmem>>
      %dma_wait3A_497 = arith.constant 0 : i32
      %dma_wait3A_498 = tpu.memref_slice %arg7[%rem3A_490, %dma_wait3A_497] : memref<2x32xi32, #tpu.memory_space<vmem>> -> memref<1x32xi32, #tpu.memory_space<vmem>>
      %dma_wait3A_499 = tpu.memref_squeeze %dma_wait3A_498 : memref<1x32xi32, #tpu.memory_space<vmem>> -> memref<32xi32, #tpu.memory_space<vmem>>
      %dma_wait3A_500 = arith.constant 0 : i32
      %dma_wait3A_501 = arith.constant 0 : i32
      %dma_wait3A_502 = tpu.memref_slice %arg2[%dma_wait3A_500, %dma_wait3A_501] : memref<20000x128xf32, #tpu.memory_space<hbm>> -> memref<20000x128xf32, #tpu.memory_space<hbm>>
      %dma_wait3A_503 = tpu.memref_slice %arg18[%rem3A_490] : memref<2x!tpu.dma_semaphore, #tpu.memory_space<semaphore_mem>> -> memref<1x!tpu.dma_semaphore, #tpu.memory_space<semaphore_mem>>
      %dma_wait3A_504 = tpu.memref_squeeze %dma_wait3A_503 : memref<1x!tpu.dma_semaphore, #tpu.memory_space<semaphore_mem>> -> memref<!tpu.dma_semaphore, #tpu.memory_space<semaphore_mem>>
      tpu.wait_indirect_dma semaphore(%dma_wait3A_504 : memref<!tpu.dma_semaphore, #tpu.memory_space<semaphore_mem>>) src(%dma_wait3A_502 : memref<20000x128xf32, #tpu.memory_space<hbm>>) dst(%dma_wait3A_496 : memref<32x128xf32, #tpu.memory_space<vmem>>)
      %dma_wait3A_505 = arith.constant 0 : i32
      %dma_wait3A_506 = arith.constant 0 : i32
      %dma_wait3A_507 = tpu.memref_slice %arg12[%rem3A_490, %dma_wait3A_505, %dma_wait3A_506] : memref<2x32x128xf32, #tpu.memory_space<vmem>> -> memref<1x32x128xf32, #tpu.memory_space<vmem>>
      %dma_wait3A_508 = tpu.memref_squeeze %dma_wait3A_507 : memref<1x32x128xf32, #tpu.memory_space<vmem>> -> memref<32x128xf32, #tpu.memory_space<vmem>>
      %dma_wait3A_509 = arith.constant 0 : i32
      %dma_wait3A_510 = tpu.memref_slice %arg7[%rem3A_490, %dma_wait3A_509] : memref<2x32xi32, #tpu.memory_space<vmem>> -> memref<1x32xi32, #tpu.memory_space<vmem>>
      %dma_wait3A_511 = tpu.memref_squeeze %dma_wait3A_510 : memref<1x32xi32, #tpu.memory_space<vmem>> -> memref<32xi32, #tpu.memory_space<vmem>>
      %dma_wait3A_512 = arith.constant 0 : i32
      %dma_wait3A_513 = arith.constant 0 : i32
      %dma_wait3A_514 = tpu.memref_slice %arg2[%dma_wait3A_512, %dma_wait3A_513] : memref<20000x128xf32, #tpu.memory_space<hbm>> -> memref<20000x128xf32, #tpu.memory_space<hbm>>
      %dma_wait3A_515 = tpu.memref_slice %arg18[%rem3A_490] : memref<2x!tpu.dma_semaphore, #tpu.memory_space<semaphore_mem>> -> memref<1x!tpu.dma_semaphore, #tpu.memory_space<semaphore_mem>>
      %dma_wait3A_516 = tpu.memref_squeeze %dma_wait3A_515 : memref<1x!tpu.dma_semaphore, #tpu.memory_space<semaphore_mem>> -> memref<!tpu.dma_semaphore, #tpu.memory_space<semaphore_mem>>
      tpu.wait_indirect_dma semaphore(%dma_wait3A_516 : memref<!tpu.dma_semaphore, #tpu.memory_space<semaphore_mem>>) src(%dma_wait3A_514 : memref<20000x128xf32, #tpu.memory_space<hbm>>) dst(%dma_wait3A_508 : memref<32x128xf32, #tpu.memory_space<vmem>>)
      %add3A_517 = arith.constant 2 : i32
      %add3A_518 = arith.addi %add3A_488, %add3A_517 : i32
      %lt3A = arith.constant 625 : i32
      %lt3A_519 = arith.cmpi slt, %add3A_518, %lt3A : i32
      %convert_element_type3A = arith.extui %lt3A_519 : i1 to i32
      %cond3A = arith.constant 0 : i32
      %cond3A_520 = arith.cmpi ne, %convert_element_type3A, %cond3A : i32
      scf.if %cond3A_520 {
        %add3A_546 = arith.constant 2 : i32
        %add3A_547 = arith.addi %add3A_488, %add3A_546 : i32
        %rem3A_548 = arith.constant 2 : i32
        %rem3A_549 = arith.remsi %add3A_547, %rem3A_548 : i32
        %dma_start3A_550 = arith.constant 0 : i32
        %dma_start3A_551 = arith.constant 0 : i32
        %dma_start3A_552 = tpu.memref_slice %arg7[%rem3A_549, %dma_start3A_551] : memref<2x32xi32, #tpu.memory_space<vmem>> -> memref<1x32xi32, #tpu.memory_space<vmem>>
        %dma_start3A_553 = tpu.memref_squeeze %dma_start3A_552 : memref<1x32xi32, #tpu.memory_space<vmem>> -> memref<32xi32, #tpu.memory_space<vmem>>
        %dma_start3A_554 = arith.constant 0 : i32
        %dma_start3A_555 = tpu.memref_slice %arg4[%dma_start3A_550, %arg1, %add3A_547, %dma_start3A_554] : memref<2x16x625x32xi32, #tpu.memory_space<hbm>> -> memref<1x1x1x32xi32, #tpu.memory_space<hbm>>
        %dma_start3A_556 = tpu.memref_squeeze %dma_start3A_555 : memref<1x1x1x32xi32, #tpu.memory_space<hbm>> -> memref<32xi32, #tpu.memory_space<hbm>>
        %dma_start3A_557 = tpu.memref_slice %arg17[%rem3A_549] : memref<2x!tpu.dma_semaphore, #tpu.memory_space<semaphore_mem>> -> memref<1x!tpu.dma_semaphore, #tpu.memory_space<semaphore_mem>>
        %dma_start3A_558 = tpu.memref_squeeze %dma_start3A_557 : memref<1x!tpu.dma_semaphore, #tpu.memory_space<semaphore_mem>> -> memref<!tpu.dma_semaphore, #tpu.memory_space<semaphore_mem>>
        %dma_start3A_559 = arith.constant 0 : i32
        %dma_start3A_560 = tpu.memref_slice %arg7[%rem3A_549, %dma_start3A_559] : memref<2x32xi32, #tpu.memory_space<vmem>> -> memref<1x32xi32, #tpu.memory_space<vmem>>
        %dma_start3A_561 = tpu.memref_squeeze %dma_start3A_560 : memref<1x32xi32, #tpu.memory_space<vmem>> -> memref<32xi32, #tpu.memory_space<vmem>>
        %dma_start3A_562 = arith.constant 0 : i32
        %dma_start3A_563 = tpu.memref_slice %arg4[%dma_start3A_550, %arg1, %add3A_547, %dma_start3A_562] : memref<2x16x625x32xi32, #tpu.memory_space<hbm>> -> memref<1x1x1x32xi32, #tpu.memory_space<hbm>>
        %dma_start3A_564 = tpu.memref_squeeze %dma_start3A_563 : memref<1x1x1x32xi32, #tpu.memory_space<hbm>> -> memref<32xi32, #tpu.memory_space<hbm>>
        tpu.enqueue_dma source(%dma_start3A_564 : memref<32xi32, #tpu.memory_space<hbm>>) target(%dma_start3A_561 : memref<32xi32, #tpu.memory_space<vmem>>) target_semaphore(%dma_start3A_558 : memref<!tpu.dma_semaphore, #tpu.memory_space<semaphore_mem>>)
        %dma_start3A_565 = arith.constant 1 : i32
        %dma_start3A_566 = arith.constant 0 : i32
        %dma_start3A_567 = tpu.memref_slice %arg8[%rem3A_549, %dma_start3A_566] : memref<2x32xi32, #tpu.memory_space<vmem>> -> memref<1x32xi32, #tpu.memory_space<vmem>>
        %dma_start3A_568 = tpu.memref_squeeze %dma_start3A_567 : memref<1x32xi32, #tpu.memory_space<vmem>> -> memref<32xi32, #tpu.memory_space<vmem>>
        %dma_start3A_569 = arith.constant 0 : i32
        %dma_start3A_570 = tpu.memref_slice %arg4[%dma_start3A_565, %arg1, %add3A_547, %dma_start3A_569] : memref<2x16x625x32xi32, #tpu.memory_space<hbm>> -> memref<1x1x1x32xi32, #tpu.memory_space<hbm>>
        %dma_start3A_571 = tpu.memref_squeeze %dma_start3A_570 : memref<1x1x1x32xi32, #tpu.memory_space<hbm>> -> memref<32xi32, #tpu.memory_space<hbm>>
        %dma_start3A_572 = tpu.memref_slice %arg17[%rem3A_549] : memref<2x!tpu.dma_semaphore, #tpu.memory_space<semaphore_mem>> -> memref<1x!tpu.dma_semaphore, #tpu.memory_space<semaphore_mem>>
        %dma_start3A_573 = tpu.memref_squeeze %dma_start3A_572 : memref<1x!tpu.dma_semaphore, #tpu.memory_space<semaphore_mem>> -> memref<!tpu.dma_semaphore, #tpu.memory_space<semaphore_mem>>
        %dma_start3A_574 = arith.constant 0 : i32
        %dma_start3A_575 = tpu.memref_slice %arg8[%rem3A_549, %dma_start3A_574] : memref<2x32xi32, #tpu.memory_space<vmem>> -> memref<1x32xi32, #tpu.memory_space<vmem>>
        %dma_start3A_576 = tpu.memref_squeeze %dma_start3A_575 : memref<1x32xi32, #tpu.memory_space<vmem>> -> memref<32xi32, #tpu.memory_space<vmem>>
        %dma_start3A_577 = arith.constant 0 : i32
        %dma_start3A_578 = tpu.memref_slice %arg4[%dma_start3A_565, %arg1, %add3A_547, %dma_start3A_577] : memref<2x16x625x32xi32, #tpu.memory_space<hbm>> -> memref<1x1x1x32xi32, #tpu.memory_space<hbm>>
        %dma_start3A_579 = tpu.memref_squeeze %dma_start3A_578 : memref<1x1x1x32xi32, #tpu.memory_space<hbm>> -> memref<32xi32, #tpu.memory_space<hbm>>
        tpu.enqueue_dma source(%dma_start3A_579 : memref<32xi32, #tpu.memory_space<hbm>>) target(%dma_start3A_576 : memref<32xi32, #tpu.memory_space<vmem>>) target_semaphore(%dma_start3A_573 : memref<!tpu.dma_semaphore, #tpu.memory_space<semaphore_mem>>)
      } else {
      }
      %ge3A = arith.constant 2 : i32
      %ge3A_521 = arith.cmpi sge, %add3A_488, %ge3A : i32
      %convert_element_type3A_522 = arith.extui %ge3A_521 : i1 to i32
      %cond3A_523 = arith.constant 0 : i32
      %cond3A_524 = arith.cmpi ne, %convert_element_type3A_522, %cond3A_523 : i32
      scf.if %cond3A_524 {
        %dma_wait3A_546 = arith.constant 0 : i32
        %dma_wait3A_547 = arith.constant 0 : i32
        %dma_wait3A_548 = tpu.memref_slice %arg13[%rem3A_490, %dma_wait3A_546, %dma_wait3A_547] : memref<2x32x144xf32, #tpu.memory_space<vmem>> -> memref<1x32x144xf32, #tpu.memory_space<vmem>>
        %dma_wait3A_549 = tpu.memref_squeeze %dma_wait3A_548 : memref<1x32x144xf32, #tpu.memory_space<vmem>> -> memref<32x144xf32, #tpu.memory_space<vmem>>
        %dma_wait3A_550 = arith.constant 0 : i32
        %dma_wait3A_551 = arith.constant 0 : i32
        %dma_wait3A_552 = tpu.memref_slice %arg15[%dma_wait3A_550, %dma_wait3A_551] : memref<10240x144xf32, #tpu.memory_space<vmem_shared>> -> memref<32x144xf32, #tpu.memory_space<vmem_shared>>
        %dma_wait3A_553 = tpu.memref_slice %arg19[%rem3A_490] : memref<2x!tpu.dma_semaphore, #tpu.memory_space<semaphore_mem>> -> memref<1x!tpu.dma_semaphore, #tpu.memory_space<semaphore_mem>>
        %dma_wait3A_554 = tpu.memref_squeeze %dma_wait3A_553 : memref<1x!tpu.dma_semaphore, #tpu.memory_space<semaphore_mem>> -> memref<!tpu.dma_semaphore, #tpu.memory_space<semaphore_mem>>
        %dma_wait3A_555 = arith.constant 0 : i32
        %dma_wait3A_556 = arith.constant 0 : i32
        %dma_wait3A_557 = tpu.memref_slice %arg15[%dma_wait3A_555, %dma_wait3A_556] : memref<10240x144xf32, #tpu.memory_space<vmem_shared>> -> memref<32x144xf32, #tpu.memory_space<vmem_shared>>
        %dma_wait3A_558 = arith.constant 0 : i32
        %dma_wait3A_559 = arith.constant 0 : i32
        %dma_wait3A_560 = tpu.memref_slice %arg13[%rem3A_490, %dma_wait3A_558, %dma_wait3A_559] : memref<2x32x144xf32, #tpu.memory_space<vmem>> -> memref<1x32x144xf32, #tpu.memory_space<vmem>>
        %dma_wait3A_561 = tpu.memref_squeeze %dma_wait3A_560 : memref<1x32x144xf32, #tpu.memory_space<vmem>> -> memref<32x144xf32, #tpu.memory_space<vmem>>
        tpu.wait_dma2 semaphore(%dma_wait3A_554 : memref<!tpu.dma_semaphore, #tpu.memory_space<semaphore_mem>>) src(%dma_wait3A_561 : memref<32x144xf32, #tpu.memory_space<vmem>>) dst(%dma_wait3A_557 : memref<32x144xf32, #tpu.memory_space<vmem_shared>>)
      } else {
      }
      %add3A_525 = arith.constant 1 : i32
      %add3A_526 = arith.addi %add3A_488, %add3A_525 : i32
      %lt3A_527 = arith.constant 625 : i32
      %lt3A_528 = arith.cmpi slt, %add3A_526, %lt3A_527 : i32
      %convert_element_type3A_529 = arith.extui %lt3A_528 : i1 to i32
      %cond3A_530 = arith.constant 0 : i32
      %cond3A_531 = arith.cmpi ne, %convert_element_type3A_529, %cond3A_530 : i32
      scf.if %cond3A_531 {
        %add3A_546 = arith.constant 1 : i32
        %add3A_547 = arith.addi %add3A_488, %add3A_546 : i32
        %rem3A_548 = arith.constant 2 : i32
        %rem3A_549 = arith.remsi %add3A_547, %rem3A_548 : i32
        %dma_wait3A_550 = arith.constant 0 : i32
        %dma_wait3A_551 = arith.constant 0 : i32
        %dma_wait3A_552 = tpu.memref_slice %arg7[%rem3A_549, %dma_wait3A_551] : memref<2x32xi32, #tpu.memory_space<vmem>> -> memref<1x32xi32, #tpu.memory_space<vmem>>
        %dma_wait3A_553 = tpu.memref_squeeze %dma_wait3A_552 : memref<1x32xi32, #tpu.memory_space<vmem>> -> memref<32xi32, #tpu.memory_space<vmem>>
        %dma_wait3A_554 = arith.constant 0 : i32
        %dma_wait3A_555 = tpu.memref_slice %arg4[%dma_wait3A_550, %arg1, %add3A_547, %dma_wait3A_554] : memref<2x16x625x32xi32, #tpu.memory_space<hbm>> -> memref<1x1x1x32xi32, #tpu.memory_space<hbm>>
        %dma_wait3A_556 = tpu.memref_squeeze %dma_wait3A_555 : memref<1x1x1x32xi32, #tpu.memory_space<hbm>> -> memref<32xi32, #tpu.memory_space<hbm>>
        %dma_wait3A_557 = tpu.memref_slice %arg17[%rem3A_549] : memref<2x!tpu.dma_semaphore, #tpu.memory_space<semaphore_mem>> -> memref<1x!tpu.dma_semaphore, #tpu.memory_space<semaphore_mem>>
        %dma_wait3A_558 = tpu.memref_squeeze %dma_wait3A_557 : memref<1x!tpu.dma_semaphore, #tpu.memory_space<semaphore_mem>> -> memref<!tpu.dma_semaphore, #tpu.memory_space<semaphore_mem>>
        %dma_wait3A_559 = arith.constant 0 : i32
        %dma_wait3A_560 = tpu.memref_slice %arg7[%rem3A_549, %dma_wait3A_559] : memref<2x32xi32, #tpu.memory_space<vmem>> -> memref<1x32xi32, #tpu.memory_space<vmem>>
        %dma_wait3A_561 = tpu.memref_squeeze %dma_wait3A_560 : memref<1x32xi32, #tpu.memory_space<vmem>> -> memref<32xi32, #tpu.memory_space<vmem>>
        %dma_wait3A_562 = arith.constant 0 : i32
        %dma_wait3A_563 = tpu.memref_slice %arg4[%dma_wait3A_550, %arg1, %add3A_547, %dma_wait3A_562] : memref<2x16x625x32xi32, #tpu.memory_space<hbm>> -> memref<1x1x1x32xi32, #tpu.memory_space<hbm>>
        %dma_wait3A_564 = tpu.memref_squeeze %dma_wait3A_563 : memref<1x1x1x32xi32, #tpu.memory_space<hbm>> -> memref<32xi32, #tpu.memory_space<hbm>>
        tpu.wait_dma2 semaphore(%dma_wait3A_558 : memref<!tpu.dma_semaphore, #tpu.memory_space<semaphore_mem>>) src(%dma_wait3A_564 : memref<32xi32, #tpu.memory_space<hbm>>) dst(%dma_wait3A_561 : memref<32xi32, #tpu.memory_space<vmem>>)
        %dma_wait3A_565 = arith.constant 0 : i32
        %dma_wait3A_566 = arith.constant 0 : i32
        %dma_wait3A_567 = tpu.memref_slice %arg8[%rem3A_549, %dma_wait3A_566] : memref<2x32xi32, #tpu.memory_space<vmem>> -> memref<1x32xi32, #tpu.memory_space<vmem>>
        %dma_wait3A_568 = tpu.memref_squeeze %dma_wait3A_567 : memref<1x32xi32, #tpu.memory_space<vmem>> -> memref<32xi32, #tpu.memory_space<vmem>>
        %dma_wait3A_569 = arith.constant 0 : i32
        %dma_wait3A_570 = tpu.memref_slice %arg4[%dma_wait3A_565, %arg1, %add3A_547, %dma_wait3A_569] : memref<2x16x625x32xi32, #tpu.memory_space<hbm>> -> memref<1x1x1x32xi32, #tpu.memory_space<hbm>>
        %dma_wait3A_571 = tpu.memref_squeeze %dma_wait3A_570 : memref<1x1x1x32xi32, #tpu.memory_space<hbm>> -> memref<32xi32, #tpu.memory_space<hbm>>
        %dma_wait3A_572 = tpu.memref_slice %arg17[%rem3A_549] : memref<2x!tpu.dma_semaphore, #tpu.memory_space<semaphore_mem>> -> memref<1x!tpu.dma_semaphore, #tpu.memory_space<semaphore_mem>>
        %dma_wait3A_573 = tpu.memref_squeeze %dma_wait3A_572 : memref<1x!tpu.dma_semaphore, #tpu.memory_space<semaphore_mem>> -> memref<!tpu.dma_semaphore, #tpu.memory_space<semaphore_mem>>
        %dma_wait3A_574 = arith.constant 0 : i32
        %dma_wait3A_575 = tpu.memref_slice %arg8[%rem3A_549, %dma_wait3A_574] : memref<2x32xi32, #tpu.memory_space<vmem>> -> memref<1x32xi32, #tpu.memory_space<vmem>>
        %dma_wait3A_576 = tpu.memref_squeeze %dma_wait3A_575 : memref<1x32xi32, #tpu.memory_space<vmem>> -> memref<32xi32, #tpu.memory_space<vmem>>
        %dma_wait3A_577 = arith.constant 0 : i32
        %dma_wait3A_578 = tpu.memref_slice %arg4[%dma_wait3A_565, %arg1, %add3A_547, %dma_wait3A_577] : memref<2x16x625x32xi32, #tpu.memory_space<hbm>> -> memref<1x1x1x32xi32, #tpu.memory_space<hbm>>
        %dma_wait3A_579 = tpu.memref_squeeze %dma_wait3A_578 : memref<1x1x1x32xi32, #tpu.memory_space<hbm>> -> memref<32xi32, #tpu.memory_space<hbm>>
        tpu.wait_dma2 semaphore(%dma_wait3A_573 : memref<!tpu.dma_semaphore, #tpu.memory_space<semaphore_mem>>) src(%dma_wait3A_579 : memref<32xi32, #tpu.memory_space<hbm>>) dst(%dma_wait3A_576 : memref<32xi32, #tpu.memory_space<vmem>>)
        %add3A_580 = arith.constant 1 : i32
        %add3A_581 = arith.addi %add3A_488, %add3A_580 : i32
        %rem3A_582 = arith.constant 2 : i32
        %rem3A_583 = arith.remsi %add3A_581, %rem3A_582 : i32
        %rem3A_584 = arith.constant 3 : i32
        %rem3A_585 = arith.remsi %add3A_581, %rem3A_584 : i32
        %get3A_586 = arith.index_cast %rem3A_583 : i32 to index
        %get3A_587 = arith.constant 0 : index
        %get3A_588 = tpu.vector_load %arg7[%get3A_586, %get3A_587] {strides = array<i32>} : memref<2x32xi32, #tpu.memory_space<vmem>>, vector<1x16xi32>,
        %get3A_589 = vector.shape_cast %get3A_588 : vector<1x16xi32> to vector<16xi32>
        %add3A_590 = vector.broadcast %mul3A_0 : i32 to vector<16xi32>
        %add3A_591 = arith.addi %get3A_589, %add3A_590 : vector<16xi32>
        %swap3A_592 = arith.index_cast %rem3A_583 : i32 to index
        %swap3A_593 = arith.constant 0 : index
        %swap3A_594 = tpu.vector_load %arg7[%swap3A_592, %swap3A_593] {strides = array<i32>} : memref<2x32xi32, #tpu.memory_space<vmem>>, vector<1x16xi32>,
        %swap3A_595 = vector.shape_cast %swap3A_594 : vector<1x16xi32> to vector<16xi32>
        %swap3A_596 = vector.shape_cast %add3A_591 : vector<16xi32> to vector<1x16xi32>
        tpu.vector_store %arg7[%swap3A_592, %swap3A_593], %swap3A_596 {strides = array<i32>} : memref<2x32xi32, #tpu.memory_space<vmem>>, vector<1x16xi32>,
        %get3A_597 = arith.index_cast %rem3A_583 : i32 to index
        %get3A_598 = arith.constant 0 : index
        %get3A_599 = tpu.vector_load %arg8[%get3A_597, %get3A_598] {strides = array<i32>} : memref<2x32xi32, #tpu.memory_space<vmem>>, vector<1x16xi32>,
        %get3A_600 = vector.shape_cast %get3A_599 : vector<1x16xi32> to vector<16xi32>
        %swap3A_601 = arith.index_cast %rem3A_585 : i32 to index
        %swap3A_602 = arith.constant 0 : index
        %swap3A_603 = tpu.vector_load %arg10[%swap3A_601, %swap3A_602] {strides = array<i32>} : memref<3x32xi32, #tpu.memory_space<vmem>>, vector<1x16xi32>,
        %swap3A_604 = vector.shape_cast %swap3A_603 : vector<1x16xi32> to vector<16xi32>
        %swap3A_605 = vector.shape_cast %get3A_600 : vector<16xi32> to vector<1x16xi32>
        tpu.vector_store %arg10[%swap3A_601, %swap3A_602], %swap3A_605 {strides = array<i32>} : memref<3x32xi32, #tpu.memory_space<vmem>>, vector<1x16xi32>,
        %add3A_606 = vector.broadcast %mul3A_0 : i32 to vector<16xi32>
        %add3A_607 = arith.addi %get3A_600, %add3A_606 : vector<16xi32>
        %swap3A_608 = arith.index_cast %rem3A_583 : i32 to index
        %swap3A_609 = arith.constant 0 : index
        %swap3A_610 = tpu.vector_load %arg9[%swap3A_608, %swap3A_609] {strides = array<i32>} : memref<2x32xi32, #tpu.memory_space<vmem>>, vector<1x16xi32>,
        %swap3A_611 = vector.shape_cast %swap3A_610 : vector<1x16xi32> to vector<16xi32>
        %swap3A_612 = vector.shape_cast %add3A_607 : vector<16xi32> to vector<1x16xi32>
        tpu.vector_store %arg9[%swap3A_608, %swap3A_609], %swap3A_612 {strides = array<i32>} : memref<2x32xi32, #tpu.memory_space<vmem>>, vector<1x16xi32>,
        %get3A_613 = arith.index_cast %rem3A_583 : i32 to index
        %get3A_614 = arith.constant 16 : index
        %get3A_615 = tpu.vector_load %arg7[%get3A_613, %get3A_614] {strides = array<i32>} : memref<2x32xi32, #tpu.memory_space<vmem>>, vector<1x16xi32>,
        %get3A_616 = vector.shape_cast %get3A_615 : vector<1x16xi32> to vector<16xi32>
        %add3A_617 = vector.broadcast %mul3A_0 : i32 to vector<16xi32>
        %add3A_618 = arith.addi %get3A_616, %add3A_617 : vector<16xi32>
        %swap3A_619 = arith.index_cast %rem3A_583 : i32 to index
        %swap3A_620 = arith.constant 16 : index
        %swap3A_621 = tpu.vector_load %arg7[%swap3A_619, %swap3A_620] {strides = array<i32>} : memref<2x32xi32, #tpu.memory_space<vmem>>, vector<1x16xi32>,
        %swap3A_622 = vector.shape_cast %swap3A_621 : vector<1x16xi32> to vector<16xi32>
        %swap3A_623 = vector.shape_cast %add3A_618 : vector<16xi32> to vector<1x16xi32>
        tpu.vector_store %arg7[%swap3A_619, %swap3A_620], %swap3A_623 {strides = array<i32>} : memref<2x32xi32, #tpu.memory_space<vmem>>, vector<1x16xi32>,
        %get3A_624 = arith.index_cast %rem3A_583 : i32 to index
        %get3A_625 = arith.constant 16 : index
        %get3A_626 = tpu.vector_load %arg8[%get3A_624, %get3A_625] {strides = array<i32>} : memref<2x32xi32, #tpu.memory_space<vmem>>, vector<1x16xi32>,
        %get3A_627 = vector.shape_cast %get3A_626 : vector<1x16xi32> to vector<16xi32>
        %swap3A_628 = arith.index_cast %rem3A_585 : i32 to index
        %swap3A_629 = arith.constant 16 : index
        %swap3A_630 = tpu.vector_load %arg10[%swap3A_628, %swap3A_629] {strides = array<i32>} : memref<3x32xi32, #tpu.memory_space<vmem>>, vector<1x16xi32>,
        %swap3A_631 = vector.shape_cast %swap3A_630 : vector<1x16xi32> to vector<16xi32>
        %swap3A_632 = vector.shape_cast %get3A_627 : vector<16xi32> to vector<1x16xi32>
        tpu.vector_store %arg10[%swap3A_628, %swap3A_629], %swap3A_632 {strides = array<i32>} : memref<3x32xi32, #tpu.memory_space<vmem>>, vector<1x16xi32>,
        %add3A_633 = vector.broadcast %mul3A_0 : i32 to vector<16xi32>
        %add3A_634 = arith.addi %get3A_627, %add3A_633 : vector<16xi32>
        %swap3A_635 = arith.index_cast %rem3A_583 : i32 to index
        %swap3A_636 = arith.constant 16 : index
        %swap3A_637 = tpu.vector_load %arg9[%swap3A_635, %swap3A_636] {strides = array<i32>} : memref<2x32xi32, #tpu.memory_space<vmem>>, vector<1x16xi32>,
        %swap3A_638 = vector.shape_cast %swap3A_637 : vector<1x16xi32> to vector<16xi32>
        %swap3A_639 = vector.shape_cast %add3A_634 : vector<16xi32> to vector<1x16xi32>
        tpu.vector_store %arg9[%swap3A_635, %swap3A_636], %swap3A_639 {strides = array<i32>} : memref<2x32xi32, #tpu.memory_space<vmem>>, vector<1x16xi32>,
        %dma_start3A_640 = arith.constant 0 : i32
        %dma_start3A_641 = arith.constant 0 : i32
        %dma_start3A_642 = tpu.memref_slice %arg11[%rem3A_583, %dma_start3A_640, %dma_start3A_641] : memref<2x32x128xf32, #tpu.memory_space<vmem>> -> memref<1x32x128xf32, #tpu.memory_space<vmem>>
        %dma_start3A_643 = tpu.memref_squeeze %dma_start3A_642 : memref<1x32x128xf32, #tpu.memory_space<vmem>> -> memref<32x128xf32, #tpu.memory_space<vmem>>
        %dma_start3A_644 = arith.constant 0 : i32
        %dma_start3A_645 = tpu.memref_slice %arg7[%rem3A_583, %dma_start3A_644] : memref<2x32xi32, #tpu.memory_space<vmem>> -> memref<1x32xi32, #tpu.memory_space<vmem>>
        %dma_start3A_646 = tpu.memref_squeeze %dma_start3A_645 : memref<1x32xi32, #tpu.memory_space<vmem>> -> memref<32xi32, #tpu.memory_space<vmem>>
        %dma_start3A_647 = arith.constant 0 : i32
        %dma_start3A_648 = arith.constant 0 : i32
        %dma_start3A_649 = tpu.memref_slice %arg2[%dma_start3A_647, %dma_start3A_648] : memref<20000x128xf32, #tpu.memory_space<hbm>> -> memref<20000x128xf32, #tpu.memory_space<hbm>>
        %dma_start3A_650 = tpu.memref_slice %arg18[%rem3A_583] : memref<2x!tpu.dma_semaphore, #tpu.memory_space<semaphore_mem>> -> memref<1x!tpu.dma_semaphore, #tpu.memory_space<semaphore_mem>>
        %dma_start3A_651 = tpu.memref_squeeze %dma_start3A_650 : memref<1x!tpu.dma_semaphore, #tpu.memory_space<semaphore_mem>> -> memref<!tpu.dma_semaphore, #tpu.memory_space<semaphore_mem>>
        tpu.enqueue_indirect_dma source(%dma_start3A_649 : memref<20000x128xf32, #tpu.memory_space<hbm>>) target(%dma_start3A_643 : memref<32x128xf32, #tpu.memory_space<vmem>>) offsets(%dma_start3A_646 : memref<32xi32, #tpu.memory_space<vmem>>) semaphore(%dma_start3A_651 : memref<!tpu.dma_semaphore, #tpu.memory_space<semaphore_mem>>)
        %dma_start3A_652 = arith.constant 0 : i32
        %dma_start3A_653 = arith.constant 0 : i32
        %dma_start3A_654 = tpu.memref_slice %arg12[%rem3A_583, %dma_start3A_652, %dma_start3A_653] : memref<2x32x128xf32, #tpu.memory_space<vmem>> -> memref<1x32x128xf32, #tpu.memory_space<vmem>>
        %dma_start3A_655 = tpu.memref_squeeze %dma_start3A_654 : memref<1x32x128xf32, #tpu.memory_space<vmem>> -> memref<32x128xf32, #tpu.memory_space<vmem>>
        %dma_start3A_656 = arith.constant 0 : i32
        %dma_start3A_657 = tpu.memref_slice %arg9[%rem3A_583, %dma_start3A_656] : memref<2x32xi32, #tpu.memory_space<vmem>> -> memref<1x32xi32, #tpu.memory_space<vmem>>
        %dma_start3A_658 = tpu.memref_squeeze %dma_start3A_657 : memref<1x32xi32, #tpu.memory_space<vmem>> -> memref<32xi32, #tpu.memory_space<vmem>>
        %dma_start3A_659 = arith.constant 0 : i32
        %dma_start3A_660 = arith.constant 0 : i32
        %dma_start3A_661 = tpu.memref_slice %arg3[%dma_start3A_659, %dma_start3A_660] : memref<20000x128xf32, #tpu.memory_space<hbm>> -> memref<20000x128xf32, #tpu.memory_space<hbm>>
        %dma_start3A_662 = tpu.memref_slice %arg18[%rem3A_583] : memref<2x!tpu.dma_semaphore, #tpu.memory_space<semaphore_mem>> -> memref<1x!tpu.dma_semaphore, #tpu.memory_space<semaphore_mem>>
        %dma_start3A_663 = tpu.memref_squeeze %dma_start3A_662 : memref<1x!tpu.dma_semaphore, #tpu.memory_space<semaphore_mem>> -> memref<!tpu.dma_semaphore, #tpu.memory_space<semaphore_mem>>
        tpu.enqueue_indirect_dma source(%dma_start3A_661 : memref<20000x128xf32, #tpu.memory_space<hbm>>) target(%dma_start3A_655 : memref<32x128xf32, #tpu.memory_space<vmem>>) offsets(%dma_start3A_658 : memref<32xi32, #tpu.memory_space<vmem>>) semaphore(%dma_start3A_663 : memref<!tpu.dma_semaphore, #tpu.memory_space<semaphore_mem>>)
      } else {
      }
      %parallel_loop3A = arith.constant 0 : i32
      %parallel_loop3A_532 = arith.constant 32 : i32
      %parallel_loop3A_533 = arith.constant 1 : i32
      scf.for %parallel_loop3A_546 = %parallel_loop3A to %parallel_loop3A_532 step %parallel_loop3A_533  : i32 {
        %parallel_loop3A_547 = arith.index_cast %rem3A_490 : i32 to index
        %parallel_loop3A_548 = arith.index_cast %parallel_loop3A_546 : i32 to index
        %parallel_loop3A_549 = arith.constant 0 : index
        %parallel_loop3A_550 = tpu.vector_load %arg11[%parallel_loop3A_547, %parallel_loop3A_548, %parallel_loop3A_549] {strides = array<i32>} : memref<2x32x128xf32, #tpu.memory_space<vmem>>, vector<1x1x16xf32>,
        %parallel_loop3A_551 = vector.shape_cast %parallel_loop3A_550 : vector<1x1x16xf32> to vector<16xf32>
        %parallel_loop3A_552 = arith.index_cast %rem3A_490 : i32 to index
        %parallel_loop3A_553 = arith.index_cast %parallel_loop3A_546 : i32 to index
        %parallel_loop3A_554 = arith.constant 16 : index
        %parallel_loop3A_555 = tpu.vector_load %arg11[%parallel_loop3A_552, %parallel_loop3A_553, %parallel_loop3A_554] {strides = array<i32>} : memref<2x32x128xf32, #tpu.memory_space<vmem>>, vector<1x1x16xf32>,
        %parallel_loop3A_556 = vector.shape_cast %parallel_loop3A_555 : vector<1x1x16xf32> to vector<16xf32>
        %parallel_loop3A_557 = arith.index_cast %rem3A_490 : i32 to index
        %parallel_loop3A_558 = arith.index_cast %parallel_loop3A_546 : i32 to index
        %parallel_loop3A_559 = arith.constant 32 : index
        %parallel_loop3A_560 = tpu.vector_load %arg11[%parallel_loop3A_557, %parallel_loop3A_558, %parallel_loop3A_559] {strides = array<i32>} : memref<2x32x128xf32, #tpu.memory_space<vmem>>, vector<1x1x16xf32>,
        %parallel_loop3A_561 = vector.shape_cast %parallel_loop3A_560 : vector<1x1x16xf32> to vector<16xf32>
        %parallel_loop3A_562 = arith.index_cast %rem3A_490 : i32 to index
        %parallel_loop3A_563 = arith.index_cast %parallel_loop3A_546 : i32 to index
        %parallel_loop3A_564 = arith.constant 48 : index
        %parallel_loop3A_565 = tpu.vector_load %arg11[%parallel_loop3A_562, %parallel_loop3A_563, %parallel_loop3A_564] {strides = array<i32>} : memref<2x32x128xf32, #tpu.memory_space<vmem>>, vector<1x1x16xf32>,
        %parallel_loop3A_566 = vector.shape_cast %parallel_loop3A_565 : vector<1x1x16xf32> to vector<16xf32>
        %parallel_loop3A_567 = arith.index_cast %rem3A_490 : i32 to index
        %parallel_loop3A_568 = arith.index_cast %parallel_loop3A_546 : i32 to index
        %parallel_loop3A_569 = arith.constant 64 : index
        %parallel_loop3A_570 = tpu.vector_load %arg11[%parallel_loop3A_567, %parallel_loop3A_568, %parallel_loop3A_569] {strides = array<i32>} : memref<2x32x128xf32, #tpu.memory_space<vmem>>, vector<1x1x16xf32>,
        %parallel_loop3A_571 = vector.shape_cast %parallel_loop3A_570 : vector<1x1x16xf32> to vector<16xf32>
        %parallel_loop3A_572 = arith.index_cast %rem3A_490 : i32 to index
        %parallel_loop3A_573 = arith.index_cast %parallel_loop3A_546 : i32 to index
        %parallel_loop3A_574 = arith.constant 80 : index
        %parallel_loop3A_575 = tpu.vector_load %arg11[%parallel_loop3A_572, %parallel_loop3A_573, %parallel_loop3A_574] {strides = array<i32>} : memref<2x32x128xf32, #tpu.memory_space<vmem>>, vector<1x1x16xf32>,
        %parallel_loop3A_576 = vector.shape_cast %parallel_loop3A_575 : vector<1x1x16xf32> to vector<16xf32>
        %parallel_loop3A_577 = arith.index_cast %rem3A_490 : i32 to index
        %parallel_loop3A_578 = arith.index_cast %parallel_loop3A_546 : i32 to index
        %parallel_loop3A_579 = arith.constant 96 : index
        %parallel_loop3A_580 = tpu.vector_load %arg11[%parallel_loop3A_577, %parallel_loop3A_578, %parallel_loop3A_579] {strides = array<i32>} : memref<2x32x128xf32, #tpu.memory_space<vmem>>, vector<1x1x16xf32>,
        %parallel_loop3A_581 = vector.shape_cast %parallel_loop3A_580 : vector<1x1x16xf32> to vector<16xf32>
        %parallel_loop3A_582 = arith.index_cast %rem3A_490 : i32 to index
        %parallel_loop3A_583 = arith.index_cast %parallel_loop3A_546 : i32 to index
        %parallel_loop3A_584 = arith.constant 112 : index
        %parallel_loop3A_585 = tpu.vector_load %arg11[%parallel_loop3A_582, %parallel_loop3A_583, %parallel_loop3A_584] {strides = array<i32>} : memref<2x32x128xf32, #tpu.memory_space<vmem>>, vector<1x1x16xf32>,
        %parallel_loop3A_586 = vector.shape_cast %parallel_loop3A_585 : vector<1x1x16xf32> to vector<16xf32>
        %parallel_loop3A_587 = arith.index_cast %rem3A_490 : i32 to index
        %parallel_loop3A_588 = arith.index_cast %parallel_loop3A_546 : i32 to index
        %parallel_loop3A_589 = arith.constant 0 : index
        %parallel_loop3A_590 = tpu.vector_load %arg12[%parallel_loop3A_587, %parallel_loop3A_588, %parallel_loop3A_589] {strides = array<i32>} : memref<2x32x128xf32, #tpu.memory_space<vmem>>, vector<1x1x16xf32>,
        %parallel_loop3A_591 = vector.shape_cast %parallel_loop3A_590 : vector<1x1x16xf32> to vector<16xf32>
        %parallel_loop3A_592 = arith.index_cast %rem3A_490 : i32 to index
        %parallel_loop3A_593 = arith.index_cast %parallel_loop3A_546 : i32 to index
        %parallel_loop3A_594 = arith.constant 16 : index
        %parallel_loop3A_595 = tpu.vector_load %arg12[%parallel_loop3A_592, %parallel_loop3A_593, %parallel_loop3A_594] {strides = array<i32>} : memref<2x32x128xf32, #tpu.memory_space<vmem>>, vector<1x1x16xf32>,
        %parallel_loop3A_596 = vector.shape_cast %parallel_loop3A_595 : vector<1x1x16xf32> to vector<16xf32>
        %parallel_loop3A_597 = arith.index_cast %rem3A_490 : i32 to index
        %parallel_loop3A_598 = arith.index_cast %parallel_loop3A_546 : i32 to index
        %parallel_loop3A_599 = arith.constant 32 : index
        %parallel_loop3A_600 = tpu.vector_load %arg12[%parallel_loop3A_597, %parallel_loop3A_598, %parallel_loop3A_599] {strides = array<i32>} : memref<2x32x128xf32, #tpu.memory_space<vmem>>, vector<1x1x16xf32>,
        %parallel_loop3A_601 = vector.shape_cast %parallel_loop3A_600 : vector<1x1x16xf32> to vector<16xf32>
        %parallel_loop3A_602 = arith.index_cast %rem3A_490 : i32 to index
        %parallel_loop3A_603 = arith.index_cast %parallel_loop3A_546 : i32 to index
        %parallel_loop3A_604 = arith.constant 48 : index
        %parallel_loop3A_605 = tpu.vector_load %arg12[%parallel_loop3A_602, %parallel_loop3A_603, %parallel_loop3A_604] {strides = array<i32>} : memref<2x32x128xf32, #tpu.memory_space<vmem>>, vector<1x1x16xf32>,
        %parallel_loop3A_606 = vector.shape_cast %parallel_loop3A_605 : vector<1x1x16xf32> to vector<16xf32>
        %parallel_loop3A_607 = arith.index_cast %rem3A_490 : i32 to index
        %parallel_loop3A_608 = arith.index_cast %parallel_loop3A_546 : i32 to index
        %parallel_loop3A_609 = arith.constant 64 : index
        %parallel_loop3A_610 = tpu.vector_load %arg12[%parallel_loop3A_607, %parallel_loop3A_608, %parallel_loop3A_609] {strides = array<i32>} : memref<2x32x128xf32, #tpu.memory_space<vmem>>, vector<1x1x16xf32>,
        %parallel_loop3A_611 = vector.shape_cast %parallel_loop3A_610 : vector<1x1x16xf32> to vector<16xf32>
        %parallel_loop3A_612 = arith.index_cast %rem3A_490 : i32 to index
        %parallel_loop3A_613 = arith.index_cast %parallel_loop3A_546 : i32 to index
        %parallel_loop3A_614 = arith.constant 80 : index
        %parallel_loop3A_615 = tpu.vector_load %arg12[%parallel_loop3A_612, %parallel_loop3A_613, %parallel_loop3A_614] {strides = array<i32>} : memref<2x32x128xf32, #tpu.memory_space<vmem>>, vector<1x1x16xf32>,
        %parallel_loop3A_616 = vector.shape_cast %parallel_loop3A_615 : vector<1x1x16xf32> to vector<16xf32>
        %parallel_loop3A_617 = arith.index_cast %rem3A_490 : i32 to index
        %parallel_loop3A_618 = arith.index_cast %parallel_loop3A_546 : i32 to index
        %parallel_loop3A_619 = arith.constant 96 : index
        %parallel_loop3A_620 = tpu.vector_load %arg12[%parallel_loop3A_617, %parallel_loop3A_618, %parallel_loop3A_619] {strides = array<i32>} : memref<2x32x128xf32, #tpu.memory_space<vmem>>, vector<1x1x16xf32>,
        %parallel_loop3A_621 = vector.shape_cast %parallel_loop3A_620 : vector<1x1x16xf32> to vector<16xf32>
        %parallel_loop3A_622 = arith.index_cast %rem3A_490 : i32 to index
        %parallel_loop3A_623 = arith.index_cast %parallel_loop3A_546 : i32 to index
        %parallel_loop3A_624 = arith.constant 112 : index
        %parallel_loop3A_625 = tpu.vector_load %arg12[%parallel_loop3A_622, %parallel_loop3A_623, %parallel_loop3A_624] {strides = array<i32>} : memref<2x32x128xf32, #tpu.memory_space<vmem>>, vector<1x1x16xf32>,
        %parallel_loop3A_626 = vector.shape_cast %parallel_loop3A_625 : vector<1x1x16xf32> to vector<16xf32>
        %parallel_loop3A_627 = arith.addf %parallel_loop3A_551, %parallel_loop3A_591 : vector<16xf32>
        %parallel_loop3A_628 = arith.constant 2.000000e-01 : f32
        %parallel_loop3A_629 = vector.broadcast %parallel_loop3A_628 : f32 to vector<16xf32>
        %parallel_loop3A_630 = arith.mulf %parallel_loop3A_629, %parallel_loop3A_627 : vector<16xf32>
        %parallel_loop3A_631 = arith.maximumf %parallel_loop3A_627, %parallel_loop3A_630 : vector<16xf32>
        %parallel_loop3A_632 = arith.mulf %parallel_loop3A_631, %get3A_114 : vector<16xf32>
        %parallel_loop3A_633 = arith.addf %parallel_loop3A_556, %parallel_loop3A_596 : vector<16xf32>
        %parallel_loop3A_634 = arith.constant 2.000000e-01 : f32
        %parallel_loop3A_635 = vector.broadcast %parallel_loop3A_634 : f32 to vector<16xf32>
        %parallel_loop3A_636 = arith.mulf %parallel_loop3A_635, %parallel_loop3A_633 : vector<16xf32>
        %parallel_loop3A_637 = arith.maximumf %parallel_loop3A_633, %parallel_loop3A_636 : vector<16xf32>
        %parallel_loop3A_638 = arith.mulf %parallel_loop3A_637, %get3A_117 : vector<16xf32>
        %parallel_loop3A_639 = arith.addf %parallel_loop3A_561, %parallel_loop3A_601 : vector<16xf32>
        %parallel_loop3A_640 = arith.constant 2.000000e-01 : f32
        %parallel_loop3A_641 = vector.broadcast %parallel_loop3A_640 : f32 to vector<16xf32>
        %parallel_loop3A_642 = arith.mulf %parallel_loop3A_641, %parallel_loop3A_639 : vector<16xf32>
        %parallel_loop3A_643 = arith.maximumf %parallel_loop3A_639, %parallel_loop3A_642 : vector<16xf32>
        %parallel_loop3A_644 = arith.mulf %parallel_loop3A_643, %get3A_120 : vector<16xf32>
        %parallel_loop3A_645 = arith.addf %parallel_loop3A_566, %parallel_loop3A_606 : vector<16xf32>
        %parallel_loop3A_646 = arith.constant 2.000000e-01 : f32
        %parallel_loop3A_647 = vector.broadcast %parallel_loop3A_646 : f32 to vector<16xf32>
        %parallel_loop3A_648 = arith.mulf %parallel_loop3A_647, %parallel_loop3A_645 : vector<16xf32>
        %parallel_loop3A_649 = arith.maximumf %parallel_loop3A_645, %parallel_loop3A_648 : vector<16xf32>
        %parallel_loop3A_650 = arith.mulf %parallel_loop3A_649, %get3A_123 : vector<16xf32>
        %parallel_loop3A_651 = arith.addf %parallel_loop3A_571, %parallel_loop3A_611 : vector<16xf32>
        %parallel_loop3A_652 = arith.constant 2.000000e-01 : f32
        %parallel_loop3A_653 = vector.broadcast %parallel_loop3A_652 : f32 to vector<16xf32>
        %parallel_loop3A_654 = arith.mulf %parallel_loop3A_653, %parallel_loop3A_651 : vector<16xf32>
        %parallel_loop3A_655 = arith.maximumf %parallel_loop3A_651, %parallel_loop3A_654 : vector<16xf32>
        %parallel_loop3A_656 = arith.mulf %parallel_loop3A_655, %get3A_126 : vector<16xf32>
        %parallel_loop3A_657 = arith.addf %parallel_loop3A_576, %parallel_loop3A_616 : vector<16xf32>
        %parallel_loop3A_658 = arith.constant 2.000000e-01 : f32
        %parallel_loop3A_659 = vector.broadcast %parallel_loop3A_658 : f32 to vector<16xf32>
        %parallel_loop3A_660 = arith.mulf %parallel_loop3A_659, %parallel_loop3A_657 : vector<16xf32>
        %parallel_loop3A_661 = arith.maximumf %parallel_loop3A_657, %parallel_loop3A_660 : vector<16xf32>
        %parallel_loop3A_662 = arith.mulf %parallel_loop3A_661, %get3A_129 : vector<16xf32>
        %parallel_loop3A_663 = arith.addf %parallel_loop3A_581, %parallel_loop3A_621 : vector<16xf32>
        %parallel_loop3A_664 = arith.constant 2.000000e-01 : f32
        %parallel_loop3A_665 = vector.broadcast %parallel_loop3A_664 : f32 to vector<16xf32>
        %parallel_loop3A_666 = arith.mulf %parallel_loop3A_665, %parallel_loop3A_663 : vector<16xf32>
        %parallel_loop3A_667 = arith.maximumf %parallel_loop3A_663, %parallel_loop3A_666 : vector<16xf32>
        %parallel_loop3A_668 = arith.mulf %parallel_loop3A_667, %get3A_132 : vector<16xf32>
        %parallel_loop3A_669 = arith.addf %parallel_loop3A_586, %parallel_loop3A_626 : vector<16xf32>
        %parallel_loop3A_670 = arith.constant 2.000000e-01 : f32
        %parallel_loop3A_671 = vector.broadcast %parallel_loop3A_670 : f32 to vector<16xf32>
        %parallel_loop3A_672 = arith.mulf %parallel_loop3A_671, %parallel_loop3A_669 : vector<16xf32>
        %parallel_loop3A_673 = arith.maximumf %parallel_loop3A_669, %parallel_loop3A_672 : vector<16xf32>
        %parallel_loop3A_674 = arith.mulf %parallel_loop3A_673, %get3A_135 : vector<16xf32>
        %parallel_loop3A_675 = arith.addf %parallel_loop3A_632, %parallel_loop3A_638 : vector<16xf32>
        %parallel_loop3A_676 = arith.constant 0 : i32
        %parallel_loop3A_677 = vector.broadcast %parallel_loop3A_676 : i32 to vector<16xi32>
        %parallel_loop3A_678 = arith.cmpi slt, %xor3A_165, %parallel_loop3A_677 : vector<16xi32>
        %parallel_loop3A_679 = arith.constant 16 : i32
        %parallel_loop3A_680 = vector.broadcast %parallel_loop3A_679 : i32 to vector<16xi32>
        %parallel_loop3A_681 = arith.addi %xor3A_165, %parallel_loop3A_680 : vector<16xi32>
        %parallel_loop3A_682 = arith.select %parallel_loop3A_678, %parallel_loop3A_681, %xor3A_165 : vector<16xi1>, vector<16xi32>
        %parallel_loop3A_683 = vector.shape_cast %parallel_loop3A_682 : vector<16xi32> to vector<16x1xi32>
        %parallel_loop3A_684 = vector.shape_cast %parallel_loop3A_683 : vector<16x1xi32> to vector<16xi32>
        %parallel_loop3A_685 = tpu.dynamic_gather %parallel_loop3A_675[%parallel_loop3A_684] in [0] : vector<16xf32>, vector<16xi32> -> vector<16xf32>
        %parallel_loop3A_686 = arith.addf %parallel_loop3A_675, %parallel_loop3A_685 : vector<16xf32>
        %parallel_loop3A_687 = arith.constant 0 : i32
        %parallel_loop3A_688 = vector.broadcast %parallel_loop3A_687 : i32 to vector<16xi32>
        %parallel_loop3A_689 = arith.cmpi slt, %xor3A_168, %parallel_loop3A_688 : vector<16xi32>
        %parallel_loop3A_690 = arith.constant 16 : i32
        %parallel_loop3A_691 = vector.broadcast %parallel_loop3A_690 : i32 to vector<16xi32>
        %parallel_loop3A_692 = arith.addi %xor3A_168, %parallel_loop3A_691 : vector<16xi32>
        %parallel_loop3A_693 = arith.select %parallel_loop3A_689, %parallel_loop3A_692, %xor3A_168 : vector<16xi1>, vector<16xi32>
        %parallel_loop3A_694 = vector.shape_cast %parallel_loop3A_693 : vector<16xi32> to vector<16x1xi32>
        %parallel_loop3A_695 = vector.shape_cast %parallel_loop3A_694 : vector<16x1xi32> to vector<16xi32>
        %parallel_loop3A_696 = tpu.dynamic_gather %parallel_loop3A_686[%parallel_loop3A_695] in [0] : vector<16xf32>, vector<16xi32> -> vector<16xf32>
        %parallel_loop3A_697 = arith.addf %parallel_loop3A_686, %parallel_loop3A_696 : vector<16xf32>
        %parallel_loop3A_698 = arith.constant 0 : i32
        %parallel_loop3A_699 = vector.broadcast %parallel_loop3A_698 : i32 to vector<16xi32>
        %parallel_loop3A_700 = arith.cmpi slt, %xor3A_171, %parallel_loop3A_699 : vector<16xi32>
        %parallel_loop3A_701 = arith.constant 16 : i32
        %parallel_loop3A_702 = vector.broadcast %parallel_loop3A_701 : i32 to vector<16xi32>
        %parallel_loop3A_703 = arith.addi %xor3A_171, %parallel_loop3A_702 : vector<16xi32>
        %parallel_loop3A_704 = arith.select %parallel_loop3A_700, %parallel_loop3A_703, %xor3A_171 : vector<16xi1>, vector<16xi32>
        %parallel_loop3A_705 = vector.shape_cast %parallel_loop3A_704 : vector<16xi32> to vector<16x1xi32>
        %parallel_loop3A_706 = vector.shape_cast %parallel_loop3A_705 : vector<16x1xi32> to vector<16xi32>
        %parallel_loop3A_707 = tpu.dynamic_gather %parallel_loop3A_697[%parallel_loop3A_706] in [0] : vector<16xf32>, vector<16xi32> -> vector<16xf32>
        %parallel_loop3A_708 = arith.addf %parallel_loop3A_697, %parallel_loop3A_707 : vector<16xf32>
        %parallel_loop3A_709 = arith.constant 0 : i32
        %parallel_loop3A_710 = vector.broadcast %parallel_loop3A_709 : i32 to vector<16xi32>
        %parallel_loop3A_711 = arith.cmpi slt, %xor3A_174, %parallel_loop3A_710 : vector<16xi32>
        %parallel_loop3A_712 = arith.constant 16 : i32
        %parallel_loop3A_713 = vector.broadcast %parallel_loop3A_712 : i32 to vector<16xi32>
        %parallel_loop3A_714 = arith.addi %xor3A_174, %parallel_loop3A_713 : vector<16xi32>
        %parallel_loop3A_715 = arith.select %parallel_loop3A_711, %parallel_loop3A_714, %xor3A_174 : vector<16xi1>, vector<16xi32>
        %parallel_loop3A_716 = vector.shape_cast %parallel_loop3A_715 : vector<16xi32> to vector<16x1xi32>
        %parallel_loop3A_717 = vector.shape_cast %parallel_loop3A_716 : vector<16x1xi32> to vector<16xi32>
        %parallel_loop3A_718 = tpu.dynamic_gather %parallel_loop3A_708[%parallel_loop3A_717] in [0] : vector<16xf32>, vector<16xi32> -> vector<16xf32>
        %parallel_loop3A_719 = arith.addf %parallel_loop3A_708, %parallel_loop3A_718 : vector<16xf32>
        %parallel_loop3A_720 = math.exp %parallel_loop3A_719 : vector<16xf32>
        %parallel_loop3A_721 = arith.mulf %parallel_loop3A_720, %select_n3A : vector<16xf32>
        %parallel_loop3A_722 = arith.addf %parallel_loop3A_644, %parallel_loop3A_650 : vector<16xf32>
        %parallel_loop3A_723 = arith.constant 0 : i32
        %parallel_loop3A_724 = vector.broadcast %parallel_loop3A_723 : i32 to vector<16xi32>
        %parallel_loop3A_725 = arith.cmpi slt, %xor3A_165, %parallel_loop3A_724 : vector<16xi32>
        %parallel_loop3A_726 = arith.constant 16 : i32
        %parallel_loop3A_727 = vector.broadcast %parallel_loop3A_726 : i32 to vector<16xi32>
        %parallel_loop3A_728 = arith.addi %xor3A_165, %parallel_loop3A_727 : vector<16xi32>
        %parallel_loop3A_729 = arith.select %parallel_loop3A_725, %parallel_loop3A_728, %xor3A_165 : vector<16xi1>, vector<16xi32>
        %parallel_loop3A_730 = vector.shape_cast %parallel_loop3A_729 : vector<16xi32> to vector<16x1xi32>
        %parallel_loop3A_731 = vector.shape_cast %parallel_loop3A_730 : vector<16x1xi32> to vector<16xi32>
        %parallel_loop3A_732 = tpu.dynamic_gather %parallel_loop3A_722[%parallel_loop3A_731] in [0] : vector<16xf32>, vector<16xi32> -> vector<16xf32>
        %parallel_loop3A_733 = arith.addf %parallel_loop3A_722, %parallel_loop3A_732 : vector<16xf32>
        %parallel_loop3A_734 = arith.constant 0 : i32
        %parallel_loop3A_735 = vector.broadcast %parallel_loop3A_734 : i32 to vector<16xi32>
        %parallel_loop3A_736 = arith.cmpi slt, %xor3A_168, %parallel_loop3A_735 : vector<16xi32>
        %parallel_loop3A_737 = arith.constant 16 : i32
        %parallel_loop3A_738 = vector.broadcast %parallel_loop3A_737 : i32 to vector<16xi32>
        %parallel_loop3A_739 = arith.addi %xor3A_168, %parallel_loop3A_738 : vector<16xi32>
        %parallel_loop3A_740 = arith.select %parallel_loop3A_736, %parallel_loop3A_739, %xor3A_168 : vector<16xi1>, vector<16xi32>
        %parallel_loop3A_741 = vector.shape_cast %parallel_loop3A_740 : vector<16xi32> to vector<16x1xi32>
        %parallel_loop3A_742 = vector.shape_cast %parallel_loop3A_741 : vector<16x1xi32> to vector<16xi32>
        %parallel_loop3A_743 = tpu.dynamic_gather %parallel_loop3A_733[%parallel_loop3A_742] in [0] : vector<16xf32>, vector<16xi32> -> vector<16xf32>
        %parallel_loop3A_744 = arith.addf %parallel_loop3A_733, %parallel_loop3A_743 : vector<16xf32>
        %parallel_loop3A_745 = arith.constant 0 : i32
        %parallel_loop3A_746 = vector.broadcast %parallel_loop3A_745 : i32 to vector<16xi32>
        %parallel_loop3A_747 = arith.cmpi slt, %xor3A_171, %parallel_loop3A_746 : vector<16xi32>
        %parallel_loop3A_748 = arith.constant 16 : i32
        %parallel_loop3A_749 = vector.broadcast %parallel_loop3A_748 : i32 to vector<16xi32>
        %parallel_loop3A_750 = arith.addi %xor3A_171, %parallel_loop3A_749 : vector<16xi32>
        %parallel_loop3A_751 = arith.select %parallel_loop3A_747, %parallel_loop3A_750, %xor3A_171 : vector<16xi1>, vector<16xi32>
        %parallel_loop3A_752 = vector.shape_cast %parallel_loop3A_751 : vector<16xi32> to vector<16x1xi32>
        %parallel_loop3A_753 = vector.shape_cast %parallel_loop3A_752 : vector<16x1xi32> to vector<16xi32>
        %parallel_loop3A_754 = tpu.dynamic_gather %parallel_loop3A_744[%parallel_loop3A_753] in [0] : vector<16xf32>, vector<16xi32> -> vector<16xf32>
        %parallel_loop3A_755 = arith.addf %parallel_loop3A_744, %parallel_loop3A_754 : vector<16xf32>
        %parallel_loop3A_756 = arith.constant 0 : i32
        %parallel_loop3A_757 = vector.broadcast %parallel_loop3A_756 : i32 to vector<16xi32>
        %parallel_loop3A_758 = arith.cmpi slt, %xor3A_174, %parallel_loop3A_757 : vector<16xi32>
        %parallel_loop3A_759 = arith.constant 16 : i32
        %parallel_loop3A_760 = vector.broadcast %parallel_loop3A_759 : i32 to vector<16xi32>
        %parallel_loop3A_761 = arith.addi %xor3A_174, %parallel_loop3A_760 : vector<16xi32>
        %parallel_loop3A_762 = arith.select %parallel_loop3A_758, %parallel_loop3A_761, %xor3A_174 : vector<16xi1>, vector<16xi32>
        %parallel_loop3A_763 = vector.shape_cast %parallel_loop3A_762 : vector<16xi32> to vector<16x1xi32>
        %parallel_loop3A_764 = vector.shape_cast %parallel_loop3A_763 : vector<16x1xi32> to vector<16xi32>
        %parallel_loop3A_765 = tpu.dynamic_gather %parallel_loop3A_755[%parallel_loop3A_764] in [0] : vector<16xf32>, vector<16xi32> -> vector<16xf32>
        %parallel_loop3A_766 = arith.addf %parallel_loop3A_755, %parallel_loop3A_765 : vector<16xf32>
        %parallel_loop3A_767 = math.exp %parallel_loop3A_766 : vector<16xf32>
        %parallel_loop3A_768 = arith.mulf %parallel_loop3A_767, %select_n3A_147 : vector<16xf32>
        %parallel_loop3A_769 = arith.addf %parallel_loop3A_721, %parallel_loop3A_768 : vector<16xf32>
        %parallel_loop3A_770 = arith.addf %parallel_loop3A_656, %parallel_loop3A_662 : vector<16xf32>
        %parallel_loop3A_771 = arith.constant 0 : i32
        %parallel_loop3A_772 = vector.broadcast %parallel_loop3A_771 : i32 to vector<16xi32>
        %parallel_loop3A_773 = arith.cmpi slt, %xor3A_165, %parallel_loop3A_772 : vector<16xi32>
        %parallel_loop3A_774 = arith.constant 16 : i32
        %parallel_loop3A_775 = vector.broadcast %parallel_loop3A_774 : i32 to vector<16xi32>
        %parallel_loop3A_776 = arith.addi %xor3A_165, %parallel_loop3A_775 : vector<16xi32>
        %parallel_loop3A_777 = arith.select %parallel_loop3A_773, %parallel_loop3A_776, %xor3A_165 : vector<16xi1>, vector<16xi32>
        %parallel_loop3A_778 = vector.shape_cast %parallel_loop3A_777 : vector<16xi32> to vector<16x1xi32>
        %parallel_loop3A_779 = vector.shape_cast %parallel_loop3A_778 : vector<16x1xi32> to vector<16xi32>
        %parallel_loop3A_780 = tpu.dynamic_gather %parallel_loop3A_770[%parallel_loop3A_779] in [0] : vector<16xf32>, vector<16xi32> -> vector<16xf32>
        %parallel_loop3A_781 = arith.addf %parallel_loop3A_770, %parallel_loop3A_780 : vector<16xf32>
        %parallel_loop3A_782 = arith.constant 0 : i32
        %parallel_loop3A_783 = vector.broadcast %parallel_loop3A_782 : i32 to vector<16xi32>
        %parallel_loop3A_784 = arith.cmpi slt, %xor3A_168, %parallel_loop3A_783 : vector<16xi32>
        %parallel_loop3A_785 = arith.constant 16 : i32
        %parallel_loop3A_786 = vector.broadcast %parallel_loop3A_785 : i32 to vector<16xi32>
        %parallel_loop3A_787 = arith.addi %xor3A_168, %parallel_loop3A_786 : vector<16xi32>
        %parallel_loop3A_788 = arith.select %parallel_loop3A_784, %parallel_loop3A_787, %xor3A_168 : vector<16xi1>, vector<16xi32>
        %parallel_loop3A_789 = vector.shape_cast %parallel_loop3A_788 : vector<16xi32> to vector<16x1xi32>
        %parallel_loop3A_790 = vector.shape_cast %parallel_loop3A_789 : vector<16x1xi32> to vector<16xi32>
        %parallel_loop3A_791 = tpu.dynamic_gather %parallel_loop3A_781[%parallel_loop3A_790] in [0] : vector<16xf32>, vector<16xi32> -> vector<16xf32>
        %parallel_loop3A_792 = arith.addf %parallel_loop3A_781, %parallel_loop3A_791 : vector<16xf32>
        %parallel_loop3A_793 = arith.constant 0 : i32
        %parallel_loop3A_794 = vector.broadcast %parallel_loop3A_793 : i32 to vector<16xi32>
        %parallel_loop3A_795 = arith.cmpi slt, %xor3A_171, %parallel_loop3A_794 : vector<16xi32>
        %parallel_loop3A_796 = arith.constant 16 : i32
        %parallel_loop3A_797 = vector.broadcast %parallel_loop3A_796 : i32 to vector<16xi32>
        %parallel_loop3A_798 = arith.addi %xor3A_171, %parallel_loop3A_797 : vector<16xi32>
        %parallel_loop3A_799 = arith.select %parallel_loop3A_795, %parallel_loop3A_798, %xor3A_171 : vector<16xi1>, vector<16xi32>
        %parallel_loop3A_800 = vector.shape_cast %parallel_loop3A_799 : vector<16xi32> to vector<16x1xi32>
        %parallel_loop3A_801 = vector.shape_cast %parallel_loop3A_800 : vector<16x1xi32> to vector<16xi32>
        %parallel_loop3A_802 = tpu.dynamic_gather %parallel_loop3A_792[%parallel_loop3A_801] in [0] : vector<16xf32>, vector<16xi32> -> vector<16xf32>
        %parallel_loop3A_803 = arith.addf %parallel_loop3A_792, %parallel_loop3A_802 : vector<16xf32>
        %parallel_loop3A_804 = arith.constant 0 : i32
        %parallel_loop3A_805 = vector.broadcast %parallel_loop3A_804 : i32 to vector<16xi32>
        %parallel_loop3A_806 = arith.cmpi slt, %xor3A_174, %parallel_loop3A_805 : vector<16xi32>
        %parallel_loop3A_807 = arith.constant 16 : i32
        %parallel_loop3A_808 = vector.broadcast %parallel_loop3A_807 : i32 to vector<16xi32>
        %parallel_loop3A_809 = arith.addi %xor3A_174, %parallel_loop3A_808 : vector<16xi32>
        %parallel_loop3A_810 = arith.select %parallel_loop3A_806, %parallel_loop3A_809, %xor3A_174 : vector<16xi1>, vector<16xi32>
        %parallel_loop3A_811 = vector.shape_cast %parallel_loop3A_810 : vector<16xi32> to vector<16x1xi32>
        %parallel_loop3A_812 = vector.shape_cast %parallel_loop3A_811 : vector<16x1xi32> to vector<16xi32>
        %parallel_loop3A_813 = tpu.dynamic_gather %parallel_loop3A_803[%parallel_loop3A_812] in [0] : vector<16xf32>, vector<16xi32> -> vector<16xf32>
        %parallel_loop3A_814 = arith.addf %parallel_loop3A_803, %parallel_loop3A_813 : vector<16xf32>
        %parallel_loop3A_815 = math.exp %parallel_loop3A_814 : vector<16xf32>
        %parallel_loop3A_816 = arith.mulf %parallel_loop3A_815, %select_n3A_155 : vector<16xf32>
        %parallel_loop3A_817 = arith.addf %parallel_loop3A_769, %parallel_loop3A_816 : vector<16xf32>
        %parallel_loop3A_818 = arith.addf %parallel_loop3A_668, %parallel_loop3A_674 : vector<16xf32>
        %parallel_loop3A_819 = arith.constant 0 : i32
        %parallel_loop3A_820 = vector.broadcast %parallel_loop3A_819 : i32 to vector<16xi32>
        %parallel_loop3A_821 = arith.cmpi slt, %xor3A_165, %parallel_loop3A_820 : vector<16xi32>
        %parallel_loop3A_822 = arith.constant 16 : i32
        %parallel_loop3A_823 = vector.broadcast %parallel_loop3A_822 : i32 to vector<16xi32>
        %parallel_loop3A_824 = arith.addi %xor3A_165, %parallel_loop3A_823 : vector<16xi32>
        %parallel_loop3A_825 = arith.select %parallel_loop3A_821, %parallel_loop3A_824, %xor3A_165 : vector<16xi1>, vector<16xi32>
        %parallel_loop3A_826 = vector.shape_cast %parallel_loop3A_825 : vector<16xi32> to vector<16x1xi32>
        %parallel_loop3A_827 = vector.shape_cast %parallel_loop3A_826 : vector<16x1xi32> to vector<16xi32>
        %parallel_loop3A_828 = tpu.dynamic_gather %parallel_loop3A_818[%parallel_loop3A_827] in [0] : vector<16xf32>, vector<16xi32> -> vector<16xf32>
        %parallel_loop3A_829 = arith.addf %parallel_loop3A_818, %parallel_loop3A_828 : vector<16xf32>
        %parallel_loop3A_830 = arith.constant 0 : i32
        %parallel_loop3A_831 = vector.broadcast %parallel_loop3A_830 : i32 to vector<16xi32>
        %parallel_loop3A_832 = arith.cmpi slt, %xor3A_168, %parallel_loop3A_831 : vector<16xi32>
        %parallel_loop3A_833 = arith.constant 16 : i32
        %parallel_loop3A_834 = vector.broadcast %parallel_loop3A_833 : i32 to vector<16xi32>
        %parallel_loop3A_835 = arith.addi %xor3A_168, %parallel_loop3A_834 : vector<16xi32>
        %parallel_loop3A_836 = arith.select %parallel_loop3A_832, %parallel_loop3A_835, %xor3A_168 : vector<16xi1>, vector<16xi32>
        %parallel_loop3A_837 = vector.shape_cast %parallel_loop3A_836 : vector<16xi32> to vector<16x1xi32>
        %parallel_loop3A_838 = vector.shape_cast %parallel_loop3A_837 : vector<16x1xi32> to vector<16xi32>
        %parallel_loop3A_839 = tpu.dynamic_gather %parallel_loop3A_829[%parallel_loop3A_838] in [0] : vector<16xf32>, vector<16xi32> -> vector<16xf32>
        %parallel_loop3A_840 = arith.addf %parallel_loop3A_829, %parallel_loop3A_839 : vector<16xf32>
        %parallel_loop3A_841 = arith.constant 0 : i32
        %parallel_loop3A_842 = vector.broadcast %parallel_loop3A_841 : i32 to vector<16xi32>
        %parallel_loop3A_843 = arith.cmpi slt, %xor3A_171, %parallel_loop3A_842 : vector<16xi32>
        %parallel_loop3A_844 = arith.constant 16 : i32
        %parallel_loop3A_845 = vector.broadcast %parallel_loop3A_844 : i32 to vector<16xi32>
        %parallel_loop3A_846 = arith.addi %xor3A_171, %parallel_loop3A_845 : vector<16xi32>
        %parallel_loop3A_847 = arith.select %parallel_loop3A_843, %parallel_loop3A_846, %xor3A_171 : vector<16xi1>, vector<16xi32>
        %parallel_loop3A_848 = vector.shape_cast %parallel_loop3A_847 : vector<16xi32> to vector<16x1xi32>
        %parallel_loop3A_849 = vector.shape_cast %parallel_loop3A_848 : vector<16x1xi32> to vector<16xi32>
        %parallel_loop3A_850 = tpu.dynamic_gather %parallel_loop3A_840[%parallel_loop3A_849] in [0] : vector<16xf32>, vector<16xi32> -> vector<16xf32>
        %parallel_loop3A_851 = arith.addf %parallel_loop3A_840, %parallel_loop3A_850 : vector<16xf32>
        %parallel_loop3A_852 = arith.constant 0 : i32
        %parallel_loop3A_853 = vector.broadcast %parallel_loop3A_852 : i32 to vector<16xi32>
        %parallel_loop3A_854 = arith.cmpi slt, %xor3A_174, %parallel_loop3A_853 : vector<16xi32>
        %parallel_loop3A_855 = arith.constant 16 : i32
        %parallel_loop3A_856 = vector.broadcast %parallel_loop3A_855 : i32 to vector<16xi32>
        %parallel_loop3A_857 = arith.addi %xor3A_174, %parallel_loop3A_856 : vector<16xi32>
        %parallel_loop3A_858 = arith.select %parallel_loop3A_854, %parallel_loop3A_857, %xor3A_174 : vector<16xi1>, vector<16xi32>
        %parallel_loop3A_859 = vector.shape_cast %parallel_loop3A_858 : vector<16xi32> to vector<16x1xi32>
        %parallel_loop3A_860 = vector.shape_cast %parallel_loop3A_859 : vector<16x1xi32> to vector<16xi32>
        %parallel_loop3A_861 = tpu.dynamic_gather %parallel_loop3A_851[%parallel_loop3A_860] in [0] : vector<16xf32>, vector<16xi32> -> vector<16xf32>
        %parallel_loop3A_862 = arith.addf %parallel_loop3A_851, %parallel_loop3A_861 : vector<16xf32>
        %parallel_loop3A_863 = math.exp %parallel_loop3A_862 : vector<16xf32>
        %parallel_loop3A_864 = arith.mulf %parallel_loop3A_863, %select_n3A_163 : vector<16xf32>
        %parallel_loop3A_865 = arith.addf %parallel_loop3A_817, %parallel_loop3A_864 : vector<16xf32>
        %parallel_loop3A_866 = arith.mulf %parallel_loop3A_720, %parallel_loop3A_551 : vector<16xf32>
        %parallel_loop3A_867 = arith.index_cast %rem3A_490 : i32 to index
        %parallel_loop3A_868 = arith.index_cast %parallel_loop3A_546 : i32 to index
        %parallel_loop3A_869 = arith.constant 0 : index
        %parallel_loop3A_870 = tpu.vector_load %arg13[%parallel_loop3A_867, %parallel_loop3A_868, %parallel_loop3A_869] {strides = array<i32>} : memref<2x32x144xf32, #tpu.memory_space<vmem>>, vector<1x1x16xf32>,
        %parallel_loop3A_871 = vector.shape_cast %parallel_loop3A_870 : vector<1x1x16xf32> to vector<16xf32>
        %parallel_loop3A_872 = vector.shape_cast %parallel_loop3A_866 : vector<16xf32> to vector<1x1x16xf32>
        tpu.vector_store %arg13[%parallel_loop3A_867, %parallel_loop3A_868, %parallel_loop3A_869], %parallel_loop3A_872 {strides = array<i32>} : memref<2x32x144xf32, #tpu.memory_space<vmem>>, vector<1x1x16xf32>,
        %parallel_loop3A_873 = arith.mulf %parallel_loop3A_720, %parallel_loop3A_556 : vector<16xf32>
        %parallel_loop3A_874 = arith.index_cast %rem3A_490 : i32 to index
        %parallel_loop3A_875 = arith.index_cast %parallel_loop3A_546 : i32 to index
        %parallel_loop3A_876 = arith.constant 16 : index
        %parallel_loop3A_877 = tpu.vector_load %arg13[%parallel_loop3A_874, %parallel_loop3A_875, %parallel_loop3A_876] {strides = array<i32>} : memref<2x32x144xf32, #tpu.memory_space<vmem>>, vector<1x1x16xf32>,
        %parallel_loop3A_878 = vector.shape_cast %parallel_loop3A_877 : vector<1x1x16xf32> to vector<16xf32>
        %parallel_loop3A_879 = vector.shape_cast %parallel_loop3A_873 : vector<16xf32> to vector<1x1x16xf32>
        tpu.vector_store %arg13[%parallel_loop3A_874, %parallel_loop3A_875, %parallel_loop3A_876], %parallel_loop3A_879 {strides = array<i32>} : memref<2x32x144xf32, #tpu.memory_space<vmem>>, vector<1x1x16xf32>,
        %parallel_loop3A_880 = arith.mulf %parallel_loop3A_767, %parallel_loop3A_561 : vector<16xf32>
        %parallel_loop3A_881 = arith.index_cast %rem3A_490 : i32 to index
        %parallel_loop3A_882 = arith.index_cast %parallel_loop3A_546 : i32 to index
        %parallel_loop3A_883 = arith.constant 32 : index
        %parallel_loop3A_884 = tpu.vector_load %arg13[%parallel_loop3A_881, %parallel_loop3A_882, %parallel_loop3A_883] {strides = array<i32>} : memref<2x32x144xf32, #tpu.memory_space<vmem>>, vector<1x1x16xf32>,
        %parallel_loop3A_885 = vector.shape_cast %parallel_loop3A_884 : vector<1x1x16xf32> to vector<16xf32>
        %parallel_loop3A_886 = vector.shape_cast %parallel_loop3A_880 : vector<16xf32> to vector<1x1x16xf32>
        tpu.vector_store %arg13[%parallel_loop3A_881, %parallel_loop3A_882, %parallel_loop3A_883], %parallel_loop3A_886 {strides = array<i32>} : memref<2x32x144xf32, #tpu.memory_space<vmem>>, vector<1x1x16xf32>,
        %parallel_loop3A_887 = arith.mulf %parallel_loop3A_767, %parallel_loop3A_566 : vector<16xf32>
        %parallel_loop3A_888 = arith.index_cast %rem3A_490 : i32 to index
        %parallel_loop3A_889 = arith.index_cast %parallel_loop3A_546 : i32 to index
        %parallel_loop3A_890 = arith.constant 48 : index
        %parallel_loop3A_891 = tpu.vector_load %arg13[%parallel_loop3A_888, %parallel_loop3A_889, %parallel_loop3A_890] {strides = array<i32>} : memref<2x32x144xf32, #tpu.memory_space<vmem>>, vector<1x1x16xf32>,
        %parallel_loop3A_892 = vector.shape_cast %parallel_loop3A_891 : vector<1x1x16xf32> to vector<16xf32>
        %parallel_loop3A_893 = vector.shape_cast %parallel_loop3A_887 : vector<16xf32> to vector<1x1x16xf32>
        tpu.vector_store %arg13[%parallel_loop3A_888, %parallel_loop3A_889, %parallel_loop3A_890], %parallel_loop3A_893 {strides = array<i32>} : memref<2x32x144xf32, #tpu.memory_space<vmem>>, vector<1x1x16xf32>,
        %parallel_loop3A_894 = arith.mulf %parallel_loop3A_815, %parallel_loop3A_571 : vector<16xf32>
        %parallel_loop3A_895 = arith.index_cast %rem3A_490 : i32 to index
        %parallel_loop3A_896 = arith.index_cast %parallel_loop3A_546 : i32 to index
        %parallel_loop3A_897 = arith.constant 64 : index
        %parallel_loop3A_898 = tpu.vector_load %arg13[%parallel_loop3A_895, %parallel_loop3A_896, %parallel_loop3A_897] {strides = array<i32>} : memref<2x32x144xf32, #tpu.memory_space<vmem>>, vector<1x1x16xf32>,
        %parallel_loop3A_899 = vector.shape_cast %parallel_loop3A_898 : vector<1x1x16xf32> to vector<16xf32>
        %parallel_loop3A_900 = vector.shape_cast %parallel_loop3A_894 : vector<16xf32> to vector<1x1x16xf32>
        tpu.vector_store %arg13[%parallel_loop3A_895, %parallel_loop3A_896, %parallel_loop3A_897], %parallel_loop3A_900 {strides = array<i32>} : memref<2x32x144xf32, #tpu.memory_space<vmem>>, vector<1x1x16xf32>,
        %parallel_loop3A_901 = arith.mulf %parallel_loop3A_815, %parallel_loop3A_576 : vector<16xf32>
        %parallel_loop3A_902 = arith.index_cast %rem3A_490 : i32 to index
        %parallel_loop3A_903 = arith.index_cast %parallel_loop3A_546 : i32 to index
        %parallel_loop3A_904 = arith.constant 80 : index
        %parallel_loop3A_905 = tpu.vector_load %arg13[%parallel_loop3A_902, %parallel_loop3A_903, %parallel_loop3A_904] {strides = array<i32>} : memref<2x32x144xf32, #tpu.memory_space<vmem>>, vector<1x1x16xf32>,
        %parallel_loop3A_906 = vector.shape_cast %parallel_loop3A_905 : vector<1x1x16xf32> to vector<16xf32>
        %parallel_loop3A_907 = vector.shape_cast %parallel_loop3A_901 : vector<16xf32> to vector<1x1x16xf32>
        tpu.vector_store %arg13[%parallel_loop3A_902, %parallel_loop3A_903, %parallel_loop3A_904], %parallel_loop3A_907 {strides = array<i32>} : memref<2x32x144xf32, #tpu.memory_space<vmem>>, vector<1x1x16xf32>,
        %parallel_loop3A_908 = arith.mulf %parallel_loop3A_863, %parallel_loop3A_581 : vector<16xf32>
        %parallel_loop3A_909 = arith.index_cast %rem3A_490 : i32 to index
        %parallel_loop3A_910 = arith.index_cast %parallel_loop3A_546 : i32 to index
        %parallel_loop3A_911 = arith.constant 96 : index
        %parallel_loop3A_912 = tpu.vector_load %arg13[%parallel_loop3A_909, %parallel_loop3A_910, %parallel_loop3A_911] {strides = array<i32>} : memref<2x32x144xf32, #tpu.memory_space<vmem>>, vector<1x1x16xf32>,
        %parallel_loop3A_913 = vector.shape_cast %parallel_loop3A_912 : vector<1x1x16xf32> to vector<16xf32>
        %parallel_loop3A_914 = vector.shape_cast %parallel_loop3A_908 : vector<16xf32> to vector<1x1x16xf32>
        tpu.vector_store %arg13[%parallel_loop3A_909, %parallel_loop3A_910, %parallel_loop3A_911], %parallel_loop3A_914 {strides = array<i32>} : memref<2x32x144xf32, #tpu.memory_space<vmem>>, vector<1x1x16xf32>,
        %parallel_loop3A_915 = arith.mulf %parallel_loop3A_863, %parallel_loop3A_586 : vector<16xf32>
        %parallel_loop3A_916 = arith.index_cast %rem3A_490 : i32 to index
        %parallel_loop3A_917 = arith.index_cast %parallel_loop3A_546 : i32 to index
        %parallel_loop3A_918 = arith.constant 112 : index
        %parallel_loop3A_919 = tpu.vector_load %arg13[%parallel_loop3A_916, %parallel_loop3A_917, %parallel_loop3A_918] {strides = array<i32>} : memref<2x32x144xf32, #tpu.memory_space<vmem>>, vector<1x1x16xf32>,
        %parallel_loop3A_920 = vector.shape_cast %parallel_loop3A_919 : vector<1x1x16xf32> to vector<16xf32>
        %parallel_loop3A_921 = vector.shape_cast %parallel_loop3A_915 : vector<16xf32> to vector<1x1x16xf32>
        tpu.vector_store %arg13[%parallel_loop3A_916, %parallel_loop3A_917, %parallel_loop3A_918], %parallel_loop3A_921 {strides = array<i32>} : memref<2x32x144xf32, #tpu.memory_space<vmem>>, vector<1x1x16xf32>,
        %parallel_loop3A_922 = arith.index_cast %rem3A_490 : i32 to index
        %parallel_loop3A_923 = arith.index_cast %parallel_loop3A_546 : i32 to index
        %parallel_loop3A_924 = arith.constant 128 : index
        %parallel_loop3A_925 = tpu.vector_load %arg13[%parallel_loop3A_922, %parallel_loop3A_923, %parallel_loop3A_924] {strides = array<i32>} : memref<2x32x144xf32, #tpu.memory_space<vmem>>, vector<1x1x16xf32>,
        %parallel_loop3A_926 = vector.shape_cast %parallel_loop3A_925 : vector<1x1x16xf32> to vector<16xf32>
        %parallel_loop3A_927 = vector.shape_cast %parallel_loop3A_865 : vector<16xf32> to vector<1x1x16xf32>
        tpu.vector_store %arg13[%parallel_loop3A_922, %parallel_loop3A_923, %parallel_loop3A_924], %parallel_loop3A_927 {strides = array<i32>} : memref<2x32x144xf32, #tpu.memory_space<vmem>>, vector<1x1x16xf32>,
      } {sc.loop_unroll_factor = 2 : i64, sc.parallel_access}
      %dma_start3A_534 = arith.constant 0 : i32
      %dma_start3A_535 = arith.constant 0 : i32
      %dma_start3A_536 = tpu.memref_slice %arg13[%rem3A_490, %dma_start3A_534, %dma_start3A_535] : memref<2x32x144xf32, #tpu.memory_space<vmem>> -> memref<1x32x144xf32, #tpu.memory_space<vmem>>
      %dma_start3A_537 = tpu.memref_squeeze %dma_start3A_536 : memref<1x32x144xf32, #tpu.memory_space<vmem>> -> memref<32x144xf32, #tpu.memory_space<vmem>>
      %dma_start3A_538 = arith.constant 0 : i32
      %dma_start3A_539 = tpu.memref_slice %arg10[%rem3A_492, %dma_start3A_538] : memref<3x32xi32, #tpu.memory_space<vmem>> -> memref<1x32xi32, #tpu.memory_space<vmem>>
      %dma_start3A_540 = tpu.memref_squeeze %dma_start3A_539 : memref<1x32xi32, #tpu.memory_space<vmem>> -> memref<32xi32, #tpu.memory_space<vmem>>
      %dma_start3A_541 = arith.constant 0 : i32
      %dma_start3A_542 = arith.constant 0 : i32
      %dma_start3A_543 = tpu.memref_slice %arg15[%dma_start3A_541, %dma_start3A_542] : memref<10240x144xf32, #tpu.memory_space<vmem_shared>> -> memref<10240x144xf32, #tpu.memory_space<vmem_shared>>
      %dma_start3A_544 = tpu.memref_slice %arg19[%rem3A_490] : memref<2x!tpu.dma_semaphore, #tpu.memory_space<semaphore_mem>> -> memref<1x!tpu.dma_semaphore, #tpu.memory_space<semaphore_mem>>
      %dma_start3A_545 = tpu.memref_squeeze %dma_start3A_544 : memref<1x!tpu.dma_semaphore, #tpu.memory_space<semaphore_mem>> -> memref<!tpu.dma_semaphore, #tpu.memory_space<semaphore_mem>>
      tpu.enqueue_indirect_dma source(%dma_start3A_537 : memref<32x144xf32, #tpu.memory_space<vmem>>) target(%dma_start3A_543 : memref<10240x144xf32, #tpu.memory_space<vmem_shared>>) offsets(%dma_start3A_540 : memref<32xi32, #tpu.memory_space<vmem>>) semaphore(%dma_start3A_545 : memref<!tpu.dma_semaphore, #tpu.memory_space<semaphore_mem>>) {add = true}
    }
    %scan3A_366 = arith.constant 625 : i32
    %dma_wait3A_367 = arith.constant 0 : i32
    %dma_wait3A_368 = arith.constant 0 : i32
    %dma_wait3A_369 = arith.constant 0 : i32
    %dma_wait3A_370 = arith.constant 0 : i32
    %dma_wait3A_371 = tpu.memref_slice %arg13[%dma_wait3A_367, %dma_wait3A_369, %dma_wait3A_370] : memref<2x32x144xf32, #tpu.memory_space<vmem>> -> memref<1x32x144xf32, #tpu.memory_space<vmem>>
    %dma_wait3A_372 = tpu.memref_squeeze %dma_wait3A_371 : memref<1x32x144xf32, #tpu.memory_space<vmem>> -> memref<32x144xf32, #tpu.memory_space<vmem>>
    %dma_wait3A_373 = arith.constant 0 : i32
    %dma_wait3A_374 = arith.constant 0 : i32
    %dma_wait3A_375 = tpu.memref_slice %arg15[%dma_wait3A_373, %dma_wait3A_374] : memref<10240x144xf32, #tpu.memory_space<vmem_shared>> -> memref<32x144xf32, #tpu.memory_space<vmem_shared>>
    %dma_wait3A_376 = tpu.memref_slice %arg19[%dma_wait3A_368] : memref<2x!tpu.dma_semaphore, #tpu.memory_space<semaphore_mem>> -> memref<1x!tpu.dma_semaphore, #tpu.memory_space<semaphore_mem>>
    %dma_wait3A_377 = tpu.memref_squeeze %dma_wait3A_376 : memref<1x!tpu.dma_semaphore, #tpu.memory_space<semaphore_mem>> -> memref<!tpu.dma_semaphore, #tpu.memory_space<semaphore_mem>>
    %dma_wait3A_378 = arith.constant 0 : i32
    %dma_wait3A_379 = arith.constant 0 : i32
    %dma_wait3A_380 = tpu.memref_slice %arg15[%dma_wait3A_378, %dma_wait3A_379] : memref<10240x144xf32, #tpu.memory_space<vmem_shared>> -> memref<32x144xf32, #tpu.memory_space<vmem_shared>>
    %dma_wait3A_381 = arith.constant 0 : i32
    %dma_wait3A_382 = arith.constant 0 : i32
    %dma_wait3A_383 = tpu.memref_slice %arg13[%dma_wait3A_367, %dma_wait3A_381, %dma_wait3A_382] : memref<2x32x144xf32, #tpu.memory_space<vmem>> -> memref<1x32x144xf32, #tpu.memory_space<vmem>>
    %dma_wait3A_384 = tpu.memref_squeeze %dma_wait3A_383 : memref<1x32x144xf32, #tpu.memory_space<vmem>> -> memref<32x144xf32, #tpu.memory_space<vmem>>
    tpu.wait_dma2 semaphore(%dma_wait3A_377 : memref<!tpu.dma_semaphore, #tpu.memory_space<semaphore_mem>>) src(%dma_wait3A_384 : memref<32x144xf32, #tpu.memory_space<vmem>>) dst(%dma_wait3A_380 : memref<32x144xf32, #tpu.memory_space<vmem_shared>>)
    %dma_wait3A_385 = arith.constant 1 : i32
    %dma_wait3A_386 = arith.constant 1 : i32
    %dma_wait3A_387 = arith.constant 0 : i32
    %dma_wait3A_388 = arith.constant 0 : i32
    %dma_wait3A_389 = tpu.memref_slice %arg13[%dma_wait3A_385, %dma_wait3A_387, %dma_wait3A_388] : memref<2x32x144xf32, #tpu.memory_space<vmem>> -> memref<1x32x144xf32, #tpu.memory_space<vmem>>
    %dma_wait3A_390 = tpu.memref_squeeze %dma_wait3A_389 : memref<1x32x144xf32, #tpu.memory_space<vmem>> -> memref<32x144xf32, #tpu.memory_space<vmem>>
    %dma_wait3A_391 = arith.constant 0 : i32
    %dma_wait3A_392 = arith.constant 0 : i32
    %dma_wait3A_393 = tpu.memref_slice %arg15[%dma_wait3A_391, %dma_wait3A_392] : memref<10240x144xf32, #tpu.memory_space<vmem_shared>> -> memref<32x144xf32, #tpu.memory_space<vmem_shared>>
    %dma_wait3A_394 = tpu.memref_slice %arg19[%dma_wait3A_386] : memref<2x!tpu.dma_semaphore, #tpu.memory_space<semaphore_mem>> -> memref<1x!tpu.dma_semaphore, #tpu.memory_space<semaphore_mem>>
    %dma_wait3A_395 = tpu.memref_squeeze %dma_wait3A_394 : memref<1x!tpu.dma_semaphore, #tpu.memory_space<semaphore_mem>> -> memref<!tpu.dma_semaphore, #tpu.memory_space<semaphore_mem>>
    %dma_wait3A_396 = arith.constant 0 : i32
    %dma_wait3A_397 = arith.constant 0 : i32
    %dma_wait3A_398 = tpu.memref_slice %arg15[%dma_wait3A_396, %dma_wait3A_397] : memref<10240x144xf32, #tpu.memory_space<vmem_shared>> -> memref<32x144xf32, #tpu.memory_space<vmem_shared>>
    %dma_wait3A_399 = arith.constant 0 : i32
    %dma_wait3A_400 = arith.constant 0 : i32
    %dma_wait3A_401 = tpu.memref_slice %arg13[%dma_wait3A_385, %dma_wait3A_399, %dma_wait3A_400] : memref<2x32x144xf32, #tpu.memory_space<vmem>> -> memref<1x32x144xf32, #tpu.memory_space<vmem>>
    %dma_wait3A_402 = tpu.memref_squeeze %dma_wait3A_401 : memref<1x32x144xf32, #tpu.memory_space<vmem>> -> memref<32x144xf32, #tpu.memory_space<vmem>>
    tpu.wait_dma2 semaphore(%dma_wait3A_395 : memref<!tpu.dma_semaphore, #tpu.memory_space<semaphore_mem>>) src(%dma_wait3A_402 : memref<32x144xf32, #tpu.memory_space<vmem>>) dst(%dma_wait3A_398 : memref<32x144xf32, #tpu.memory_space<vmem_shared>>)
    %barrier3A_403 = arith.constant 0 : index
    tpu.barrier barrier_id(%barrier3A_403)
    %mul3A_404 = arith.constant 640 : i32
    %mul3A_405 = arith.muli %arg1, %mul3A_404 : i32
    %add3A_406 = arith.constant 0 : i32
    %add3A_407 = arith.addi %mul3A_405, %add3A_406 : i32
    "tpu.region"() ({
      %run_scoped3A_484 = tpu.sem_alloc : memref<!tpu.dma_semaphore, #tpu.memory_space<semaphore_mem>>
      %dma_start3A_485 = arith.constant 0 : i32
      %dma_start3A_486 = tpu.memref_slice %arg6[%arg0, %add3A_407, %dma_start3A_485] : memref<2x10240x144xf32, #tpu.memory_space<hbm>> -> memref<1x32x144xf32, #tpu.memory_space<hbm>>
      %dma_start3A_487 = tpu.memref_squeeze %dma_start3A_486 : memref<1x32x144xf32, #tpu.memory_space<hbm>> -> memref<32x144xf32, #tpu.memory_space<hbm>>
      %dma_start3A_488 = arith.constant 0 : i32
      %dma_start3A_489 = tpu.memref_slice %arg15[%add3A_407, %dma_start3A_488] : memref<10240x144xf32, #tpu.memory_space<vmem_shared>> -> memref<32x144xf32, #tpu.memory_space<vmem_shared>>
      tpu.enqueue_dma source(%dma_start3A_489 : memref<32x144xf32, #tpu.memory_space<vmem_shared>>) target(%dma_start3A_487 : memref<32x144xf32, #tpu.memory_space<hbm>>) target_semaphore(%run_scoped3A_484 : memref<!tpu.dma_semaphore, #tpu.memory_space<semaphore_mem>>)
      %dma_wait3A_490 = arith.constant 0 : i32
      %dma_wait3A_491 = tpu.memref_slice %arg6[%arg0, %add3A_407, %dma_wait3A_490] : memref<2x10240x144xf32, #tpu.memory_space<hbm>> -> memref<1x32x144xf32, #tpu.memory_space<hbm>>
      %dma_wait3A_492 = tpu.memref_squeeze %dma_wait3A_491 : memref<1x32x144xf32, #tpu.memory_space<hbm>> -> memref<32x144xf32, #tpu.memory_space<hbm>>
      %dma_wait3A_493 = arith.constant 0 : i32
      %dma_wait3A_494 = tpu.memref_slice %arg15[%add3A_407, %dma_wait3A_493] : memref<10240x144xf32, #tpu.memory_space<vmem_shared>> -> memref<32x144xf32, #tpu.memory_space<vmem_shared>>
      tpu.wait_dma2 semaphore(%run_scoped3A_484 : memref<!tpu.dma_semaphore, #tpu.memory_space<semaphore_mem>>) src(%dma_wait3A_494 : memref<32x144xf32, #tpu.memory_space<vmem_shared>>) dst(%dma_wait3A_492 : memref<32x144xf32, #tpu.memory_space<hbm>>)
      tpu.yield
    }) : () -> ()
    %mul3A_408 = arith.constant 640 : i32
    %mul3A_409 = arith.muli %arg1, %mul3A_408 : i32
    %add3A_410 = arith.constant 32 : i32
    %add3A_411 = arith.addi %mul3A_409, %add3A_410 : i32
    "tpu.region"() ({
      %run_scoped3A_484 = tpu.sem_alloc : memref<!tpu.dma_semaphore, #tpu.memory_space<semaphore_mem>>
      %dma_start3A_485 = arith.constant 0 : i32
      %dma_start3A_486 = tpu.memref_slice %arg6[%arg0, %add3A_411, %dma_start3A_485] : memref<2x10240x144xf32, #tpu.memory_space<hbm>> -> memref<1x32x144xf32, #tpu.memory_space<hbm>>
      %dma_start3A_487 = tpu.memref_squeeze %dma_start3A_486 : memref<1x32x144xf32, #tpu.memory_space<hbm>> -> memref<32x144xf32, #tpu.memory_space<hbm>>
      %dma_start3A_488 = arith.constant 0 : i32
      %dma_start3A_489 = tpu.memref_slice %arg15[%add3A_411, %dma_start3A_488] : memref<10240x144xf32, #tpu.memory_space<vmem_shared>> -> memref<32x144xf32, #tpu.memory_space<vmem_shared>>
      tpu.enqueue_dma source(%dma_start3A_489 : memref<32x144xf32, #tpu.memory_space<vmem_shared>>) target(%dma_start3A_487 : memref<32x144xf32, #tpu.memory_space<hbm>>) target_semaphore(%run_scoped3A_484 : memref<!tpu.dma_semaphore, #tpu.memory_space<semaphore_mem>>)
      %dma_wait3A_490 = arith.constant 0 : i32
      %dma_wait3A_491 = tpu.memref_slice %arg6[%arg0, %add3A_411, %dma_wait3A_490] : memref<2x10240x144xf32, #tpu.memory_space<hbm>> -> memref<1x32x144xf32, #tpu.memory_space<hbm>>
      %dma_wait3A_492 = tpu.memref_squeeze %dma_wait3A_491 : memref<1x32x144xf32, #tpu.memory_space<hbm>> -> memref<32x144xf32, #tpu.memory_space<hbm>>
      %dma_wait3A_493 = arith.constant 0 : i32
      %dma_wait3A_494 = tpu.memref_slice %arg15[%add3A_411, %dma_wait3A_493] : memref<10240x144xf32, #tpu.memory_space<vmem_shared>> -> memref<32x144xf32, #tpu.memory_space<vmem_shared>>
      tpu.wait_dma2 semaphore(%run_scoped3A_484 : memref<!tpu.dma_semaphore, #tpu.memory_space<semaphore_mem>>) src(%dma_wait3A_494 : memref<32x144xf32, #tpu.memory_space<vmem_shared>>) dst(%dma_wait3A_492 : memref<32x144xf32, #tpu.memory_space<hbm>>)
      tpu.yield
    }) : () -> ()
    %mul3A_412 = arith.constant 640 : i32
    %mul3A_413 = arith.muli %arg1, %mul3A_412 : i32
    %add3A_414 = arith.constant 64 : i32
    %add3A_415 = arith.addi %mul3A_413, %add3A_414 : i32
    "tpu.region"() ({
      %run_scoped3A_484 = tpu.sem_alloc : memref<!tpu.dma_semaphore, #tpu.memory_space<semaphore_mem>>
      %dma_start3A_485 = arith.constant 0 : i32
      %dma_start3A_486 = tpu.memref_slice %arg6[%arg0, %add3A_415, %dma_start3A_485] : memref<2x10240x144xf32, #tpu.memory_space<hbm>> -> memref<1x32x144xf32, #tpu.memory_space<hbm>>
      %dma_start3A_487 = tpu.memref_squeeze %dma_start3A_486 : memref<1x32x144xf32, #tpu.memory_space<hbm>> -> memref<32x144xf32, #tpu.memory_space<hbm>>
      %dma_start3A_488 = arith.constant 0 : i32
      %dma_start3A_489 = tpu.memref_slice %arg15[%add3A_415, %dma_start3A_488] : memref<10240x144xf32, #tpu.memory_space<vmem_shared>> -> memref<32x144xf32, #tpu.memory_space<vmem_shared>>
      tpu.enqueue_dma source(%dma_start3A_489 : memref<32x144xf32, #tpu.memory_space<vmem_shared>>) target(%dma_start3A_487 : memref<32x144xf32, #tpu.memory_space<hbm>>) target_semaphore(%run_scoped3A_484 : memref<!tpu.dma_semaphore, #tpu.memory_space<semaphore_mem>>)
      %dma_wait3A_490 = arith.constant 0 : i32
      %dma_wait3A_491 = tpu.memref_slice %arg6[%arg0, %add3A_415, %dma_wait3A_490] : memref<2x10240x144xf32, #tpu.memory_space<hbm>> -> memref<1x32x144xf32, #tpu.memory_space<hbm>>
      %dma_wait3A_492 = tpu.memref_squeeze %dma_wait3A_491 : memref<1x32x144xf32, #tpu.memory_space<hbm>> -> memref<32x144xf32, #tpu.memory_space<hbm>>
      %dma_wait3A_493 = arith.constant 0 : i32
      %dma_wait3A_494 = tpu.memref_slice %arg15[%add3A_415, %dma_wait3A_493] : memref<10240x144xf32, #tpu.memory_space<vmem_shared>> -> memref<32x144xf32, #tpu.memory_space<vmem_shared>>
      tpu.wait_dma2 semaphore(%run_scoped3A_484 : memref<!tpu.dma_semaphore, #tpu.memory_space<semaphore_mem>>) src(%dma_wait3A_494 : memref<32x144xf32, #tpu.memory_space<vmem_shared>>) dst(%dma_wait3A_492 : memref<32x144xf32, #tpu.memory_space<hbm>>)
      tpu.yield
    }) : () -> ()
    %mul3A_416 = arith.constant 640 : i32
    %mul3A_417 = arith.muli %arg1, %mul3A_416 : i32
    %add3A_418 = arith.constant 96 : i32
    %add3A_419 = arith.addi %mul3A_417, %add3A_418 : i32
    "tpu.region"() ({
      %run_scoped3A_484 = tpu.sem_alloc : memref<!tpu.dma_semaphore, #tpu.memory_space<semaphore_mem>>
      %dma_start3A_485 = arith.constant 0 : i32
      %dma_start3A_486 = tpu.memref_slice %arg6[%arg0, %add3A_419, %dma_start3A_485] : memref<2x10240x144xf32, #tpu.memory_space<hbm>> -> memref<1x32x144xf32, #tpu.memory_space<hbm>>
      %dma_start3A_487 = tpu.memref_squeeze %dma_start3A_486 : memref<1x32x144xf32, #tpu.memory_space<hbm>> -> memref<32x144xf32, #tpu.memory_space<hbm>>
      %dma_start3A_488 = arith.constant 0 : i32
      %dma_start3A_489 = tpu.memref_slice %arg15[%add3A_419, %dma_start3A_488] : memref<10240x144xf32, #tpu.memory_space<vmem_shared>> -> memref<32x144xf32, #tpu.memory_space<vmem_shared>>
      tpu.enqueue_dma source(%dma_start3A_489 : memref<32x144xf32, #tpu.memory_space<vmem_shared>>) target(%dma_start3A_487 : memref<32x144xf32, #tpu.memory_space<hbm>>) target_semaphore(%run_scoped3A_484 : memref<!tpu.dma_semaphore, #tpu.memory_space<semaphore_mem>>)
      %dma_wait3A_490 = arith.constant 0 : i32
      %dma_wait3A_491 = tpu.memref_slice %arg6[%arg0, %add3A_419, %dma_wait3A_490] : memref<2x10240x144xf32, #tpu.memory_space<hbm>> -> memref<1x32x144xf32, #tpu.memory_space<hbm>>
      %dma_wait3A_492 = tpu.memref_squeeze %dma_wait3A_491 : memref<1x32x144xf32, #tpu.memory_space<hbm>> -> memref<32x144xf32, #tpu.memory_space<hbm>>
      %dma_wait3A_493 = arith.constant 0 : i32
      %dma_wait3A_494 = tpu.memref_slice %arg15[%add3A_419, %dma_wait3A_493] : memref<10240x144xf32, #tpu.memory_space<vmem_shared>> -> memref<32x144xf32, #tpu.memory_space<vmem_shared>>
      tpu.wait_dma2 semaphore(%run_scoped3A_484 : memref<!tpu.dma_semaphore, #tpu.memory_space<semaphore_mem>>) src(%dma_wait3A_494 : memref<32x144xf32, #tpu.memory_space<vmem_shared>>) dst(%dma_wait3A_492 : memref<32x144xf32, #tpu.memory_space<hbm>>)
      tpu.yield
    }) : () -> ()
    %mul3A_420 = arith.constant 640 : i32
    %mul3A_421 = arith.muli %arg1, %mul3A_420 : i32
    %add3A_422 = arith.constant 128 : i32
    %add3A_423 = arith.addi %mul3A_421, %add3A_422 : i32
    "tpu.region"() ({
      %run_scoped3A_484 = tpu.sem_alloc : memref<!tpu.dma_semaphore, #tpu.memory_space<semaphore_mem>>
      %dma_start3A_485 = arith.constant 0 : i32
      %dma_start3A_486 = tpu.memref_slice %arg6[%arg0, %add3A_423, %dma_start3A_485] : memref<2x10240x144xf32, #tpu.memory_space<hbm>> -> memref<1x32x144xf32, #tpu.memory_space<hbm>>
      %dma_start3A_487 = tpu.memref_squeeze %dma_start3A_486 : memref<1x32x144xf32, #tpu.memory_space<hbm>> -> memref<32x144xf32, #tpu.memory_space<hbm>>
      %dma_start3A_488 = arith.constant 0 : i32
      %dma_start3A_489 = tpu.memref_slice %arg15[%add3A_423, %dma_start3A_488] : memref<10240x144xf32, #tpu.memory_space<vmem_shared>> -> memref<32x144xf32, #tpu.memory_space<vmem_shared>>
      tpu.enqueue_dma source(%dma_start3A_489 : memref<32x144xf32, #tpu.memory_space<vmem_shared>>) target(%dma_start3A_487 : memref<32x144xf32, #tpu.memory_space<hbm>>) target_semaphore(%run_scoped3A_484 : memref<!tpu.dma_semaphore, #tpu.memory_space<semaphore_mem>>)
      %dma_wait3A_490 = arith.constant 0 : i32
      %dma_wait3A_491 = tpu.memref_slice %arg6[%arg0, %add3A_423, %dma_wait3A_490] : memref<2x10240x144xf32, #tpu.memory_space<hbm>> -> memref<1x32x144xf32, #tpu.memory_space<hbm>>
      %dma_wait3A_492 = tpu.memref_squeeze %dma_wait3A_491 : memref<1x32x144xf32, #tpu.memory_space<hbm>> -> memref<32x144xf32, #tpu.memory_space<hbm>>
      %dma_wait3A_493 = arith.constant 0 : i32
      %dma_wait3A_494 = tpu.memref_slice %arg15[%add3A_423, %dma_wait3A_493] : memref<10240x144xf32, #tpu.memory_space<vmem_shared>> -> memref<32x144xf32, #tpu.memory_space<vmem_shared>>
      tpu.wait_dma2 semaphore(%run_scoped3A_484 : memref<!tpu.dma_semaphore, #tpu.memory_space<semaphore_mem>>) src(%dma_wait3A_494 : memref<32x144xf32, #tpu.memory_space<vmem_shared>>) dst(%dma_wait3A_492 : memref<32x144xf32, #tpu.memory_space<hbm>>)
      tpu.yield
    }) : () -> ()
    %mul3A_424 = arith.constant 640 : i32
    %mul3A_425 = arith.muli %arg1, %mul3A_424 : i32
    %add3A_426 = arith.constant 160 : i32
    %add3A_427 = arith.addi %mul3A_425, %add3A_426 : i32
    "tpu.region"() ({
      %run_scoped3A_484 = tpu.sem_alloc : memref<!tpu.dma_semaphore, #tpu.memory_space<semaphore_mem>>
      %dma_start3A_485 = arith.constant 0 : i32
      %dma_start3A_486 = tpu.memref_slice %arg6[%arg0, %add3A_427, %dma_start3A_485] : memref<2x10240x144xf32, #tpu.memory_space<hbm>> -> memref<1x32x144xf32, #tpu.memory_space<hbm>>
      %dma_start3A_487 = tpu.memref_squeeze %dma_start3A_486 : memref<1x32x144xf32, #tpu.memory_space<hbm>> -> memref<32x144xf32, #tpu.memory_space<hbm>>
      %dma_start3A_488 = arith.constant 0 : i32
      %dma_start3A_489 = tpu.memref_slice %arg15[%add3A_427, %dma_start3A_488] : memref<10240x144xf32, #tpu.memory_space<vmem_shared>> -> memref<32x144xf32, #tpu.memory_space<vmem_shared>>
      tpu.enqueue_dma source(%dma_start3A_489 : memref<32x144xf32, #tpu.memory_space<vmem_shared>>) target(%dma_start3A_487 : memref<32x144xf32, #tpu.memory_space<hbm>>) target_semaphore(%run_scoped3A_484 : memref<!tpu.dma_semaphore, #tpu.memory_space<semaphore_mem>>)
      %dma_wait3A_490 = arith.constant 0 : i32
      %dma_wait3A_491 = tpu.memref_slice %arg6[%arg0, %add3A_427, %dma_wait3A_490] : memref<2x10240x144xf32, #tpu.memory_space<hbm>> -> memref<1x32x144xf32, #tpu.memory_space<hbm>>
      %dma_wait3A_492 = tpu.memref_squeeze %dma_wait3A_491 : memref<1x32x144xf32, #tpu.memory_space<hbm>> -> memref<32x144xf32, #tpu.memory_space<hbm>>
      %dma_wait3A_493 = arith.constant 0 : i32
      %dma_wait3A_494 = tpu.memref_slice %arg15[%add3A_427, %dma_wait3A_493] : memref<10240x144xf32, #tpu.memory_space<vmem_shared>> -> memref<32x144xf32, #tpu.memory_space<vmem_shared>>
      tpu.wait_dma2 semaphore(%run_scoped3A_484 : memref<!tpu.dma_semaphore, #tpu.memory_space<semaphore_mem>>) src(%dma_wait3A_494 : memref<32x144xf32, #tpu.memory_space<vmem_shared>>) dst(%dma_wait3A_492 : memref<32x144xf32, #tpu.memory_space<hbm>>)
      tpu.yield
    }) : () -> ()
    %mul3A_428 = arith.constant 640 : i32
    %mul3A_429 = arith.muli %arg1, %mul3A_428 : i32
    %add3A_430 = arith.constant 192 : i32
    %add3A_431 = arith.addi %mul3A_429, %add3A_430 : i32
    "tpu.region"() ({
      %run_scoped3A_484 = tpu.sem_alloc : memref<!tpu.dma_semaphore, #tpu.memory_space<semaphore_mem>>
      %dma_start3A_485 = arith.constant 0 : i32
      %dma_start3A_486 = tpu.memref_slice %arg6[%arg0, %add3A_431, %dma_start3A_485] : memref<2x10240x144xf32, #tpu.memory_space<hbm>> -> memref<1x32x144xf32, #tpu.memory_space<hbm>>
      %dma_start3A_487 = tpu.memref_squeeze %dma_start3A_486 : memref<1x32x144xf32, #tpu.memory_space<hbm>> -> memref<32x144xf32, #tpu.memory_space<hbm>>
      %dma_start3A_488 = arith.constant 0 : i32
      %dma_start3A_489 = tpu.memref_slice %arg15[%add3A_431, %dma_start3A_488] : memref<10240x144xf32, #tpu.memory_space<vmem_shared>> -> memref<32x144xf32, #tpu.memory_space<vmem_shared>>
      tpu.enqueue_dma source(%dma_start3A_489 : memref<32x144xf32, #tpu.memory_space<vmem_shared>>) target(%dma_start3A_487 : memref<32x144xf32, #tpu.memory_space<hbm>>) target_semaphore(%run_scoped3A_484 : memref<!tpu.dma_semaphore, #tpu.memory_space<semaphore_mem>>)
      %dma_wait3A_490 = arith.constant 0 : i32
      %dma_wait3A_491 = tpu.memref_slice %arg6[%arg0, %add3A_431, %dma_wait3A_490] : memref<2x10240x144xf32, #tpu.memory_space<hbm>> -> memref<1x32x144xf32, #tpu.memory_space<hbm>>
      %dma_wait3A_492 = tpu.memref_squeeze %dma_wait3A_491 : memref<1x32x144xf32, #tpu.memory_space<hbm>> -> memref<32x144xf32, #tpu.memory_space<hbm>>
      %dma_wait3A_493 = arith.constant 0 : i32
      %dma_wait3A_494 = tpu.memref_slice %arg15[%add3A_431, %dma_wait3A_493] : memref<10240x144xf32, #tpu.memory_space<vmem_shared>> -> memref<32x144xf32, #tpu.memory_space<vmem_shared>>
      tpu.wait_dma2 semaphore(%run_scoped3A_484 : memref<!tpu.dma_semaphore, #tpu.memory_space<semaphore_mem>>) src(%dma_wait3A_494 : memref<32x144xf32, #tpu.memory_space<vmem_shared>>) dst(%dma_wait3A_492 : memref<32x144xf32, #tpu.memory_space<hbm>>)
      tpu.yield
    }) : () -> ()
    %mul3A_432 = arith.constant 640 : i32
    %mul3A_433 = arith.muli %arg1, %mul3A_432 : i32
    %add3A_434 = arith.constant 224 : i32
    %add3A_435 = arith.addi %mul3A_433, %add3A_434 : i32
    "tpu.region"() ({
      %run_scoped3A_484 = tpu.sem_alloc : memref<!tpu.dma_semaphore, #tpu.memory_space<semaphore_mem>>
      %dma_start3A_485 = arith.constant 0 : i32
      %dma_start3A_486 = tpu.memref_slice %arg6[%arg0, %add3A_435, %dma_start3A_485] : memref<2x10240x144xf32, #tpu.memory_space<hbm>> -> memref<1x32x144xf32, #tpu.memory_space<hbm>>
      %dma_start3A_487 = tpu.memref_squeeze %dma_start3A_486 : memref<1x32x144xf32, #tpu.memory_space<hbm>> -> memref<32x144xf32, #tpu.memory_space<hbm>>
      %dma_start3A_488 = arith.constant 0 : i32
      %dma_start3A_489 = tpu.memref_slice %arg15[%add3A_435, %dma_start3A_488] : memref<10240x144xf32, #tpu.memory_space<vmem_shared>> -> memref<32x144xf32, #tpu.memory_space<vmem_shared>>
      tpu.enqueue_dma source(%dma_start3A_489 : memref<32x144xf32, #tpu.memory_space<vmem_shared>>) target(%dma_start3A_487 : memref<32x144xf32, #tpu.memory_space<hbm>>) target_semaphore(%run_scoped3A_484 : memref<!tpu.dma_semaphore, #tpu.memory_space<semaphore_mem>>)
      %dma_wait3A_490 = arith.constant 0 : i32
      %dma_wait3A_491 = tpu.memref_slice %arg6[%arg0, %add3A_435, %dma_wait3A_490] : memref<2x10240x144xf32, #tpu.memory_space<hbm>> -> memref<1x32x144xf32, #tpu.memory_space<hbm>>
      %dma_wait3A_492 = tpu.memref_squeeze %dma_wait3A_491 : memref<1x32x144xf32, #tpu.memory_space<hbm>> -> memref<32x144xf32, #tpu.memory_space<hbm>>
      %dma_wait3A_493 = arith.constant 0 : i32
      %dma_wait3A_494 = tpu.memref_slice %arg15[%add3A_435, %dma_wait3A_493] : memref<10240x144xf32, #tpu.memory_space<vmem_shared>> -> memref<32x144xf32, #tpu.memory_space<vmem_shared>>
      tpu.wait_dma2 semaphore(%run_scoped3A_484 : memref<!tpu.dma_semaphore, #tpu.memory_space<semaphore_mem>>) src(%dma_wait3A_494 : memref<32x144xf32, #tpu.memory_space<vmem_shared>>) dst(%dma_wait3A_492 : memref<32x144xf32, #tpu.memory_space<hbm>>)
      tpu.yield
    }) : () -> ()
    %mul3A_436 = arith.constant 640 : i32
    %mul3A_437 = arith.muli %arg1, %mul3A_436 : i32
    %add3A_438 = arith.constant 256 : i32
    %add3A_439 = arith.addi %mul3A_437, %add3A_438 : i32
    "tpu.region"() ({
      %run_scoped3A_484 = tpu.sem_alloc : memref<!tpu.dma_semaphore, #tpu.memory_space<semaphore_mem>>
      %dma_start3A_485 = arith.constant 0 : i32
      %dma_start3A_486 = tpu.memref_slice %arg6[%arg0, %add3A_439, %dma_start3A_485] : memref<2x10240x144xf32, #tpu.memory_space<hbm>> -> memref<1x32x144xf32, #tpu.memory_space<hbm>>
      %dma_start3A_487 = tpu.memref_squeeze %dma_start3A_486 : memref<1x32x144xf32, #tpu.memory_space<hbm>> -> memref<32x144xf32, #tpu.memory_space<hbm>>
      %dma_start3A_488 = arith.constant 0 : i32
      %dma_start3A_489 = tpu.memref_slice %arg15[%add3A_439, %dma_start3A_488] : memref<10240x144xf32, #tpu.memory_space<vmem_shared>> -> memref<32x144xf32, #tpu.memory_space<vmem_shared>>
      tpu.enqueue_dma source(%dma_start3A_489 : memref<32x144xf32, #tpu.memory_space<vmem_shared>>) target(%dma_start3A_487 : memref<32x144xf32, #tpu.memory_space<hbm>>) target_semaphore(%run_scoped3A_484 : memref<!tpu.dma_semaphore, #tpu.memory_space<semaphore_mem>>)
      %dma_wait3A_490 = arith.constant 0 : i32
      %dma_wait3A_491 = tpu.memref_slice %arg6[%arg0, %add3A_439, %dma_wait3A_490] : memref<2x10240x144xf32, #tpu.memory_space<hbm>> -> memref<1x32x144xf32, #tpu.memory_space<hbm>>
      %dma_wait3A_492 = tpu.memref_squeeze %dma_wait3A_491 : memref<1x32x144xf32, #tpu.memory_space<hbm>> -> memref<32x144xf32, #tpu.memory_space<hbm>>
      %dma_wait3A_493 = arith.constant 0 : i32
      %dma_wait3A_494 = tpu.memref_slice %arg15[%add3A_439, %dma_wait3A_493] : memref<10240x144xf32, #tpu.memory_space<vmem_shared>> -> memref<32x144xf32, #tpu.memory_space<vmem_shared>>
      tpu.wait_dma2 semaphore(%run_scoped3A_484 : memref<!tpu.dma_semaphore, #tpu.memory_space<semaphore_mem>>) src(%dma_wait3A_494 : memref<32x144xf32, #tpu.memory_space<vmem_shared>>) dst(%dma_wait3A_492 : memref<32x144xf32, #tpu.memory_space<hbm>>)
      tpu.yield
    }) : () -> ()
    %mul3A_440 = arith.constant 640 : i32
    %mul3A_441 = arith.muli %arg1, %mul3A_440 : i32
    %add3A_442 = arith.constant 288 : i32
    %add3A_443 = arith.addi %mul3A_441, %add3A_442 : i32
    "tpu.region"() ({
      %run_scoped3A_484 = tpu.sem_alloc : memref<!tpu.dma_semaphore, #tpu.memory_space<semaphore_mem>>
      %dma_start3A_485 = arith.constant 0 : i32
      %dma_start3A_486 = tpu.memref_slice %arg6[%arg0, %add3A_443, %dma_start3A_485] : memref<2x10240x144xf32, #tpu.memory_space<hbm>> -> memref<1x32x144xf32, #tpu.memory_space<hbm>>
      %dma_start3A_487 = tpu.memref_squeeze %dma_start3A_486 : memref<1x32x144xf32, #tpu.memory_space<hbm>> -> memref<32x144xf32, #tpu.memory_space<hbm>>
      %dma_start3A_488 = arith.constant 0 : i32
      %dma_start3A_489 = tpu.memref_slice %arg15[%add3A_443, %dma_start3A_488] : memref<10240x144xf32, #tpu.memory_space<vmem_shared>> -> memref<32x144xf32, #tpu.memory_space<vmem_shared>>
      tpu.enqueue_dma source(%dma_start3A_489 : memref<32x144xf32, #tpu.memory_space<vmem_shared>>) target(%dma_start3A_487 : memref<32x144xf32, #tpu.memory_space<hbm>>) target_semaphore(%run_scoped3A_484 : memref<!tpu.dma_semaphore, #tpu.memory_space<semaphore_mem>>)
      %dma_wait3A_490 = arith.constant 0 : i32
      %dma_wait3A_491 = tpu.memref_slice %arg6[%arg0, %add3A_443, %dma_wait3A_490] : memref<2x10240x144xf32, #tpu.memory_space<hbm>> -> memref<1x32x144xf32, #tpu.memory_space<hbm>>
      %dma_wait3A_492 = tpu.memref_squeeze %dma_wait3A_491 : memref<1x32x144xf32, #tpu.memory_space<hbm>> -> memref<32x144xf32, #tpu.memory_space<hbm>>
      %dma_wait3A_493 = arith.constant 0 : i32
      %dma_wait3A_494 = tpu.memref_slice %arg15[%add3A_443, %dma_wait3A_493] : memref<10240x144xf32, #tpu.memory_space<vmem_shared>> -> memref<32x144xf32, #tpu.memory_space<vmem_shared>>
      tpu.wait_dma2 semaphore(%run_scoped3A_484 : memref<!tpu.dma_semaphore, #tpu.memory_space<semaphore_mem>>) src(%dma_wait3A_494 : memref<32x144xf32, #tpu.memory_space<vmem_shared>>) dst(%dma_wait3A_492 : memref<32x144xf32, #tpu.memory_space<hbm>>)
      tpu.yield
    }) : () -> ()
    %mul3A_444 = arith.constant 640 : i32
    %mul3A_445 = arith.muli %arg1, %mul3A_444 : i32
    %add3A_446 = arith.constant 320 : i32
    %add3A_447 = arith.addi %mul3A_445, %add3A_446 : i32
    "tpu.region"() ({
      %run_scoped3A_484 = tpu.sem_alloc : memref<!tpu.dma_semaphore, #tpu.memory_space<semaphore_mem>>
      %dma_start3A_485 = arith.constant 0 : i32
      %dma_start3A_486 = tpu.memref_slice %arg6[%arg0, %add3A_447, %dma_start3A_485] : memref<2x10240x144xf32, #tpu.memory_space<hbm>> -> memref<1x32x144xf32, #tpu.memory_space<hbm>>
      %dma_start3A_487 = tpu.memref_squeeze %dma_start3A_486 : memref<1x32x144xf32, #tpu.memory_space<hbm>> -> memref<32x144xf32, #tpu.memory_space<hbm>>
      %dma_start3A_488 = arith.constant 0 : i32
      %dma_start3A_489 = tpu.memref_slice %arg15[%add3A_447, %dma_start3A_488] : memref<10240x144xf32, #tpu.memory_space<vmem_shared>> -> memref<32x144xf32, #tpu.memory_space<vmem_shared>>
      tpu.enqueue_dma source(%dma_start3A_489 : memref<32x144xf32, #tpu.memory_space<vmem_shared>>) target(%dma_start3A_487 : memref<32x144xf32, #tpu.memory_space<hbm>>) target_semaphore(%run_scoped3A_484 : memref<!tpu.dma_semaphore, #tpu.memory_space<semaphore_mem>>)
      %dma_wait3A_490 = arith.constant 0 : i32
      %dma_wait3A_491 = tpu.memref_slice %arg6[%arg0, %add3A_447, %dma_wait3A_490] : memref<2x10240x144xf32, #tpu.memory_space<hbm>> -> memref<1x32x144xf32, #tpu.memory_space<hbm>>
      %dma_wait3A_492 = tpu.memref_squeeze %dma_wait3A_491 : memref<1x32x144xf32, #tpu.memory_space<hbm>> -> memref<32x144xf32, #tpu.memory_space<hbm>>
      %dma_wait3A_493 = arith.constant 0 : i32
      %dma_wait3A_494 = tpu.memref_slice %arg15[%add3A_447, %dma_wait3A_493] : memref<10240x144xf32, #tpu.memory_space<vmem_shared>> -> memref<32x144xf32, #tpu.memory_space<vmem_shared>>
      tpu.wait_dma2 semaphore(%run_scoped3A_484 : memref<!tpu.dma_semaphore, #tpu.memory_space<semaphore_mem>>) src(%dma_wait3A_494 : memref<32x144xf32, #tpu.memory_space<vmem_shared>>) dst(%dma_wait3A_492 : memref<32x144xf32, #tpu.memory_space<hbm>>)
      tpu.yield
    }) : () -> ()
    %mul3A_448 = arith.constant 640 : i32
    %mul3A_449 = arith.muli %arg1, %mul3A_448 : i32
    %add3A_450 = arith.constant 352 : i32
    %add3A_451 = arith.addi %mul3A_449, %add3A_450 : i32
    "tpu.region"() ({
      %run_scoped3A_484 = tpu.sem_alloc : memref<!tpu.dma_semaphore, #tpu.memory_space<semaphore_mem>>
      %dma_start3A_485 = arith.constant 0 : i32
      %dma_start3A_486 = tpu.memref_slice %arg6[%arg0, %add3A_451, %dma_start3A_485] : memref<2x10240x144xf32, #tpu.memory_space<hbm>> -> memref<1x32x144xf32, #tpu.memory_space<hbm>>
      %dma_start3A_487 = tpu.memref_squeeze %dma_start3A_486 : memref<1x32x144xf32, #tpu.memory_space<hbm>> -> memref<32x144xf32, #tpu.memory_space<hbm>>
      %dma_start3A_488 = arith.constant 0 : i32
      %dma_start3A_489 = tpu.memref_slice %arg15[%add3A_451, %dma_start3A_488] : memref<10240x144xf32, #tpu.memory_space<vmem_shared>> -> memref<32x144xf32, #tpu.memory_space<vmem_shared>>
      tpu.enqueue_dma source(%dma_start3A_489 : memref<32x144xf32, #tpu.memory_space<vmem_shared>>) target(%dma_start3A_487 : memref<32x144xf32, #tpu.memory_space<hbm>>) target_semaphore(%run_scoped3A_484 : memref<!tpu.dma_semaphore, #tpu.memory_space<semaphore_mem>>)
      %dma_wait3A_490 = arith.constant 0 : i32
      %dma_wait3A_491 = tpu.memref_slice %arg6[%arg0, %add3A_451, %dma_wait3A_490] : memref<2x10240x144xf32, #tpu.memory_space<hbm>> -> memref<1x32x144xf32, #tpu.memory_space<hbm>>
      %dma_wait3A_492 = tpu.memref_squeeze %dma_wait3A_491 : memref<1x32x144xf32, #tpu.memory_space<hbm>> -> memref<32x144xf32, #tpu.memory_space<hbm>>
      %dma_wait3A_493 = arith.constant 0 : i32
      %dma_wait3A_494 = tpu.memref_slice %arg15[%add3A_451, %dma_wait3A_493] : memref<10240x144xf32, #tpu.memory_space<vmem_shared>> -> memref<32x144xf32, #tpu.memory_space<vmem_shared>>
      tpu.wait_dma2 semaphore(%run_scoped3A_484 : memref<!tpu.dma_semaphore, #tpu.memory_space<semaphore_mem>>) src(%dma_wait3A_494 : memref<32x144xf32, #tpu.memory_space<vmem_shared>>) dst(%dma_wait3A_492 : memref<32x144xf32, #tpu.memory_space<hbm>>)
      tpu.yield
    }) : () -> ()
    %mul3A_452 = arith.constant 640 : i32
    %mul3A_453 = arith.muli %arg1, %mul3A_452 : i32
    %add3A_454 = arith.constant 384 : i32
    %add3A_455 = arith.addi %mul3A_453, %add3A_454 : i32
    "tpu.region"() ({
      %run_scoped3A_484 = tpu.sem_alloc : memref<!tpu.dma_semaphore, #tpu.memory_space<semaphore_mem>>
      %dma_start3A_485 = arith.constant 0 : i32
      %dma_start3A_486 = tpu.memref_slice %arg6[%arg0, %add3A_455, %dma_start3A_485] : memref<2x10240x144xf32, #tpu.memory_space<hbm>> -> memref<1x32x144xf32, #tpu.memory_space<hbm>>
      %dma_start3A_487 = tpu.memref_squeeze %dma_start3A_486 : memref<1x32x144xf32, #tpu.memory_space<hbm>> -> memref<32x144xf32, #tpu.memory_space<hbm>>
      %dma_start3A_488 = arith.constant 0 : i32
      %dma_start3A_489 = tpu.memref_slice %arg15[%add3A_455, %dma_start3A_488] : memref<10240x144xf32, #tpu.memory_space<vmem_shared>> -> memref<32x144xf32, #tpu.memory_space<vmem_shared>>
      tpu.enqueue_dma source(%dma_start3A_489 : memref<32x144xf32, #tpu.memory_space<vmem_shared>>) target(%dma_start3A_487 : memref<32x144xf32, #tpu.memory_space<hbm>>) target_semaphore(%run_scoped3A_484 : memref<!tpu.dma_semaphore, #tpu.memory_space<semaphore_mem>>)
      %dma_wait3A_490 = arith.constant 0 : i32
      %dma_wait3A_491 = tpu.memref_slice %arg6[%arg0, %add3A_455, %dma_wait3A_490] : memref<2x10240x144xf32, #tpu.memory_space<hbm>> -> memref<1x32x144xf32, #tpu.memory_space<hbm>>
      %dma_wait3A_492 = tpu.memref_squeeze %dma_wait3A_491 : memref<1x32x144xf32, #tpu.memory_space<hbm>> -> memref<32x144xf32, #tpu.memory_space<hbm>>
      %dma_wait3A_493 = arith.constant 0 : i32
      %dma_wait3A_494 = tpu.memref_slice %arg15[%add3A_455, %dma_wait3A_493] : memref<10240x144xf32, #tpu.memory_space<vmem_shared>> -> memref<32x144xf32, #tpu.memory_space<vmem_shared>>
      tpu.wait_dma2 semaphore(%run_scoped3A_484 : memref<!tpu.dma_semaphore, #tpu.memory_space<semaphore_mem>>) src(%dma_wait3A_494 : memref<32x144xf32, #tpu.memory_space<vmem_shared>>) dst(%dma_wait3A_492 : memref<32x144xf32, #tpu.memory_space<hbm>>)
      tpu.yield
    }) : () -> ()
    %mul3A_456 = arith.constant 640 : i32
    %mul3A_457 = arith.muli %arg1, %mul3A_456 : i32
    %add3A_458 = arith.constant 416 : i32
    %add3A_459 = arith.addi %mul3A_457, %add3A_458 : i32
    "tpu.region"() ({
      %run_scoped3A_484 = tpu.sem_alloc : memref<!tpu.dma_semaphore, #tpu.memory_space<semaphore_mem>>
      %dma_start3A_485 = arith.constant 0 : i32
      %dma_start3A_486 = tpu.memref_slice %arg6[%arg0, %add3A_459, %dma_start3A_485] : memref<2x10240x144xf32, #tpu.memory_space<hbm>> -> memref<1x32x144xf32, #tpu.memory_space<hbm>>
      %dma_start3A_487 = tpu.memref_squeeze %dma_start3A_486 : memref<1x32x144xf32, #tpu.memory_space<hbm>> -> memref<32x144xf32, #tpu.memory_space<hbm>>
      %dma_start3A_488 = arith.constant 0 : i32
      %dma_start3A_489 = tpu.memref_slice %arg15[%add3A_459, %dma_start3A_488] : memref<10240x144xf32, #tpu.memory_space<vmem_shared>> -> memref<32x144xf32, #tpu.memory_space<vmem_shared>>
      tpu.enqueue_dma source(%dma_start3A_489 : memref<32x144xf32, #tpu.memory_space<vmem_shared>>) target(%dma_start3A_487 : memref<32x144xf32, #tpu.memory_space<hbm>>) target_semaphore(%run_scoped3A_484 : memref<!tpu.dma_semaphore, #tpu.memory_space<semaphore_mem>>)
      %dma_wait3A_490 = arith.constant 0 : i32
      %dma_wait3A_491 = tpu.memref_slice %arg6[%arg0, %add3A_459, %dma_wait3A_490] : memref<2x10240x144xf32, #tpu.memory_space<hbm>> -> memref<1x32x144xf32, #tpu.memory_space<hbm>>
      %dma_wait3A_492 = tpu.memref_squeeze %dma_wait3A_491 : memref<1x32x144xf32, #tpu.memory_space<hbm>> -> memref<32x144xf32, #tpu.memory_space<hbm>>
      %dma_wait3A_493 = arith.constant 0 : i32
      %dma_wait3A_494 = tpu.memref_slice %arg15[%add3A_459, %dma_wait3A_493] : memref<10240x144xf32, #tpu.memory_space<vmem_shared>> -> memref<32x144xf32, #tpu.memory_space<vmem_shared>>
      tpu.wait_dma2 semaphore(%run_scoped3A_484 : memref<!tpu.dma_semaphore, #tpu.memory_space<semaphore_mem>>) src(%dma_wait3A_494 : memref<32x144xf32, #tpu.memory_space<vmem_shared>>) dst(%dma_wait3A_492 : memref<32x144xf32, #tpu.memory_space<hbm>>)
      tpu.yield
    }) : () -> ()
    %mul3A_460 = arith.constant 640 : i32
    %mul3A_461 = arith.muli %arg1, %mul3A_460 : i32
    %add3A_462 = arith.constant 448 : i32
    %add3A_463 = arith.addi %mul3A_461, %add3A_462 : i32
    "tpu.region"() ({
      %run_scoped3A_484 = tpu.sem_alloc : memref<!tpu.dma_semaphore, #tpu.memory_space<semaphore_mem>>
      %dma_start3A_485 = arith.constant 0 : i32
      %dma_start3A_486 = tpu.memref_slice %arg6[%arg0, %add3A_463, %dma_start3A_485] : memref<2x10240x144xf32, #tpu.memory_space<hbm>> -> memref<1x32x144xf32, #tpu.memory_space<hbm>>
      %dma_start3A_487 = tpu.memref_squeeze %dma_start3A_486 : memref<1x32x144xf32, #tpu.memory_space<hbm>> -> memref<32x144xf32, #tpu.memory_space<hbm>>
      %dma_start3A_488 = arith.constant 0 : i32
      %dma_start3A_489 = tpu.memref_slice %arg15[%add3A_463, %dma_start3A_488] : memref<10240x144xf32, #tpu.memory_space<vmem_shared>> -> memref<32x144xf32, #tpu.memory_space<vmem_shared>>
      tpu.enqueue_dma source(%dma_start3A_489 : memref<32x144xf32, #tpu.memory_space<vmem_shared>>) target(%dma_start3A_487 : memref<32x144xf32, #tpu.memory_space<hbm>>) target_semaphore(%run_scoped3A_484 : memref<!tpu.dma_semaphore, #tpu.memory_space<semaphore_mem>>)
      %dma_wait3A_490 = arith.constant 0 : i32
      %dma_wait3A_491 = tpu.memref_slice %arg6[%arg0, %add3A_463, %dma_wait3A_490] : memref<2x10240x144xf32, #tpu.memory_space<hbm>> -> memref<1x32x144xf32, #tpu.memory_space<hbm>>
      %dma_wait3A_492 = tpu.memref_squeeze %dma_wait3A_491 : memref<1x32x144xf32, #tpu.memory_space<hbm>> -> memref<32x144xf32, #tpu.memory_space<hbm>>
      %dma_wait3A_493 = arith.constant 0 : i32
      %dma_wait3A_494 = tpu.memref_slice %arg15[%add3A_463, %dma_wait3A_493] : memref<10240x144xf32, #tpu.memory_space<vmem_shared>> -> memref<32x144xf32, #tpu.memory_space<vmem_shared>>
      tpu.wait_dma2 semaphore(%run_scoped3A_484 : memref<!tpu.dma_semaphore, #tpu.memory_space<semaphore_mem>>) src(%dma_wait3A_494 : memref<32x144xf32, #tpu.memory_space<vmem_shared>>) dst(%dma_wait3A_492 : memref<32x144xf32, #tpu.memory_space<hbm>>)
      tpu.yield
    }) : () -> ()
    %mul3A_464 = arith.constant 640 : i32
    %mul3A_465 = arith.muli %arg1, %mul3A_464 : i32
    %add3A_466 = arith.constant 480 : i32
    %add3A_467 = arith.addi %mul3A_465, %add3A_466 : i32
    "tpu.region"() ({
      %run_scoped3A_484 = tpu.sem_alloc : memref<!tpu.dma_semaphore, #tpu.memory_space<semaphore_mem>>
      %dma_start3A_485 = arith.constant 0 : i32
      %dma_start3A_486 = tpu.memref_slice %arg6[%arg0, %add3A_467, %dma_start3A_485] : memref<2x10240x144xf32, #tpu.memory_space<hbm>> -> memref<1x32x144xf32, #tpu.memory_space<hbm>>
      %dma_start3A_487 = tpu.memref_squeeze %dma_start3A_486 : memref<1x32x144xf32, #tpu.memory_space<hbm>> -> memref<32x144xf32, #tpu.memory_space<hbm>>
      %dma_start3A_488 = arith.constant 0 : i32
      %dma_start3A_489 = tpu.memref_slice %arg15[%add3A_467, %dma_start3A_488] : memref<10240x144xf32, #tpu.memory_space<vmem_shared>> -> memref<32x144xf32, #tpu.memory_space<vmem_shared>>
      tpu.enqueue_dma source(%dma_start3A_489 : memref<32x144xf32, #tpu.memory_space<vmem_shared>>) target(%dma_start3A_487 : memref<32x144xf32, #tpu.memory_space<hbm>>) target_semaphore(%run_scoped3A_484 : memref<!tpu.dma_semaphore, #tpu.memory_space<semaphore_mem>>)
      %dma_wait3A_490 = arith.constant 0 : i32
      %dma_wait3A_491 = tpu.memref_slice %arg6[%arg0, %add3A_467, %dma_wait3A_490] : memref<2x10240x144xf32, #tpu.memory_space<hbm>> -> memref<1x32x144xf32, #tpu.memory_space<hbm>>
      %dma_wait3A_492 = tpu.memref_squeeze %dma_wait3A_491 : memref<1x32x144xf32, #tpu.memory_space<hbm>> -> memref<32x144xf32, #tpu.memory_space<hbm>>
      %dma_wait3A_493 = arith.constant 0 : i32
      %dma_wait3A_494 = tpu.memref_slice %arg15[%add3A_467, %dma_wait3A_493] : memref<10240x144xf32, #tpu.memory_space<vmem_shared>> -> memref<32x144xf32, #tpu.memory_space<vmem_shared>>
      tpu.wait_dma2 semaphore(%run_scoped3A_484 : memref<!tpu.dma_semaphore, #tpu.memory_space<semaphore_mem>>) src(%dma_wait3A_494 : memref<32x144xf32, #tpu.memory_space<vmem_shared>>) dst(%dma_wait3A_492 : memref<32x144xf32, #tpu.memory_space<hbm>>)
      tpu.yield
    }) : () -> ()
    %mul3A_468 = arith.constant 640 : i32
    %mul3A_469 = arith.muli %arg1, %mul3A_468 : i32
    %add3A_470 = arith.constant 512 : i32
    %add3A_471 = arith.addi %mul3A_469, %add3A_470 : i32
    "tpu.region"() ({
      %run_scoped3A_484 = tpu.sem_alloc : memref<!tpu.dma_semaphore, #tpu.memory_space<semaphore_mem>>
      %dma_start3A_485 = arith.constant 0 : i32
      %dma_start3A_486 = tpu.memref_slice %arg6[%arg0, %add3A_471, %dma_start3A_485] : memref<2x10240x144xf32, #tpu.memory_space<hbm>> -> memref<1x32x144xf32, #tpu.memory_space<hbm>>
      %dma_start3A_487 = tpu.memref_squeeze %dma_start3A_486 : memref<1x32x144xf32, #tpu.memory_space<hbm>> -> memref<32x144xf32, #tpu.memory_space<hbm>>
      %dma_start3A_488 = arith.constant 0 : i32
      %dma_start3A_489 = tpu.memref_slice %arg15[%add3A_471, %dma_start3A_488] : memref<10240x144xf32, #tpu.memory_space<vmem_shared>> -> memref<32x144xf32, #tpu.memory_space<vmem_shared>>
      tpu.enqueue_dma source(%dma_start3A_489 : memref<32x144xf32, #tpu.memory_space<vmem_shared>>) target(%dma_start3A_487 : memref<32x144xf32, #tpu.memory_space<hbm>>) target_semaphore(%run_scoped3A_484 : memref<!tpu.dma_semaphore, #tpu.memory_space<semaphore_mem>>)
      %dma_wait3A_490 = arith.constant 0 : i32
      %dma_wait3A_491 = tpu.memref_slice %arg6[%arg0, %add3A_471, %dma_wait3A_490] : memref<2x10240x144xf32, #tpu.memory_space<hbm>> -> memref<1x32x144xf32, #tpu.memory_space<hbm>>
      %dma_wait3A_492 = tpu.memref_squeeze %dma_wait3A_491 : memref<1x32x144xf32, #tpu.memory_space<hbm>> -> memref<32x144xf32, #tpu.memory_space<hbm>>
      %dma_wait3A_493 = arith.constant 0 : i32
      %dma_wait3A_494 = tpu.memref_slice %arg15[%add3A_471, %dma_wait3A_493] : memref<10240x144xf32, #tpu.memory_space<vmem_shared>> -> memref<32x144xf32, #tpu.memory_space<vmem_shared>>
      tpu.wait_dma2 semaphore(%run_scoped3A_484 : memref<!tpu.dma_semaphore, #tpu.memory_space<semaphore_mem>>) src(%dma_wait3A_494 : memref<32x144xf32, #tpu.memory_space<vmem_shared>>) dst(%dma_wait3A_492 : memref<32x144xf32, #tpu.memory_space<hbm>>)
      tpu.yield
    }) : () -> ()
    %mul3A_472 = arith.constant 640 : i32
    %mul3A_473 = arith.muli %arg1, %mul3A_472 : i32
    %add3A_474 = arith.constant 544 : i32
    %add3A_475 = arith.addi %mul3A_473, %add3A_474 : i32
    "tpu.region"() ({
      %run_scoped3A_484 = tpu.sem_alloc : memref<!tpu.dma_semaphore, #tpu.memory_space<semaphore_mem>>
      %dma_start3A_485 = arith.constant 0 : i32
      %dma_start3A_486 = tpu.memref_slice %arg6[%arg0, %add3A_475, %dma_start3A_485] : memref<2x10240x144xf32, #tpu.memory_space<hbm>> -> memref<1x32x144xf32, #tpu.memory_space<hbm>>
      %dma_start3A_487 = tpu.memref_squeeze %dma_start3A_486 : memref<1x32x144xf32, #tpu.memory_space<hbm>> -> memref<32x144xf32, #tpu.memory_space<hbm>>
      %dma_start3A_488 = arith.constant 0 : i32
      %dma_start3A_489 = tpu.memref_slice %arg15[%add3A_475, %dma_start3A_488] : memref<10240x144xf32, #tpu.memory_space<vmem_shared>> -> memref<32x144xf32, #tpu.memory_space<vmem_shared>>
      tpu.enqueue_dma source(%dma_start3A_489 : memref<32x144xf32, #tpu.memory_space<vmem_shared>>) target(%dma_start3A_487 : memref<32x144xf32, #tpu.memory_space<hbm>>) target_semaphore(%run_scoped3A_484 : memref<!tpu.dma_semaphore, #tpu.memory_space<semaphore_mem>>)
      %dma_wait3A_490 = arith.constant 0 : i32
      %dma_wait3A_491 = tpu.memref_slice %arg6[%arg0, %add3A_475, %dma_wait3A_490] : memref<2x10240x144xf32, #tpu.memory_space<hbm>> -> memref<1x32x144xf32, #tpu.memory_space<hbm>>
      %dma_wait3A_492 = tpu.memref_squeeze %dma_wait3A_491 : memref<1x32x144xf32, #tpu.memory_space<hbm>> -> memref<32x144xf32, #tpu.memory_space<hbm>>
      %dma_wait3A_493 = arith.constant 0 : i32
      %dma_wait3A_494 = tpu.memref_slice %arg15[%add3A_475, %dma_wait3A_493] : memref<10240x144xf32, #tpu.memory_space<vmem_shared>> -> memref<32x144xf32, #tpu.memory_space<vmem_shared>>
      tpu.wait_dma2 semaphore(%run_scoped3A_484 : memref<!tpu.dma_semaphore, #tpu.memory_space<semaphore_mem>>) src(%dma_wait3A_494 : memref<32x144xf32, #tpu.memory_space<vmem_shared>>) dst(%dma_wait3A_492 : memref<32x144xf32, #tpu.memory_space<hbm>>)
      tpu.yield
    }) : () -> ()
    %mul3A_476 = arith.constant 640 : i32
    %mul3A_477 = arith.muli %arg1, %mul3A_476 : i32
    %add3A_478 = arith.constant 576 : i32
    %add3A_479 = arith.addi %mul3A_477, %add3A_478 : i32
    "tpu.region"() ({
      %run_scoped3A_484 = tpu.sem_alloc : memref<!tpu.dma_semaphore, #tpu.memory_space<semaphore_mem>>
      %dma_start3A_485 = arith.constant 0 : i32
      %dma_start3A_486 = tpu.memref_slice %arg6[%arg0, %add3A_479, %dma_start3A_485] : memref<2x10240x144xf32, #tpu.memory_space<hbm>> -> memref<1x32x144xf32, #tpu.memory_space<hbm>>
      %dma_start3A_487 = tpu.memref_squeeze %dma_start3A_486 : memref<1x32x144xf32, #tpu.memory_space<hbm>> -> memref<32x144xf32, #tpu.memory_space<hbm>>
      %dma_start3A_488 = arith.constant 0 : i32
      %dma_start3A_489 = tpu.memref_slice %arg15[%add3A_479, %dma_start3A_488] : memref<10240x144xf32, #tpu.memory_space<vmem_shared>> -> memref<32x144xf32, #tpu.memory_space<vmem_shared>>
      tpu.enqueue_dma source(%dma_start3A_489 : memref<32x144xf32, #tpu.memory_space<vmem_shared>>) target(%dma_start3A_487 : memref<32x144xf32, #tpu.memory_space<hbm>>) target_semaphore(%run_scoped3A_484 : memref<!tpu.dma_semaphore, #tpu.memory_space<semaphore_mem>>)
      %dma_wait3A_490 = arith.constant 0 : i32
      %dma_wait3A_491 = tpu.memref_slice %arg6[%arg0, %add3A_479, %dma_wait3A_490] : memref<2x10240x144xf32, #tpu.memory_space<hbm>> -> memref<1x32x144xf32, #tpu.memory_space<hbm>>
      %dma_wait3A_492 = tpu.memref_squeeze %dma_wait3A_491 : memref<1x32x144xf32, #tpu.memory_space<hbm>> -> memref<32x144xf32, #tpu.memory_space<hbm>>
      %dma_wait3A_493 = arith.constant 0 : i32
      %dma_wait3A_494 = tpu.memref_slice %arg15[%add3A_479, %dma_wait3A_493] : memref<10240x144xf32, #tpu.memory_space<vmem_shared>> -> memref<32x144xf32, #tpu.memory_space<vmem_shared>>
      tpu.wait_dma2 semaphore(%run_scoped3A_484 : memref<!tpu.dma_semaphore, #tpu.memory_space<semaphore_mem>>) src(%dma_wait3A_494 : memref<32x144xf32, #tpu.memory_space<vmem_shared>>) dst(%dma_wait3A_492 : memref<32x144xf32, #tpu.memory_space<hbm>>)
      tpu.yield
    }) : () -> ()
    %mul3A_480 = arith.constant 640 : i32
    %mul3A_481 = arith.muli %arg1, %mul3A_480 : i32
    %add3A_482 = arith.constant 608 : i32
    %add3A_483 = arith.addi %mul3A_481, %add3A_482 : i32
    "tpu.region"() ({
      %run_scoped3A_484 = tpu.sem_alloc : memref<!tpu.dma_semaphore, #tpu.memory_space<semaphore_mem>>
      %dma_start3A_485 = arith.constant 0 : i32
      %dma_start3A_486 = tpu.memref_slice %arg6[%arg0, %add3A_483, %dma_start3A_485] : memref<2x10240x144xf32, #tpu.memory_space<hbm>> -> memref<1x32x144xf32, #tpu.memory_space<hbm>>
      %dma_start3A_487 = tpu.memref_squeeze %dma_start3A_486 : memref<1x32x144xf32, #tpu.memory_space<hbm>> -> memref<32x144xf32, #tpu.memory_space<hbm>>
      %dma_start3A_488 = arith.constant 0 : i32
      %dma_start3A_489 = tpu.memref_slice %arg15[%add3A_483, %dma_start3A_488] : memref<10240x144xf32, #tpu.memory_space<vmem_shared>> -> memref<32x144xf32, #tpu.memory_space<vmem_shared>>
      tpu.enqueue_dma source(%dma_start3A_489 : memref<32x144xf32, #tpu.memory_space<vmem_shared>>) target(%dma_start3A_487 : memref<32x144xf32, #tpu.memory_space<hbm>>) target_semaphore(%run_scoped3A_484 : memref<!tpu.dma_semaphore, #tpu.memory_space<semaphore_mem>>)
      %dma_wait3A_490 = arith.constant 0 : i32
      %dma_wait3A_491 = tpu.memref_slice %arg6[%arg0, %add3A_483, %dma_wait3A_490] : memref<2x10240x144xf32, #tpu.memory_space<hbm>> -> memref<1x32x144xf32, #tpu.memory_space<hbm>>
      %dma_wait3A_492 = tpu.memref_squeeze %dma_wait3A_491 : memref<1x32x144xf32, #tpu.memory_space<hbm>> -> memref<32x144xf32, #tpu.memory_space<hbm>>
      %dma_wait3A_493 = arith.constant 0 : i32
      %dma_wait3A_494 = tpu.memref_slice %arg15[%add3A_483, %dma_wait3A_493] : memref<10240x144xf32, #tpu.memory_space<vmem_shared>> -> memref<32x144xf32, #tpu.memory_space<vmem_shared>>
      tpu.wait_dma2 semaphore(%run_scoped3A_484 : memref<!tpu.dma_semaphore, #tpu.memory_space<semaphore_mem>>) src(%dma_wait3A_494 : memref<32x144xf32, #tpu.memory_space<vmem_shared>>) dst(%dma_wait3A_492 : memref<32x144xf32, #tpu.memory_space<hbm>>)
      tpu.yield
    }) : () -> ()
    return
  }
}

#map = affine_map<(d0, d1) -> (0)>
#map1 = affine_map<(d0, d1) -> (0, 0, 0, 0)>
#map2 = affine_map<(d0, d1) -> (0, 0)>
module attributes {stable_mosaic.version = 14 : i64} {
  func.func @_gat2_body(%arg0: i32, %arg1: i32, %arg2: memref<10240xf32, #tpu.memory_space<hbm>>, %arg3: memref<10240xf32, #tpu.memory_space<hbm>>, %arg4: memref<2x32x125x80xi32, #tpu.memory_space<hbm>>, %arg5: memref<16xf32, #tpu.memory_space<hbm>>, %arg6: memref<2x10240xf32, #tpu.memory_space<hbm>>, %arg7: memref<2x10240xf32, #tpu.memory_space<hbm>>, %arg8: memref<2x80xi32, #tpu.memory_space<vmem>>, %arg9: memref<2x80xi32, #tpu.memory_space<vmem>>, %arg10: memref<3x80xi32, #tpu.memory_space<vmem>>, %arg11: memref<2x80xf32, #tpu.memory_space<vmem>>, %arg12: memref<2x80xf32, #tpu.memory_space<vmem>>, %arg13: memref<2x80xf32, #tpu.memory_space<vmem>>, %arg14: memref<2x80xf32, #tpu.memory_space<vmem>>, %arg15: memref<640xf32, #tpu.memory_space<vmem>>, %arg16: memref<16xf32, #tpu.memory_space<vmem>>, %arg17: memref<10240xf32, #tpu.memory_space<vmem_shared>>, %arg18: memref<10240xf32, #tpu.memory_space<vmem_shared>>, %arg19: memref<!tpu.dma_semaphore, #tpu.memory_space<semaphore_mem>>, %arg20: memref<2x!tpu.dma_semaphore, #tpu.memory_space<semaphore_mem>>, %arg21: memref<2x!tpu.dma_semaphore, #tpu.memory_space<semaphore_mem>>, %arg22: memref<2x!tpu.dma_semaphore, #tpu.memory_space<semaphore_mem>>) attributes {dimension_semantics = [#tpu.dimension_semantics<core_parallel>, #tpu.dimension_semantics<subcore_parallel>], iteration_bounds = array<i64: 2, 16>, scalar_prefetch = 0 : i64, scratch_operands = 15 : i64, tpu.core_type = #tpu.core_type<sc_vector_subcore>, window_params = [{transform_indices = #map}, {transform_indices = #map}, {transform_indices = #map1}, {transform_indices = #map}, {transform_indices = #map2}, {transform_indices = #map2}]} {
    %mul3A = arith.constant 16 : i32
    %mul3A_0 = arith.muli %arg0, %mul3A : i32
    %add3A = arith.addi %mul3A_0, %arg1 : i32
    %scan3A = arith.constant 0 : i32
    %scan3A_1 = arith.constant 40 : i32
    %scan3A_2 = arith.addi %scan3A, %scan3A_1 : i32
    %scan3A_3 = arith.constant 1 : i32
    scf.for %scan3A_261 = %scan3A to %scan3A_2 step %scan3A_3  : i32 {
      %mul3A_262 = arith.constant 1 : i32
      %mul3A_263 = arith.muli %scan3A_261, %mul3A_262 : i32
      %add3A_264 = arith.constant 0 : i32
      %add3A_265 = arith.addi %add3A_264, %mul3A_263 : i32
      %broadcast_in_dim3A = arith.constant 0.000000e+00 : f32
      %broadcast_in_dim3A_266 = vector.broadcast %broadcast_in_dim3A : f32 to vector<16xf32>
      %mul3A_267 = arith.constant 16 : i32
      %mul3A_268 = arith.muli %mul3A_267, %add3A_265 : i32
      %swap3A_269 = arith.index_cast %mul3A_268 : i32 to index
      %swap3A_270 = tpu.vector_load %arg15[%swap3A_269] {strides = array<i32>} : memref<640xf32, #tpu.memory_space<vmem>>, vector<16xf32>,
      %swap3A_271 = vector.shape_cast %swap3A_270 : vector<16xf32> to vector<16xf32>
      %swap3A_272 = vector.shape_cast %broadcast_in_dim3A_266 : vector<16xf32> to vector<16xf32>
      tpu.vector_store %arg15[%swap3A_269], %swap3A_272 {strides = array<i32>} : memref<640xf32, #tpu.memory_space<vmem>>, vector<16xf32>,
    }
    %scan3A_4 = arith.constant 40 : i32
    %mul3A_5 = arith.constant 640 : i32
    %mul3A_6 = arith.muli %arg1, %mul3A_5 : i32
    "tpu.region"() ({
      %run_scoped3A = tpu.sem_alloc : memref<!tpu.dma_semaphore, #tpu.memory_space<semaphore_mem>>
      %dma_start3A_261 = tpu.memref_slice %arg17[%mul3A_6] : memref<10240xf32, #tpu.memory_space<vmem_shared>> -> memref<640xf32, #tpu.memory_space<vmem_shared>>
      %dma_start3A_262 = tpu.memref_slice %arg17[%mul3A_6] : memref<10240xf32, #tpu.memory_space<vmem_shared>> -> memref<640xf32, #tpu.memory_space<vmem_shared>>
      tpu.enqueue_dma source(%arg15 : memref<640xf32, #tpu.memory_space<vmem>>) target(%dma_start3A_262 : memref<640xf32, #tpu.memory_space<vmem_shared>>) target_semaphore(%run_scoped3A : memref<!tpu.dma_semaphore, #tpu.memory_space<semaphore_mem>>)
      %dma_wait3A_263 = tpu.memref_slice %arg17[%mul3A_6] : memref<10240xf32, #tpu.memory_space<vmem_shared>> -> memref<640xf32, #tpu.memory_space<vmem_shared>>
      %dma_wait3A_264 = tpu.memref_slice %arg17[%mul3A_6] : memref<10240xf32, #tpu.memory_space<vmem_shared>> -> memref<640xf32, #tpu.memory_space<vmem_shared>>
      tpu.wait_dma2 semaphore(%run_scoped3A : memref<!tpu.dma_semaphore, #tpu.memory_space<semaphore_mem>>) src(%arg15 : memref<640xf32, #tpu.memory_space<vmem>>) dst(%dma_wait3A_264 : memref<640xf32, #tpu.memory_space<vmem_shared>>)
      tpu.yield
    }) : () -> ()
    %mul3A_7 = arith.constant 640 : i32
    %mul3A_8 = arith.muli %arg1, %mul3A_7 : i32
    "tpu.region"() ({
      %run_scoped3A = tpu.sem_alloc : memref<!tpu.dma_semaphore, #tpu.memory_space<semaphore_mem>>
      %dma_start3A_261 = tpu.memref_slice %arg18[%mul3A_8] : memref<10240xf32, #tpu.memory_space<vmem_shared>> -> memref<640xf32, #tpu.memory_space<vmem_shared>>
      %dma_start3A_262 = tpu.memref_slice %arg18[%mul3A_8] : memref<10240xf32, #tpu.memory_space<vmem_shared>> -> memref<640xf32, #tpu.memory_space<vmem_shared>>
      tpu.enqueue_dma source(%arg15 : memref<640xf32, #tpu.memory_space<vmem>>) target(%dma_start3A_262 : memref<640xf32, #tpu.memory_space<vmem_shared>>) target_semaphore(%run_scoped3A : memref<!tpu.dma_semaphore, #tpu.memory_space<semaphore_mem>>)
      %dma_wait3A_263 = tpu.memref_slice %arg18[%mul3A_8] : memref<10240xf32, #tpu.memory_space<vmem_shared>> -> memref<640xf32, #tpu.memory_space<vmem_shared>>
      %dma_wait3A_264 = tpu.memref_slice %arg18[%mul3A_8] : memref<10240xf32, #tpu.memory_space<vmem_shared>> -> memref<640xf32, #tpu.memory_space<vmem_shared>>
      tpu.wait_dma2 semaphore(%run_scoped3A : memref<!tpu.dma_semaphore, #tpu.memory_space<semaphore_mem>>) src(%arg15 : memref<640xf32, #tpu.memory_space<vmem>>) dst(%dma_wait3A_264 : memref<640xf32, #tpu.memory_space<vmem_shared>>)
      tpu.yield
    }) : () -> ()
    %barrier3A = arith.constant 0 : index
    tpu.barrier barrier_id(%barrier3A)
    %dma_start3A = arith.constant 0 : i32
    %dma_start3A_9 = tpu.memref_slice %arg5[%dma_start3A] : memref<16xf32, #tpu.memory_space<hbm>> -> memref<16xf32, #tpu.memory_space<hbm>>
    %dma_start3A_10 = arith.constant 0 : i32
    %dma_start3A_11 = tpu.memref_slice %arg5[%dma_start3A_10] : memref<16xf32, #tpu.memory_space<hbm>> -> memref<16xf32, #tpu.memory_space<hbm>>
    tpu.enqueue_dma source(%dma_start3A_11 : memref<16xf32, #tpu.memory_space<hbm>>) target(%arg16 : memref<16xf32, #tpu.memory_space<vmem>>) target_semaphore(%arg19 : memref<!tpu.dma_semaphore, #tpu.memory_space<semaphore_mem>>)
    %dma_wait3A = arith.constant 0 : i32
    %dma_wait3A_12 = tpu.memref_slice %arg5[%dma_wait3A] : memref<16xf32, #tpu.memory_space<hbm>> -> memref<16xf32, #tpu.memory_space<hbm>>
    %dma_wait3A_13 = arith.constant 0 : i32
    %dma_wait3A_14 = tpu.memref_slice %arg5[%dma_wait3A_13] : memref<16xf32, #tpu.memory_space<hbm>> -> memref<16xf32, #tpu.memory_space<hbm>>
    tpu.wait_dma2 semaphore(%arg19 : memref<!tpu.dma_semaphore, #tpu.memory_space<semaphore_mem>>) src(%dma_wait3A_14 : memref<16xf32, #tpu.memory_space<hbm>>) dst(%arg16 : memref<16xf32, #tpu.memory_space<vmem>>)
    %get3A = arith.constant 0 : index
    %get3A_15 = tpu.vector_load %arg16[%get3A] {strides = array<i32>} : memref<16xf32, #tpu.memory_space<vmem>>, vector<16xf32>,
    %get3A_16 = vector.shape_cast %get3A_15 : vector<16xf32> to vector<16xf32>
    %rem3A = arith.constant 0 : i32
    %rem3A_17 = arith.constant 2 : i32
    %rem3A_18 = arith.remsi %rem3A, %rem3A_17 : i32
    %dma_start3A_19 = arith.constant 0 : i32
    %dma_start3A_20 = arith.constant 0 : i32
    %dma_start3A_21 = arith.constant 0 : i32
    %dma_start3A_22 = tpu.memref_slice %arg8[%rem3A_18, %dma_start3A_21] : memref<2x80xi32, #tpu.memory_space<vmem>> -> memref<1x80xi32, #tpu.memory_space<vmem>>
    %dma_start3A_23 = tpu.memref_squeeze %dma_start3A_22 : memref<1x80xi32, #tpu.memory_space<vmem>> -> memref<80xi32, #tpu.memory_space<vmem>>
    %dma_start3A_24 = arith.constant 0 : i32
    %dma_start3A_25 = tpu.memref_slice %arg4[%dma_start3A_19, %add3A, %dma_start3A_20, %dma_start3A_24] : memref<2x32x125x80xi32, #tpu.memory_space<hbm>> -> memref<1x1x1x80xi32, #tpu.memory_space<hbm>>
    %dma_start3A_26 = tpu.memref_squeeze %dma_start3A_25 : memref<1x1x1x80xi32, #tpu.memory_space<hbm>> -> memref<80xi32, #tpu.memory_space<hbm>>
    %dma_start3A_27 = tpu.memref_slice %arg20[%rem3A_18] : memref<2x!tpu.dma_semaphore, #tpu.memory_space<semaphore_mem>> -> memref<1x!tpu.dma_semaphore, #tpu.memory_space<semaphore_mem>>
    %dma_start3A_28 = tpu.memref_squeeze %dma_start3A_27 : memref<1x!tpu.dma_semaphore, #tpu.memory_space<semaphore_mem>> -> memref<!tpu.dma_semaphore, #tpu.memory_space<semaphore_mem>>
    %dma_start3A_29 = arith.constant 0 : i32
    %dma_start3A_30 = tpu.memref_slice %arg8[%rem3A_18, %dma_start3A_29] : memref<2x80xi32, #tpu.memory_space<vmem>> -> memref<1x80xi32, #tpu.memory_space<vmem>>
    %dma_start3A_31 = tpu.memref_squeeze %dma_start3A_30 : memref<1x80xi32, #tpu.memory_space<vmem>> -> memref<80xi32, #tpu.memory_space<vmem>>
    %dma_start3A_32 = arith.constant 0 : i32
    %dma_start3A_33 = tpu.memref_slice %arg4[%dma_start3A_19, %add3A, %dma_start3A_20, %dma_start3A_32] : memref<2x32x125x80xi32, #tpu.memory_space<hbm>> -> memref<1x1x1x80xi32, #tpu.memory_space<hbm>>
    %dma_start3A_34 = tpu.memref_squeeze %dma_start3A_33 : memref<1x1x1x80xi32, #tpu.memory_space<hbm>> -> memref<80xi32, #tpu.memory_space<hbm>>
    tpu.enqueue_dma source(%dma_start3A_34 : memref<80xi32, #tpu.memory_space<hbm>>) target(%dma_start3A_31 : memref<80xi32, #tpu.memory_space<vmem>>) target_semaphore(%dma_start3A_28 : memref<!tpu.dma_semaphore, #tpu.memory_space<semaphore_mem>>)
    %dma_start3A_35 = arith.constant 1 : i32
    %dma_start3A_36 = arith.constant 0 : i32
    %dma_start3A_37 = arith.constant 0 : i32
    %dma_start3A_38 = tpu.memref_slice %arg9[%rem3A_18, %dma_start3A_37] : memref<2x80xi32, #tpu.memory_space<vmem>> -> memref<1x80xi32, #tpu.memory_space<vmem>>
    %dma_start3A_39 = tpu.memref_squeeze %dma_start3A_38 : memref<1x80xi32, #tpu.memory_space<vmem>> -> memref<80xi32, #tpu.memory_space<vmem>>
    %dma_start3A_40 = arith.constant 0 : i32
    %dma_start3A_41 = tpu.memref_slice %arg4[%dma_start3A_35, %add3A, %dma_start3A_36, %dma_start3A_40] : memref<2x32x125x80xi32, #tpu.memory_space<hbm>> -> memref<1x1x1x80xi32, #tpu.memory_space<hbm>>
    %dma_start3A_42 = tpu.memref_squeeze %dma_start3A_41 : memref<1x1x1x80xi32, #tpu.memory_space<hbm>> -> memref<80xi32, #tpu.memory_space<hbm>>
    %dma_start3A_43 = tpu.memref_slice %arg20[%rem3A_18] : memref<2x!tpu.dma_semaphore, #tpu.memory_space<semaphore_mem>> -> memref<1x!tpu.dma_semaphore, #tpu.memory_space<semaphore_mem>>
    %dma_start3A_44 = tpu.memref_squeeze %dma_start3A_43 : memref<1x!tpu.dma_semaphore, #tpu.memory_space<semaphore_mem>> -> memref<!tpu.dma_semaphore, #tpu.memory_space<semaphore_mem>>
    %dma_start3A_45 = arith.constant 0 : i32
    %dma_start3A_46 = tpu.memref_slice %arg9[%rem3A_18, %dma_start3A_45] : memref<2x80xi32, #tpu.memory_space<vmem>> -> memref<1x80xi32, #tpu.memory_space<vmem>>
    %dma_start3A_47 = tpu.memref_squeeze %dma_start3A_46 : memref<1x80xi32, #tpu.memory_space<vmem>> -> memref<80xi32, #tpu.memory_space<vmem>>
    %dma_start3A_48 = arith.constant 0 : i32
    %dma_start3A_49 = tpu.memref_slice %arg4[%dma_start3A_35, %add3A, %dma_start3A_36, %dma_start3A_48] : memref<2x32x125x80xi32, #tpu.memory_space<hbm>> -> memref<1x1x1x80xi32, #tpu.memory_space<hbm>>
    %dma_start3A_50 = tpu.memref_squeeze %dma_start3A_49 : memref<1x1x1x80xi32, #tpu.memory_space<hbm>> -> memref<80xi32, #tpu.memory_space<hbm>>
    tpu.enqueue_dma source(%dma_start3A_50 : memref<80xi32, #tpu.memory_space<hbm>>) target(%dma_start3A_47 : memref<80xi32, #tpu.memory_space<vmem>>) target_semaphore(%dma_start3A_44 : memref<!tpu.dma_semaphore, #tpu.memory_space<semaphore_mem>>)
    %rem3A_51 = arith.constant 0 : i32
    %rem3A_52 = arith.constant 2 : i32
    %rem3A_53 = arith.remsi %rem3A_51, %rem3A_52 : i32
    %dma_wait3A_54 = arith.constant 0 : i32
    %dma_wait3A_55 = arith.constant 0 : i32
    %dma_wait3A_56 = arith.constant 0 : i32
    %dma_wait3A_57 = tpu.memref_slice %arg8[%rem3A_53, %dma_wait3A_56] : memref<2x80xi32, #tpu.memory_space<vmem>> -> memref<1x80xi32, #tpu.memory_space<vmem>>
    %dma_wait3A_58 = tpu.memref_squeeze %dma_wait3A_57 : memref<1x80xi32, #tpu.memory_space<vmem>> -> memref<80xi32, #tpu.memory_space<vmem>>
    %dma_wait3A_59 = arith.constant 0 : i32
    %dma_wait3A_60 = tpu.memref_slice %arg4[%dma_wait3A_54, %add3A, %dma_wait3A_55, %dma_wait3A_59] : memref<2x32x125x80xi32, #tpu.memory_space<hbm>> -> memref<1x1x1x80xi32, #tpu.memory_space<hbm>>
    %dma_wait3A_61 = tpu.memref_squeeze %dma_wait3A_60 : memref<1x1x1x80xi32, #tpu.memory_space<hbm>> -> memref<80xi32, #tpu.memory_space<hbm>>
    %dma_wait3A_62 = tpu.memref_slice %arg20[%rem3A_53] : memref<2x!tpu.dma_semaphore, #tpu.memory_space<semaphore_mem>> -> memref<1x!tpu.dma_semaphore, #tpu.memory_space<semaphore_mem>>
    %dma_wait3A_63 = tpu.memref_squeeze %dma_wait3A_62 : memref<1x!tpu.dma_semaphore, #tpu.memory_space<semaphore_mem>> -> memref<!tpu.dma_semaphore, #tpu.memory_space<semaphore_mem>>
    %dma_wait3A_64 = arith.constant 0 : i32
    %dma_wait3A_65 = tpu.memref_slice %arg8[%rem3A_53, %dma_wait3A_64] : memref<2x80xi32, #tpu.memory_space<vmem>> -> memref<1x80xi32, #tpu.memory_space<vmem>>
    %dma_wait3A_66 = tpu.memref_squeeze %dma_wait3A_65 : memref<1x80xi32, #tpu.memory_space<vmem>> -> memref<80xi32, #tpu.memory_space<vmem>>
    %dma_wait3A_67 = arith.constant 0 : i32
    %dma_wait3A_68 = tpu.memref_slice %arg4[%dma_wait3A_54, %add3A, %dma_wait3A_55, %dma_wait3A_67] : memref<2x32x125x80xi32, #tpu.memory_space<hbm>> -> memref<1x1x1x80xi32, #tpu.memory_space<hbm>>
    %dma_wait3A_69 = tpu.memref_squeeze %dma_wait3A_68 : memref<1x1x1x80xi32, #tpu.memory_space<hbm>> -> memref<80xi32, #tpu.memory_space<hbm>>
    tpu.wait_dma2 semaphore(%dma_wait3A_63 : memref<!tpu.dma_semaphore, #tpu.memory_space<semaphore_mem>>) src(%dma_wait3A_69 : memref<80xi32, #tpu.memory_space<hbm>>) dst(%dma_wait3A_66 : memref<80xi32, #tpu.memory_space<vmem>>)
    %dma_wait3A_70 = arith.constant 0 : i32
    %dma_wait3A_71 = arith.constant 0 : i32
    %dma_wait3A_72 = arith.constant 0 : i32
    %dma_wait3A_73 = tpu.memref_slice %arg9[%rem3A_53, %dma_wait3A_72] : memref<2x80xi32, #tpu.memory_space<vmem>> -> memref<1x80xi32, #tpu.memory_space<vmem>>
    %dma_wait3A_74 = tpu.memref_squeeze %dma_wait3A_73 : memref<1x80xi32, #tpu.memory_space<vmem>> -> memref<80xi32, #tpu.memory_space<vmem>>
    %dma_wait3A_75 = arith.constant 0 : i32
    %dma_wait3A_76 = tpu.memref_slice %arg4[%dma_wait3A_70, %add3A, %dma_wait3A_71, %dma_wait3A_75] : memref<2x32x125x80xi32, #tpu.memory_space<hbm>> -> memref<1x1x1x80xi32, #tpu.memory_space<hbm>>
    %dma_wait3A_77 = tpu.memref_squeeze %dma_wait3A_76 : memref<1x1x1x80xi32, #tpu.memory_space<hbm>> -> memref<80xi32, #tpu.memory_space<hbm>>
    %dma_wait3A_78 = tpu.memref_slice %arg20[%rem3A_53] : memref<2x!tpu.dma_semaphore, #tpu.memory_space<semaphore_mem>> -> memref<1x!tpu.dma_semaphore, #tpu.memory_space<semaphore_mem>>
    %dma_wait3A_79 = tpu.memref_squeeze %dma_wait3A_78 : memref<1x!tpu.dma_semaphore, #tpu.memory_space<semaphore_mem>> -> memref<!tpu.dma_semaphore, #tpu.memory_space<semaphore_mem>>
    %dma_wait3A_80 = arith.constant 0 : i32
    %dma_wait3A_81 = tpu.memref_slice %arg9[%rem3A_53, %dma_wait3A_80] : memref<2x80xi32, #tpu.memory_space<vmem>> -> memref<1x80xi32, #tpu.memory_space<vmem>>
    %dma_wait3A_82 = tpu.memref_squeeze %dma_wait3A_81 : memref<1x80xi32, #tpu.memory_space<vmem>> -> memref<80xi32, #tpu.memory_space<vmem>>
    %dma_wait3A_83 = arith.constant 0 : i32
    %dma_wait3A_84 = tpu.memref_slice %arg4[%dma_wait3A_70, %add3A, %dma_wait3A_71, %dma_wait3A_83] : memref<2x32x125x80xi32, #tpu.memory_space<hbm>> -> memref<1x1x1x80xi32, #tpu.memory_space<hbm>>
    %dma_wait3A_85 = tpu.memref_squeeze %dma_wait3A_84 : memref<1x1x1x80xi32, #tpu.memory_space<hbm>> -> memref<80xi32, #tpu.memory_space<hbm>>
    tpu.wait_dma2 semaphore(%dma_wait3A_79 : memref<!tpu.dma_semaphore, #tpu.memory_space<semaphore_mem>>) src(%dma_wait3A_85 : memref<80xi32, #tpu.memory_space<hbm>>) dst(%dma_wait3A_82 : memref<80xi32, #tpu.memory_space<vmem>>)
    %rem3A_86 = arith.constant 0 : i32
    %rem3A_87 = arith.constant 2 : i32
    %rem3A_88 = arith.remsi %rem3A_86, %rem3A_87 : i32
    %rem3A_89 = arith.constant 0 : i32
    %rem3A_90 = arith.constant 3 : i32
    %rem3A_91 = arith.remsi %rem3A_89, %rem3A_90 : i32
    %get3A_92 = arith.index_cast %rem3A_88 : i32 to index
    %get3A_93 = arith.constant 0 : index
    %get3A_94 = tpu.vector_load %arg9[%get3A_92, %get3A_93] {strides = array<i32>} : memref<2x80xi32, #tpu.memory_space<vmem>>, vector<1x16xi32>,
    %get3A_95 = vector.shape_cast %get3A_94 : vector<1x16xi32> to vector<16xi32>
    %swap3A = arith.index_cast %rem3A_91 : i32 to index
    %swap3A_96 = arith.constant 0 : index
    %swap3A_97 = tpu.vector_load %arg10[%swap3A, %swap3A_96] {strides = array<i32>} : memref<3x80xi32, #tpu.memory_space<vmem>>, vector<1x16xi32>,
    %swap3A_98 = vector.shape_cast %swap3A_97 : vector<1x16xi32> to vector<16xi32>
    %swap3A_99 = vector.shape_cast %get3A_95 : vector<16xi32> to vector<1x16xi32>
    tpu.vector_store %arg10[%swap3A, %swap3A_96], %swap3A_99 {strides = array<i32>} : memref<3x80xi32, #tpu.memory_space<vmem>>, vector<1x16xi32>,
    %get3A_100 = arith.index_cast %rem3A_88 : i32 to index
    %get3A_101 = arith.constant 16 : index
    %get3A_102 = tpu.vector_load %arg9[%get3A_100, %get3A_101] {strides = array<i32>} : memref<2x80xi32, #tpu.memory_space<vmem>>, vector<1x16xi32>,
    %get3A_103 = vector.shape_cast %get3A_102 : vector<1x16xi32> to vector<16xi32>
    %swap3A_104 = arith.index_cast %rem3A_91 : i32 to index
    %swap3A_105 = arith.constant 16 : index
    %swap3A_106 = tpu.vector_load %arg10[%swap3A_104, %swap3A_105] {strides = array<i32>} : memref<3x80xi32, #tpu.memory_space<vmem>>, vector<1x16xi32>,
    %swap3A_107 = vector.shape_cast %swap3A_106 : vector<1x16xi32> to vector<16xi32>
    %swap3A_108 = vector.shape_cast %get3A_103 : vector<16xi32> to vector<1x16xi32>
    tpu.vector_store %arg10[%swap3A_104, %swap3A_105], %swap3A_108 {strides = array<i32>} : memref<3x80xi32, #tpu.memory_space<vmem>>, vector<1x16xi32>,
    %get3A_109 = arith.index_cast %rem3A_88 : i32 to index
    %get3A_110 = arith.constant 32 : index
    %get3A_111 = tpu.vector_load %arg9[%get3A_109, %get3A_110] {strides = array<i32>} : memref<2x80xi32, #tpu.memory_space<vmem>>, vector<1x16xi32>,
    %get3A_112 = vector.shape_cast %get3A_111 : vector<1x16xi32> to vector<16xi32>
    %swap3A_113 = arith.index_cast %rem3A_91 : i32 to index
    %swap3A_114 = arith.constant 32 : index
    %swap3A_115 = tpu.vector_load %arg10[%swap3A_113, %swap3A_114] {strides = array<i32>} : memref<3x80xi32, #tpu.memory_space<vmem>>, vector<1x16xi32>,
    %swap3A_116 = vector.shape_cast %swap3A_115 : vector<1x16xi32> to vector<16xi32>
    %swap3A_117 = vector.shape_cast %get3A_112 : vector<16xi32> to vector<1x16xi32>
    tpu.vector_store %arg10[%swap3A_113, %swap3A_114], %swap3A_117 {strides = array<i32>} : memref<3x80xi32, #tpu.memory_space<vmem>>, vector<1x16xi32>,
    %get3A_118 = arith.index_cast %rem3A_88 : i32 to index
    %get3A_119 = arith.constant 48 : index
    %get3A_120 = tpu.vector_load %arg9[%get3A_118, %get3A_119] {strides = array<i32>} : memref<2x80xi32, #tpu.memory_space<vmem>>, vector<1x16xi32>,
    %get3A_121 = vector.shape_cast %get3A_120 : vector<1x16xi32> to vector<16xi32>
    %swap3A_122 = arith.index_cast %rem3A_91 : i32 to index
    %swap3A_123 = arith.constant 48 : index
    %swap3A_124 = tpu.vector_load %arg10[%swap3A_122, %swap3A_123] {strides = array<i32>} : memref<3x80xi32, #tpu.memory_space<vmem>>, vector<1x16xi32>,
    %swap3A_125 = vector.shape_cast %swap3A_124 : vector<1x16xi32> to vector<16xi32>
    %swap3A_126 = vector.shape_cast %get3A_121 : vector<16xi32> to vector<1x16xi32>
    tpu.vector_store %arg10[%swap3A_122, %swap3A_123], %swap3A_126 {strides = array<i32>} : memref<3x80xi32, #tpu.memory_space<vmem>>, vector<1x16xi32>,
    %get3A_127 = arith.index_cast %rem3A_88 : i32 to index
    %get3A_128 = arith.constant 64 : index
    %get3A_129 = tpu.vector_load %arg9[%get3A_127, %get3A_128] {strides = array<i32>} : memref<2x80xi32, #tpu.memory_space<vmem>>, vector<1x16xi32>,
    %get3A_130 = vector.shape_cast %get3A_129 : vector<1x16xi32> to vector<16xi32>
    %swap3A_131 = arith.index_cast %rem3A_91 : i32 to index
    %swap3A_132 = arith.constant 64 : index
    %swap3A_133 = tpu.vector_load %arg10[%swap3A_131, %swap3A_132] {strides = array<i32>} : memref<3x80xi32, #tpu.memory_space<vmem>>, vector<1x16xi32>,
    %swap3A_134 = vector.shape_cast %swap3A_133 : vector<1x16xi32> to vector<16xi32>
    %swap3A_135 = vector.shape_cast %get3A_130 : vector<16xi32> to vector<1x16xi32>
    tpu.vector_store %arg10[%swap3A_131, %swap3A_132], %swap3A_135 {strides = array<i32>} : memref<3x80xi32, #tpu.memory_space<vmem>>, vector<1x16xi32>,
    %dma_start3A_136 = arith.constant 0 : i32
    %dma_start3A_137 = tpu.memref_slice %arg11[%rem3A_88, %dma_start3A_136] : memref<2x80xf32, #tpu.memory_space<vmem>> -> memref<1x80xf32, #tpu.memory_space<vmem>>
    %dma_start3A_138 = tpu.memref_squeeze %dma_start3A_137 : memref<1x80xf32, #tpu.memory_space<vmem>> -> memref<80xf32, #tpu.memory_space<vmem>>
    %dma_start3A_139 = arith.constant 0 : i32
    %dma_start3A_140 = tpu.memref_slice %arg8[%rem3A_88, %dma_start3A_139] : memref<2x80xi32, #tpu.memory_space<vmem>> -> memref<1x80xi32, #tpu.memory_space<vmem>>
    %dma_start3A_141 = tpu.memref_squeeze %dma_start3A_140 : memref<1x80xi32, #tpu.memory_space<vmem>> -> memref<80xi32, #tpu.memory_space<vmem>>
    %dma_start3A_142 = arith.constant 0 : i32
    %dma_start3A_143 = tpu.memref_slice %arg2[%dma_start3A_142] : memref<10240xf32, #tpu.memory_space<hbm>> -> memref<10240xf32, #tpu.memory_space<hbm>>
    %dma_start3A_144 = tpu.memref_slice %arg21[%rem3A_88] : memref<2x!tpu.dma_semaphore, #tpu.memory_space<semaphore_mem>> -> memref<1x!tpu.dma_semaphore, #tpu.memory_space<semaphore_mem>>
    %dma_start3A_145 = tpu.memref_squeeze %dma_start3A_144 : memref<1x!tpu.dma_semaphore, #tpu.memory_space<semaphore_mem>> -> memref<!tpu.dma_semaphore, #tpu.memory_space<semaphore_mem>>
    tpu.enqueue_indirect_dma source(%dma_start3A_143 : memref<10240xf32, #tpu.memory_space<hbm>>) target(%dma_start3A_138 : memref<80xf32, #tpu.memory_space<vmem>>) offsets(%dma_start3A_141 : memref<80xi32, #tpu.memory_space<vmem>>) semaphore(%dma_start3A_145 : memref<!tpu.dma_semaphore, #tpu.memory_space<semaphore_mem>>)
    %dma_start3A_146 = arith.constant 0 : i32
    %dma_start3A_147 = tpu.memref_slice %arg12[%rem3A_88, %dma_start3A_146] : memref<2x80xf32, #tpu.memory_space<vmem>> -> memref<1x80xf32, #tpu.memory_space<vmem>>
    %dma_start3A_148 = tpu.memref_squeeze %dma_start3A_147 : memref<1x80xf32, #tpu.memory_space<vmem>> -> memref<80xf32, #tpu.memory_space<vmem>>
    %dma_start3A_149 = arith.constant 0 : i32
    %dma_start3A_150 = tpu.memref_slice %arg9[%rem3A_88, %dma_start3A_149] : memref<2x80xi32, #tpu.memory_space<vmem>> -> memref<1x80xi32, #tpu.memory_space<vmem>>
    %dma_start3A_151 = tpu.memref_squeeze %dma_start3A_150 : memref<1x80xi32, #tpu.memory_space<vmem>> -> memref<80xi32, #tpu.memory_space<vmem>>
    %dma_start3A_152 = arith.constant 0 : i32
    %dma_start3A_153 = tpu.memref_slice %arg3[%dma_start3A_152] : memref<10240xf32, #tpu.memory_space<hbm>> -> memref<10240xf32, #tpu.memory_space<hbm>>
    %dma_start3A_154 = tpu.memref_slice %arg21[%rem3A_88] : memref<2x!tpu.dma_semaphore, #tpu.memory_space<semaphore_mem>> -> memref<1x!tpu.dma_semaphore, #tpu.memory_space<semaphore_mem>>
    %dma_start3A_155 = tpu.memref_squeeze %dma_start3A_154 : memref<1x!tpu.dma_semaphore, #tpu.memory_space<semaphore_mem>> -> memref<!tpu.dma_semaphore, #tpu.memory_space<semaphore_mem>>
    tpu.enqueue_indirect_dma source(%dma_start3A_153 : memref<10240xf32, #tpu.memory_space<hbm>>) target(%dma_start3A_148 : memref<80xf32, #tpu.memory_space<vmem>>) offsets(%dma_start3A_151 : memref<80xi32, #tpu.memory_space<vmem>>) semaphore(%dma_start3A_155 : memref<!tpu.dma_semaphore, #tpu.memory_space<semaphore_mem>>)
    %rem3A_156 = arith.constant 1 : i32
    %rem3A_157 = arith.constant 2 : i32
    %rem3A_158 = arith.remsi %rem3A_156, %rem3A_157 : i32
    %dma_start3A_159 = arith.constant 0 : i32
    %dma_start3A_160 = arith.constant 1 : i32
    %dma_start3A_161 = arith.constant 0 : i32
    %dma_start3A_162 = tpu.memref_slice %arg8[%rem3A_158, %dma_start3A_161] : memref<2x80xi32, #tpu.memory_space<vmem>> -> memref<1x80xi32, #tpu.memory_space<vmem>>
    %dma_start3A_163 = tpu.memref_squeeze %dma_start3A_162 : memref<1x80xi32, #tpu.memory_space<vmem>> -> memref<80xi32, #tpu.memory_space<vmem>>
    %dma_start3A_164 = arith.constant 0 : i32
    %dma_start3A_165 = tpu.memref_slice %arg4[%dma_start3A_159, %add3A, %dma_start3A_160, %dma_start3A_164] : memref<2x32x125x80xi32, #tpu.memory_space<hbm>> -> memref<1x1x1x80xi32, #tpu.memory_space<hbm>>
    %dma_start3A_166 = tpu.memref_squeeze %dma_start3A_165 : memref<1x1x1x80xi32, #tpu.memory_space<hbm>> -> memref<80xi32, #tpu.memory_space<hbm>>
    %dma_start3A_167 = tpu.memref_slice %arg20[%rem3A_158] : memref<2x!tpu.dma_semaphore, #tpu.memory_space<semaphore_mem>> -> memref<1x!tpu.dma_semaphore, #tpu.memory_space<semaphore_mem>>
    %dma_start3A_168 = tpu.memref_squeeze %dma_start3A_167 : memref<1x!tpu.dma_semaphore, #tpu.memory_space<semaphore_mem>> -> memref<!tpu.dma_semaphore, #tpu.memory_space<semaphore_mem>>
    %dma_start3A_169 = arith.constant 0 : i32
    %dma_start3A_170 = tpu.memref_slice %arg8[%rem3A_158, %dma_start3A_169] : memref<2x80xi32, #tpu.memory_space<vmem>> -> memref<1x80xi32, #tpu.memory_space<vmem>>
    %dma_start3A_171 = tpu.memref_squeeze %dma_start3A_170 : memref<1x80xi32, #tpu.memory_space<vmem>> -> memref<80xi32, #tpu.memory_space<vmem>>
    %dma_start3A_172 = arith.constant 0 : i32
    %dma_start3A_173 = tpu.memref_slice %arg4[%dma_start3A_159, %add3A, %dma_start3A_160, %dma_start3A_172] : memref<2x32x125x80xi32, #tpu.memory_space<hbm>> -> memref<1x1x1x80xi32, #tpu.memory_space<hbm>>
    %dma_start3A_174 = tpu.memref_squeeze %dma_start3A_173 : memref<1x1x1x80xi32, #tpu.memory_space<hbm>> -> memref<80xi32, #tpu.memory_space<hbm>>
    tpu.enqueue_dma source(%dma_start3A_174 : memref<80xi32, #tpu.memory_space<hbm>>) target(%dma_start3A_171 : memref<80xi32, #tpu.memory_space<vmem>>) target_semaphore(%dma_start3A_168 : memref<!tpu.dma_semaphore, #tpu.memory_space<semaphore_mem>>)
    %dma_start3A_175 = arith.constant 1 : i32
    %dma_start3A_176 = arith.constant 1 : i32
    %dma_start3A_177 = arith.constant 0 : i32
    %dma_start3A_178 = tpu.memref_slice %arg9[%rem3A_158, %dma_start3A_177] : memref<2x80xi32, #tpu.memory_space<vmem>> -> memref<1x80xi32, #tpu.memory_space<vmem>>
    %dma_start3A_179 = tpu.memref_squeeze %dma_start3A_178 : memref<1x80xi32, #tpu.memory_space<vmem>> -> memref<80xi32, #tpu.memory_space<vmem>>
    %dma_start3A_180 = arith.constant 0 : i32
    %dma_start3A_181 = tpu.memref_slice %arg4[%dma_start3A_175, %add3A, %dma_start3A_176, %dma_start3A_180] : memref<2x32x125x80xi32, #tpu.memory_space<hbm>> -> memref<1x1x1x80xi32, #tpu.memory_space<hbm>>
    %dma_start3A_182 = tpu.memref_squeeze %dma_start3A_181 : memref<1x1x1x80xi32, #tpu.memory_space<hbm>> -> memref<80xi32, #tpu.memory_space<hbm>>
    %dma_start3A_183 = tpu.memref_slice %arg20[%rem3A_158] : memref<2x!tpu.dma_semaphore, #tpu.memory_space<semaphore_mem>> -> memref<1x!tpu.dma_semaphore, #tpu.memory_space<semaphore_mem>>
    %dma_start3A_184 = tpu.memref_squeeze %dma_start3A_183 : memref<1x!tpu.dma_semaphore, #tpu.memory_space<semaphore_mem>> -> memref<!tpu.dma_semaphore, #tpu.memory_space<semaphore_mem>>
    %dma_start3A_185 = arith.constant 0 : i32
    %dma_start3A_186 = tpu.memref_slice %arg9[%rem3A_158, %dma_start3A_185] : memref<2x80xi32, #tpu.memory_space<vmem>> -> memref<1x80xi32, #tpu.memory_space<vmem>>
    %dma_start3A_187 = tpu.memref_squeeze %dma_start3A_186 : memref<1x80xi32, #tpu.memory_space<vmem>> -> memref<80xi32, #tpu.memory_space<vmem>>
    %dma_start3A_188 = arith.constant 0 : i32
    %dma_start3A_189 = tpu.memref_slice %arg4[%dma_start3A_175, %add3A, %dma_start3A_176, %dma_start3A_188] : memref<2x32x125x80xi32, #tpu.memory_space<hbm>> -> memref<1x1x1x80xi32, #tpu.memory_space<hbm>>
    %dma_start3A_190 = tpu.memref_squeeze %dma_start3A_189 : memref<1x1x1x80xi32, #tpu.memory_space<hbm>> -> memref<80xi32, #tpu.memory_space<hbm>>
    tpu.enqueue_dma source(%dma_start3A_190 : memref<80xi32, #tpu.memory_space<hbm>>) target(%dma_start3A_187 : memref<80xi32, #tpu.memory_space<vmem>>) target_semaphore(%dma_start3A_184 : memref<!tpu.dma_semaphore, #tpu.memory_space<semaphore_mem>>)
    %scan3A_191 = arith.constant 0 : i32
    %scan3A_192 = arith.constant 125 : i32
    %scan3A_193 = arith.addi %scan3A_191, %scan3A_192 : i32
    %scan3A_194 = arith.constant 1 : i32
    scf.for %scan3A_261 = %scan3A_191 to %scan3A_193 step %scan3A_194  : i32 {
      %mul3A_262 = arith.constant 1 : i32
      %mul3A_263 = arith.muli %scan3A_261, %mul3A_262 : i32
      %add3A_264 = arith.constant 0 : i32
      %add3A_265 = arith.addi %add3A_264, %mul3A_263 : i32
      %rem3A_266 = arith.constant 2 : i32
      %rem3A_267 = arith.remsi %add3A_265, %rem3A_266 : i32
      %rem3A_268 = arith.constant 3 : i32
      %rem3A_269 = arith.remsi %add3A_265, %rem3A_268 : i32
      %dma_wait3A_270 = arith.constant 0 : i32
      %dma_wait3A_271 = tpu.memref_slice %arg11[%rem3A_267, %dma_wait3A_270] : memref<2x80xf32, #tpu.memory_space<vmem>> -> memref<1x80xf32, #tpu.memory_space<vmem>>
      %dma_wait3A_272 = tpu.memref_squeeze %dma_wait3A_271 : memref<1x80xf32, #tpu.memory_space<vmem>> -> memref<80xf32, #tpu.memory_space<vmem>>
      %dma_wait3A_273 = arith.constant 0 : i32
      %dma_wait3A_274 = tpu.memref_slice %arg8[%rem3A_267, %dma_wait3A_273] : memref<2x80xi32, #tpu.memory_space<vmem>> -> memref<1x80xi32, #tpu.memory_space<vmem>>
      %dma_wait3A_275 = tpu.memref_squeeze %dma_wait3A_274 : memref<1x80xi32, #tpu.memory_space<vmem>> -> memref<80xi32, #tpu.memory_space<vmem>>
      %dma_wait3A_276 = arith.constant 0 : i32
      %dma_wait3A_277 = tpu.memref_slice %arg2[%dma_wait3A_276] : memref<10240xf32, #tpu.memory_space<hbm>> -> memref<10240xf32, #tpu.memory_space<hbm>>
      %dma_wait3A_278 = tpu.memref_slice %arg21[%rem3A_267] : memref<2x!tpu.dma_semaphore, #tpu.memory_space<semaphore_mem>> -> memref<1x!tpu.dma_semaphore, #tpu.memory_space<semaphore_mem>>
      %dma_wait3A_279 = tpu.memref_squeeze %dma_wait3A_278 : memref<1x!tpu.dma_semaphore, #tpu.memory_space<semaphore_mem>> -> memref<!tpu.dma_semaphore, #tpu.memory_space<semaphore_mem>>
      tpu.wait_indirect_dma semaphore(%dma_wait3A_279 : memref<!tpu.dma_semaphore, #tpu.memory_space<semaphore_mem>>) src(%dma_wait3A_277 : memref<10240xf32, #tpu.memory_space<hbm>>) dst(%dma_wait3A_272 : memref<80xf32, #tpu.memory_space<vmem>>)
      %dma_wait3A_280 = arith.constant 0 : i32
      %dma_wait3A_281 = tpu.memref_slice %arg12[%rem3A_267, %dma_wait3A_280] : memref<2x80xf32, #tpu.memory_space<vmem>> -> memref<1x80xf32, #tpu.memory_space<vmem>>
      %dma_wait3A_282 = tpu.memref_squeeze %dma_wait3A_281 : memref<1x80xf32, #tpu.memory_space<vmem>> -> memref<80xf32, #tpu.memory_space<vmem>>
      %dma_wait3A_283 = arith.constant 0 : i32
      %dma_wait3A_284 = tpu.memref_slice %arg8[%rem3A_267, %dma_wait3A_283] : memref<2x80xi32, #tpu.memory_space<vmem>> -> memref<1x80xi32, #tpu.memory_space<vmem>>
      %dma_wait3A_285 = tpu.memref_squeeze %dma_wait3A_284 : memref<1x80xi32, #tpu.memory_space<vmem>> -> memref<80xi32, #tpu.memory_space<vmem>>
      %dma_wait3A_286 = arith.constant 0 : i32
      %dma_wait3A_287 = tpu.memref_slice %arg2[%dma_wait3A_286] : memref<10240xf32, #tpu.memory_space<hbm>> -> memref<10240xf32, #tpu.memory_space<hbm>>
      %dma_wait3A_288 = tpu.memref_slice %arg21[%rem3A_267] : memref<2x!tpu.dma_semaphore, #tpu.memory_space<semaphore_mem>> -> memref<1x!tpu.dma_semaphore, #tpu.memory_space<semaphore_mem>>
      %dma_wait3A_289 = tpu.memref_squeeze %dma_wait3A_288 : memref<1x!tpu.dma_semaphore, #tpu.memory_space<semaphore_mem>> -> memref<!tpu.dma_semaphore, #tpu.memory_space<semaphore_mem>>
      tpu.wait_indirect_dma semaphore(%dma_wait3A_289 : memref<!tpu.dma_semaphore, #tpu.memory_space<semaphore_mem>>) src(%dma_wait3A_287 : memref<10240xf32, #tpu.memory_space<hbm>>) dst(%dma_wait3A_282 : memref<80xf32, #tpu.memory_space<vmem>>)
      %add3A_290 = arith.constant 2 : i32
      %add3A_291 = arith.addi %add3A_265, %add3A_290 : i32
      %lt3A = arith.constant 125 : i32
      %lt3A_292 = arith.cmpi slt, %add3A_291, %lt3A : i32
      %convert_element_type3A = arith.extui %lt3A_292 : i1 to i32
      %cond3A = arith.constant 0 : i32
      %cond3A_293 = arith.cmpi ne, %convert_element_type3A, %cond3A : i32
      scf.if %cond3A_293 {
        %add3A_453 = arith.constant 2 : i32
        %add3A_454 = arith.addi %add3A_265, %add3A_453 : i32
        %rem3A_455 = arith.constant 2 : i32
        %rem3A_456 = arith.remsi %add3A_454, %rem3A_455 : i32
        %dma_start3A_457 = arith.constant 0 : i32
        %dma_start3A_458 = arith.constant 0 : i32
        %dma_start3A_459 = tpu.memref_slice %arg8[%rem3A_456, %dma_start3A_458] : memref<2x80xi32, #tpu.memory_space<vmem>> -> memref<1x80xi32, #tpu.memory_space<vmem>>
        %dma_start3A_460 = tpu.memref_squeeze %dma_start3A_459 : memref<1x80xi32, #tpu.memory_space<vmem>> -> memref<80xi32, #tpu.memory_space<vmem>>
        %dma_start3A_461 = arith.constant 0 : i32
        %dma_start3A_462 = tpu.memref_slice %arg4[%dma_start3A_457, %add3A, %add3A_454, %dma_start3A_461] : memref<2x32x125x80xi32, #tpu.memory_space<hbm>> -> memref<1x1x1x80xi32, #tpu.memory_space<hbm>>
        %dma_start3A_463 = tpu.memref_squeeze %dma_start3A_462 : memref<1x1x1x80xi32, #tpu.memory_space<hbm>> -> memref<80xi32, #tpu.memory_space<hbm>>
        %dma_start3A_464 = tpu.memref_slice %arg20[%rem3A_456] : memref<2x!tpu.dma_semaphore, #tpu.memory_space<semaphore_mem>> -> memref<1x!tpu.dma_semaphore, #tpu.memory_space<semaphore_mem>>
        %dma_start3A_465 = tpu.memref_squeeze %dma_start3A_464 : memref<1x!tpu.dma_semaphore, #tpu.memory_space<semaphore_mem>> -> memref<!tpu.dma_semaphore, #tpu.memory_space<semaphore_mem>>
        %dma_start3A_466 = arith.constant 0 : i32
        %dma_start3A_467 = tpu.memref_slice %arg8[%rem3A_456, %dma_start3A_466] : memref<2x80xi32, #tpu.memory_space<vmem>> -> memref<1x80xi32, #tpu.memory_space<vmem>>
        %dma_start3A_468 = tpu.memref_squeeze %dma_start3A_467 : memref<1x80xi32, #tpu.memory_space<vmem>> -> memref<80xi32, #tpu.memory_space<vmem>>
        %dma_start3A_469 = arith.constant 0 : i32
        %dma_start3A_470 = tpu.memref_slice %arg4[%dma_start3A_457, %add3A, %add3A_454, %dma_start3A_469] : memref<2x32x125x80xi32, #tpu.memory_space<hbm>> -> memref<1x1x1x80xi32, #tpu.memory_space<hbm>>
        %dma_start3A_471 = tpu.memref_squeeze %dma_start3A_470 : memref<1x1x1x80xi32, #tpu.memory_space<hbm>> -> memref<80xi32, #tpu.memory_space<hbm>>
        tpu.enqueue_dma source(%dma_start3A_471 : memref<80xi32, #tpu.memory_space<hbm>>) target(%dma_start3A_468 : memref<80xi32, #tpu.memory_space<vmem>>) target_semaphore(%dma_start3A_465 : memref<!tpu.dma_semaphore, #tpu.memory_space<semaphore_mem>>)
        %dma_start3A_472 = arith.constant 1 : i32
        %dma_start3A_473 = arith.constant 0 : i32
        %dma_start3A_474 = tpu.memref_slice %arg9[%rem3A_456, %dma_start3A_473] : memref<2x80xi32, #tpu.memory_space<vmem>> -> memref<1x80xi32, #tpu.memory_space<vmem>>
        %dma_start3A_475 = tpu.memref_squeeze %dma_start3A_474 : memref<1x80xi32, #tpu.memory_space<vmem>> -> memref<80xi32, #tpu.memory_space<vmem>>
        %dma_start3A_476 = arith.constant 0 : i32
        %dma_start3A_477 = tpu.memref_slice %arg4[%dma_start3A_472, %add3A, %add3A_454, %dma_start3A_476] : memref<2x32x125x80xi32, #tpu.memory_space<hbm>> -> memref<1x1x1x80xi32, #tpu.memory_space<hbm>>
        %dma_start3A_478 = tpu.memref_squeeze %dma_start3A_477 : memref<1x1x1x80xi32, #tpu.memory_space<hbm>> -> memref<80xi32, #tpu.memory_space<hbm>>
        %dma_start3A_479 = tpu.memref_slice %arg20[%rem3A_456] : memref<2x!tpu.dma_semaphore, #tpu.memory_space<semaphore_mem>> -> memref<1x!tpu.dma_semaphore, #tpu.memory_space<semaphore_mem>>
        %dma_start3A_480 = tpu.memref_squeeze %dma_start3A_479 : memref<1x!tpu.dma_semaphore, #tpu.memory_space<semaphore_mem>> -> memref<!tpu.dma_semaphore, #tpu.memory_space<semaphore_mem>>
        %dma_start3A_481 = arith.constant 0 : i32
        %dma_start3A_482 = tpu.memref_slice %arg9[%rem3A_456, %dma_start3A_481] : memref<2x80xi32, #tpu.memory_space<vmem>> -> memref<1x80xi32, #tpu.memory_space<vmem>>
        %dma_start3A_483 = tpu.memref_squeeze %dma_start3A_482 : memref<1x80xi32, #tpu.memory_space<vmem>> -> memref<80xi32, #tpu.memory_space<vmem>>
        %dma_start3A_484 = arith.constant 0 : i32
        %dma_start3A_485 = tpu.memref_slice %arg4[%dma_start3A_472, %add3A, %add3A_454, %dma_start3A_484] : memref<2x32x125x80xi32, #tpu.memory_space<hbm>> -> memref<1x1x1x80xi32, #tpu.memory_space<hbm>>
        %dma_start3A_486 = tpu.memref_squeeze %dma_start3A_485 : memref<1x1x1x80xi32, #tpu.memory_space<hbm>> -> memref<80xi32, #tpu.memory_space<hbm>>
        tpu.enqueue_dma source(%dma_start3A_486 : memref<80xi32, #tpu.memory_space<hbm>>) target(%dma_start3A_483 : memref<80xi32, #tpu.memory_space<vmem>>) target_semaphore(%dma_start3A_480 : memref<!tpu.dma_semaphore, #tpu.memory_space<semaphore_mem>>)
      } else {
      }
      %ge3A = arith.constant 2 : i32
      %ge3A_294 = arith.cmpi sge, %add3A_265, %ge3A : i32
      %convert_element_type3A_295 = arith.extui %ge3A_294 : i1 to i32
      %cond3A_296 = arith.constant 0 : i32
      %cond3A_297 = arith.cmpi ne, %convert_element_type3A_295, %cond3A_296 : i32
      scf.if %cond3A_297 {
        %dma_wait3A_453 = arith.constant 0 : i32
        %dma_wait3A_454 = tpu.memref_slice %arg13[%rem3A_267, %dma_wait3A_453] : memref<2x80xf32, #tpu.memory_space<vmem>> -> memref<1x80xf32, #tpu.memory_space<vmem>>
        %dma_wait3A_455 = tpu.memref_squeeze %dma_wait3A_454 : memref<1x80xf32, #tpu.memory_space<vmem>> -> memref<80xf32, #tpu.memory_space<vmem>>
        %dma_wait3A_456 = arith.constant 0 : i32
        %dma_wait3A_457 = tpu.memref_slice %arg17[%dma_wait3A_456] : memref<10240xf32, #tpu.memory_space<vmem_shared>> -> memref<80xf32, #tpu.memory_space<vmem_shared>>
        %dma_wait3A_458 = tpu.memref_slice %arg22[%rem3A_267] : memref<2x!tpu.dma_semaphore, #tpu.memory_space<semaphore_mem>> -> memref<1x!tpu.dma_semaphore, #tpu.memory_space<semaphore_mem>>
        %dma_wait3A_459 = tpu.memref_squeeze %dma_wait3A_458 : memref<1x!tpu.dma_semaphore, #tpu.memory_space<semaphore_mem>> -> memref<!tpu.dma_semaphore, #tpu.memory_space<semaphore_mem>>
        %dma_wait3A_460 = arith.constant 0 : i32
        %dma_wait3A_461 = tpu.memref_slice %arg17[%dma_wait3A_460] : memref<10240xf32, #tpu.memory_space<vmem_shared>> -> memref<80xf32, #tpu.memory_space<vmem_shared>>
        %dma_wait3A_462 = arith.constant 0 : i32
        %dma_wait3A_463 = tpu.memref_slice %arg13[%rem3A_267, %dma_wait3A_462] : memref<2x80xf32, #tpu.memory_space<vmem>> -> memref<1x80xf32, #tpu.memory_space<vmem>>
        %dma_wait3A_464 = tpu.memref_squeeze %dma_wait3A_463 : memref<1x80xf32, #tpu.memory_space<vmem>> -> memref<80xf32, #tpu.memory_space<vmem>>
        tpu.wait_dma2 semaphore(%dma_wait3A_459 : memref<!tpu.dma_semaphore, #tpu.memory_space<semaphore_mem>>) src(%dma_wait3A_464 : memref<80xf32, #tpu.memory_space<vmem>>) dst(%dma_wait3A_461 : memref<80xf32, #tpu.memory_space<vmem_shared>>)
        %dma_wait3A_465 = arith.constant 0 : i32
        %dma_wait3A_466 = tpu.memref_slice %arg14[%rem3A_267, %dma_wait3A_465] : memref<2x80xf32, #tpu.memory_space<vmem>> -> memref<1x80xf32, #tpu.memory_space<vmem>>
        %dma_wait3A_467 = tpu.memref_squeeze %dma_wait3A_466 : memref<1x80xf32, #tpu.memory_space<vmem>> -> memref<80xf32, #tpu.memory_space<vmem>>
        %dma_wait3A_468 = arith.constant 0 : i32
        %dma_wait3A_469 = tpu.memref_slice %arg18[%dma_wait3A_468] : memref<10240xf32, #tpu.memory_space<vmem_shared>> -> memref<80xf32, #tpu.memory_space<vmem_shared>>
        %dma_wait3A_470 = tpu.memref_slice %arg22[%rem3A_267] : memref<2x!tpu.dma_semaphore, #tpu.memory_space<semaphore_mem>> -> memref<1x!tpu.dma_semaphore, #tpu.memory_space<semaphore_mem>>
        %dma_wait3A_471 = tpu.memref_squeeze %dma_wait3A_470 : memref<1x!tpu.dma_semaphore, #tpu.memory_space<semaphore_mem>> -> memref<!tpu.dma_semaphore, #tpu.memory_space<semaphore_mem>>
        %dma_wait3A_472 = arith.constant 0 : i32
        %dma_wait3A_473 = tpu.memref_slice %arg18[%dma_wait3A_472] : memref<10240xf32, #tpu.memory_space<vmem_shared>> -> memref<80xf32, #tpu.memory_space<vmem_shared>>
        %dma_wait3A_474 = arith.constant 0 : i32
        %dma_wait3A_475 = tpu.memref_slice %arg14[%rem3A_267, %dma_wait3A_474] : memref<2x80xf32, #tpu.memory_space<vmem>> -> memref<1x80xf32, #tpu.memory_space<vmem>>
        %dma_wait3A_476 = tpu.memref_squeeze %dma_wait3A_475 : memref<1x80xf32, #tpu.memory_space<vmem>> -> memref<80xf32, #tpu.memory_space<vmem>>
        tpu.wait_dma2 semaphore(%dma_wait3A_471 : memref<!tpu.dma_semaphore, #tpu.memory_space<semaphore_mem>>) src(%dma_wait3A_476 : memref<80xf32, #tpu.memory_space<vmem>>) dst(%dma_wait3A_473 : memref<80xf32, #tpu.memory_space<vmem_shared>>)
      } else {
      }
      %add3A_298 = arith.constant 1 : i32
      %add3A_299 = arith.addi %add3A_265, %add3A_298 : i32
      %lt3A_300 = arith.constant 125 : i32
      %lt3A_301 = arith.cmpi slt, %add3A_299, %lt3A_300 : i32
      %convert_element_type3A_302 = arith.extui %lt3A_301 : i1 to i32
      %cond3A_303 = arith.constant 0 : i32
      %cond3A_304 = arith.cmpi ne, %convert_element_type3A_302, %cond3A_303 : i32
      scf.if %cond3A_304 {
        %add3A_453 = arith.constant 1 : i32
        %add3A_454 = arith.addi %add3A_265, %add3A_453 : i32
        %rem3A_455 = arith.constant 2 : i32
        %rem3A_456 = arith.remsi %add3A_454, %rem3A_455 : i32
        %dma_wait3A_457 = arith.constant 0 : i32
        %dma_wait3A_458 = arith.constant 0 : i32
        %dma_wait3A_459 = tpu.memref_slice %arg8[%rem3A_456, %dma_wait3A_458] : memref<2x80xi32, #tpu.memory_space<vmem>> -> memref<1x80xi32, #tpu.memory_space<vmem>>
        %dma_wait3A_460 = tpu.memref_squeeze %dma_wait3A_459 : memref<1x80xi32, #tpu.memory_space<vmem>> -> memref<80xi32, #tpu.memory_space<vmem>>
        %dma_wait3A_461 = arith.constant 0 : i32
        %dma_wait3A_462 = tpu.memref_slice %arg4[%dma_wait3A_457, %add3A, %add3A_454, %dma_wait3A_461] : memref<2x32x125x80xi32, #tpu.memory_space<hbm>> -> memref<1x1x1x80xi32, #tpu.memory_space<hbm>>
        %dma_wait3A_463 = tpu.memref_squeeze %dma_wait3A_462 : memref<1x1x1x80xi32, #tpu.memory_space<hbm>> -> memref<80xi32, #tpu.memory_space<hbm>>
        %dma_wait3A_464 = tpu.memref_slice %arg20[%rem3A_456] : memref<2x!tpu.dma_semaphore, #tpu.memory_space<semaphore_mem>> -> memref<1x!tpu.dma_semaphore, #tpu.memory_space<semaphore_mem>>
        %dma_wait3A_465 = tpu.memref_squeeze %dma_wait3A_464 : memref<1x!tpu.dma_semaphore, #tpu.memory_space<semaphore_mem>> -> memref<!tpu.dma_semaphore, #tpu.memory_space<semaphore_mem>>
        %dma_wait3A_466 = arith.constant 0 : i32
        %dma_wait3A_467 = tpu.memref_slice %arg8[%rem3A_456, %dma_wait3A_466] : memref<2x80xi32, #tpu.memory_space<vmem>> -> memref<1x80xi32, #tpu.memory_space<vmem>>
        %dma_wait3A_468 = tpu.memref_squeeze %dma_wait3A_467 : memref<1x80xi32, #tpu.memory_space<vmem>> -> memref<80xi32, #tpu.memory_space<vmem>>
        %dma_wait3A_469 = arith.constant 0 : i32
        %dma_wait3A_470 = tpu.memref_slice %arg4[%dma_wait3A_457, %add3A, %add3A_454, %dma_wait3A_469] : memref<2x32x125x80xi32, #tpu.memory_space<hbm>> -> memref<1x1x1x80xi32, #tpu.memory_space<hbm>>
        %dma_wait3A_471 = tpu.memref_squeeze %dma_wait3A_470 : memref<1x1x1x80xi32, #tpu.memory_space<hbm>> -> memref<80xi32, #tpu.memory_space<hbm>>
        tpu.wait_dma2 semaphore(%dma_wait3A_465 : memref<!tpu.dma_semaphore, #tpu.memory_space<semaphore_mem>>) src(%dma_wait3A_471 : memref<80xi32, #tpu.memory_space<hbm>>) dst(%dma_wait3A_468 : memref<80xi32, #tpu.memory_space<vmem>>)
        %dma_wait3A_472 = arith.constant 0 : i32
        %dma_wait3A_473 = arith.constant 0 : i32
        %dma_wait3A_474 = tpu.memref_slice %arg9[%rem3A_456, %dma_wait3A_473] : memref<2x80xi32, #tpu.memory_space<vmem>> -> memref<1x80xi32, #tpu.memory_space<vmem>>
        %dma_wait3A_475 = tpu.memref_squeeze %dma_wait3A_474 : memref<1x80xi32, #tpu.memory_space<vmem>> -> memref<80xi32, #tpu.memory_space<vmem>>
        %dma_wait3A_476 = arith.constant 0 : i32
        %dma_wait3A_477 = tpu.memref_slice %arg4[%dma_wait3A_472, %add3A, %add3A_454, %dma_wait3A_476] : memref<2x32x125x80xi32, #tpu.memory_space<hbm>> -> memref<1x1x1x80xi32, #tpu.memory_space<hbm>>
        %dma_wait3A_478 = tpu.memref_squeeze %dma_wait3A_477 : memref<1x1x1x80xi32, #tpu.memory_space<hbm>> -> memref<80xi32, #tpu.memory_space<hbm>>
        %dma_wait3A_479 = tpu.memref_slice %arg20[%rem3A_456] : memref<2x!tpu.dma_semaphore, #tpu.memory_space<semaphore_mem>> -> memref<1x!tpu.dma_semaphore, #tpu.memory_space<semaphore_mem>>
        %dma_wait3A_480 = tpu.memref_squeeze %dma_wait3A_479 : memref<1x!tpu.dma_semaphore, #tpu.memory_space<semaphore_mem>> -> memref<!tpu.dma_semaphore, #tpu.memory_space<semaphore_mem>>
        %dma_wait3A_481 = arith.constant 0 : i32
        %dma_wait3A_482 = tpu.memref_slice %arg9[%rem3A_456, %dma_wait3A_481] : memref<2x80xi32, #tpu.memory_space<vmem>> -> memref<1x80xi32, #tpu.memory_space<vmem>>
        %dma_wait3A_483 = tpu.memref_squeeze %dma_wait3A_482 : memref<1x80xi32, #tpu.memory_space<vmem>> -> memref<80xi32, #tpu.memory_space<vmem>>
        %dma_wait3A_484 = arith.constant 0 : i32
        %dma_wait3A_485 = tpu.memref_slice %arg4[%dma_wait3A_472, %add3A, %add3A_454, %dma_wait3A_484] : memref<2x32x125x80xi32, #tpu.memory_space<hbm>> -> memref<1x1x1x80xi32, #tpu.memory_space<hbm>>
        %dma_wait3A_486 = tpu.memref_squeeze %dma_wait3A_485 : memref<1x1x1x80xi32, #tpu.memory_space<hbm>> -> memref<80xi32, #tpu.memory_space<hbm>>
        tpu.wait_dma2 semaphore(%dma_wait3A_480 : memref<!tpu.dma_semaphore, #tpu.memory_space<semaphore_mem>>) src(%dma_wait3A_486 : memref<80xi32, #tpu.memory_space<hbm>>) dst(%dma_wait3A_483 : memref<80xi32, #tpu.memory_space<vmem>>)
        %add3A_487 = arith.constant 1 : i32
        %add3A_488 = arith.addi %add3A_265, %add3A_487 : i32
        %rem3A_489 = arith.constant 2 : i32
        %rem3A_490 = arith.remsi %add3A_488, %rem3A_489 : i32
        %rem3A_491 = arith.constant 3 : i32
        %rem3A_492 = arith.remsi %add3A_488, %rem3A_491 : i32
        %get3A_493 = arith.index_cast %rem3A_490 : i32 to index
        %get3A_494 = arith.constant 0 : index
        %get3A_495 = tpu.vector_load %arg9[%get3A_493, %get3A_494] {strides = array<i32>} : memref<2x80xi32, #tpu.memory_space<vmem>>, vector<1x16xi32>,
        %get3A_496 = vector.shape_cast %get3A_495 : vector<1x16xi32> to vector<16xi32>
        %swap3A_497 = arith.index_cast %rem3A_492 : i32 to index
        %swap3A_498 = arith.constant 0 : index
        %swap3A_499 = tpu.vector_load %arg10[%swap3A_497, %swap3A_498] {strides = array<i32>} : memref<3x80xi32, #tpu.memory_space<vmem>>, vector<1x16xi32>,
        %swap3A_500 = vector.shape_cast %swap3A_499 : vector<1x16xi32> to vector<16xi32>
        %swap3A_501 = vector.shape_cast %get3A_496 : vector<16xi32> to vector<1x16xi32>
        tpu.vector_store %arg10[%swap3A_497, %swap3A_498], %swap3A_501 {strides = array<i32>} : memref<3x80xi32, #tpu.memory_space<vmem>>, vector<1x16xi32>,
        %get3A_502 = arith.index_cast %rem3A_490 : i32 to index
        %get3A_503 = arith.constant 16 : index
        %get3A_504 = tpu.vector_load %arg9[%get3A_502, %get3A_503] {strides = array<i32>} : memref<2x80xi32, #tpu.memory_space<vmem>>, vector<1x16xi32>,
        %get3A_505 = vector.shape_cast %get3A_504 : vector<1x16xi32> to vector<16xi32>
        %swap3A_506 = arith.index_cast %rem3A_492 : i32 to index
        %swap3A_507 = arith.constant 16 : index
        %swap3A_508 = tpu.vector_load %arg10[%swap3A_506, %swap3A_507] {strides = array<i32>} : memref<3x80xi32, #tpu.memory_space<vmem>>, vector<1x16xi32>,
        %swap3A_509 = vector.shape_cast %swap3A_508 : vector<1x16xi32> to vector<16xi32>
        %swap3A_510 = vector.shape_cast %get3A_505 : vector<16xi32> to vector<1x16xi32>
        tpu.vector_store %arg10[%swap3A_506, %swap3A_507], %swap3A_510 {strides = array<i32>} : memref<3x80xi32, #tpu.memory_space<vmem>>, vector<1x16xi32>,
        %get3A_511 = arith.index_cast %rem3A_490 : i32 to index
        %get3A_512 = arith.constant 32 : index
        %get3A_513 = tpu.vector_load %arg9[%get3A_511, %get3A_512] {strides = array<i32>} : memref<2x80xi32, #tpu.memory_space<vmem>>, vector<1x16xi32>,
        %get3A_514 = vector.shape_cast %get3A_513 : vector<1x16xi32> to vector<16xi32>
        %swap3A_515 = arith.index_cast %rem3A_492 : i32 to index
        %swap3A_516 = arith.constant 32 : index
        %swap3A_517 = tpu.vector_load %arg10[%swap3A_515, %swap3A_516] {strides = array<i32>} : memref<3x80xi32, #tpu.memory_space<vmem>>, vector<1x16xi32>,
        %swap3A_518 = vector.shape_cast %swap3A_517 : vector<1x16xi32> to vector<16xi32>
        %swap3A_519 = vector.shape_cast %get3A_514 : vector<16xi32> to vector<1x16xi32>
        tpu.vector_store %arg10[%swap3A_515, %swap3A_516], %swap3A_519 {strides = array<i32>} : memref<3x80xi32, #tpu.memory_space<vmem>>, vector<1x16xi32>,
        %get3A_520 = arith.index_cast %rem3A_490 : i32 to index
        %get3A_521 = arith.constant 48 : index
        %get3A_522 = tpu.vector_load %arg9[%get3A_520, %get3A_521] {strides = array<i32>} : memref<2x80xi32, #tpu.memory_space<vmem>>, vector<1x16xi32>,
        %get3A_523 = vector.shape_cast %get3A_522 : vector<1x16xi32> to vector<16xi32>
        %swap3A_524 = arith.index_cast %rem3A_492 : i32 to index
        %swap3A_525 = arith.constant 48 : index
        %swap3A_526 = tpu.vector_load %arg10[%swap3A_524, %swap3A_525] {strides = array<i32>} : memref<3x80xi32, #tpu.memory_space<vmem>>, vector<1x16xi32>,
        %swap3A_527 = vector.shape_cast %swap3A_526 : vector<1x16xi32> to vector<16xi32>
        %swap3A_528 = vector.shape_cast %get3A_523 : vector<16xi32> to vector<1x16xi32>
        tpu.vector_store %arg10[%swap3A_524, %swap3A_525], %swap3A_528 {strides = array<i32>} : memref<3x80xi32, #tpu.memory_space<vmem>>, vector<1x16xi32>,
        %get3A_529 = arith.index_cast %rem3A_490 : i32 to index
        %get3A_530 = arith.constant 64 : index
        %get3A_531 = tpu.vector_load %arg9[%get3A_529, %get3A_530] {strides = array<i32>} : memref<2x80xi32, #tpu.memory_space<vmem>>, vector<1x16xi32>,
        %get3A_532 = vector.shape_cast %get3A_531 : vector<1x16xi32> to vector<16xi32>
        %swap3A_533 = arith.index_cast %rem3A_492 : i32 to index
        %swap3A_534 = arith.constant 64 : index
        %swap3A_535 = tpu.vector_load %arg10[%swap3A_533, %swap3A_534] {strides = array<i32>} : memref<3x80xi32, #tpu.memory_space<vmem>>, vector<1x16xi32>,
        %swap3A_536 = vector.shape_cast %swap3A_535 : vector<1x16xi32> to vector<16xi32>
        %swap3A_537 = vector.shape_cast %get3A_532 : vector<16xi32> to vector<1x16xi32>
        tpu.vector_store %arg10[%swap3A_533, %swap3A_534], %swap3A_537 {strides = array<i32>} : memref<3x80xi32, #tpu.memory_space<vmem>>, vector<1x16xi32>,
        %dma_start3A_538 = arith.constant 0 : i32
        %dma_start3A_539 = tpu.memref_slice %arg11[%rem3A_490, %dma_start3A_538] : memref<2x80xf32, #tpu.memory_space<vmem>> -> memref<1x80xf32, #tpu.memory_space<vmem>>
        %dma_start3A_540 = tpu.memref_squeeze %dma_start3A_539 : memref<1x80xf32, #tpu.memory_space<vmem>> -> memref<80xf32, #tpu.memory_space<vmem>>
        %dma_start3A_541 = arith.constant 0 : i32
        %dma_start3A_542 = tpu.memref_slice %arg8[%rem3A_490, %dma_start3A_541] : memref<2x80xi32, #tpu.memory_space<vmem>> -> memref<1x80xi32, #tpu.memory_space<vmem>>
        %dma_start3A_543 = tpu.memref_squeeze %dma_start3A_542 : memref<1x80xi32, #tpu.memory_space<vmem>> -> memref<80xi32, #tpu.memory_space<vmem>>
        %dma_start3A_544 = arith.constant 0 : i32
        %dma_start3A_545 = tpu.memref_slice %arg2[%dma_start3A_544] : memref<10240xf32, #tpu.memory_space<hbm>> -> memref<10240xf32, #tpu.memory_space<hbm>>
        %dma_start3A_546 = tpu.memref_slice %arg21[%rem3A_490] : memref<2x!tpu.dma_semaphore, #tpu.memory_space<semaphore_mem>> -> memref<1x!tpu.dma_semaphore, #tpu.memory_space<semaphore_mem>>
        %dma_start3A_547 = tpu.memref_squeeze %dma_start3A_546 : memref<1x!tpu.dma_semaphore, #tpu.memory_space<semaphore_mem>> -> memref<!tpu.dma_semaphore, #tpu.memory_space<semaphore_mem>>
        tpu.enqueue_indirect_dma source(%dma_start3A_545 : memref<10240xf32, #tpu.memory_space<hbm>>) target(%dma_start3A_540 : memref<80xf32, #tpu.memory_space<vmem>>) offsets(%dma_start3A_543 : memref<80xi32, #tpu.memory_space<vmem>>) semaphore(%dma_start3A_547 : memref<!tpu.dma_semaphore, #tpu.memory_space<semaphore_mem>>)
        %dma_start3A_548 = arith.constant 0 : i32
        %dma_start3A_549 = tpu.memref_slice %arg12[%rem3A_490, %dma_start3A_548] : memref<2x80xf32, #tpu.memory_space<vmem>> -> memref<1x80xf32, #tpu.memory_space<vmem>>
        %dma_start3A_550 = tpu.memref_squeeze %dma_start3A_549 : memref<1x80xf32, #tpu.memory_space<vmem>> -> memref<80xf32, #tpu.memory_space<vmem>>
        %dma_start3A_551 = arith.constant 0 : i32
        %dma_start3A_552 = tpu.memref_slice %arg9[%rem3A_490, %dma_start3A_551] : memref<2x80xi32, #tpu.memory_space<vmem>> -> memref<1x80xi32, #tpu.memory_space<vmem>>
        %dma_start3A_553 = tpu.memref_squeeze %dma_start3A_552 : memref<1x80xi32, #tpu.memory_space<vmem>> -> memref<80xi32, #tpu.memory_space<vmem>>
        %dma_start3A_554 = arith.constant 0 : i32
        %dma_start3A_555 = tpu.memref_slice %arg3[%dma_start3A_554] : memref<10240xf32, #tpu.memory_space<hbm>> -> memref<10240xf32, #tpu.memory_space<hbm>>
        %dma_start3A_556 = tpu.memref_slice %arg21[%rem3A_490] : memref<2x!tpu.dma_semaphore, #tpu.memory_space<semaphore_mem>> -> memref<1x!tpu.dma_semaphore, #tpu.memory_space<semaphore_mem>>
        %dma_start3A_557 = tpu.memref_squeeze %dma_start3A_556 : memref<1x!tpu.dma_semaphore, #tpu.memory_space<semaphore_mem>> -> memref<!tpu.dma_semaphore, #tpu.memory_space<semaphore_mem>>
        tpu.enqueue_indirect_dma source(%dma_start3A_555 : memref<10240xf32, #tpu.memory_space<hbm>>) target(%dma_start3A_550 : memref<80xf32, #tpu.memory_space<vmem>>) offsets(%dma_start3A_553 : memref<80xi32, #tpu.memory_space<vmem>>) semaphore(%dma_start3A_557 : memref<!tpu.dma_semaphore, #tpu.memory_space<semaphore_mem>>)
      } else {
      }
      %get3A_305 = arith.index_cast %rem3A_267 : i32 to index
      %get3A_306 = arith.constant 0 : index
      %get3A_307 = tpu.vector_load %arg11[%get3A_305, %get3A_306] {strides = array<i32>} : memref<2x80xf32, #tpu.memory_space<vmem>>, vector<1x16xf32>,
      %get3A_308 = vector.shape_cast %get3A_307 : vector<1x16xf32> to vector<16xf32>
      %get3A_309 = arith.index_cast %rem3A_267 : i32 to index
      %get3A_310 = arith.constant 0 : index
      %get3A_311 = tpu.vector_load %arg12[%get3A_309, %get3A_310] {strides = array<i32>} : memref<2x80xf32, #tpu.memory_space<vmem>>, vector<1x16xf32>,
      %get3A_312 = vector.shape_cast %get3A_311 : vector<1x16xf32> to vector<16xf32>
      %add3A_313 = arith.addf %get3A_308, %get3A_312 : vector<16xf32>
      %mul3A_314 = arith.constant 2.000000e-01 : f32
      %mul3A_315 = vector.broadcast %mul3A_314 : f32 to vector<16xf32>
      %mul3A_316 = arith.mulf %mul3A_315, %add3A_313 : vector<16xf32>
      %max3A = arith.maximumf %add3A_313, %mul3A_316 : vector<16xf32>
      %mul3A_317 = arith.mulf %max3A, %get3A_16 : vector<16xf32>
      %exp3A = math.exp %mul3A_317 : vector<16xf32>
      %swap3A_318 = arith.index_cast %rem3A_267 : i32 to index
      %swap3A_319 = arith.constant 0 : index
      %swap3A_320 = tpu.vector_load %arg13[%swap3A_318, %swap3A_319] {strides = array<i32>} : memref<2x80xf32, #tpu.memory_space<vmem>>, vector<1x16xf32>,
      %swap3A_321 = vector.shape_cast %swap3A_320 : vector<1x16xf32> to vector<16xf32>
      %swap3A_322 = vector.shape_cast %exp3A : vector<16xf32> to vector<1x16xf32>
      tpu.vector_store %arg13[%swap3A_318, %swap3A_319], %swap3A_322 {strides = array<i32>} : memref<2x80xf32, #tpu.memory_space<vmem>>, vector<1x16xf32>,
      %mul3A_323 = arith.mulf %exp3A, %get3A_308 : vector<16xf32>
      %swap3A_324 = arith.index_cast %rem3A_267 : i32 to index
      %swap3A_325 = arith.constant 0 : index
      %swap3A_326 = tpu.vector_load %arg14[%swap3A_324, %swap3A_325] {strides = array<i32>} : memref<2x80xf32, #tpu.memory_space<vmem>>, vector<1x16xf32>,
      %swap3A_327 = vector.shape_cast %swap3A_326 : vector<1x16xf32> to vector<16xf32>
      %swap3A_328 = vector.shape_cast %mul3A_323 : vector<16xf32> to vector<1x16xf32>
      tpu.vector_store %arg14[%swap3A_324, %swap3A_325], %swap3A_328 {strides = array<i32>} : memref<2x80xf32, #tpu.memory_space<vmem>>, vector<1x16xf32>,
      %get3A_329 = arith.index_cast %rem3A_267 : i32 to index
      %get3A_330 = arith.constant 16 : index
      %get3A_331 = tpu.vector_load %arg11[%get3A_329, %get3A_330] {strides = array<i32>} : memref<2x80xf32, #tpu.memory_space<vmem>>, vector<1x16xf32>,
      %get3A_332 = vector.shape_cast %get3A_331 : vector<1x16xf32> to vector<16xf32>
      %get3A_333 = arith.index_cast %rem3A_267 : i32 to index
      %get3A_334 = arith.constant 16 : index
      %get3A_335 = tpu.vector_load %arg12[%get3A_333, %get3A_334] {strides = array<i32>} : memref<2x80xf32, #tpu.memory_space<vmem>>, vector<1x16xf32>,
      %get3A_336 = vector.shape_cast %get3A_335 : vector<1x16xf32> to vector<16xf32>
      %add3A_337 = arith.addf %get3A_332, %get3A_336 : vector<16xf32>
      %mul3A_338 = arith.constant 2.000000e-01 : f32
      %mul3A_339 = vector.broadcast %mul3A_338 : f32 to vector<16xf32>
      %mul3A_340 = arith.mulf %mul3A_339, %add3A_337 : vector<16xf32>
      %max3A_341 = arith.maximumf %add3A_337, %mul3A_340 : vector<16xf32>
      %mul3A_342 = arith.mulf %max3A_341, %get3A_16 : vector<16xf32>
      %exp3A_343 = math.exp %mul3A_342 : vector<16xf32>
      %swap3A_344 = arith.index_cast %rem3A_267 : i32 to index
      %swap3A_345 = arith.constant 16 : index
      %swap3A_346 = tpu.vector_load %arg13[%swap3A_344, %swap3A_345] {strides = array<i32>} : memref<2x80xf32, #tpu.memory_space<vmem>>, vector<1x16xf32>,
      %swap3A_347 = vector.shape_cast %swap3A_346 : vector<1x16xf32> to vector<16xf32>
      %swap3A_348 = vector.shape_cast %exp3A_343 : vector<16xf32> to vector<1x16xf32>
      tpu.vector_store %arg13[%swap3A_344, %swap3A_345], %swap3A_348 {strides = array<i32>} : memref<2x80xf32, #tpu.memory_space<vmem>>, vector<1x16xf32>,
      %mul3A_349 = arith.mulf %exp3A_343, %get3A_332 : vector<16xf32>
      %swap3A_350 = arith.index_cast %rem3A_267 : i32 to index
      %swap3A_351 = arith.constant 16 : index
      %swap3A_352 = tpu.vector_load %arg14[%swap3A_350, %swap3A_351] {strides = array<i32>} : memref<2x80xf32, #tpu.memory_space<vmem>>, vector<1x16xf32>,
      %swap3A_353 = vector.shape_cast %swap3A_352 : vector<1x16xf32> to vector<16xf32>
      %swap3A_354 = vector.shape_cast %mul3A_349 : vector<16xf32> to vector<1x16xf32>
      tpu.vector_store %arg14[%swap3A_350, %swap3A_351], %swap3A_354 {strides = array<i32>} : memref<2x80xf32, #tpu.memory_space<vmem>>, vector<1x16xf32>,
      %get3A_355 = arith.index_cast %rem3A_267 : i32 to index
      %get3A_356 = arith.constant 32 : index
      %get3A_357 = tpu.vector_load %arg11[%get3A_355, %get3A_356] {strides = array<i32>} : memref<2x80xf32, #tpu.memory_space<vmem>>, vector<1x16xf32>,
      %get3A_358 = vector.shape_cast %get3A_357 : vector<1x16xf32> to vector<16xf32>
      %get3A_359 = arith.index_cast %rem3A_267 : i32 to index
      %get3A_360 = arith.constant 32 : index
      %get3A_361 = tpu.vector_load %arg12[%get3A_359, %get3A_360] {strides = array<i32>} : memref<2x80xf32, #tpu.memory_space<vmem>>, vector<1x16xf32>,
      %get3A_362 = vector.shape_cast %get3A_361 : vector<1x16xf32> to vector<16xf32>
      %add3A_363 = arith.addf %get3A_358, %get3A_362 : vector<16xf32>
      %mul3A_364 = arith.constant 2.000000e-01 : f32
      %mul3A_365 = vector.broadcast %mul3A_364 : f32 to vector<16xf32>
      %mul3A_366 = arith.mulf %mul3A_365, %add3A_363 : vector<16xf32>
      %max3A_367 = arith.maximumf %add3A_363, %mul3A_366 : vector<16xf32>
      %mul3A_368 = arith.mulf %max3A_367, %get3A_16 : vector<16xf32>
      %exp3A_369 = math.exp %mul3A_368 : vector<16xf32>
      %swap3A_370 = arith.index_cast %rem3A_267 : i32 to index
      %swap3A_371 = arith.constant 32 : index
      %swap3A_372 = tpu.vector_load %arg13[%swap3A_370, %swap3A_371] {strides = array<i32>} : memref<2x80xf32, #tpu.memory_space<vmem>>, vector<1x16xf32>,
      %swap3A_373 = vector.shape_cast %swap3A_372 : vector<1x16xf32> to vector<16xf32>
      %swap3A_374 = vector.shape_cast %exp3A_369 : vector<16xf32> to vector<1x16xf32>
      tpu.vector_store %arg13[%swap3A_370, %swap3A_371], %swap3A_374 {strides = array<i32>} : memref<2x80xf32, #tpu.memory_space<vmem>>, vector<1x16xf32>,
      %mul3A_375 = arith.mulf %exp3A_369, %get3A_358 : vector<16xf32>
      %swap3A_376 = arith.index_cast %rem3A_267 : i32 to index
      %swap3A_377 = arith.constant 32 : index
      %swap3A_378 = tpu.vector_load %arg14[%swap3A_376, %swap3A_377] {strides = array<i32>} : memref<2x80xf32, #tpu.memory_space<vmem>>, vector<1x16xf32>,
      %swap3A_379 = vector.shape_cast %swap3A_378 : vector<1x16xf32> to vector<16xf32>
      %swap3A_380 = vector.shape_cast %mul3A_375 : vector<16xf32> to vector<1x16xf32>
      tpu.vector_store %arg14[%swap3A_376, %swap3A_377], %swap3A_380 {strides = array<i32>} : memref<2x80xf32, #tpu.memory_space<vmem>>, vector<1x16xf32>,
      %get3A_381 = arith.index_cast %rem3A_267 : i32 to index
      %get3A_382 = arith.constant 48 : index
      %get3A_383 = tpu.vector_load %arg11[%get3A_381, %get3A_382] {strides = array<i32>} : memref<2x80xf32, #tpu.memory_space<vmem>>, vector<1x16xf32>,
      %get3A_384 = vector.shape_cast %get3A_383 : vector<1x16xf32> to vector<16xf32>
      %get3A_385 = arith.index_cast %rem3A_267 : i32 to index
      %get3A_386 = arith.constant 48 : index
      %get3A_387 = tpu.vector_load %arg12[%get3A_385, %get3A_386] {strides = array<i32>} : memref<2x80xf32, #tpu.memory_space<vmem>>, vector<1x16xf32>,
      %get3A_388 = vector.shape_cast %get3A_387 : vector<1x16xf32> to vector<16xf32>
      %add3A_389 = arith.addf %get3A_384, %get3A_388 : vector<16xf32>
      %mul3A_390 = arith.constant 2.000000e-01 : f32
      %mul3A_391 = vector.broadcast %mul3A_390 : f32 to vector<16xf32>
      %mul3A_392 = arith.mulf %mul3A_391, %add3A_389 : vector<16xf32>
      %max3A_393 = arith.maximumf %add3A_389, %mul3A_392 : vector<16xf32>
      %mul3A_394 = arith.mulf %max3A_393, %get3A_16 : vector<16xf32>
      %exp3A_395 = math.exp %mul3A_394 : vector<16xf32>
      %swap3A_396 = arith.index_cast %rem3A_267 : i32 to index
      %swap3A_397 = arith.constant 48 : index
      %swap3A_398 = tpu.vector_load %arg13[%swap3A_396, %swap3A_397] {strides = array<i32>} : memref<2x80xf32, #tpu.memory_space<vmem>>, vector<1x16xf32>,
      %swap3A_399 = vector.shape_cast %swap3A_398 : vector<1x16xf32> to vector<16xf32>
      %swap3A_400 = vector.shape_cast %exp3A_395 : vector<16xf32> to vector<1x16xf32>
      tpu.vector_store %arg13[%swap3A_396, %swap3A_397], %swap3A_400 {strides = array<i32>} : memref<2x80xf32, #tpu.memory_space<vmem>>, vector<1x16xf32>,
      %mul3A_401 = arith.mulf %exp3A_395, %get3A_384 : vector<16xf32>
      %swap3A_402 = arith.index_cast %rem3A_267 : i32 to index
      %swap3A_403 = arith.constant 48 : index
      %swap3A_404 = tpu.vector_load %arg14[%swap3A_402, %swap3A_403] {strides = array<i32>} : memref<2x80xf32, #tpu.memory_space<vmem>>, vector<1x16xf32>,
      %swap3A_405 = vector.shape_cast %swap3A_404 : vector<1x16xf32> to vector<16xf32>
      %swap3A_406 = vector.shape_cast %mul3A_401 : vector<16xf32> to vector<1x16xf32>
      tpu.vector_store %arg14[%swap3A_402, %swap3A_403], %swap3A_406 {strides = array<i32>} : memref<2x80xf32, #tpu.memory_space<vmem>>, vector<1x16xf32>,
      %get3A_407 = arith.index_cast %rem3A_267 : i32 to index
      %get3A_408 = arith.constant 64 : index
      %get3A_409 = tpu.vector_load %arg11[%get3A_407, %get3A_408] {strides = array<i32>} : memref<2x80xf32, #tpu.memory_space<vmem>>, vector<1x16xf32>,
      %get3A_410 = vector.shape_cast %get3A_409 : vector<1x16xf32> to vector<16xf32>
      %get3A_411 = arith.index_cast %rem3A_267 : i32 to index
      %get3A_412 = arith.constant 64 : index
      %get3A_413 = tpu.vector_load %arg12[%get3A_411, %get3A_412] {strides = array<i32>} : memref<2x80xf32, #tpu.memory_space<vmem>>, vector<1x16xf32>,
      %get3A_414 = vector.shape_cast %get3A_413 : vector<1x16xf32> to vector<16xf32>
      %add3A_415 = arith.addf %get3A_410, %get3A_414 : vector<16xf32>
      %mul3A_416 = arith.constant 2.000000e-01 : f32
      %mul3A_417 = vector.broadcast %mul3A_416 : f32 to vector<16xf32>
      %mul3A_418 = arith.mulf %mul3A_417, %add3A_415 : vector<16xf32>
      %max3A_419 = arith.maximumf %add3A_415, %mul3A_418 : vector<16xf32>
      %mul3A_420 = arith.mulf %max3A_419, %get3A_16 : vector<16xf32>
      %exp3A_421 = math.exp %mul3A_420 : vector<16xf32>
      %swap3A_422 = arith.index_cast %rem3A_267 : i32 to index
      %swap3A_423 = arith.constant 64 : index
      %swap3A_424 = tpu.vector_load %arg13[%swap3A_422, %swap3A_423] {strides = array<i32>} : memref<2x80xf32, #tpu.memory_space<vmem>>, vector<1x16xf32>,
      %swap3A_425 = vector.shape_cast %swap3A_424 : vector<1x16xf32> to vector<16xf32>
      %swap3A_426 = vector.shape_cast %exp3A_421 : vector<16xf32> to vector<1x16xf32>
      tpu.vector_store %arg13[%swap3A_422, %swap3A_423], %swap3A_426 {strides = array<i32>} : memref<2x80xf32, #tpu.memory_space<vmem>>, vector<1x16xf32>,
      %mul3A_427 = arith.mulf %exp3A_421, %get3A_410 : vector<16xf32>
      %swap3A_428 = arith.index_cast %rem3A_267 : i32 to index
      %swap3A_429 = arith.constant 64 : index
      %swap3A_430 = tpu.vector_load %arg14[%swap3A_428, %swap3A_429] {strides = array<i32>} : memref<2x80xf32, #tpu.memory_space<vmem>>, vector<1x16xf32>,
      %swap3A_431 = vector.shape_cast %swap3A_430 : vector<1x16xf32> to vector<16xf32>
      %swap3A_432 = vector.shape_cast %mul3A_427 : vector<16xf32> to vector<1x16xf32>
      tpu.vector_store %arg14[%swap3A_428, %swap3A_429], %swap3A_432 {strides = array<i32>} : memref<2x80xf32, #tpu.memory_space<vmem>>, vector<1x16xf32>,
      %dma_start3A_433 = arith.constant 0 : i32
      %dma_start3A_434 = tpu.memref_slice %arg13[%rem3A_267, %dma_start3A_433] : memref<2x80xf32, #tpu.memory_space<vmem>> -> memref<1x80xf32, #tpu.memory_space<vmem>>
      %dma_start3A_435 = tpu.memref_squeeze %dma_start3A_434 : memref<1x80xf32, #tpu.memory_space<vmem>> -> memref<80xf32, #tpu.memory_space<vmem>>
      %dma_start3A_436 = arith.constant 0 : i32
      %dma_start3A_437 = tpu.memref_slice %arg10[%rem3A_269, %dma_start3A_436] : memref<3x80xi32, #tpu.memory_space<vmem>> -> memref<1x80xi32, #tpu.memory_space<vmem>>
      %dma_start3A_438 = tpu.memref_squeeze %dma_start3A_437 : memref<1x80xi32, #tpu.memory_space<vmem>> -> memref<80xi32, #tpu.memory_space<vmem>>
      %dma_start3A_439 = arith.constant 0 : i32
      %dma_start3A_440 = tpu.memref_slice %arg17[%dma_start3A_439] : memref<10240xf32, #tpu.memory_space<vmem_shared>> -> memref<10240xf32, #tpu.memory_space<vmem_shared>>
      %dma_start3A_441 = tpu.memref_slice %arg22[%rem3A_267] : memref<2x!tpu.dma_semaphore, #tpu.memory_space<semaphore_mem>> -> memref<1x!tpu.dma_semaphore, #tpu.memory_space<semaphore_mem>>
      %dma_start3A_442 = tpu.memref_squeeze %dma_start3A_441 : memref<1x!tpu.dma_semaphore, #tpu.memory_space<semaphore_mem>> -> memref<!tpu.dma_semaphore, #tpu.memory_space<semaphore_mem>>
      tpu.enqueue_indirect_dma source(%dma_start3A_435 : memref<80xf32, #tpu.memory_space<vmem>>) target(%dma_start3A_440 : memref<10240xf32, #tpu.memory_space<vmem_shared>>) offsets(%dma_start3A_438 : memref<80xi32, #tpu.memory_space<vmem>>) semaphore(%dma_start3A_442 : memref<!tpu.dma_semaphore, #tpu.memory_space<semaphore_mem>>) {add = true}
      %dma_start3A_443 = arith.constant 0 : i32
      %dma_start3A_444 = tpu.memref_slice %arg14[%rem3A_267, %dma_start3A_443] : memref<2x80xf32, #tpu.memory_space<vmem>> -> memref<1x80xf32, #tpu.memory_space<vmem>>
      %dma_start3A_445 = tpu.memref_squeeze %dma_start3A_444 : memref<1x80xf32, #tpu.memory_space<vmem>> -> memref<80xf32, #tpu.memory_space<vmem>>
      %dma_start3A_446 = arith.constant 0 : i32
      %dma_start3A_447 = tpu.memref_slice %arg10[%rem3A_269, %dma_start3A_446] : memref<3x80xi32, #tpu.memory_space<vmem>> -> memref<1x80xi32, #tpu.memory_space<vmem>>
      %dma_start3A_448 = tpu.memref_squeeze %dma_start3A_447 : memref<1x80xi32, #tpu.memory_space<vmem>> -> memref<80xi32, #tpu.memory_space<vmem>>
      %dma_start3A_449 = arith.constant 0 : i32
      %dma_start3A_450 = tpu.memref_slice %arg18[%dma_start3A_449] : memref<10240xf32, #tpu.memory_space<vmem_shared>> -> memref<10240xf32, #tpu.memory_space<vmem_shared>>
      %dma_start3A_451 = tpu.memref_slice %arg22[%rem3A_267] : memref<2x!tpu.dma_semaphore, #tpu.memory_space<semaphore_mem>> -> memref<1x!tpu.dma_semaphore, #tpu.memory_space<semaphore_mem>>
      %dma_start3A_452 = tpu.memref_squeeze %dma_start3A_451 : memref<1x!tpu.dma_semaphore, #tpu.memory_space<semaphore_mem>> -> memref<!tpu.dma_semaphore, #tpu.memory_space<semaphore_mem>>
      tpu.enqueue_indirect_dma source(%dma_start3A_445 : memref<80xf32, #tpu.memory_space<vmem>>) target(%dma_start3A_450 : memref<10240xf32, #tpu.memory_space<vmem_shared>>) offsets(%dma_start3A_448 : memref<80xi32, #tpu.memory_space<vmem>>) semaphore(%dma_start3A_452 : memref<!tpu.dma_semaphore, #tpu.memory_space<semaphore_mem>>) {add = true}
    }
    %scan3A_195 = arith.constant 125 : i32
    %dma_wait3A_196 = arith.constant 0 : i32
    %dma_wait3A_197 = arith.constant 0 : i32
    %dma_wait3A_198 = arith.constant 0 : i32
    %dma_wait3A_199 = tpu.memref_slice %arg13[%dma_wait3A_196, %dma_wait3A_198] : memref<2x80xf32, #tpu.memory_space<vmem>> -> memref<1x80xf32, #tpu.memory_space<vmem>>
    %dma_wait3A_200 = tpu.memref_squeeze %dma_wait3A_199 : memref<1x80xf32, #tpu.memory_space<vmem>> -> memref<80xf32, #tpu.memory_space<vmem>>
    %dma_wait3A_201 = arith.constant 0 : i32
    %dma_wait3A_202 = tpu.memref_slice %arg17[%dma_wait3A_201] : memref<10240xf32, #tpu.memory_space<vmem_shared>> -> memref<80xf32, #tpu.memory_space<vmem_shared>>
    %dma_wait3A_203 = tpu.memref_slice %arg22[%dma_wait3A_197] : memref<2x!tpu.dma_semaphore, #tpu.memory_space<semaphore_mem>> -> memref<1x!tpu.dma_semaphore, #tpu.memory_space<semaphore_mem>>
    %dma_wait3A_204 = tpu.memref_squeeze %dma_wait3A_203 : memref<1x!tpu.dma_semaphore, #tpu.memory_space<semaphore_mem>> -> memref<!tpu.dma_semaphore, #tpu.memory_space<semaphore_mem>>
    %dma_wait3A_205 = arith.constant 0 : i32
    %dma_wait3A_206 = tpu.memref_slice %arg17[%dma_wait3A_205] : memref<10240xf32, #tpu.memory_space<vmem_shared>> -> memref<80xf32, #tpu.memory_space<vmem_shared>>
    %dma_wait3A_207 = arith.constant 0 : i32
    %dma_wait3A_208 = tpu.memref_slice %arg13[%dma_wait3A_196, %dma_wait3A_207] : memref<2x80xf32, #tpu.memory_space<vmem>> -> memref<1x80xf32, #tpu.memory_space<vmem>>
    %dma_wait3A_209 = tpu.memref_squeeze %dma_wait3A_208 : memref<1x80xf32, #tpu.memory_space<vmem>> -> memref<80xf32, #tpu.memory_space<vmem>>
    tpu.wait_dma2 semaphore(%dma_wait3A_204 : memref<!tpu.dma_semaphore, #tpu.memory_space<semaphore_mem>>) src(%dma_wait3A_209 : memref<80xf32, #tpu.memory_space<vmem>>) dst(%dma_wait3A_206 : memref<80xf32, #tpu.memory_space<vmem_shared>>)
    %dma_wait3A_210 = arith.constant 0 : i32
    %dma_wait3A_211 = arith.constant 0 : i32
    %dma_wait3A_212 = arith.constant 0 : i32
    %dma_wait3A_213 = tpu.memref_slice %arg14[%dma_wait3A_210, %dma_wait3A_212] : memref<2x80xf32, #tpu.memory_space<vmem>> -> memref<1x80xf32, #tpu.memory_space<vmem>>
    %dma_wait3A_214 = tpu.memref_squeeze %dma_wait3A_213 : memref<1x80xf32, #tpu.memory_space<vmem>> -> memref<80xf32, #tpu.memory_space<vmem>>
    %dma_wait3A_215 = arith.constant 0 : i32
    %dma_wait3A_216 = tpu.memref_slice %arg18[%dma_wait3A_215] : memref<10240xf32, #tpu.memory_space<vmem_shared>> -> memref<80xf32, #tpu.memory_space<vmem_shared>>
    %dma_wait3A_217 = tpu.memref_slice %arg22[%dma_wait3A_211] : memref<2x!tpu.dma_semaphore, #tpu.memory_space<semaphore_mem>> -> memref<1x!tpu.dma_semaphore, #tpu.memory_space<semaphore_mem>>
    %dma_wait3A_218 = tpu.memref_squeeze %dma_wait3A_217 : memref<1x!tpu.dma_semaphore, #tpu.memory_space<semaphore_mem>> -> memref<!tpu.dma_semaphore, #tpu.memory_space<semaphore_mem>>
    %dma_wait3A_219 = arith.constant 0 : i32
    %dma_wait3A_220 = tpu.memref_slice %arg18[%dma_wait3A_219] : memref<10240xf32, #tpu.memory_space<vmem_shared>> -> memref<80xf32, #tpu.memory_space<vmem_shared>>
    %dma_wait3A_221 = arith.constant 0 : i32
    %dma_wait3A_222 = tpu.memref_slice %arg14[%dma_wait3A_210, %dma_wait3A_221] : memref<2x80xf32, #tpu.memory_space<vmem>> -> memref<1x80xf32, #tpu.memory_space<vmem>>
    %dma_wait3A_223 = tpu.memref_squeeze %dma_wait3A_222 : memref<1x80xf32, #tpu.memory_space<vmem>> -> memref<80xf32, #tpu.memory_space<vmem>>
    tpu.wait_dma2 semaphore(%dma_wait3A_218 : memref<!tpu.dma_semaphore, #tpu.memory_space<semaphore_mem>>) src(%dma_wait3A_223 : memref<80xf32, #tpu.memory_space<vmem>>) dst(%dma_wait3A_220 : memref<80xf32, #tpu.memory_space<vmem_shared>>)
    %dma_wait3A_224 = arith.constant 1 : i32
    %dma_wait3A_225 = arith.constant 1 : i32
    %dma_wait3A_226 = arith.constant 0 : i32
    %dma_wait3A_227 = tpu.memref_slice %arg13[%dma_wait3A_224, %dma_wait3A_226] : memref<2x80xf32, #tpu.memory_space<vmem>> -> memref<1x80xf32, #tpu.memory_space<vmem>>
    %dma_wait3A_228 = tpu.memref_squeeze %dma_wait3A_227 : memref<1x80xf32, #tpu.memory_space<vmem>> -> memref<80xf32, #tpu.memory_space<vmem>>
    %dma_wait3A_229 = arith.constant 0 : i32
    %dma_wait3A_230 = tpu.memref_slice %arg17[%dma_wait3A_229] : memref<10240xf32, #tpu.memory_space<vmem_shared>> -> memref<80xf32, #tpu.memory_space<vmem_shared>>
    %dma_wait3A_231 = tpu.memref_slice %arg22[%dma_wait3A_225] : memref<2x!tpu.dma_semaphore, #tpu.memory_space<semaphore_mem>> -> memref<1x!tpu.dma_semaphore, #tpu.memory_space<semaphore_mem>>
    %dma_wait3A_232 = tpu.memref_squeeze %dma_wait3A_231 : memref<1x!tpu.dma_semaphore, #tpu.memory_space<semaphore_mem>> -> memref<!tpu.dma_semaphore, #tpu.memory_space<semaphore_mem>>
    %dma_wait3A_233 = arith.constant 0 : i32
    %dma_wait3A_234 = tpu.memref_slice %arg17[%dma_wait3A_233] : memref<10240xf32, #tpu.memory_space<vmem_shared>> -> memref<80xf32, #tpu.memory_space<vmem_shared>>
    %dma_wait3A_235 = arith.constant 0 : i32
    %dma_wait3A_236 = tpu.memref_slice %arg13[%dma_wait3A_224, %dma_wait3A_235] : memref<2x80xf32, #tpu.memory_space<vmem>> -> memref<1x80xf32, #tpu.memory_space<vmem>>
    %dma_wait3A_237 = tpu.memref_squeeze %dma_wait3A_236 : memref<1x80xf32, #tpu.memory_space<vmem>> -> memref<80xf32, #tpu.memory_space<vmem>>
    tpu.wait_dma2 semaphore(%dma_wait3A_232 : memref<!tpu.dma_semaphore, #tpu.memory_space<semaphore_mem>>) src(%dma_wait3A_237 : memref<80xf32, #tpu.memory_space<vmem>>) dst(%dma_wait3A_234 : memref<80xf32, #tpu.memory_space<vmem_shared>>)
    %dma_wait3A_238 = arith.constant 1 : i32
    %dma_wait3A_239 = arith.constant 1 : i32
    %dma_wait3A_240 = arith.constant 0 : i32
    %dma_wait3A_241 = tpu.memref_slice %arg14[%dma_wait3A_238, %dma_wait3A_240] : memref<2x80xf32, #tpu.memory_space<vmem>> -> memref<1x80xf32, #tpu.memory_space<vmem>>
    %dma_wait3A_242 = tpu.memref_squeeze %dma_wait3A_241 : memref<1x80xf32, #tpu.memory_space<vmem>> -> memref<80xf32, #tpu.memory_space<vmem>>
    %dma_wait3A_243 = arith.constant 0 : i32
    %dma_wait3A_244 = tpu.memref_slice %arg18[%dma_wait3A_243] : memref<10240xf32, #tpu.memory_space<vmem_shared>> -> memref<80xf32, #tpu.memory_space<vmem_shared>>
    %dma_wait3A_245 = tpu.memref_slice %arg22[%dma_wait3A_239] : memref<2x!tpu.dma_semaphore, #tpu.memory_space<semaphore_mem>> -> memref<1x!tpu.dma_semaphore, #tpu.memory_space<semaphore_mem>>
    %dma_wait3A_246 = tpu.memref_squeeze %dma_wait3A_245 : memref<1x!tpu.dma_semaphore, #tpu.memory_space<semaphore_mem>> -> memref<!tpu.dma_semaphore, #tpu.memory_space<semaphore_mem>>
    %dma_wait3A_247 = arith.constant 0 : i32
    %dma_wait3A_248 = tpu.memref_slice %arg18[%dma_wait3A_247] : memref<10240xf32, #tpu.memory_space<vmem_shared>> -> memref<80xf32, #tpu.memory_space<vmem_shared>>
    %dma_wait3A_249 = arith.constant 0 : i32
    %dma_wait3A_250 = tpu.memref_slice %arg14[%dma_wait3A_238, %dma_wait3A_249] : memref<2x80xf32, #tpu.memory_space<vmem>> -> memref<1x80xf32, #tpu.memory_space<vmem>>
    %dma_wait3A_251 = tpu.memref_squeeze %dma_wait3A_250 : memref<1x80xf32, #tpu.memory_space<vmem>> -> memref<80xf32, #tpu.memory_space<vmem>>
    tpu.wait_dma2 semaphore(%dma_wait3A_246 : memref<!tpu.dma_semaphore, #tpu.memory_space<semaphore_mem>>) src(%dma_wait3A_251 : memref<80xf32, #tpu.memory_space<vmem>>) dst(%dma_wait3A_248 : memref<80xf32, #tpu.memory_space<vmem_shared>>)
    %barrier3A_252 = arith.constant 0 : index
    tpu.barrier barrier_id(%barrier3A_252)
    %mul3A_253 = arith.constant 640 : i32
    %mul3A_254 = arith.muli %arg1, %mul3A_253 : i32
    %mul3A_255 = arith.constant 640 : i32
    %mul3A_256 = arith.muli %arg1, %mul3A_255 : i32
    "tpu.region"() ({
      %run_scoped3A = tpu.sem_alloc : memref<!tpu.dma_semaphore, #tpu.memory_space<semaphore_mem>>
      %dma_start3A_261 = tpu.memref_slice %arg6[%arg0, %mul3A_256] : memref<2x10240xf32, #tpu.memory_space<hbm>> -> memref<1x640xf32, #tpu.memory_space<hbm>>
      %dma_start3A_262 = tpu.memref_squeeze %dma_start3A_261 : memref<1x640xf32, #tpu.memory_space<hbm>> -> memref<640xf32, #tpu.memory_space<hbm>>
      %dma_start3A_263 = tpu.memref_slice %arg17[%mul3A_254] : memref<10240xf32, #tpu.memory_space<vmem_shared>> -> memref<640xf32, #tpu.memory_space<vmem_shared>>
      tpu.enqueue_dma source(%dma_start3A_263 : memref<640xf32, #tpu.memory_space<vmem_shared>>) target(%dma_start3A_262 : memref<640xf32, #tpu.memory_space<hbm>>) target_semaphore(%run_scoped3A : memref<!tpu.dma_semaphore, #tpu.memory_space<semaphore_mem>>)
      %dma_wait3A_264 = tpu.memref_slice %arg6[%arg0, %mul3A_256] : memref<2x10240xf32, #tpu.memory_space<hbm>> -> memref<1x640xf32, #tpu.memory_space<hbm>>
      %dma_wait3A_265 = tpu.memref_squeeze %dma_wait3A_264 : memref<1x640xf32, #tpu.memory_space<hbm>> -> memref<640xf32, #tpu.memory_space<hbm>>
      %dma_wait3A_266 = tpu.memref_slice %arg17[%mul3A_254] : memref<10240xf32, #tpu.memory_space<vmem_shared>> -> memref<640xf32, #tpu.memory_space<vmem_shared>>
      tpu.wait_dma2 semaphore(%run_scoped3A : memref<!tpu.dma_semaphore, #tpu.memory_space<semaphore_mem>>) src(%dma_wait3A_266 : memref<640xf32, #tpu.memory_space<vmem_shared>>) dst(%dma_wait3A_265 : memref<640xf32, #tpu.memory_space<hbm>>)
      tpu.yield
    }) : () -> ()
    %mul3A_257 = arith.constant 640 : i32
    %mul3A_258 = arith.muli %arg1, %mul3A_257 : i32
    %mul3A_259 = arith.constant 640 : i32
    %mul3A_260 = arith.muli %arg1, %mul3A_259 : i32
    "tpu.region"() ({
      %run_scoped3A = tpu.sem_alloc : memref<!tpu.dma_semaphore, #tpu.memory_space<semaphore_mem>>
      %dma_start3A_261 = tpu.memref_slice %arg7[%arg0, %mul3A_260] : memref<2x10240xf32, #tpu.memory_space<hbm>> -> memref<1x640xf32, #tpu.memory_space<hbm>>
      %dma_start3A_262 = tpu.memref_squeeze %dma_start3A_261 : memref<1x640xf32, #tpu.memory_space<hbm>> -> memref<640xf32, #tpu.memory_space<hbm>>
      %dma_start3A_263 = tpu.memref_slice %arg18[%mul3A_258] : memref<10240xf32, #tpu.memory_space<vmem_shared>> -> memref<640xf32, #tpu.memory_space<vmem_shared>>
      tpu.enqueue_dma source(%dma_start3A_263 : memref<640xf32, #tpu.memory_space<vmem_shared>>) target(%dma_start3A_262 : memref<640xf32, #tpu.memory_space<hbm>>) target_semaphore(%run_scoped3A : memref<!tpu.dma_semaphore, #tpu.memory_space<semaphore_mem>>)
      %dma_wait3A_264 = tpu.memref_slice %arg7[%arg0, %mul3A_260] : memref<2x10240xf32, #tpu.memory_space<hbm>> -> memref<1x640xf32, #tpu.memory_space<hbm>>
      %dma_wait3A_265 = tpu.memref_squeeze %dma_wait3A_264 : memref<1x640xf32, #tpu.memory_space<hbm>> -> memref<640xf32, #tpu.memory_space<hbm>>
      %dma_wait3A_266 = tpu.memref_slice %arg18[%mul3A_258] : memref<10240xf32, #tpu.memory_space<vmem_shared>> -> memref<640xf32, #tpu.memory_space<vmem_shared>>
      tpu.wait_dma2 semaphore(%run_scoped3A : memref<!tpu.dma_semaphore, #tpu.memory_space<semaphore_mem>>) src(%dma_wait3A_266 : memref<640xf32, #tpu.memory_space<vmem_shared>>) dst(%dma_wait3A_265 : memref<640xf32, #tpu.memory_space<hbm>>)
      tpu.yield
    }) : () -> ()
    return
  }
}

module attributes {stable_mosaic.version = 14 : i64} {
  func.func @_proj_kernel(%arg0: i32, %arg1: memref<2000x128xf32, #tpu.memory_space<vmem>>, %arg2: memref<128x512xf32, #tpu.memory_space<vmem>>, %arg3: memref<2000x512xf32, #tpu.memory_space<vmem>>) attributes {dimension_semantics = [#tpu.dimension_semantics<arbitrary>], iteration_bounds = array<i64: 5>, scalar_prefetch = 0 : i64, scratch_operands = 0 : i64, tpu.core_type = #tpu.core_type<tc>, window_params = [{transform_indices = @transform_0, window_bounds = array<i64: 2000, 128>}, {pipeline_mode = #tpu.pipeline_mode<synchronous>, transform_indices = @transform_1, window_bounds = array<i64: 128, 512>}, {transform_indices = @transform_2, window_bounds = array<i64: 2000, 512>}]} {
    %get3A = arith.constant 0 : index
    %get3A_0 = arith.constant 0 : index
    %get3A_1 = vector.load %arg1[%get3A, %get3A_0] : memref<2000x128xf32, #tpu.memory_space<vmem>>, vector<2000x128xf32>
    %get3A_2 = arith.constant 0 : index
    %get3A_3 = arith.constant 0 : index
    %get3A_4 = vector.load %arg2[%get3A_2, %get3A_3] : memref<128x512xf32, #tpu.memory_space<vmem>>, vector<128x512xf32>
    %dot_general3A = arith.constant dense<0.000000e+00> : vector<2000x512xf32>
    %dot_general3A_5 = tpu.matmul %get3A_1, %get3A_4, %dot_general3A {dimension_numbers = #tpu.dot_dimension_numbers<[1], [0], [0], [1], [0, 0, 1, 1], [], []>, transpose_lhs_hint = false} : vector<2000x128xf32>, vector<128x512xf32>, vector<2000x512xf32> -> vector<2000x512xf32>
    %swap3A = arith.constant 0 : index
    %swap3A_6 = arith.constant 0 : index
    %swap3A_7 = vector.load %arg3[%swap3A, %swap3A_6] : memref<2000x512xf32, #tpu.memory_space<vmem>>, vector<2000x512xf32>
    tpu.vector_store %arg3[%swap3A, %swap3A_6], %dot_general3A_5 {strides = array<i32>} : memref<2000x512xf32, #tpu.memory_space<vmem>>, vector<2000x512xf32>,
    return
  }
  func.func @transform_0(%arg0: i32) -> (i32, i32) {
    %c0_i32 = arith.constant 0 : i32
    %c0_i32_0 = arith.constant 0 : i32
    return %arg0, %c0_i32 : i32, i32
  }
  func.func @transform_1(%arg0: i32) -> (i32, i32) {
    %c0_i32 = arith.constant 0 : i32
    %c0_i32_0 = arith.constant 0 : i32
    %c0_i32_1 = arith.constant 0 : i32
    return %c0_i32, %c0_i32_0 : i32, i32
  }
  func.func @transform_2(%arg0: i32) -> (i32, i32) {
    %c0_i32 = arith.constant 0 : i32
    %c0_i32_0 = arith.constant 0 : i32
    return %arg0, %c0_i32 : i32, i32
  }
}

module attributes {stable_mosaic.version = 14 : i64} {
  func.func @_mid_kernel(%arg0: memref<10000x256xf32, #tpu.memory_space<vmem>>, %arg1: memref<10000x256xf32, #tpu.memory_space<vmem>>, %arg2: memref<1x256xf32, #tpu.memory_space<vmem>>, %arg3: memref<1x256xf32, #tpu.memory_space<vmem>>, %arg4: memref<1x256xf32, #tpu.memory_space<vmem>>, %arg5: memref<256x2xf32, #tpu.memory_space<vmem>>, %arg6: memref<10000x2xf32, #tpu.memory_space<vmem>>) attributes {dimension_semantics = [], scalar_prefetch = 0 : i64, scratch_operands = 0 : i64, tpu.core_type = #tpu.core_type<tc>} {
    %get3A = arith.constant 0 : index
    %get3A_0 = arith.constant 0 : index
    %get3A_1 = vector.load %arg0[%get3A, %get3A_0] : memref<10000x256xf32, #tpu.memory_space<vmem>>, vector<10000x256xf32>
    %get3A_2 = arith.constant 0 : index
    %get3A_3 = arith.constant 0 : index
    %get3A_4 = vector.load %arg1[%get3A_2, %get3A_3] : memref<10000x256xf32, #tpu.memory_space<vmem>>, vector<10000x256xf32>
    %add3A = arith.constant 1.000000e-16 : f32
    %add3A_5 = vector.broadcast %add3A : f32 to vector<10000x256xf32>
    %add3A_6 = arith.addf %get3A_4, %add3A_5 : vector<10000x256xf32>
    %div3A = arith.divf %get3A_1, %add3A_6 : vector<10000x256xf32>
    %get3A_7 = arith.constant 0 : index
    %get3A_8 = arith.constant 0 : index
    %get3A_9 = vector.load %arg2[%get3A_7, %get3A_8] : memref<1x256xf32, #tpu.memory_space<vmem>>, vector<1x256xf32>
    %add3A_10 = vector.broadcast %get3A_9 : vector<1x256xf32> to vector<10000x256xf32>
    %add3A_11 = arith.addf %div3A, %add3A_10 : vector<10000x256xf32>
    %reduce_sum3A = arith.constant dense<0.000000e+00> : vector<256xf32>
    %reduce_sum3A_12 = vector.multi_reduction <add>, %add3A_11, %reduce_sum3A [0] : vector<10000x256xf32> to vector<256xf32>
    %broadcast_in_dim3A = vector.shape_cast %reduce_sum3A_12 : vector<256xf32> to vector<1x256xf32>
    %div3A_13 = arith.constant 1.000000e+04 : f32
    %div3A_14 = vector.broadcast %div3A_13 : f32 to vector<1x256xf32>
    %div3A_15 = arith.divf %broadcast_in_dim3A, %div3A_14 : vector<1x256xf32>
    %sub3A = vector.broadcast %div3A_15 : vector<1x256xf32> to vector<10000x256xf32>
    %sub3A_16 = arith.subf %add3A_11, %sub3A : vector<10000x256xf32>
    %sub3A_17 = vector.broadcast %div3A_15 : vector<1x256xf32> to vector<10000x256xf32>
    %sub3A_18 = arith.subf %add3A_11, %sub3A_17 : vector<10000x256xf32>
    %mul3A = arith.mulf %sub3A_16, %sub3A_18 : vector<10000x256xf32>
    %reduce_sum3A_19 = arith.constant dense<0.000000e+00> : vector<256xf32>
    %reduce_sum3A_20 = vector.multi_reduction <add>, %mul3A, %reduce_sum3A_19 [0] : vector<10000x256xf32> to vector<256xf32>
    %broadcast_in_dim3A_21 = vector.shape_cast %reduce_sum3A_20 : vector<256xf32> to vector<1x256xf32>
    %div3A_22 = arith.constant 1.000000e+04 : f32
    %div3A_23 = vector.broadcast %div3A_22 : f32 to vector<1x256xf32>
    %div3A_24 = arith.divf %broadcast_in_dim3A_21, %div3A_23 : vector<1x256xf32>
    %sub3A_25 = vector.broadcast %div3A_15 : vector<1x256xf32> to vector<10000x256xf32>
    %sub3A_26 = arith.subf %add3A_11, %sub3A_25 : vector<10000x256xf32>
    %add3A_27 = arith.constant 9.99999974E-6 : f32
    %add3A_28 = vector.broadcast %add3A_27 : f32 to vector<1x256xf32>
    %add3A_29 = arith.addf %div3A_24, %add3A_28 : vector<1x256xf32>
    %sqrt3A = math.sqrt %add3A_29 : vector<1x256xf32>
    %div3A_30 = vector.broadcast %sqrt3A : vector<1x256xf32> to vector<10000x256xf32>
    %div3A_31 = arith.divf %sub3A_26, %div3A_30 : vector<10000x256xf32>
    %get3A_32 = arith.constant 0 : index
    %get3A_33 = arith.constant 0 : index
    %get3A_34 = vector.load %arg3[%get3A_32, %get3A_33] : memref<1x256xf32, #tpu.memory_space<vmem>>, vector<1x256xf32>
    %mul3A_35 = vector.broadcast %get3A_34 : vector<1x256xf32> to vector<10000x256xf32>
    %mul3A_36 = arith.mulf %div3A_31, %mul3A_35 : vector<10000x256xf32>
    %get3A_37 = arith.constant 0 : index
    %get3A_38 = arith.constant 0 : index
    %get3A_39 = vector.load %arg4[%get3A_37, %get3A_38] : memref<1x256xf32, #tpu.memory_space<vmem>>, vector<1x256xf32>
    %add3A_40 = vector.broadcast %get3A_39 : vector<1x256xf32> to vector<10000x256xf32>
    %add3A_41 = arith.addf %mul3A_36, %add3A_40 : vector<10000x256xf32>
    %mul3A_42 = arith.constant 0.00999999977 : f32
    %mul3A_43 = vector.broadcast %mul3A_42 : f32 to vector<10000x256xf32>
    %mul3A_44 = arith.mulf %mul3A_43, %add3A_41 : vector<10000x256xf32>
    %max3A = arith.maximumf %add3A_41, %mul3A_44 : vector<10000x256xf32>
    %get3A_45 = arith.constant 0 : index
    %get3A_46 = arith.constant 0 : index
    %get3A_47 = vector.load %arg5[%get3A_45, %get3A_46] : memref<256x2xf32, #tpu.memory_space<vmem>>, vector<256x2xf32>
    %dot_general3A = arith.constant dense<0.000000e+00> : vector<10000x2xf32>
    %dot_general3A_48 = tpu.matmul %max3A, %get3A_47, %dot_general3A {dimension_numbers = #tpu.dot_dimension_numbers<[1], [0], [0], [1], [0, 0, 1, 1], [], []>, transpose_lhs_hint = false} : vector<10000x256xf32>, vector<256x2xf32>, vector<10000x2xf32> -> vector<10000x2xf32>
    %swap3A = arith.constant 0 : index
    %swap3A_49 = arith.constant 0 : index
    %swap3A_50 = vector.load %arg6[%swap3A, %swap3A_49] : memref<10000x2xf32, #tpu.memory_space<vmem>>, vector<10000x2xf32>
    tpu.vector_store %arg6[%swap3A, %swap3A_49], %dot_general3A_48 {strides = array<i32>} : memref<10000x2xf32, #tpu.memory_space<vmem>>, vector<10000x2xf32>,
    return
  }
}

module attributes {stable_mosaic.version = 14 : i64} {
  func.func @_tail_kernel(%arg0: memref<2x10000xf32, #tpu.memory_space<vmem>>, %arg1: memref<2x10000xf32, #tpu.memory_space<vmem>>, %arg2: memref<1x10000xi32, #tpu.memory_space<vmem>>, %arg3: memref<1x1xf32, #tpu.memory_space<vmem>>, %arg4: memref<1x1xf32, #tpu.memory_space<vmem>>, %arg5: memref<1x1xf32, #tpu.memory_space<vmem>>, %arg6: memref<1x128xf32, #tpu.memory_space<vmem>>, %arg7: memref<1x128xf32, #tpu.memory_space<vmem>>, %arg8: memref<1x128xf32, #tpu.memory_space<vmem>>, %arg9: memref<1x1xf32, #tpu.memory_space<vmem>>, %arg10: memref<64x1xf32, #tpu.memory_space<vmem>>) attributes {dimension_semantics = [], scalar_prefetch = 0 : i64, scratch_operands = 0 : i64, tpu.core_type = #tpu.core_type<tc>} {
    %get3A = arith.constant 0 : index
    %get3A_0 = arith.constant 0 : index
    %get3A_1 = vector.load %arg0[%get3A, %get3A_0] : memref<2x10000xf32, #tpu.memory_space<vmem>>, vector<2x10000xf32>
    %get3A_2 = arith.constant 0 : index
    %get3A_3 = arith.constant 0 : index
    %get3A_4 = vector.load %arg1[%get3A_2, %get3A_3] : memref<2x10000xf32, #tpu.memory_space<vmem>>, vector<2x10000xf32>
    %reduce_sum3A = arith.constant dense<0.000000e+00> : vector<10000xf32>
    %reduce_sum3A_5 = vector.multi_reduction <add>, %get3A_1, %reduce_sum3A [0] : vector<2x10000xf32> to vector<10000xf32>
    %broadcast_in_dim3A = vector.shape_cast %reduce_sum3A_5 : vector<10000xf32> to vector<1x10000xf32>
    %reduce_sum3A_6 = arith.constant dense<0.000000e+00> : vector<10000xf32>
    %reduce_sum3A_7 = vector.multi_reduction <add>, %get3A_4, %reduce_sum3A_6 [0] : vector<2x10000xf32> to vector<10000xf32>
    %broadcast_in_dim3A_8 = vector.shape_cast %reduce_sum3A_7 : vector<10000xf32> to vector<1x10000xf32>
    %add3A = arith.constant 1.000000e-16 : f32
    %add3A_9 = vector.broadcast %add3A : f32 to vector<1x10000xf32>
    %add3A_10 = arith.addf %broadcast_in_dim3A_8, %add3A_9 : vector<1x10000xf32>
    %div3A = arith.divf %broadcast_in_dim3A, %add3A_10 : vector<1x10000xf32>
    %get3A_11 = arith.constant 0 : index
    %get3A_12 = arith.constant 0 : index
    %get3A_13 = vector.load %arg3[%get3A_11, %get3A_12] : memref<1x1xf32, #tpu.memory_space<vmem>>, vector<1x1xf32>
    %add3A_14 = vector.broadcast %get3A_13 : vector<1x1xf32> to vector<1x10000xf32>
    %add3A_15 = arith.addf %div3A, %add3A_14 : vector<1x10000xf32>
    %reduce_sum3A_16 = arith.constant dense<0.000000e+00> : vector<1xf32>
    %reduce_sum3A_17 = vector.multi_reduction <add>, %add3A_15, %reduce_sum3A_16 [1] : vector<1x10000xf32> to vector<1xf32>
    %broadcast_in_dim3A_18 = vector.shape_cast %reduce_sum3A_17 : vector<1xf32> to vector<1x1xf32>
    %div3A_19 = arith.constant 1.000000e+04 : f32
    %div3A_20 = vector.broadcast %div3A_19 : f32 to vector<1x1xf32>
    %div3A_21 = arith.divf %broadcast_in_dim3A_18, %div3A_20 : vector<1x1xf32>
    %sub3A = vector.broadcast %div3A_21 : vector<1x1xf32> to vector<1x10000xf32>
    %sub3A_22 = arith.subf %add3A_15, %sub3A : vector<1x10000xf32>
    %sub3A_23 = vector.broadcast %div3A_21 : vector<1x1xf32> to vector<1x10000xf32>
    %sub3A_24 = arith.subf %add3A_15, %sub3A_23 : vector<1x10000xf32>
    %mul3A = arith.mulf %sub3A_22, %sub3A_24 : vector<1x10000xf32>
    %reduce_sum3A_25 = arith.constant dense<0.000000e+00> : vector<1xf32>
    %reduce_sum3A_26 = vector.multi_reduction <add>, %mul3A, %reduce_sum3A_25 [1] : vector<1x10000xf32> to vector<1xf32>
    %broadcast_in_dim3A_27 = vector.shape_cast %reduce_sum3A_26 : vector<1xf32> to vector<1x1xf32>
    %div3A_28 = arith.constant 1.000000e+04 : f32
    %div3A_29 = vector.broadcast %div3A_28 : f32 to vector<1x1xf32>
    %div3A_30 = arith.divf %broadcast_in_dim3A_27, %div3A_29 : vector<1x1xf32>
    %sub3A_31 = vector.broadcast %div3A_21 : vector<1x1xf32> to vector<1x10000xf32>
    %sub3A_32 = arith.subf %add3A_15, %sub3A_31 : vector<1x10000xf32>
    %add3A_33 = arith.constant 9.99999974E-6 : f32
    %add3A_34 = vector.broadcast %add3A_33 : f32 to vector<1x1xf32>
    %add3A_35 = arith.addf %div3A_30, %add3A_34 : vector<1x1xf32>
    %sqrt3A = math.sqrt %add3A_35 : vector<1x1xf32>
    %div3A_36 = vector.broadcast %sqrt3A : vector<1x1xf32> to vector<1x10000xf32>
    %div3A_37 = arith.divf %sub3A_32, %div3A_36 : vector<1x10000xf32>
    %get3A_38 = arith.constant 0 : index
    %get3A_39 = arith.constant 0 : index
    %get3A_40 = vector.load %arg4[%get3A_38, %get3A_39] : memref<1x1xf32, #tpu.memory_space<vmem>>, vector<1x1xf32>
    %mul3A_41 = vector.broadcast %get3A_40 : vector<1x1xf32> to vector<1x10000xf32>
    %mul3A_42 = arith.mulf %div3A_37, %mul3A_41 : vector<1x10000xf32>
    %get3A_43 = arith.constant 0 : index
    %get3A_44 = arith.constant 0 : index
    %get3A_45 = vector.load %arg5[%get3A_43, %get3A_44] : memref<1x1xf32, #tpu.memory_space<vmem>>, vector<1x1xf32>
    %add3A_46 = vector.broadcast %get3A_45 : vector<1x1xf32> to vector<1x10000xf32>
    %add3A_47 = arith.addf %mul3A_42, %add3A_46 : vector<1x10000xf32>
    %mul3A_48 = arith.constant 0.00999999977 : f32
    %mul3A_49 = vector.broadcast %mul3A_48 : f32 to vector<1x10000xf32>
    %mul3A_50 = arith.mulf %mul3A_49, %add3A_47 : vector<1x10000xf32>
    %max3A = arith.maximumf %add3A_47, %mul3A_50 : vector<1x10000xf32>
    %iota3A = tpu.iota {dimensions = array<i32: 0>} : vector<64x10000xi32>
    %get3A_51 = arith.constant 0 : index
    %get3A_52 = arith.constant 0 : index
    %get3A_53 = vector.load %arg2[%get3A_51, %get3A_52] : memref<1x10000xi32, #tpu.memory_space<vmem>>, vector<1x10000xi32>
    %eq3A = vector.broadcast %get3A_53 : vector<1x10000xi32> to vector<64x10000xi32>
    %eq3A_54 = arith.cmpi eq, %iota3A, %eq3A : vector<64x10000xi32>
    %jit3A = arith.constant 1.000000e+00 : f32
    %jit3A_55 = arith.constant 0.000000e+00 : f32
    %broadcast_in_dim3A_56 = vector.broadcast %jit3A : f32 to vector<64x10000xf32>
    %broadcast_in_dim3A_57 = vector.broadcast %jit3A_55 : f32 to vector<64x10000xf32>
    %select_n3A = arith.select %eq3A_54, %broadcast_in_dim3A_56, %broadcast_in_dim3A_57 : vector<64x10000xi1>, vector<64x10000xf32>
    %mul3A_58 = vector.broadcast %max3A : vector<1x10000xf32> to vector<64x10000xf32>
    %mul3A_59 = arith.mulf %select_n3A, %mul3A_58 : vector<64x10000xf32>
    %reduce_sum3A_60 = arith.constant dense<0.000000e+00> : vector<64xf32>
    %reduce_sum3A_61 = vector.multi_reduction <add>, %mul3A_59, %reduce_sum3A_60 [1] : vector<64x10000xf32> to vector<64xf32>
    %broadcast_in_dim3A_62 = vector.shape_cast %reduce_sum3A_61 : vector<64xf32> to vector<64x1xf32>
    %reduce_sum3A_63 = arith.constant dense<0.000000e+00> : vector<64xf32>
    %reduce_sum3A_64 = vector.multi_reduction <add>, %select_n3A, %reduce_sum3A_63 [1] : vector<64x10000xf32> to vector<64xf32>
    %broadcast_in_dim3A_65 = vector.shape_cast %reduce_sum3A_64 : vector<64xf32> to vector<64x1xf32>
    %max3A_66 = arith.constant 1.000000e+00 : f32
    %max3A_67 = vector.broadcast %max3A_66 : f32 to vector<64x1xf32>
    %max3A_68 = arith.maximumf %broadcast_in_dim3A_65, %max3A_67 : vector<64x1xf32>
    %div3A_69 = arith.divf %broadcast_in_dim3A_62, %max3A_68 : vector<64x1xf32>
    %get3A_70 = arith.constant 0 : index
    %get3A_71 = arith.constant 0 : index
    %get3A_72 = vector.load %arg6[%get3A_70, %get3A_71] : memref<1x128xf32, #tpu.memory_space<vmem>>, vector<1x128xf32>
    %mul3A_73 = vector.broadcast %div3A_69 : vector<64x1xf32> to vector<64x128xf32>
    %mul3A_74 = vector.broadcast %get3A_72 : vector<1x128xf32> to vector<64x128xf32>
    %mul3A_75 = arith.mulf %mul3A_73, %mul3A_74 : vector<64x128xf32>
    %get3A_76 = arith.constant 0 : index
    %get3A_77 = arith.constant 0 : index
    %get3A_78 = vector.load %arg7[%get3A_76, %get3A_77] : memref<1x128xf32, #tpu.memory_space<vmem>>, vector<1x128xf32>
    %add3A_79 = vector.broadcast %get3A_78 : vector<1x128xf32> to vector<64x128xf32>
    %add3A_80 = arith.addf %mul3A_75, %add3A_79 : vector<64x128xf32>
    %mul3A_81 = arith.constant 0.00999999977 : f32
    %mul3A_82 = vector.broadcast %mul3A_81 : f32 to vector<64x128xf32>
    %mul3A_83 = arith.mulf %mul3A_82, %add3A_80 : vector<64x128xf32>
    %max3A_84 = arith.maximumf %add3A_80, %mul3A_83 : vector<64x128xf32>
    %get3A_85 = arith.constant 0 : index
    %get3A_86 = arith.constant 0 : index
    %get3A_87 = vector.load %arg8[%get3A_85, %get3A_86] : memref<1x128xf32, #tpu.memory_space<vmem>>, vector<1x128xf32>
    %mul3A_88 = vector.broadcast %get3A_87 : vector<1x128xf32> to vector<64x128xf32>
    %mul3A_89 = arith.mulf %max3A_84, %mul3A_88 : vector<64x128xf32>
    %reduce_sum3A_90 = arith.constant dense<0.000000e+00> : vector<64xf32>
    %reduce_sum3A_91 = vector.multi_reduction <add>, %mul3A_89, %reduce_sum3A_90 [1] : vector<64x128xf32> to vector<64xf32>
    %broadcast_in_dim3A_92 = vector.shape_cast %reduce_sum3A_91 : vector<64xf32> to vector<64x1xf32>
    %get3A_93 = arith.constant 0 : index
    %get3A_94 = arith.constant 0 : index
    %get3A_95 = vector.load %arg9[%get3A_93, %get3A_94] : memref<1x1xf32, #tpu.memory_space<vmem>>, vector<1x1xf32>
    %add3A_96 = vector.broadcast %get3A_95 : vector<1x1xf32> to vector<64x1xf32>
    %add3A_97 = arith.addf %broadcast_in_dim3A_92, %add3A_96 : vector<64x1xf32>
    %swap3A = arith.constant 0 : index
    %swap3A_98 = arith.constant 0 : index
    %swap3A_99 = vector.load %arg10[%swap3A, %swap3A_98] : memref<64x1xf32, #tpu.memory_space<vmem>>, vector<64x1xf32>
    tpu.vector_store %arg10[%swap3A, %swap3A_98], %add3A_97 {strides = array<i32>} : memref<64x1xf32, #tpu.memory_space<vmem>>, vector<64x1xf32>,
    return
  }
}

</mosaic_0001>

<sc_bundles>
// kernel: kernel.10.cloned.1.call-start
scs
__scs_entry_jumppad:
0x0: {  	(pc) =	sbr.rel $0x88, $3  }
0x1: {  	(tag) =	ssettag $0x0;
	lr =	simm.s32 $0x1  }
0x2: {  	[smem:$0x3F8E] =	sst lr;
	_ =	strace $0xD0000000  }
0x3: {  	_ = 	snop  }
0x4: {  	_ = 	snop  }
0x5: {  	_ = 	snop  }
0x6: {  	_ = 	snop  }
0x7: {  	_ = 	snop  }
__scs_overlays_trampoline_lowered:
0x8: {  	[smem:$0x3F9D] =	sst s0  }
0x9: {  	[smem:$0x3F9E] =	sst s1  }
0xa: {  	[smem:$0x3F9F] =	sst s2  }
0xb: {  	[smem:$0x3FA0] =	sst s3  }
0xc: {  	[smem:$0x3FA1] =	sst s4  }
0xd: {  	[smem:$0x3FA2] =	sst s5  }
0xe: {  	[smem:$0x3FA3] =	sst s6  }
0xf: {  	[smem:$0x3FA4] =	sst s7  }
0x10: {  	[smem:$0x3FA5] =	sst s8  }
0x11: {  	[smem:$0x3FA6] =	sst s9;
	s0 =	simm.s32 @!p0 $0x0  }
0x12: {  	s1 =	sld [smem:$0x3F8C];
	s0 =	simm.s32 @p0 $0x1  }
0x13: {  	[smem:$0x3FA7] =	sst s0;
	s0 =	simm.s32 @!p1 $0x0  }
0x14: {  	s2 =	sld [smem:$0x3F8B];
	s0 =	simm.s32 @p1 $0x1  }
0x15: {  	[smem:$0x3FA8] =	sst s0;
	s0 =	simm.s32 @!p2 $0x0  }
0x16: {  	s3 =	sld [smem:$0x3FDB];
	s0 =	simm.s32 @p2 $0x1  }
0x17: {  	s4 =	simm.s32 $0x1BF5;
	[smem:$0x3FAA] =	sst s0  }
0x18: {  	s0 =	sld [smem:$0x3F8D];
	_ =	swait.ge [sflag:s4], $0x0  }
0x19: {  	s7 =	sld [smem:$0x3F8E]  }
0x1a: {  	s8 =	sadd.s32 $0xFFFFE003, lr  }
0x1b: {  	s9 =	sadd.s32 $0xFFFFFEF7, lr;
	s5 =	simm.s32 $0xFFFFFFFF;
	p2 =	slt.u32 s8, $0xFFFFF086  }
0x1c: {  	p1 =	slt.u32 s9, $0xF7A;
	s5 =	simm.s32 @!p2 $0x0  }
0x1d: {  	s5 =	simm.s32 @p1 $0x1;
	p0 =	seq.s32 s7, s2  }
0x1e: {  	s7 =	smul.u32 @!p0 $0xF7A, s2;
	p2 =	seq.s32 @!p0 s5, $0x0  }
0x1f: {  	s9 =	smul.u32 $0xF7A, s1;
	s8 =	simm.s32 @!p0 $0x1BF5;
	p2 =	por !p2, p0  }
0x20: {  	[sflag:s8] =	ssyncset.s32 @!p0 $0xFFFFF086;
	s6 =	sadd.s32 @!p0 s3, s7;
	s7 =	simm.s32 @!p0 $0x108  }
0x21: {  	s3 =	sadd.s32 s3, s9;
	s6 =	sadd.s32 @!p0 $0x88, s6;
	s7 =	simm.s32 @p2 $0x1082  }
0x22: {  	[simem:s7], [sflag:s8] =	dma.local @!p0 [hbm:s6], $0xF7A  }
0x23: {  	s9 =	sor.u32 $0xD0000000, s2;
	s6 =	simm.s32 $0x108;
	_ =	swait.ge @!p0 [sflag:s8], $0x0  }
0x24: {  	s3 =	sadd.s32 $0x88, s3;
	s6 =	simm.s32 @!p1 $0x1082;
	[sflag:s4] =	ssyncset.s32 $0xFFFFF086  }
0x25: {  	[simem:s6], [sflag:s4] =	dma.local [hbm:s3], $0xF7A  }
0x26: {  	[smem:$0x3F8E] =	sst s1;
	(tag) =	ssettag s2;
	_ =	strace s9  }
0x27: {  	s1 =	sld [smem:$0x3F9E]  }
0x28: {  	s2 =	sld [smem:$0x3F9F]  }
0x29: {  	s4 =	sld [smem:$0x3FA1]  }
0x2a: {  	p0 =	seq.s32 s5, $0x0;
	s5 =	sld [smem:$0x3FA2]  }
0x2b: {  	s6 =	sld [smem:$0x3FA3]  }
0x2c: {  	s7 =	sld [smem:$0x3FA4]  }
0x2d: {  	s3 =	simm.s32 $0x108;
	s8 =	sld [smem:$0x3FA5]  }
0x2e: {  	s3 =	simm.s32 @!p0 $0x1082;
	s9 =	sld [smem:$0x3FA6]  }
0x2f: {  	lr =	sadd.s32 s0, s3;
	s0 =	sld [smem:$0x3F9D]  }
0x30: {  	s3 =	sld [smem:$0x3FA0]  }
0x31: {  	[smem:$0x3FA9] =	sst s10  }
0x32: {  	s10 =	sld [smem:$0x3FA7];
	_ =	sdelay $0x3  }
0x33: {  	p0 =	seq.s32 s10, $0x1;
	s10 =	sld [smem:$0x3FA9];
	_ =	sdelay $0x3  }
0x34: {  	[smem:$0x3FA9] =	sst s10  }
0x35: {  	s10 =	sld [smem:$0x3FA8];
	_ =	sdelay $0x3  }
0x36: {  	p1 =	seq.s32 s10, $0x1;
	s10 =	sld [smem:$0x3FA9];
	_ =	sdelay $0x3  }
0x37: {  	[smem:$0x3FA9] =	sst s10  }
0x38: {  	s10 =	sld [smem:$0x3FAA]  }
0x39: {  	_ = 	snop;
	(pc) =	sbr.ind lr, $3  }
0x3a: {  	_ = 	snop  }
0x3b: {  	_ = 	snop  }
0x3c: {  	p2 =	seq.s32 s10, $0x1;
	s10 =	sld [smem:$0x3FA9]  }
0x3d: {  	_ =	shalt  }
0x3e: {  	_ =	shalt  }
0x3f: {  	_ =	shalt  }
0x40: {  	_ =	shalt  }
0x41: {  	_ =	shalt  }
0x42: {  	_ =	shalt  }
0x43: {  	_ =	shalt  }
0x44: {  	_ =	shalt  }
0x45: {  	_ =	shalt  }
0x46: {  	_ =	shalt  }
0x47: {  	_ =	shalt  }
0x48: {  	_ =	shalt  }
0x49: {  	_ =	shalt  }
0x4a: {  	_ =	shalt  }
0x4b: {  	_ =	shalt  }
0x4c: {  	_ =	shalt  }
0x4d: {  	_ =	shalt  }
0x4e: {  	_ =	shalt  }
0x4f: {  	_ =	shalt  }
0x50: {  	_ =	shalt  }
0x51: {  	_ =	shalt  }
0x52: {  	_ =	shalt  }
0x53: {  	_ =	shalt  }
0x54: {  	_ =	shalt  }
0x55: {  	_ =	shalt  }
0x56: {  	_ =	shalt  }
0x57: {  	_ =	shalt  }
0x58: {  	_ =	shalt  }
0x59: {  	_ =	shalt  }
0x5a: {  	_ =	shalt  }
0x5b: {  	_ =	shalt  }
0x5c: {  	_ =	shalt  }
0x5d: {  	_ =	shalt  }
0x5e: {  	_ =	shalt  }
0x5f: {  	_ =	shalt  }
0x60: {  	_ =	shalt  }
0x61: {  	_ =	shalt  }
0x62: {  	_ =	shalt  }
0x63: {  	_ =	shalt  }
0x64: {  	_ =	shalt  }
0x65: {  	_ =	shalt  }
0x66: {  	_ =	shalt  }
0x67: {  	_ =	shalt  }
0x68: {  	_ =	shalt  }
0x69: {  	_ =	shalt  }
0x6a: {  	_ =	shalt  }
0x6b: {  	_ =	shalt  }
0x6c: {  	_ =	shalt  }
0x6d: {  	_ =	shalt  }
0x6e: {  	_ =	shalt  }
0x6f: {  	_ =	shalt  }
0x70: {  	_ =	shalt  }
0x71: {  	_ =	shalt  }
0x72: {  	_ =	shalt  }
0x73: {  	_ =	shalt  }
0x74: {  	_ =	shalt  }
0x75: {  	_ =	shalt  }
0x76: {  	_ =	shalt  }
0x77: {  	_ =	shalt  }
0x78: {  	_ =	shalt  }
0x79: {  	_ =	shalt  }
0x7a: {  	_ =	shalt  }
0x7b: {  	_ =	shalt  }
0x7c: {  	_ =	shalt  }
0x7d: {  	_ =	shalt  }
0x7e: {  	_ =	shalt  }
0x7f: {  	_ =	shalt  }
0x80: {  	_ =	shalt  }
0x81: {  	_ =	shalt  }
0x82: {  	_ =	shalt  }
0x83: {  	_ =	shalt  }
0x84: {  	_ =	shalt  }
0x85: {  	_ =	shalt  }
0x86: {  	_ =	shalt  }
0x87: {  	_ =	shalt  }
.Lfunc_end0:
.L_simem_size_0:
called_computation.1_lowered:
.L_overlay_start_0:
0x88: {  	s2 =	sld [smem:$0x3FD9]  }
0x89: {  	s3 =	sld [smem:$0x3FFE];
	_ =	sdelay $0x1  }
0x8a: {  	s1 =	srdreg.scid  }
0x8b: {  	s0 =	sand.u32 $0x1, s1  }
0x8c: {  	s16 =	sshll.u32 s0, $0xA;
	s2 =	sadd.s32 s3, s2  }
0x8d: {  	s2 =	sadd.s32 s2, s16  }
0x8e: {  	[smem:$0x3FB5] =	sst s2  }
0x8f: {  	_ = 	snop  }
0x90: {  	(tm) =	ssettm $0x1  }
0x91: {  	s17 =	sld [smem:$0x3FFB];
	_ =	sdelay $0x3  }
0x92: {  	_ =	strace s17  }
0x93: {  	s2 =	sld [smem:$0x3FFC];
	_ =	sdelay $0x3  }
0x94: {  	_ =	strace s2  }
0x95: {  	s2 =	sld [smem:$0x3FFD];
	_ =	sdelay $0x3  }
0x96: {  	_ =	strace s2  }
0x97: {  	_ =	strace $0x8FFFFFFF  }
0x98: {  	s18 =	sld [smem:$0x3FDB];
	_ =	sdelay $0x1  }
0x99: {  	s19 =	simm.s32 $_scs_section_size  }
0x9a: {  	s4 =	simm.s32 $_size__tile_overlayer_lowered;
	s5 =	simm.s32 $_tile_overlayer_lowered  }
0x9b: {  	s22 =	simm.s32 $0x1BFF;
	s21 =	sshll.u32 s5, $0x1;
	s2 =	sadd.s32 s19, s18  }
0x9c: {  	s6 =	simm.s32 $0x0;
	s20 =	sshll.u32 s4, $0x1;
	s4 =	sadd.s32 s21, s2  }
0x9d: {  	[timem:s6], [sflag:s22] =	dma.local [hbm:s4], s20  }
0x9e: {  	_ =	swait.ge [sflag:s22], s20  }
0x9f: {  	s3 =	ssub.s32 $0x0, s20;
	[sflag:s22] =	ssyncset.done $0x0  }
0xa0: {  	[sflag:s22] =	ssyncadd.s32 s3;
	_ =	sdelay $0x1  }
0xa1: {  	s23 =	simm.s32 $0x1B8B  }
0xa2: {  	_ =	swait.ge [sflag:s23], $0x1  }
0xa3: {  	[sflag:s23] =	ssyncset.done $0x0  }
0xa4: {  	s25 =	simm.s32 $0x1B8E;
	s24 =	sld [smem:$0x3FFE];
	[sflag:s23] =	ssyncadd.s32 $0xFFFFFFFF  }
0xa5: {  	s26 =	simm.s32 $execute0_lowered;
	[smem:$0x3FD2] =	sst s25  }
0xa6: {  	s4 =	sshll.u32 s26, $0x1;
	_ =	strace $0x80000049;
	[dreg:$0x1] =	wrdreg $0xFFFFFFFF  }
0xa7: {  	s28 =	simm.s32 $_size_execute0_lowered;
	s2 =	sadd.s32 s2, s4;
	[dreg:$0x0] =	wrdreg $0x0  }
0xa8: {  	s4 =	sshll.u32 s28, $0x1;
	[dreg:$0x2] =	wrdreg s2  }
0xa9: {  	[dreg:$0x3] =	wrdreg s4  }
0xaa: {  	[dreg:$0x4] =	wrdreg $0xC0  }
0xab: {  	_ =	task [dreg:s6], $0x5FFFF  }
0xac: {  	[dreg:$0x1] =	wrdreg $0xFFFFFFFF  }
0xad: {  	[dreg:$0x0] =	wrdreg $0x60  }
0xae: {  	[dreg:$0x2] =	wrdreg s24  }
0xaf: {  	[dreg:$0x3] =	wrdreg $0x7400  }
0xb0: {  	[dreg:$0x4] =	wrdreg $0x9C00  }
0xb1: {  	[dreg:$0x5] =	wrdreg $0x9  }
0xb2: {  	_ =	task.clear_ibuf [dreg:s6], $0x6FFFF;
	_ =	strace $0x90000049  }
0xb3: {  	s29 =	simm.s32 $0x9;
	_ =	strace $0x8000004B  }
0xb4: {  	_ =	swait.ge [sflag:s29], $0x1  }
0xb5: {  	[sflag:s29] =	ssyncadd.s32 $0xFFFFFFFF  }
0xb6: {  	_ =	strace $0x9000004B  }
0xb7: {  	_ =	sfence  }
0xb8: {  	s30 =	sld [smem:$0x0];
	_ =	sdelay $0x2  }
0xb9: {  	s31 =	sshll.u32 s1, $0xD;
	s1 =	sshrl.u32 s1, $0x2  }
0xba: {  	s3 =	sand.u32 $0x4000, s31;
	s1 =	sadd.s32 s1, s30  }
0xbb: {  	s0 =	sor.u32 s3, s0;
	s1 =	sshll.u32 s1, $0x11  }
0xbc: {  	s0 =	sor.u32 s1, s0  }
0xbd: {  	s0 =	sadd.s32 $0x8F2B, s0  }
0xbe: {  	[sflag:s0] =	ssyncadd.remote.s32 $0x1  }
0xbf: {  	_ =	sfence.sel $0xFFFF  }
0xc0: {  	[dreg:$0x0] =	wrdreg $0xFFFFFFFF;
	(pc) =	sbr.abs _section_cstart, $3  }
0xc1: {  	[dreg:$0x1] =	wrdreg $0xFFFFFFFF  }
0xc2: {  	_ =	task.clear_ibuf [dreg:s6], $0x2FFFF;
	_ =	strace $0x9FFFFFFF  }
0xc3: {  	(tm) =	ssettm $0x7FFFFFFF  }
tec
execute0_lowered:
.L_overlay_start_1:
0x0: {  	(tag) =	ssettag $0x1  }
0x1: {  	s0 =	rddreg [dreg:$0x0]  }
0x2: {  	s1 =	rddreg [dreg:$0x1]  }
0x3: {  	s3 =	rddreg [dreg:$0x2];
	s4 =	simm.s32 $0x0  }
0x4: {  	s2 =	srdreg.scid;
	s9 =	stileid.u32;
	s19 =	simm.s32 $0x4B0  }
0x5: {  	s20 =	simm.s32 $0x8;
	s22 =	simm.s32 $0x1;
	s23 =	simm.s32 $0xA0  }
0x6: {  	s30 =	simm.s32 $0x6;
	s31 =	simm.s32 $0x7;
	[smem:$0x7FF] =	sst s4  }
0x7: {  	s2 =	sand.u32 $0x1, s2;
	s11 =	smul.u32 $0x280, s9;
	s5 =	sadd.s32 $0x16200, s0  }
0x8: {  	s6 =	sadd.s32 $0x16800, s0;
	s24 =	sadd.s32 $0x16E00, s0;
	_ =	strace $0x8000004A  }
0x9: {  	s8 =	smul.u32 $0x2800, s2;
	s7 =	sshll.u32 s2, $0x4;
	[dreg:$0x4] =	wrdreg s24  }
0xa: {  	s2 =	ssub.s32 $0x2, s2;
	s24 =	simm.s32 $0x2;
	s9 =	sor.u32 s9, s7  }
0xb: {  	s7 =	sadd.s32 $0x2800, s0;
	s26 =	sshrl.u32 s2, $0x1;
	s10 =	sadd.s32 s11, s8  }
0xc: {  	s15 =	smul.u32 $0x2710, s9;
	s2 =	ssub.s32 s2, s26;
	s9 =	sadd.s32 s11, s1  }
0xd: {  	s11 =	sadd.s32 s11, s3;
	s25 =	sshrl.u32 s10, $0x3;
	s18 =	smax.u32 s2, $0x1  }
0xe: {  	s0 =	sadd.s32 s25, s0;
	s28 =	sshrl.u32 s15, $0x3;
	s15 =	sadd.s32 $0xA0, s15  }
0xf: {  	s25 =	simm.s32 $0x50;
	s10 =	sadd.s32 s7, s28;
	s16 =	sadd.s32 $0x17A00, s0  }
0x10: {  	s17 =	sadd.s32 $0x17000, s0;
	s0 =	simm.s32 $0x0;
	s29 =	sadd.s32 $0x9C40, s10  }
0x11: {  	v0 =	vimm.f32 $0.0e+00;
	s13 =	sadd.s32 $0xA, s10;
	s14 =	sadd.s32 $0x9C4A, s10;
	[dreg:$0x5] =	wrdreg s29  }
.LBB2_1:
0x12: {  	[tilespmem:$0x4B0] =	vst v0  }
0x13: {  	[tilespmem:$0x4C0] =	vst v0  }
0x14: {  	[tilespmem:$0x4D0] =	vst v0  }
0x15: {  	[tilespmem:$0x4E0] =	vst v0  }
0x16: {  	[tilespmem:$0x4F0] =	vst v0  }
0x17: {  	[tilespmem:$0x500] =	vst v0  }
0x18: {  	[tilespmem:$0x510] =	vst v0  }
0x19: {  	[tilespmem:$0x520] =	vst v0  }
0x1a: {  	[tilespmem:$0x530] =	vst v0  }
0x1b: {  	[tilespmem:$0x540] =	vst v0  }
0x1c: {  	[tilespmem:$0x550] =	vst v0  }
0x1d: {  	[tilespmem:$0x560] =	vst v0  }
0x1e: {  	[tilespmem:$0x570] =	vst v0  }
0x1f: {  	[tilespmem:$0x580] =	vst v0  }
0x20: {  	[tilespmem:$0x590] =	vst v0  }
0x21: {  	[tilespmem:$0x5A0] =	vst v0  }
0x22: {  	[tilespmem:$0x5B0] =	vst v0  }
0x23: {  	[tilespmem:$0x5C0] =	vst v0  }
0x24: {  	[tilespmem:$0x5D0] =	vst v0  }
0x25: {  	[tilespmem:$0x5E0] =	vst v0  }
0x26: {  	[tilespmem:$0x5F0] =	vst v0  }
0x27: {  	[tilespmem:$0x600] =	vst v0  }
0x28: {  	[tilespmem:$0x610] =	vst v0  }
0x29: {  	[tilespmem:$0x620] =	vst v0  }
0x2a: {  	[tilespmem:$0x630] =	vst v0  }
0x2b: {  	[tilespmem:$0x640] =	vst v0  }
0x2c: {  	[tilespmem:$0x650] =	vst v0  }
0x2d: {  	[tilespmem:$0x660] =	vst v0  }
0x2e: {  	[tilespmem:$0x670] =	vst v0  }
0x2f: {  	[tilespmem:$0x680] =	vst v0  }
0x30: {  	[tilespmem:$0x690] =	vst v0  }
0x31: {  	[tilespmem:$0x6A0] =	vst v0  }
0x32: {  	[tilespmem:$0x6B0] =	vst v0  }
0x33: {  	[tilespmem:$0x6C0] =	vst v0  }
0x34: {  	[tilespmem:$0x6D0] =	vst v0  }
0x35: {  	[tilespmem:$0x6E0] =	vst v0  }
0x36: {  	[tilespmem:$0x6F0] =	vst v0  }
0x37: {  	[tilespmem:$0x700] =	vst v0  }
0x38: {  	[tilespmem:$0x710] =	vst v0  }
0x39: {  	[tilespmem:$0x720] =	vst v0  }
0x3a: {  	[spmem:s9] =	stream.linear.scatter [tilespmem:s19], [sflag:$0x8], $0x280, $0x38;
	[tilespmem:$0xC40] =	vst v63  }
0x3b: {  	_ =	swait.ge [sflag:s20], $0x280  }
0x3c: {  	[sflag:s20] =	ssyncset.done $0x0  }
0x3d: {  	[sflag:s20] =	ssyncadd.s32 $0xFFFFFD80  }
0x3e: {  	[spmem:s11] =	stream.linear.scatter [tilespmem:s19], [sflag:$0x8], $0x280, $0x38;
	[tilespmem:$0xC40] =	vst v63  }
0x3f: {  	_ =	swait.ge [sflag:s20], $0x280  }
0x40: {  	[sflag:s20] =	ssyncset.done $0x0  }
0x41: {  	[sflag:s20] =	ssyncadd.s32 $0xFFFFFD80  }
0x42: {  	[bflag:$0x0] =	sbarrier.arrive $0xFFFF  }
0x43: {  	s8 =	simm.s32 $0x730;
	s2 =	rddreg [dreg:$0x4]  }
0x44: {  	[tilespmem:s8], [sflag:$0x1] =	stream.linear.gather [hbm4b:s2+s4], $0x10, $0x38;
	[tilespmem:$0xC40] =	vst v63  }
0x45: {  	_ =	swait.ge [sflag:s22], $0x10  }
0x46: {  	[sflag:s22] =	ssyncset.done $0x0  }
0x47: {  	[sflag:s22] =	ssyncadd.s32 $0xFFFFFFF0  }
0x48: {  	v1 =	vld [tilespmem:$0x730];
	[tilespmem:s4], [sflag:$0x2] =	stream.linear.gather [hbm4b:s10+s4], $0x50, $0x38  }
0x49: {  	s21 =	rddreg [dreg:$0x5]  }
0x4a: {  	[tilespmem:s23], [sflag:$0x2] =	stream.linear.gather [hbm4b:s21+s4], $0x50, $0x38;
	[tilespmem:$0xC40] =	vst v63  }
0x4b: {  	_ =	swait.ge [sflag:s24], $0x50  }
0x4c: {  	[sflag:s24] =	ssyncset.done $0x0  }
0x4d: {  	[sflag:s24] =	ssyncadd.s32 $0xFFFFFFB0  }
0x4e: {  	_ =	swait.ge [sflag:s24], $0x50  }
0x4f: {  	[sflag:s24] =	ssyncset.done $0x0  }
0x50: {  	[sflag:s24] =	ssyncadd.s32 $0xFFFFFFB0  }
0x51: {  	v2 =	vld [tilespmem:$0xA0]  }
0x52: {  	v3 =	vld [tilespmem:$0xB0]  }
0x53: {  	v4 =	vld [tilespmem:$0xC0]  }
0x54: {  	v5 =	vld [tilespmem:$0xD0]  }
0x55: {  	v6 =	vld [tilespmem:$0xE0]  }
0x56: {  	[tilespmem:$0x140] =	vst v2  }
0x57: {  	[tilespmem:$0x150] =	vst v3  }
0x58: {  	[tilespmem:$0x160] =	vst v4  }
0x59: {  	[tilespmem:$0x170] =	vst v5  }
0x5a: {  	s26 =	simm.s32 $0x230;
	[tilespmem:$0x180] =	vst v6  }
0x5b: {  	[tilespmem:s26], [sflag:$0x4] =	stream.indirect.gather [hbm4b:s5+s25], $0x1, s4, s25, $0xb8;
	[tilespmem:$0xC40] =	vst v63  }
0x5c: {  	s28 =	simm.s32 $0x2D0  }
0x5d: {  	[tilespmem:s28], [sflag:$0x4] =	stream.indirect.gather [hbm4b:s6+s25], $0x1, s23, s25, $0xb8;
	[tilespmem:$0xC40] =	vst v63  }
0x5e: {  	_ = 	snop  }
0x5f: {  	[tilespmem:s25], [sflag:$0x3] =	stream.linear.gather [hbm4b:s13+s4], $0x50, $0x38;
	[tilespmem:$0xC40] =	vst v63  }
0x60: {  	s29 =	simm.s32 $0xF0;
	s21 =	simm.s32 $0x0  }
0x61: {  	[tilespmem:s29], [sflag:$0x3] =	stream.linear.gather [hbm4b:s14+s4], $0x50, $0x38;
	[tilespmem:$0xC40] =	vst v63  }
.LBB2_2:
0x62: {  	s2 =	sand.u32 $0x1, s21  }
0x63: {  	s26 =	sor.u32 $0x4, s2  }
0x64: {  	_ =	swait.ge [sflag:s26], $0x50  }
0x65: {  	p0 =	sgt.u32 s21, $0x7A;
	[sflag:s26] =	ssyncset.done $0x0  }
0x66: {  	s28 =	smul.u32 @!p0 $0x50, s21;
	[sflag:s26] =	ssyncadd.s32 $0xFFFFFFB0  }
0x67: {  	_ =	swait.ge [sflag:s26], $0x50  }
0x68: {  	s28 =	sadd.s32 @!p0 s28, s15;
	[sflag:s26] =	ssyncset.done $0x0  }
0x69: {  	s28 =	sshrl.u32 @!p0 s28, $0x3;
	[sflag:s26] =	ssyncadd.s32 $0xFFFFFFB0;
	s26 =	smul.u32 @!p0 $0x50, s2  }
0x6a: {  	s29 =	sor.u32 @!p0 $0x2, s2;
	s8 =	simm.s32 @!p0 $0x0;
	s28 =	sadd.s32 @!p0 s7, s28  }
0x6b: {  	[tilespmem:s26], [sflag:s29] =	stream.linear.gather @!p0 [hbm4b:s28+s8], $0x50, $0x38;
	[tilespmem:$0xC40] =	vst v63  }
0x6c: {  	p1 =	slt.u32 @!p0 s21, $0x2;
	s26 =	sadd.s32 @!p0 $0xA0, s26;
	s28 =	sadd.s32 @!p0 $0x9C40, s28  }
0x6d: {  	[tilespmem:s26], [sflag:s29] =	stream.linear.gather @!p0 [hbm4b:s28+s8], $0x50, $0x38;
	[tilespmem:$0xC40] =	vst v63  }
0x6e: {  	p0 =	por p0, !p1  }
0x6f: {  	s8 =	sor.u32 @p0 $0x6, s2  }
0x70: {  	_ =	swait.ge @p0 [sflag:s8], $0x50  }
0x71: {  	[sflag:s8] =	ssyncset.done @p0 $0x0  }
0x72: {  	p1 =	seq.s32 @p0 s21, $0x7C;
	[sflag:s8] =	ssyncadd.s32 @p0 $0xFFFFFFB0  }
0x73: {  	s26 =	simm.s32 @p0 $0x7D;
	p1 =	por !p0, !p1;
	_ =	swait.ge @p0 [sflag:s8], $0x50  }
0x74: {  	s26 =	sadd.s32 @p1 $0x1, s21;
	[sflag:s8] =	ssyncset.done @p0 $0x0  }
0x75: {  	[sflag:s8] =	ssyncadd.s32 @p0 $0xFFFFFFB0;
	s8 =	sand.u32 @p1 $0x1, s26  }
0x76: {  	s28 =	sor.u32 @p1 $0x2, s8  }
0x77: {  	_ =	swait.ge @p1 [sflag:s28], $0x50  }
0x78: {  	s29 =	smul.u32 @p1 $0xAB, s26;
	[sflag:s28] =	ssyncset.done @p1 $0x0  }
0x79: {  	[sflag:s28] =	ssyncadd.s32 @p1 $0xFFFFFFB0  }
0x7a: {  	s29 =	sshrl.u32 @p1 s29, $0x9;
	_ =	swait.ge @p1 [sflag:s28], $0x50  }
0x7b: {  	s29 =	sand.u32 @p1 $0x7F, s29;
	s12 =	smul.u32 @p1 $0x50, s8;
	[sflag:s28] =	ssyncset.done @p1 $0x0  }
0x7c: {  	[sflag:s28] =	ssyncadd.s32 @p1 $0xFFFFFFB0;
	s28 =	smul.u32 @p1 $0x3, s29  }
0x7d: {  	v2 =	vld @p1 [tilespmem:s12+$0xA0]  }
0x7e: {  	s28 =	ssub.s32 @p1 s26, s28  }
0x7f: {  	s28 =	smul.u32 @p1 $0x50, s28;
	_ =	sdelay $0x1  }
0x80: {  	s28 =	sand.u32 @p1 $0xF0, s28  }
0x81: {  	[tilespmem:s28+$0x140] =	vst @p1 v2  }
0x82: {  	v2 =	vld @p1 [tilespmem:s12+$0xB0];
	_ =	sdelay $0x4  }
0x83: {  	[tilespmem:s28+$0x150] =	vst @p1 v2  }
0x84: {  	v2 =	vld @p1 [tilespmem:s12+$0xC0];
	_ =	sdelay $0x4  }
0x85: {  	[tilespmem:s28+$0x160] =	vst @p1 v2  }
0x86: {  	v2 =	vld @p1 [tilespmem:s12+$0xD0];
	_ =	sdelay $0x4  }
0x87: {  	[tilespmem:s28+$0x170] =	vst @p1 v2  }
0x88: {  	v2 =	vld @p1 [tilespmem:s12+$0xE0];
	_ =	sdelay $0x4  }
0x89: {  	s8 =	sor.u32 @p1 $0x4, s8;
	[tilespmem:s28+$0x180] =	vst @p1 v2;
	s28 =	sadd.s32 @p1 $0x230, s12  }
0x8a: {  	[tilespmem:s28], [sflag:s8] =	stream.indirect.gather @p1 [hbm4b:s5+s25], $0x1, s12, s25, $0xb8;
	[tilespmem:$0xC40] =	vst v63  }
0x8b: {  	s29 =	smul.u32 $0x50, s2;
	s28 =	sadd.s32 @p1 $0xA0, s12;
	s12 =	sadd.s32 @p1 $0x2D0, s12  }
0x8c: {  	[tilespmem:s12], [sflag:s8] =	stream.indirect.gather @p1 [hbm4b:s6+s25], $0x1, s28, s25, $0xb8;
	[tilespmem:$0xC40] =	vst v63  }
0x8d: {  	v2 =	vld [tilespmem:s29+$0x230]  }
0x8e: {  	v3 =	vld [tilespmem:s29+$0x2D0]  }
0x8f: {  	v4 =	vld [tilespmem:s29+$0x240]  }
0x90: {  	v5 =	vld [tilespmem:s29+$0x2E0]  }
0x91: {  	v6 =	vld [tilespmem:s29+$0x250]  }
0x92: {  	v7 =	vld [tilespmem:s29+$0x2F0]  }
0x93: {  	v8 =	vld [tilespmem:s29+$0x260];
	v3 =	vadd.f32 v3, v2  }
0x94: {  	v9 =	vld [tilespmem:s29+$0x300]  }
0x95: {  	v11 =	vld [tilespmem:s29+$0x270];
	v5 =	vadd.f32 v5, v4;
	v10 =	vmul.f32 $2.000000030e-01, v3  }
0x96: {  	v12 =	vld [tilespmem:s29+$0x310]  }
0x97: {  	v7 =	vadd.f32 v7, v6;
	v56 =	vmul.f32 $2.000000030e-01, v5;
	v3 =	vmax.f32 v3, v10  }
0x98: {  	v3 =	vmul.f32 v3, v1  }
0x99: {  	v9 =	vadd.f32 v9, v8;
	v13 =	vmul.f32 $2.000000030e-01, v7;
	v5 =	vmax.f32 v5, v56  }
0x9a: {  	v5 =	vmul.f32 v5, v1;
	v3 =	vmul.f32 $1.442695020e+00, v3  }
0x9b: {  	v12 =	vadd.f32 v12, v11;
	v57 =	vmul.f32 $2.000000030e-01, v9  }
0x9c: {  	v7 =	vmax.f32 v7, v13;
	(erf) = vpow2.f32 v3;
	v3 =	vmul.f32 $1.442695020e+00, v5  }
0x9d: {  	v60 =	vmul.f32 $2.000000030e-01, v12;
	v59 =	vmax.f32 v9, v57;
	v7 =	vmul.f32 v7, v1  }
0x9e: {  	(erf) = vpow2.f32 v3;
	v3 =	vmul.f32 v59, v1  }
0x9f: {  	v61 =	vmax.f32 v12, v60;
	v58 =	vmul.f32 $1.442695020e+00, v7  }
0xa0: {  	v5 =	vmul.f32 v61, v1;
	v3 =	vmul.f32 $1.442695020e+00, v3  }
0xa1: {  	(erf) = vpow2.f32 v58  }
0xa2: {  	(erf) = vpow2.f32 v3;
	v3 =	vmul.f32 $1.442695020e+00, v5;
	_ =	sdelay $0x2  }
0xa3: {  	(erf) = vpow2.f32 v3  }
0xa4: {  	s12 =	smul.u32 $0xAB, s21;
	v3 =	vpop (erf)  }
0xa5: {  	v2 =	vmul.f32 v3, v2  }
0xa6: {  	s8 =	sshrl.u32 s12, $0x9;
	v62 =	vpop (erf);
	[tilespmem:s29+$0x370] =	vst v3  }
0xa7: {  	s8 =	sand.u32 $0x7F, s8;
	[tilespmem:s29+$0x410] =	vst v2;
	v2 =	vmul.f32 v62, v4  }
0xa8: {  	s8 =	smul.u32 $0x3, s8;
	v3 =	vpop (erf);
	[tilespmem:s29+$0x380] =	vst v62  }
0xa9: {  	[tilespmem:s29+$0x420] =	vst v2;
	v2 =	vmul.f32 v3, v6  }
0xaa: {  	s8 =	ssub.s32 s21, s8;
	[tilespmem:s29+$0x390] =	vst v3;
	v63 =	vpop (erf)  }
0xab: {  	s8 =	sand.u32 $0xFF, s8;
	[tilespmem:s29+$0x430] =	vst v2;
	v2 =	vmul.f32 v63, v8  }
0xac: {  	s8 =	smul.u32 $0x140, s8;
	[tilespmem:s29+$0x3A0] =	vst v63;
	v3 =	vpop (erf)  }
0xad: {  	p0 =	slt.u32 s26, $0x7D;
	[tilespmem:s29+$0x440] =	vst v2;
	v2 =	vmul.f32 v3, v11  }
.Ltmp0:
0xae: {  	s8 =	sshrl.u32 s8, $0x2;
	[tilespmem:s29+$0x3B0] =	vst v3;
	(pc) =	sbr.rel @p0 .LBB2_2-.Ltmp0, $4  }
0xaf: {  	s2 =	sor.u32 $0x6, s2;
	s21 =	sadd.s32 $0x370, s29;
	s8 =	sadd.s32 $0x140, s8;
	[tilespmem:s29+$0x450] =	vst v2  }
0xb0: {  	[spmem:s1] =	stream.indirect.scatter.add.f32 [tilespmem:s21], [sflag:s2], $0x1, s8, s25, $0xb8;
	[tilespmem:$0xC40] =	vst v63  }
0xb1: {  	s29 =	sadd.s32 $0x410, s29;
	s21 =	smov.u32 s26  }
0xb2: {  	[spmem:s3] =	stream.indirect.scatter.add.f32 [tilespmem:s29], [sflag:s2], $0x1, s8, s25, $0xb8;
	[tilespmem:$0xC40] =	vst v63  }
0xb3: {  	_ =	swait.ge [sflag:s30], $0x50  }
0xb4: {  	[sflag:s30] =	ssyncset.done $0x0  }
0xb5: {  	[sflag:s30] =	ssyncadd.s32 $0xFFFFFFB0  }
0xb6: {  	_ =	swait.ge [sflag:s30], $0x50  }
0xb7: {  	[sflag:s30] =	ssyncset.done $0x0  }
0xb8: {  	[sflag:s30] =	ssyncadd.s32 $0xFFFFFFB0  }
0xb9: {  	_ =	swait.ge [sflag:s31], $0x50  }
0xba: {  	[sflag:s31] =	ssyncset.done $0x0  }
0xbb: {  	[sflag:s31] =	ssyncadd.s32 $0xFFFFFFB0  }
0xbc: {  	_ =	swait.ge [sflag:s31], $0x50  }
0xbd: {  	s2 =	stileid.u32;
	[sflag:s31] =	ssyncset.done $0x0  }
0xbe: {  	s2 =	sshll.u32 s2, $0x6;
	[sflag:s31] =	ssyncadd.s32 $0xFFFFFFB0  }
0xbf: {  	s8 =	sshrl.u32 s9, $0x3;
	s2 =	sor.u32 $0x1C08, s2;
	[bflag:$0x0] =	sbarrier.arrive $0xFFFF  }
0xc0: {  	[hbm:s16], [sflag:s2] =	dma.local [spmem:s8], $0x50  }
0xc1: {  	s0 =	sadd.s32 $0x1, s0;
	_ =	swait.ge [sflag:s20], $0x50  }
0xc2: {  	p0 =	sne.s32 s0, s18;
	[sflag:s20] =	ssyncset.done $0x0  }
.Ltmp1:
0xc3: {  	s29 =	sshrl.u32 s11, $0x3;
	[sflag:s20] =	ssyncadd.s32 $0xFFFFFFB0;
	(pc) =	sbr.rel @p0 .LBB2_1-.Ltmp1, $4  }
0xc4: {  	[hbm:s17], [sflag:s2] =	dma.local [spmem:s29], $0x50  }
0xc5: {  	_ =	swait.ge [sflag:s20], $0x50  }
0xc6: {  	[sflag:s20] =	ssyncset.done $0x0  }
0xc7: {  	[sflag:s20] =	ssyncadd.s32 $0xFFFFFFB0  }
0xc8: {  	_ =	sfence.sel $0x180000  }
0xc9: {  	[bflag:$0x0] =	sbarrier.arrive $0xFFFF  }
0xca: {  	_ =	strace $0x9000004A  }
0xcb: {  	s0 =	stileid.u32;
	[bflag:$0x2] =	sbarrier.arrive $0xFFFF  }
0xcc: {  	p0 =	sne.s32 s0, $0x0;
	s0 =	rddreg [dreg:$0x3]  }
0xcd: {  	s0 =	sadd.s32 @!p0 $0x100000, s0  }
0xce: {  	[sflag:s0] =	ssyncadd.tile.s32 @!p0 $0x1;
	_ =	shalt  }
.Lfunc_end2:
_tile_overlayer_lowered:
.L_overlay_start_2:
0xcf: {  	(tag) =	ssettag $0x2  }
0xd0: {  	s0 =	rddreg [dreg:$0x0];
	s2 =	stileid.u32  }
0xd1: {  	s1 =	rddreg [dreg:$0x1];
	p0 =	sne.s32 s2, $0x0  }
0xd2: {  	s3 =	rddreg [dreg:$0x2];
	[bflag:$0x3] =	sbarrier.arrive $0xFFFF;
	s2 =	simm.s32 @!p0 $0x1C08  }
0xd3: {  	[timem:s3], [sflag:s2] =	dma.local @!p0 [hbm:s0], s1  }
0xd4: {  	s0 =	simm.s32 @!p0 $0x8  }
0xd5: {  	_ =	swait.ge @!p0 [sflag:s0], s1  }
0xd6: {  	s1 =	ssub.s32 @!p0 $0x0, s1;
	[sflag:s0] =	ssyncset.done @!p0 $0x0  }
0xd7: {  	[sflag:s0] =	ssyncadd.s32 @!p0 s1  }
0xd8: {  	[bflag:$0x3] =	sbarrier.arrive $0xFFFF  }
0xd9: {  	_ =	shalt  }

// kernel: kernel.7.cloned.1.call-start
scs
__scs_entry_jumppad:
0x0: {  	(pc) =	sbr.rel $0x88, $3  }
0x1: {  	(tag) =	ssettag $0x0;
	lr =	simm.s32 $0x1  }
0x2: {  	[smem:$0x3F8E] =	sst lr;
	_ =	strace $0xD0000000  }
0x3: {  	_ = 	snop  }
0x4: {  	_ = 	snop  }
0x5: {  	_ = 	snop  }
0x6: {  	_ = 	snop  }
0x7: {  	_ = 	snop  }
__scs_overlays_trampoline_lowered:
0x8: {  	[smem:$0x3F9D] =	sst s0  }
0x9: {  	[smem:$0x3F9E] =	sst s1  }
0xa: {  	[smem:$0x3F9F] =	sst s2  }
0xb: {  	[smem:$0x3FA0] =	sst s3  }
0xc: {  	[smem:$0x3FA1] =	sst s4  }
0xd: {  	[smem:$0x3FA2] =	sst s5  }
0xe: {  	[smem:$0x3FA3] =	sst s6  }
0xf: {  	[smem:$0x3FA4] =	sst s7  }
0x10: {  	[smem:$0x3FA5] =	sst s8  }
0x11: {  	[smem:$0x3FA6] =	sst s9;
	s0 =	simm.s32 @!p0 $0x0  }
0x12: {  	s1 =	sld [smem:$0x3F8C];
	s0 =	simm.s32 @p0 $0x1  }
0x13: {  	[smem:$0x3FA7] =	sst s0;
	s0 =	simm.s32 @!p1 $0x0  }
0x14: {  	s2 =	sld [smem:$0x3F8B];
	s0 =	simm.s32 @p1 $0x1  }
0x15: {  	[smem:$0x3FA8] =	sst s0;
	s0 =	simm.s32 @!p2 $0x0  }
0x16: {  	s3 =	sld [smem:$0x3FDB];
	s0 =	simm.s32 @p2 $0x1  }
0x17: {  	s4 =	simm.s32 $0x1BF5;
	[smem:$0x3FAA] =	sst s0  }
0x18: {  	s0 =	sld [smem:$0x3F8D];
	_ =	swait.ge [sflag:s4], $0x0  }
0x19: {  	s7 =	sld [smem:$0x3F8E]  }
0x1a: {  	s8 =	sadd.s32 $0xFFFFE003, lr  }
0x1b: {  	s9 =	sadd.s32 $0xFFFFFEF7, lr;
	s5 =	simm.s32 $0xFFFFFFFF;
	p2 =	slt.u32 s8, $0xFFFFF086  }
0x1c: {  	p1 =	slt.u32 s9, $0xF7A;
	s5 =	simm.s32 @!p2 $0x0  }
0x1d: {  	s5 =	simm.s32 @p1 $0x1;
	p0 =	seq.s32 s7, s2  }
0x1e: {  	s7 =	smul.u32 @!p0 $0xF7A, s2;
	p2 =	seq.s32 @!p0 s5, $0x0  }
0x1f: {  	s9 =	smul.u32 $0xF7A, s1;
	s8 =	simm.s32 @!p0 $0x1BF5;
	p2 =	por !p2, p0  }
0x20: {  	[sflag:s8] =	ssyncset.s32 @!p0 $0xFFFFF086;
	s6 =	sadd.s32 @!p0 s3, s7;
	s7 =	simm.s32 @!p0 $0x108  }
0x21: {  	s3 =	sadd.s32 s3, s9;
	s6 =	sadd.s32 @!p0 $0x88, s6;
	s7 =	simm.s32 @p2 $0x1082  }
0x22: {  	[simem:s7], [sflag:s8] =	dma.local @!p0 [hbm:s6], $0xF7A  }
0x23: {  	s9 =	sor.u32 $0xD0000000, s2;
	s6 =	simm.s32 $0x108;
	_ =	swait.ge @!p0 [sflag:s8], $0x0  }
0x24: {  	s3 =	sadd.s32 $0x88, s3;
	s6 =	simm.s32 @!p1 $0x1082;
	[sflag:s4] =	ssyncset.s32 $0xFFFFF086  }
0x25: {  	[simem:s6], [sflag:s4] =	dma.local [hbm:s3], $0xF7A  }
0x26: {  	[smem:$0x3F8E] =	sst s1;
	(tag) =	ssettag s2;
	_ =	strace s9  }
0x27: {  	s1 =	sld [smem:$0x3F9E]  }
0x28: {  	s2 =	sld [smem:$0x3F9F]  }
0x29: {  	s4 =	sld [smem:$0x3FA1]  }
0x2a: {  	p0 =	seq.s32 s5, $0x0;
	s5 =	sld [smem:$0x3FA2]  }
0x2b: {  	s6 =	sld [smem:$0x3FA3]  }
0x2c: {  	s7 =	sld [smem:$0x3FA4]  }
0x2d: {  	s3 =	simm.s32 $0x108;
	s8 =	sld [smem:$0x3FA5]  }
0x2e: {  	s3 =	simm.s32 @!p0 $0x1082;
	s9 =	sld [smem:$0x3FA6]  }
0x2f: {  	lr =	sadd.s32 s0, s3;
	s0 =	sld [smem:$0x3F9D]  }
0x30: {  	s3 =	sld [smem:$0x3FA0]  }
0x31: {  	[smem:$0x3FA9] =	sst s10  }
0x32: {  	s10 =	sld [smem:$0x3FA7];
	_ =	sdelay $0x3  }
0x33: {  	p0 =	seq.s32 s10, $0x1;
	s10 =	sld [smem:$0x3FA9];
	_ =	sdelay $0x3  }
0x34: {  	[smem:$0x3FA9] =	sst s10  }
0x35: {  	s10 =	sld [smem:$0x3FA8];
	_ =	sdelay $0x3  }
0x36: {  	p1 =	seq.s32 s10, $0x1;
	s10 =	sld [smem:$0x3FA9];
	_ =	sdelay $0x3  }
0x37: {  	[smem:$0x3FA9] =	sst s10  }
0x38: {  	s10 =	sld [smem:$0x3FAA]  }
0x39: {  	_ = 	snop;
	(pc) =	sbr.ind lr, $3  }
0x3a: {  	_ = 	snop  }
0x3b: {  	_ = 	snop  }
0x3c: {  	p2 =	seq.s32 s10, $0x1;
	s10 =	sld [smem:$0x3FA9]  }
0x3d: {  	_ =	shalt  }
0x3e: {  	_ =	shalt  }
0x3f: {  	_ =	shalt  }
0x40: {  	_ =	shalt  }
0x41: {  	_ =	shalt  }
0x42: {  	_ =	shalt  }
0x43: {  	_ =	shalt  }
0x44: {  	_ =	shalt  }
0x45: {  	_ =	shalt  }
0x46: {  	_ =	shalt  }
0x47: {  	_ =	shalt  }
0x48: {  	_ =	shalt  }
0x49: {  	_ =	shalt  }
0x4a: {  	_ =	shalt  }
0x4b: {  	_ =	shalt  }
0x4c: {  	_ =	shalt  }
0x4d: {  	_ =	shalt  }
0x4e: {  	_ =	shalt  }
0x4f: {  	_ =	shalt  }
0x50: {  	_ =	shalt  }
0x51: {  	_ =	shalt  }
0x52: {  	_ =	shalt  }
0x53: {  	_ =	shalt  }
0x54: {  	_ =	shalt  }
0x55: {  	_ =	shalt  }
0x56: {  	_ =	shalt  }
0x57: {  	_ =	shalt  }
0x58: {  	_ =	shalt  }
0x59: {  	_ =	shalt  }
0x5a: {  	_ =	shalt  }
0x5b: {  	_ =	shalt  }
0x5c: {  	_ =	shalt  }
0x5d: {  	_ =	shalt  }
0x5e: {  	_ =	shalt  }
0x5f: {  	_ =	shalt  }
0x60: {  	_ =	shalt  }
0x61: {  	_ =	shalt  }
0x62: {  	_ =	shalt  }
0x63: {  	_ =	shalt  }
0x64: {  	_ =	shalt  }
0x65: {  	_ =	shalt  }
0x66: {  	_ =	shalt  }
0x67: {  	_ =	shalt  }
0x68: {  	_ =	shalt  }
0x69: {  	_ =	shalt  }
0x6a: {  	_ =	shalt  }
0x6b: {  	_ =	shalt  }
0x6c: {  	_ =	shalt  }
0x6d: {  	_ =	shalt  }
0x6e: {  	_ =	shalt  }
0x6f: {  	_ =	shalt  }
0x70: {  	_ =	shalt  }
0x71: {  	_ =	shalt  }
0x72: {  	_ =	shalt  }
0x73: {  	_ =	shalt  }
0x74: {  	_ =	shalt  }
0x75: {  	_ =	shalt  }
0x76: {  	_ =	shalt  }
0x77: {  	_ =	shalt  }
0x78: {  	_ =	shalt  }
0x79: {  	_ =	shalt  }
0x7a: {  	_ =	shalt  }
0x7b: {  	_ =	shalt  }
0x7c: {  	_ =	shalt  }
0x7d: {  	_ =	shalt  }
0x7e: {  	_ =	shalt  }
0x7f: {  	_ =	shalt  }
0x80: {  	_ =	shalt  }
0x81: {  	_ =	shalt  }
0x82: {  	_ =	shalt  }
0x83: {  	_ =	shalt  }
0x84: {  	_ =	shalt  }
0x85: {  	_ =	shalt  }
0x86: {  	_ =	shalt  }
0x87: {  	_ =	shalt  }
.Lfunc_end0:
.L_simem_size_0:
called_computation_lowered:
.L_overlay_start_0:
0x88: {  	s2 =	sld [smem:$0x3FD9]  }
0x89: {  	s3 =	sld [smem:$0x3FFE];
	_ =	sdelay $0x1  }
0x8a: {  	s1 =	srdreg.scid  }
0x8b: {  	s0 =	sand.u32 $0x1, s1  }
0x8c: {  	s16 =	sshll.u32 s0, $0xA;
	s2 =	sadd.s32 s3, s2  }
0x8d: {  	s2 =	sadd.s32 s2, s16  }
0x8e: {  	[smem:$0x3FB5] =	sst s2  }
0x8f: {  	_ = 	snop  }
0x90: {  	(tm) =	ssettm $0x1  }
0x91: {  	s17 =	sld [smem:$0x3FFB];
	_ =	sdelay $0x3  }
0x92: {  	_ =	strace s17  }
0x93: {  	s2 =	sld [smem:$0x3FFC];
	_ =	sdelay $0x3  }
0x94: {  	_ =	strace s2  }
0x95: {  	s2 =	sld [smem:$0x3FFD];
	_ =	sdelay $0x3  }
0x96: {  	_ =	strace s2  }
0x97: {  	_ =	strace $0x8FFFFFFF  }
0x98: {  	s18 =	sld [smem:$0x3FDB];
	_ =	sdelay $0x1  }
0x99: {  	s19 =	simm.s32 $_scs_section_size  }
0x9a: {  	s4 =	simm.s32 $_size__tile_overlayer_lowered;
	s5 =	simm.s32 $_tile_overlayer_lowered  }
0x9b: {  	s22 =	simm.s32 $0x1BFF;
	s21 =	sshll.u32 s5, $0x1;
	s2 =	sadd.s32 s19, s18  }
0x9c: {  	s6 =	simm.s32 $0x0;
	s20 =	sshll.u32 s4, $0x1;
	s4 =	sadd.s32 s21, s2  }
0x9d: {  	[timem:s6], [sflag:s22] =	dma.local [hbm:s4], s20  }
0x9e: {  	_ =	swait.ge [sflag:s22], s20  }
0x9f: {  	s3 =	ssub.s32 $0x0, s20;
	[sflag:s22] =	ssyncset.done $0x0  }
0xa0: {  	[sflag:s22] =	ssyncadd.s32 s3;
	_ =	sdelay $0x1  }
0xa1: {  	s23 =	simm.s32 $0x1B8B  }
0xa2: {  	_ =	swait.ge [sflag:s23], $0x1  }
0xa3: {  	[sflag:s23] =	ssyncset.done $0x0  }
0xa4: {  	s25 =	simm.s32 $0x1B8E;
	s24 =	sld [smem:$0x3FFE];
	[sflag:s23] =	ssyncadd.s32 $0xFFFFFFFF  }
0xa5: {  	s26 =	simm.s32 $execute0_lowered;
	[smem:$0x3FD2] =	sst s25  }
0xa6: {  	s4 =	sshll.u32 s26, $0x1;
	_ =	strace $0x80000046;
	[dreg:$0x1] =	wrdreg $0xFFFFFFFF  }
0xa7: {  	s28 =	simm.s32 $_size_execute0_lowered;
	s2 =	sadd.s32 s2, s4;
	[dreg:$0x0] =	wrdreg $0x0  }
0xa8: {  	s4 =	sshll.u32 s28, $0x1;
	[dreg:$0x2] =	wrdreg s2  }
0xa9: {  	[dreg:$0x3] =	wrdreg s4  }
0xaa: {  	[dreg:$0x4] =	wrdreg $0xC0  }
0xab: {  	_ =	task [dreg:s6], $0x5FFFF  }
0xac: {  	[dreg:$0x1] =	wrdreg $0xFFFFFFFF  }
0xad: {  	[dreg:$0x0] =	wrdreg $0x60  }
0xae: {  	[dreg:$0x2] =	wrdreg s24  }
0xaf: {  	[dreg:$0x3] =	wrdreg $0x65A00  }
0xb0: {  	[dreg:$0x4] =	wrdreg $0x9  }
0xb1: {  	_ =	task.clear_ibuf [dreg:s6], $0x5FFFF;
	_ =	strace $0x90000046  }
0xb2: {  	s29 =	simm.s32 $0x9;
	_ =	strace $0x80000048  }
0xb3: {  	_ =	swait.ge [sflag:s29], $0x1  }
0xb4: {  	[sflag:s29] =	ssyncadd.s32 $0xFFFFFFFF  }
0xb5: {  	_ =	strace $0x90000048  }
0xb6: {  	_ =	sfence  }
0xb7: {  	s30 =	sld [smem:$0x0];
	_ =	sdelay $0x2  }
0xb8: {  	s31 =	sshll.u32 s1, $0xD;
	s1 =	sshrl.u32 s1, $0x2  }
0xb9: {  	s3 =	sand.u32 $0x4000, s31;
	s1 =	sadd.s32 s1, s30  }
0xba: {  	s0 =	sor.u32 s3, s0;
	s1 =	sshll.u32 s1, $0x11  }
0xbb: {  	s0 =	sor.u32 s1, s0  }
0xbc: {  	s0 =	sadd.s32 $0x8F2B, s0  }
0xbd: {  	[sflag:s0] =	ssyncadd.remote.s32 $0x1  }
0xbe: {  	_ =	sfence.sel $0xFFFF  }
0xbf: {  	[dreg:$0x0] =	wrdreg $0xFFFFFFFF;
	(pc) =	sbr.abs _section_cstart, $3  }
0xc0: {  	[dreg:$0x1] =	wrdreg $0xFFFFFFFF  }
0xc1: {  	_ =	task.clear_ibuf [dreg:s6], $0x2FFFF;
	_ =	strace $0x9FFFFFFF  }
0xc2: {  	(tm) =	ssettm $0x7FFFFFFF  }
0xc3: {  	_ =	shalt  }
tec
execute0_lowered:
.L_overlay_start_1:
0x0: {  	(tag) =	ssettag $0x1  }
0x1: {  	s0 =	rddreg [dreg:$0x0]  }
0x2: {  	s1 =	rddreg [dreg:$0x1];
	s2 =	simm.s32 $0x0;
	s20 =	srdreg.scid  }
0x3: {  	s9 =	stileid.u32;
	[smem:$0x7FF] =	sst s2  }
0x4: {  	s3 =	sadd.s32 $0x16400, s0;
	s5 =	sadd.s32 $0x64600, s0;
	s6 =	sadd.s32 $0x2800, s0  }
0x5: {  	s2 =	sand.u32 $0x1, s20;
	s15 =	sadd.s32 $0xB2800, s0;
	_ =	strace $0x80000047  }
0x6: {  	s4 =	sshll.u32 s2, $0x4;
	s7 =	ssub.s32 $0x2, s2;
	s16 =	smul.u32 $0x168000, s2  }
0x7: {  	s11 =	sadd.s32 s4, s0;
	s8 =	sshrl.u32 s7, $0x1;
	s4 =	smul.u32 $0x16800, s9  }
0x8: {  	s2 =	smul.u32 $0x2710, s2;
	s0 =	ssub.s32 s7, s8;
	s11 =	sadd.s32 $0x16200, s11  }
0x9: {  	s13 =	sadd.s32 $0x1200, s4;
	s14 =	sadd.s32 $0x2400, s4;
	s7 =	sadd.s32 $0x3600, s4  }
0xa: {  	s8 =	sadd.s32 $0x4800, s4;
	s9 =	sadd.s32 $0x5A00, s4;
	s12 =	sadd.s32 s4, s16  }
0xb: {  	s10 =	sadd.s32 $0x6C00, s4;
	[dreg:$0x17] =	wrdreg s11;
	s0 =	smax.u32 s0, $0x1  }
0xc: {  	s17 =	sshrl.u32 s12, $0x3;
	s18 =	sadd.s32 s16, s13;
	s12 =	sadd.s32 $0x7E00, s4  }
0xd: {  	s22 =	sadd.s32 s16, s14;
	s23 =	sadd.s32 s16, s7;
	s19 =	sadd.s32 s16, s8  }
0xe: {  	s26 =	sadd.s32 s16, s9;
	s28 =	sadd.s32 s16, s10;
	s11 =	sadd.s32 s14, s1  }
0xf: {  	s7 =	sadd.s32 s7, s1;
	s8 =	sadd.s32 s8, s1;
	[smem:$0x7F9] =	sst s0  }
0x10: {  	s14 =	sadd.s32 s10, s1;
	s17 =	sadd.s32 s15, s17;
	[dreg:$0x18] =	wrdreg s11  }
0x11: {  	s21 =	sshrl.u32 s18, $0x3;
	s18 =	sshrl.u32 s23, $0x3;
	[dreg:$0x1a] =	wrdreg s14  }
0x12: {  	s25 =	sshrl.u32 s19, $0x3;
	s29 =	sadd.s32 s16, s12;
	[dreg:$0x3] =	wrdreg s17  }
0x13: {  	s17 =	sadd.s32 s15, s21;
	s24 =	sadd.s32 s15, s18;
	s18 =	sshrl.u32 s28, $0x3  }
0x14: {  	[dreg:$0x4] =	wrdreg s17;
	s17 =	sshrl.u32 s22, $0x3;
	s18 =	sadd.s32 s15, s18  }
0x15: {  	s19 =	sadd.s32 $0x9000, s4;
	s17 =	sadd.s32 s15, s17;
	[dreg:$0x9] =	wrdreg s18  }
0x16: {  	s18 =	sadd.s32 $0xB400, s4;
	[dreg:$0x5] =	wrdreg s17;
	s17 =	sadd.s32 s15, s25  }
0x17: {  	s20 =	sshrl.u32 s29, $0x3;
	s22 =	sadd.s32 s16, s18;
	[dreg:$0x7] =	wrdreg s17  }
0x18: {  	s17 =	sshrl.u32 s26, $0x3;
	s23 =	sshrl.u32 s22, $0x3;
	s22 =	sadd.s32 $0xEA00, s4  }
0x19: {  	[dreg:$0x6] =	wrdreg s24;
	s17 =	sadd.s32 s15, s17;
	s25 =	sadd.s32 s16, s22  }
0x1a: {  	s14 =	sadd.s32 s22, s1;
	s22 =	stileid.u32;
	[dreg:$0x8] =	wrdreg s17  }
0x1b: {  	v0 =	vimm.s32 $0xEFCDAB89;
	s17 =	sadd.s32 s15, s20;
	s20 =	sadd.s32 s16, s19;
	s26 =	sshrl.u32 s25, $0x3  }
0x1c: {  	v2 =	vunpack.c.l.s4.s8 v0;
	v0 =	vmov s2;
	s25 =	sadd.s32 $0x12000, s4;
	s2 =	smul.u32 $0x4E20, s22;
	[dreg:$0xa] =	wrdreg s17  }
0x1d: {  	s17 =	sadd.s32 $0xA200, s4;
	s20 =	sshrl.u32 s20, $0x3;
	s29 =	sadd.s32 s16, s25  }
0x1e: {  	s21 =	sadd.s32 s16, s17;
	s20 =	sadd.s32 s15, s20;
	s29 =	sshrl.u32 s29, $0x3  }
0x1f: {  	s17 =	sadd.s32 s17, s1;
	[dreg:$0xb] =	wrdreg s20;
	s20 =	sadd.s32 s15, s23  }
0x20: {  	s22 =	sadd.s32 $0x40, s2;
	[dreg:$0xd] =	wrdreg s20;
	s20 =	sadd.s32 $0xC600, s4  }
0x21: {  	s21 =	sshrl.u32 s21, $0x3;
	[dreg:$0x1d] =	wrdreg s17;
	s23 =	sadd.s32 s16, s20  }
0x22: {  	s17 =	sadd.s32 s25, s1;
	s21 =	sadd.s32 s15, s21;
	s23 =	sshrl.u32 s23, $0x3  }
0x23: {  	[dreg:$0xc] =	wrdreg s21;
	s21 =	sadd.s32 $0xD800, s4;
	s23 =	sadd.s32 s15, s23  }
0x24: {  	s24 =	sadd.s32 s16, s21;
	[dreg:$0xe] =	wrdreg s23;
	s23 =	sadd.s32 s15, s26  }
0x25: {  	s24 =	sshrl.u32 s24, $0x3;
	[dreg:$0x10] =	wrdreg s23;
	s23 =	sadd.s32 $0xFC00, s4  }
0x26: {  	s20 =	sadd.s32 s20, s1;
	s24 =	sadd.s32 s15, s24;
	s26 =	sadd.s32 s16, s23  }
0x27: {  	[dreg:$0xf] =	wrdreg s24;
	s24 =	sadd.s32 $0x10E00, s4;
	s26 =	sshrl.u32 s26, $0x3  }
0x28: {  	[dreg:$0x1f] =	wrdreg s20;
	s28 =	sadd.s32 s16, s24;
	s26 =	sadd.s32 s15, s26  }
0x29: {  	s28 =	sshrl.u32 s28, $0x3;
	[dreg:$0x11] =	wrdreg s26;
	s26 =	sadd.s32 s15, s29  }
0x2a: {  	s28 =	sadd.s32 s15, s28;
	[dreg:$0x13] =	wrdreg s26;
	s26 =	sadd.s32 $0x13200, s4  }
0x2b: {  	[dreg:$0x12] =	wrdreg s28;
	s28 =	sadd.s32 $0x14400, s4;
	s30 =	sadd.s32 s16, s26  }
0x2c: {  	s29 =	sadd.s32 $0x15600, s4;
	s31 =	sadd.s32 s16, s28;
	s30 =	sshrl.u32 s30, $0x3  }
0x2d: {  	v1 =	vimm.s32 $0x67452301;
	v4 =	vimm.s32 $0xDCFE98BA;
	v5 =	vimm.s32 $0x54761032;
	s31 =	sshrl.u32 s31, $0x3;
	s16 =	sadd.s32 s16, s29;
	s30 =	sadd.s32 s15, s30  }
0x2e: {  	v6 =	vimm.s32 $0xBA98FEDC;
	v7 =	vimm.s32 $0x32107654;
	v3 =	vunpack.c.l.s4.s8 v1;
	s16 =	sshrl.u32 s16, $0x3;
	[dreg:$0x14] =	wrdreg s30;
	s30 =	sadd.s32 s15, s31  }
0x2f: {  	v8 =	vimm.s32 $0x76543210;
	vm0 =	vcmask $0x300;
	vm13 =	vcmask $0x704;
	s25 =	sshrl.u32 s2, $0x3;
	s15 =	sadd.s32 s15, s16;
	[dreg:$0x15] =	wrdreg s30  }
0x30: {  	v4 =	vunpack.c.l.s4.s8 v4;
	v2 =	vunpack.c.0.s8.s32 v2;
	v3 =	vunpack.c.0.s8.s32 v3;
	s31 =	sadd.s32 s13, s1;
	s13 =	sadd.s32 s9, s1;
	[dreg:$0x16] =	wrdreg s15  }
0x31: {  	vm14 =	vcmask $0xB08;
	v5 =	vunpack.c.l.s4.s8 v5;
	v6 =	vunpack.c.l.s4.s8 v6;
	s20 =	sadd.s32 s29, s1;
	s16 =	sadd.s32 s19, s1;
	[dreg:$0x19] =	wrdreg s13  }
0x32: {  	v2 =	vcombine.low v3, v2;
	v3 =	vunpack.c.0.s8.s32 v4;
	v4 =	vunpack.c.l.s4.s8 v7;
	s19 =	sadd.s32 s18, s1;
	s18 =	sadd.s32 s26, s1;
	[dreg:$0x1c] =	wrdreg s16  }
0x33: {  	vm15 =	vcmask $0xF0C;
	v5 =	vunpack.c.0.s8.s32 v5;
	v7 =	vimm.s32 $0xFEDCBA98;
	s30 =	sadd.s32 s4, s1;
	s15 =	sadd.s32 s12, s1;
	[dreg:$0x1e] =	wrdreg s19  }
0x34: {  	v6 =	vunpack.c.0.s8.s32 v6;
	v7 =	vunpack.c.l.s4.s8 v7;
	v4 =	vunpack.c.0.s8.s32 v4;
	s13 =	sadd.s32 s21, s1;
	s16 =	sadd.s32 s24, s1;
	s19 =	sadd.s32 s28, s1  }
0x35: {  	[tilespmem:$0x1FFE0] =	vst v0;
	v0 =	vimm.f32 $0.0e+00;
	v9 =	vcombine.low v5, v3;
	v3 =	vunpack.c.l.s4.s8 v8;
	s4 =	sadd.s32 s6, s25;
	s24 =	simm.s32 $0x8;
	[dreg:$0x1b] =	wrdreg s15  }
0x36: {  	v1 =	vsel vm0, $0x3F800000, v0;
	v8 =	vcombine.low v4, v6;
	v4 =	vunpack.c.0.s8.s32 v7;
	s25 =	simm.s32 $0x2;
	s26 =	sadd.s32 $0x9C40, s4;
	[smem:$0x7FC] =	sst s4  }
0x37: {  	v56 =	vsel vm14, $0x3F800000, v0;
	v60 =	vsel vm15, $0x3F800000, v0;
	v5 =	vunpack.c.0.s8.s32 v3;
	s21 =	simm.s32 $0x0;
	s28 =	sadd.s32 $0x4, s4;
	[smem:$0x7FA] =	sst s26  }
0x38: {  	v2 =	vand.u32 $0xF, v2;
	v3 =	vsel vm13, $0x3F800000, v0;
	v6 =	vand.u32 $0xF, v4;
	s15 =	sadd.s32 s23, s1;
	s29 =	sadd.s32 $0x9C44, s4;
	[smem:$0x7FB] =	sst s28  }
0x39: {  	[tilespmem:$0x1FFF0] =	vst v60;
	v7 =	vand.u32 $0xF, v9;
	v8 =	vand.u32 $0xF, v8;
	v5 =	vcombine.low v6, v5;
	s23 =	simm.s32 $0x4120;
	[smem:$0x7FD] =	sst s29;
	s26 =	simm.s32 $0x20  }
.LBB2_1:
0x3a: {  	s0 =	simm.s32 $0x0  }
0x3b: {  	s2 =	rddreg [dreg:$0x17];
	s4 =	simm.s32 $0x6520;
	s29 =	simm.s32 $0x1  }
0x3c: {  	[tilespmem:s4], [sflag:$0x1] =	stream.linear.gather [hbm4b:s2+s0], $0x80, $0x38;
	[tilespmem:$0x1CDA0] =	vst v63  }
0x3d: {  	_ =	swait.ge [sflag:s29], $0x80  }
0x3e: {  	[sflag:s29] =	ssyncset.done $0x0  }
0x3f: {  	s0 =	simm.s32 $0x0;
	s2 =	simm.s32 $0x240;
	[sflag:s29] =	ssyncadd.s32 $0xFFFFFF80  }
.LBB2_2:
0x40: {  	p0 =	sne.s32 s2, $0x45C0;
	[tilespmem:s0+$0x41A0] =	vst v0  }
0x41: {  	[tilespmem:s0+$0x4120] =	vst v0  }
0x42: {  	[tilespmem:s0+$0x4130] =	vst v0  }
0x43: {  	[tilespmem:s0+$0x4140] =	vst v0  }
.Ltmp0:
0x44: {  	[tilespmem:s0+$0x4150] =	vst v0;
	(pc) =	sbr.rel @p0 .LBB2_2-.Ltmp0, $4  }
0x45: {  	[tilespmem:s0+$0x4160] =	vst v0  }
0x46: {  	[tilespmem:s0+$0x4170] =	vst v0  }
0x47: {  	[tilespmem:s0+$0x4180] =	vst v0  }
0x48: {  	[tilespmem:s0+$0x4190] =	vst v0;
	s0 =	sshra.s32 s2, $0x2;
	s2 =	sadd.s32 $0x240, s2  }
0x49: {  	[tilespmem:s0+$0x41A0] =	vst v0  }
0x4a: {  	[tilespmem:s0+$0x4120] =	vst v0  }
0x4b: {  	[tilespmem:s0+$0x4130] =	vst v0  }
0x4c: {  	[tilespmem:s0+$0x4140] =	vst v0  }
0x4d: {  	[tilespmem:s0+$0x4150] =	vst v0  }
0x4e: {  	[tilespmem:s0+$0x4160] =	vst v0  }
0x4f: {  	[tilespmem:s0+$0x4170] =	vst v0  }
0x50: {  	[tilespmem:s0+$0x4180] =	vst v0  }
0x51: {  	[tilespmem:s0+$0x4190] =	vst v0  }
0x52: {  	[spmem:s30] =	stream.linear.scatter [tilespmem:s23], [sflag:$0x8], $0x1200, $0x38;
	[tilespmem:$0x1CDA0] =	vst v63  }
0x53: {  	_ =	swait.ge [sflag:s24], $0x1200  }
0x54: {  	[sflag:s24] =	ssyncset.done $0x0  }
0x55: {  	[sflag:s24] =	ssyncadd.s32 $0xFFFFEE00  }
0x56: {  	[spmem:s31] =	stream.linear.scatter [tilespmem:s23], [sflag:$0x8], $0x1200, $0x38;
	[tilespmem:$0x1CDA0] =	vst v63  }
0x57: {  	_ =	swait.ge [sflag:s24], $0x1200  }
0x58: {  	[sflag:s24] =	ssyncset.done $0x0  }
0x59: {  	s28 =	rddreg [dreg:$0x18];
	[sflag:s24] =	ssyncadd.s32 $0xFFFFEE00  }
0x5a: {  	[spmem:s28] =	stream.linear.scatter [tilespmem:s23], [sflag:$0x8], $0x1200, $0x38;
	[tilespmem:$0x1CDA0] =	vst v63  }
0x5b: {  	_ =	swait.ge [sflag:s24], $0x1200  }
0x5c: {  	[sflag:s24] =	ssyncset.done $0x0  }
0x5d: {  	[sflag:s24] =	ssyncadd.s32 $0xFFFFEE00  }
0x5e: {  	[spmem:s7] =	stream.linear.scatter [tilespmem:s23], [sflag:$0x8], $0x1200, $0x38;
	[tilespmem:$0x1CDA0] =	vst v63  }
0x5f: {  	_ =	swait.ge [sflag:s24], $0x1200  }
0x60: {  	[sflag:s24] =	ssyncset.done $0x0  }
0x61: {  	[sflag:s24] =	ssyncadd.s32 $0xFFFFEE00  }
0x62: {  	[spmem:s8] =	stream.linear.scatter [tilespmem:s23], [sflag:$0x8], $0x1200, $0x38;
	[tilespmem:$0x1CDA0] =	vst v63  }
0x63: {  	_ =	swait.ge [sflag:s24], $0x1200  }
0x64: {  	[sflag:s24] =	ssyncset.done $0x0  }
0x65: {  	s9 =	smov.u32 s30;
	s30 =	rddreg [dreg:$0x19];
	[sflag:s24] =	ssyncadd.s32 $0xFFFFEE00  }
0x66: {  	[spmem:s30] =	stream.linear.scatter [tilespmem:s23], [sflag:$0x8], $0x1200, $0x38;
	[tilespmem:$0x1CDA0] =	vst v63  }
0x67: {  	_ =	swait.ge [sflag:s24], $0x1200  }
0x68: {  	[sflag:s24] =	ssyncset.done $0x0  }
0x69: {  	s10 =	smov.u32 s31;
	s31 =	rddreg [dreg:$0x1a];
	[sflag:s24] =	ssyncadd.s32 $0xFFFFEE00  }
0x6a: {  	[spmem:s31] =	stream.linear.scatter [tilespmem:s23], [sflag:$0x8], $0x1200, $0x38;
	[tilespmem:$0x1CDA0] =	vst v63  }
0x6b: {  	_ =	swait.ge [sflag:s24], $0x1200  }
0x6c: {  	[sflag:s24] =	ssyncset.done $0x0  }
0x6d: {  	s2 =	rddreg [dreg:$0x1b];
	[sflag:s24] =	ssyncadd.s32 $0xFFFFEE00  }
0x6e: {  	[spmem:s2] =	stream.linear.scatter [tilespmem:s23], [sflag:$0x8], $0x1200, $0x38;
	[tilespmem:$0x1CDA0] =	vst v63  }
0x6f: {  	_ =	swait.ge [sflag:s24], $0x1200  }
0x70: {  	[sflag:s24] =	ssyncset.done $0x0  }
0x71: {  	s4 =	rddreg [dreg:$0x1c];
	[sflag:s24] =	ssyncadd.s32 $0xFFFFEE00  }
0x72: {  	[spmem:s4] =	stream.linear.scatter [tilespmem:s23], [sflag:$0x8], $0x1200, $0x38;
	[tilespmem:$0x1CDA0] =	vst v63  }
0x73: {  	_ =	swait.ge [sflag:s24], $0x1200  }
0x74: {  	[sflag:s24] =	ssyncset.done $0x0  }
0x75: {  	s11 =	smov.u32 s7;
	s7 =	rddreg [dreg:$0x1d];
	[sflag:s24] =	ssyncadd.s32 $0xFFFFEE00  }
0x76: {  	[spmem:s7] =	stream.linear.scatter [tilespmem:s23], [sflag:$0x8], $0x1200, $0x38;
	[tilespmem:$0x1CDA0] =	vst v63  }
0x77: {  	_ =	swait.ge [sflag:s24], $0x1200  }
0x78: {  	[sflag:s24] =	ssyncset.done $0x0  }
0x79: {  	s12 =	smov.u32 s8;
	s8 =	rddreg [dreg:$0x1e];
	[sflag:s24] =	ssyncadd.s32 $0xFFFFEE00  }
0x7a: {  	[spmem:s8] =	stream.linear.scatter [tilespmem:s23], [sflag:$0x8], $0x1200, $0x38;
	[tilespmem:$0x1CDA0] =	vst v63  }
0x7b: {  	_ =	swait.ge [sflag:s24], $0x1200  }
0x7c: {  	[sflag:s24] =	ssyncset.done $0x0  }
0x7d: {  	s28 =	rddreg [dreg:$0x1f];
	[sflag:s24] =	ssyncadd.s32 $0xFFFFEE00  }
0x7e: {  	[spmem:s28] =	stream.linear.scatter [tilespmem:s23], [sflag:$0x8], $0x1200, $0x38;
	[tilespmem:$0x1CDA0] =	vst v63  }
0x7f: {  	_ =	swait.ge [sflag:s24], $0x1200  }
0x80: {  	[sflag:s24] =	ssyncset.done $0x0  }
0x81: {  	[sflag:s24] =	ssyncadd.s32 $0xFFFFEE00  }
0x82: {  	[spmem:s13] =	stream.linear.scatter [tilespmem:s23], [sflag:$0x8], $0x1200, $0x38;
	[tilespmem:$0x1CDA0] =	vst v63  }
0x83: {  	_ =	swait.ge [sflag:s24], $0x1200  }
0x84: {  	[sflag:s24] =	ssyncset.done $0x0  }
0x85: {  	[sflag:s24] =	ssyncadd.s32 $0xFFFFEE00  }
0x86: {  	[spmem:s14] =	stream.linear.scatter [tilespmem:s23], [sflag:$0x8], $0x1200, $0x38;
	[tilespmem:$0x1CDA0] =	vst v63  }
0x87: {  	_ =	swait.ge [sflag:s24], $0x1200  }
0x88: {  	[sflag:s24] =	ssyncset.done $0x0  }
0x89: {  	[sflag:s24] =	ssyncadd.s32 $0xFFFFEE00  }
0x8a: {  	[spmem:s15] =	stream.linear.scatter [tilespmem:s23], [sflag:$0x8], $0x1200, $0x38;
	[tilespmem:$0x1CDA0] =	vst v63  }
0x8b: {  	_ =	swait.ge [sflag:s24], $0x1200  }
0x8c: {  	[sflag:s24] =	ssyncset.done $0x0  }
0x8d: {  	[sflag:s24] =	ssyncadd.s32 $0xFFFFEE00  }
0x8e: {  	[spmem:s16] =	stream.linear.scatter [tilespmem:s23], [sflag:$0x8], $0x1200, $0x38;
	[tilespmem:$0x1CDA0] =	vst v63  }
0x8f: {  	_ =	swait.ge [sflag:s24], $0x1200  }
0x90: {  	[sflag:s24] =	ssyncset.done $0x0  }
0x91: {  	[sflag:s24] =	ssyncadd.s32 $0xFFFFEE00  }
0x92: {  	[spmem:s17] =	stream.linear.scatter [tilespmem:s23], [sflag:$0x8], $0x1200, $0x38;
	[tilespmem:$0x1CDA0] =	vst v63  }
0x93: {  	_ =	swait.ge [sflag:s24], $0x1200  }
0x94: {  	[sflag:s24] =	ssyncset.done $0x0  }
0x95: {  	[sflag:s24] =	ssyncadd.s32 $0xFFFFEE00  }
0x96: {  	[spmem:s18] =	stream.linear.scatter [tilespmem:s23], [sflag:$0x8], $0x1200, $0x38;
	[tilespmem:$0x1CDA0] =	vst v63  }
0x97: {  	_ =	swait.ge [sflag:s24], $0x1200  }
0x98: {  	[sflag:s24] =	ssyncset.done $0x0  }
0x99: {  	[sflag:s24] =	ssyncadd.s32 $0xFFFFEE00  }
0x9a: {  	[spmem:s19] =	stream.linear.scatter [tilespmem:s23], [sflag:$0x8], $0x1200, $0x38;
	[tilespmem:$0x1CDA0] =	vst v63  }
0x9b: {  	_ =	swait.ge [sflag:s24], $0x1200  }
0x9c: {  	[sflag:s24] =	ssyncset.done $0x0  }
0x9d: {  	[sflag:s24] =	ssyncadd.s32 $0xFFFFEE00  }
0x9e: {  	[spmem:s20] =	stream.linear.scatter [tilespmem:s23], [sflag:$0x8], $0x1200, $0x38;
	[tilespmem:$0x1CDA0] =	vst v63  }
0x9f: {  	_ =	swait.ge [sflag:s24], $0x1200  }
0xa0: {  	[sflag:s24] =	ssyncset.done $0x0  }
0xa1: {  	[sflag:s24] =	ssyncadd.s32 $0xFFFFEE00  }
0xa2: {  	[bflag:$0x0] =	sbarrier.arrive $0xFFFF  }
0xa3: {  	v11 =	vld [tilespmem:$0x6520]  }
0xa4: {  	v12 =	vld [tilespmem:$0x6530]  }
0xa5: {  	v13 =	vld [tilespmem:$0x6540]  }
0xa6: {  	v14 =	vld [tilespmem:$0x6550]  }
0xa7: {  	v15 =	vld [tilespmem:$0x6560];
	s30 =	sld [smem:$0x7FC]  }
0xa8: {  	v16 =	vld [tilespmem:$0x6570]  }
0xa9: {  	s29 =	simm.s32 $0x0;
	v17 =	vld [tilespmem:$0x6580];
	s31 =	sld [smem:$0x7FA]  }
0xaa: {  	v10 =	vld [tilespmem:$0x6590];
	[tilespmem:s29], [sflag:$0x2] =	stream.linear.gather [hbm4b:s30+s29], $0x20, $0x38  }
0xab: {  	s2 =	simm.s32 $0x40  }
0xac: {  	[tilespmem:s2], [sflag:$0x2] =	stream.linear.gather [hbm4b:s31+s29], $0x20, $0x38;
	[tilespmem:$0x1CDA0] =	vst v63  }
0xad: {  	_ =	swait.ge [sflag:s25], $0x20  }
0xae: {  	[sflag:s25] =	ssyncset.done $0x0  }
0xaf: {  	[sflag:s25] =	ssyncadd.s32 $0xFFFFFFE0  }
0xb0: {  	_ =	swait.ge [sflag:s25], $0x20  }
0xb1: {  	[sflag:s25] =	ssyncset.done $0x0  }
0xb2: {  	v0 =	vld [tilespmem:$0x1FFE0];
	[sflag:s25] =	ssyncadd.s32 $0xFFFFFFE0  }
0xb3: {  	v18 =	vld [tilespmem:$0x0]  }
0xb4: {  	v19 =	vld [tilespmem:$0x40]  }
0xb5: {  	v21 =	vld [tilespmem:$0x50];
	_ =	sdelay $0x1  }
0xb6: {  	v20 =	vld [tilespmem:$0x10];
	_ =	sdelay $0x1  }
0xb7: {  	[tilespmem:$0xC0] =	vst v19  }
0xb8: {  	v18 =	vadd.s32 v0, v18;
	[tilespmem:$0xD0] =	vst v21  }
0xb9: {  	[tilespmem:$0x0] =	vst v18;
	v18 =	vadd.s32 v0, v19  }
0xba: {  	[tilespmem:$0x80] =	vst v18;
	v18 =	vadd.s32 v0, v20  }
0xbb: {  	[tilespmem:$0x10] =	vst v18;
	v18 =	vadd.s32 v0, v21  }
0xbc: {  	s4 =	simm.s32 $0x120;
	[tilespmem:$0x90] =	vst v18  }
0xbd: {  	[tilespmem:s4], [sflag:$0x4] =	stream.indirect.gather [hbm4b:s3+s26], $0x80, s29, s26, $0xb8;
	[tilespmem:$0x1CDA0] =	vst v63  }
0xbe: {  	s7 =	simm.s32 $0x80;
	s8 =	simm.s32 $0x2120;
	s28 =	sld [smem:$0x7FB]  }
0xbf: {  	[tilespmem:s8], [sflag:$0x4] =	stream.indirect.gather [hbm4b:s5+s26], $0x80, s7, s26, $0xb8;
	[tilespmem:$0x1CDA0] =	vst v63  }
0xc0: {  	s30 =	sld [smem:$0x7FD]  }
0xc1: {  	[tilespmem:s26], [sflag:$0x3] =	stream.linear.gather [hbm4b:s28+s29], $0x20, $0x38;
	[tilespmem:$0x1CDA0] =	vst v63  }
0xc2: {  	s31 =	simm.s32 $0x60  }
0xc3: {  	[tilespmem:s31], [sflag:$0x3] =	stream.linear.gather [hbm4b:s30+s29], $0x20, $0x38;
	[tilespmem:$0x1CDA0] =	vst v63  }
.LBB2_4:
0xc4: {  	s28 =	sand.u32 $0x1, s29  }
0xc5: {  	s0 =	sor.u32 $0x4, s28  }
0xc6: {  	_ =	swait.ge [sflag:s0], $0x1000  }
0xc7: {  	p0 =	sgt.u32 s29, $0x26E;
	[sflag:s0] =	ssyncset.done $0x0  }
0xc8: {  	s2 =	sshll.u32 @!p0 s29, $0x5;
	[sflag:s0] =	ssyncadd.s32 $0xFFFFF000  }
0xc9: {  	s4 =	sshll.u32 @!p0 s28, $0x5;
	s2 =	sadd.s32 @!p0 s2, s22;
	_ =	swait.ge [sflag:s0], $0x1000  }
0xca: {  	s7 =	simm.s32 @!p0 $0x0;
	s2 =	sshrl.u32 @!p0 s2, $0x3;
	[sflag:s0] =	ssyncset.done $0x0  }
0xcb: {  	s2 =	sadd.s32 @!p0 s6, s2;
	[sflag:s0] =	ssyncadd.s32 $0xFFFFF000;
	s0 =	sor.u32 @!p0 $0x2, s28  }
0xcc: {  	[tilespmem:s4], [sflag:s0] =	stream.linear.gather @!p0 [hbm4b:s2+s7], $0x20, $0x38;
	[tilespmem:$0x1CDA0] =	vst v63  }
0xcd: {  	p1 =	slt.u32 @!p0 s29, $0x2;
	s4 =	sor.u32 @!p0 $0x40, s4;
	s2 =	sadd.s32 @!p0 $0x9C40, s2  }
0xce: {  	[tilespmem:s4], [sflag:s0] =	stream.linear.gather @!p0 [hbm4b:s2+s7], $0x20, $0x38;
	[tilespmem:$0x1CDA0] =	vst v63  }
0xcf: {  	p0 =	por p0, !p1  }
0xd0: {  	s0 =	sor.u32 @p0 $0x6, s28;
	p1 =	seq.s32 @p0 s29, $0x270  }
0xd1: {  	s31 =	simm.s32 @p0 $0x271;
	_ =	swait.ge @p0 [sflag:s0], $0x1200;
	p1 =	por !p0, !p1  }
0xd2: {  	[sflag:s0] =	ssyncset.done @p0 $0x0;
	s31 =	sadd.s32 @p1 $0x1, s29  }
0xd3: {  	[sflag:s0] =	ssyncadd.s32 @p0 $0xFFFFEE00;
	s0 =	sand.u32 @p1 $0x1, s31  }
0xd4: {  	s2 =	sor.u32 @p1 $0x2, s0  }
0xd5: {  	_ =	swait.ge @p1 [sflag:s2], $0x20  }
0xd6: {  	[sflag:s2] =	ssyncset.done @p1 $0x0  }
0xd7: {  	[sflag:s2] =	ssyncadd.s32 @p1 $0xFFFFFFE0  }
0xd8: {  	_ =	swait.ge @p1 [sflag:s2], $0x20  }
0xd9: {  	[sflag:s2] =	ssyncset.done @p1 $0x0  }
0xda: {  	s4 =	sshll.u32 @p1 s0, $0x5;
	v0 =	vld @p1 [tilespmem:$0x1FFE0];
	[sflag:s2] =	ssyncadd.s32 @p1 $0xFFFFFFE0;
	s2 =	smul.u32 @p1 $0xAAAB, s31  }
0xdb: {  	v18 =	vld @p1 [tilespmem:s4+$0x0]  }
0xdc: {  	s2 =	sshrl.u32 @p1 s2, $0x11  }
0xdd: {  	v19 =	vld @p1 [tilespmem:s4+$0x40];
	s2 =	smul.u32 @p1 $0x3, s2;
	_ =	sdelay $0x1  }
0xde: {  	s2 =	ssub.s32 @p1 s31, s2  }
0xdf: {  	v18 =	vadd.s32 @p1 v0, v18;
	s2 =	sshll.u32 @p1 s2, $0x5  }
0xe0: {  	[tilespmem:s4+$0x0] =	vst @p1 v18;
	s2 =	sand.u32 @p1 $0xFFE0, s2  }
0xe1: {  	[tilespmem:s2+$0xC0] =	vst @p1 v19  }
0xe2: {  	v18 =	vld @p1 [tilespmem:s4+$0x10];
	_ =	sdelay $0x1  }
0xe3: {  	v20 =	vld @p1 [tilespmem:s4+$0x50];
	_ =	sdelay $0x1  }
0xe4: {  	v19 =	vadd.s32 @p1 v0, v19  }
0xe5: {  	[tilespmem:s4+$0x80] =	vst @p1 v19;
	v18 =	vadd.s32 @p1 v0, v18  }
0xe6: {  	[tilespmem:s4+$0x10] =	vst @p1 v18  }
0xe7: {  	v18 =	vadd.s32 @p1 v0, v20;
	[tilespmem:s2+$0xD0] =	vst @p1 v20;
	s2 =	sshll.u32 @p1 s0, $0xC  }
0xe8: {  	s0 =	sor.u32 @p1 $0x4, s0;
	[tilespmem:s4+$0x90] =	vst @p1 v18;
	s7 =	sor.u32 @p1 $0x120, s2  }
0xe9: {  	[tilespmem:s7], [sflag:s0] =	stream.indirect.gather @p1 [hbm4b:s3+s26], $0x80, s4, s26, $0xb8;
	[tilespmem:$0x1CDA0] =	vst v63  }
0xea: {  	s2 =	sor.u32 @p1 $0x2120, s2;
	s4 =	sor.u32 @p1 $0x80, s4  }
0xeb: {  	[tilespmem:s2], [sflag:s0] =	stream.indirect.gather @p1 [hbm4b:s5+s26], $0x80, s4, s26, $0xb8;
	[tilespmem:$0x1CDA0] =	vst v63  }
0xec: {  	s2 =	sshll.u32 s28, $0xC  }
0xed: {  	s4 =	sor.u32 $0x1A0, s2  }
0xee: {  	v36 =	vld [tilespmem:s4+$0x60]  }
0xef: {  	v37 =	vld [tilespmem:s4+$0x70]  }
0xf0: {  	v35 =	vld [tilespmem:s4+$0x40]  }
0xf1: {  	s0 =	sor.u32 $0x21A0, s2;
	v34 =	vld [tilespmem:s4+$0x50]  }
0xf2: {  	v18 =	vld [tilespmem:s0+$0x40]  }
0xf3: {  	v19 =	vld [tilespmem:s0+$0x50]  }
0xf4: {  	v41 =	vld [tilespmem:s4+$0x0]  }
0xf5: {  	v40 =	vld [tilespmem:s4+$0x10]  }
0xf6: {  	v38 =	vld [tilespmem:s4+$0x20]  }
0xf7: {  	v39 =	vld [tilespmem:s4+$0x30]  }
0xf8: {  	v20 =	vld [tilespmem:s0+$0x0]  }
0xf9: {  	v21 =	vld [tilespmem:s0+$0x10]  }
0xfa: {  	v22 =	vld [tilespmem:s0+$0x20]  }
0xfb: {  	v23 =	vld [tilespmem:s0+$0x30]  }
0xfc: {  	v24 =	vld [tilespmem:s0+$0x60]  }
0xfd: {  	v25 =	vld [tilespmem:s0+$0x70]  }
0xfe: {  	v26 =	vadd.f32 v18, v35;
	v27 =	vadd.f32 v19, v34  }
0xff: {  	v18 =	vadd.f32 v20, v41;
	v19 =	vadd.f32 v21, v40  }
0x100: {  	v20 =	vadd.f32 v22, v38;
	v22 =	vadd.f32 v23, v39  }
0x101: {  	v24 =	vadd.f32 v24, v36;
	v21 =	vmul.f32 $2.000000030e-01, v18;
	v23 =	vmul.f32 $2.000000030e-01, v26  }
0x102: {  	v25 =	vadd.f32 v25, v37;
	v28 =	vmul.f32 $2.000000030e-01, v19;
	v29 =	vmul.f32 $2.000000030e-01, v20  }
0x103: {  	v30 =	vmul.f32 $2.000000030e-01, v22;
	v31 =	vmul.f32 $2.000000030e-01, v27  }
0x104: {  	v32 =	vmul.f32 $2.000000030e-01, v24;
	v33 =	vmul.f32 $2.000000030e-01, v25;
	v21 =	vmax.f32 v18, v21  }
0x105: {  	v19 =	vmax.f32 v19, v28;
	v20 =	vmax.f32 v20, v29;
	v23 =	vmax.f32 v26, v23  }
0x106: {  	v18 =	vld [tilespmem:s4+$0xFFFFFF90];
	v26 =	vmax.f32 v27, v31;
	v24 =	vmax.f32 v24, v32;
	v28 =	vmul.f32 v21, v11  }
0x107: {  	v25 =	vmax.f32 v25, v33;
	v29 =	vmul.f32 v19, v12;
	v19 =	vld [tilespmem:s4+$0xFFFFFFA0];
	v23 =	vmul.f32 v23, v15  }
0x108: {  	v21 =	vmax.f32 v22, v30;
	v30 =	vld [tilespmem:s0+$0xFFFFFF80];
	v26 =	vmul.f32 v26, v16;
	v24 =	vmul.f32 v24, v17  }
0x109: {  	v25 =	vmul.f32 v25, v10;
	v22 =	vmul.f32 v21, v14;
	v21 =	vld [tilespmem:s4+$0xFFFFFF80]  }
0x10a: {  	v20 =	vmul.f32 v20, v13;
	v27 =	vadd.f32 v29, v28;
	v28 =	vld [tilespmem:s0+$0xFFFFFF90]  }
0x10b: {  	v29 =	vld [tilespmem:s0+$0xFFFFFFA0];
	v23 =	vadd.f32 v26, v23;
	v24 =	vadd.f32 v25, v24  }
0x10c: {  	v26 =	vld [tilespmem:s0+$0xFFFFFFB0];
	v20 =	vadd.f32 v22, v20;
	v31 =	vperm.xlane v27, v2  }
0x10d: {  	v22 =	vld [tilespmem:s4+$0xFFFFFFB0];
	v53 =	vperm.xlane v23, v2;
	v43 =	vperm.xlane v24, v2  }
0x10e: {  	v45 =	vld [tilespmem:s0+$0xFFFFFFD0];
	v52 =	vperm.xlane v20, v2;
	v27 =	vadd.f32 v31, v27;
	v30 =	vadd.f32 v30, v21  }
0x10f: {  	v32 =	vadd.f32 v53, v23;
	v23 =	vld [tilespmem:s4+$0xFFFFFFD0];
	v57 =	vadd.f32 v43, v24  }
0x110: {  	v25 =	vld [tilespmem:s0+$0xFFFFFFC0];
	v31 =	vadd.f32 v52, v20;
	v28 =	vadd.f32 v28, v18;
	v54 =	vperm.xlane v27, v7  }
0x111: {  	v20 =	vld [tilespmem:s4+$0xFFFFFFC0];
	v29 =	vadd.f32 v29, v19;
	v44 =	vmul.f32 $2.000000030e-01, v30;
	v55 =	vperm.xlane v32, v7  }
0x112: {  	v26 =	vadd.f32 v26, v22;
	v42 =	vperm.xlane v31, v7;
	v58 =	vmul.f32 $2.000000030e-01, v28  }
0x113: {  	v59 =	vmul.f32 $2.000000030e-01, v29;
	v27 =	vadd.f32 v54, v27;
	v32 =	vadd.f32 v55, v32  }
0x114: {  	v61 =	vmul.f32 $2.000000030e-01, v26;
	v31 =	vadd.f32 v42, v31;
	v45 =	vadd.f32 v45, v23  }
0x115: {  	v28 =	vmax.f32 v28, v58;
	v29 =	vmax.f32 v29, v59;
	v24 =	vperm.xlane v27, v8  }
0x116: {  	v47 =	vadd.f32 v25, v20;
	v25 =	vperm.xlane v57, v7;
	v48 =	vperm.xlane v32, v8  }
0x117: {  	v30 =	vmax.f32 v30, v44;
	v28 =	vmul.f32 v28, v12;
	v29 =	vmul.f32 v29, v13  }
0x118: {  	v26 =	vmax.f32 v26, v61;
	v46 =	vperm.xlane v31, v8;
	v58 =	vmul.f32 $2.000000030e-01, v45  }
0x119: {  	v50 =	vld [tilespmem:s0+$0xFFFFFFE0];
	v26 =	vmul.f32 v26, v14;
	v27 =	vadd.f32 v24, v27;
	v42 =	vadd.f32 v25, v57  }
0x11a: {  	v24 =	vld [tilespmem:s4+$0xFFFFFFE0];
	v32 =	vadd.f32 v48, v32;
	v55 =	vmul.f32 $2.000000030e-01, v47;
	v31 =	vadd.f32 v46, v31  }
0x11b: {  	v51 =	vld [tilespmem:s0+$0xFFFFFFF0];
	v45 =	vmax.f32 v45, v58;
	v62 =	vperm.xlane v27, v5;
	v63 =	vperm.xlane v42, v8  }
0x11c: {  	v25 =	vld [tilespmem:s4+$0xFFFFFFF0];
	v26 =	vadd.f32 v26, v29;
	v54 =	vperm.xlane v32, v5;
	v49 =	vperm.xlane v31, v5  }
0x11d: {  	v44 =	vmax.f32 v47, v55;
	v29 =	vmul.f32 v45, v16;
	v27 =	vadd.f32 v62, v27  }
0x11e: {  	v44 =	vmul.f32 v44, v15;
	v42 =	vadd.f32 v63, v42;
	v31 =	vadd.f32 v49, v31  }
0x11f: {  	v59 =	vadd.f32 v50, v24;
	v49 =	vperm.xlane v26, v2;
	v27 =	vmul.f32 $1.442695020e+00, v27  }
0x120: {  	v29 =	vadd.f32 v29, v44;
	v57 =	vperm.xlane v42, v5;
	v31 =	vmul.f32 $1.442695020e+00, v31  }
0x121: {  	(erf) = vpow2.f32 v27;
	v27 =	vmul.f32 v30, v11;
	v30 =	vadd.f32 v51, v25  }
0x122: {  	v61 =	vmul.f32 $2.000000030e-01, v59;
	v26 =	vadd.f32 v49, v26;
	v33 =	vadd.f32 v57, v42  }
0x123: {  	(erf) = vpow2.f32 v31;
	v27 =	vadd.f32 v28, v27;
	v28 =	vmul.f32 $2.000000030e-01, v30  }
0x124: {  	v62 =	vmax.f32 v59, v61;
	v31 =	vperm.xlane v29, v2;
	v52 =	vperm.xlane v26, v7  }
0x125: {  	v48 =	vmul.f32 v62, v17;
	v63 =	vperm.xlane v27, v2;
	v28 =	vmax.f32 v30, v28  }
0x126: {  	v29 =	vadd.f32 v31, v29;
	v30 =	vadd.f32 v54, v32;
	v28 =	vmul.f32 v28, v10  }
0x127: {  	v33 =	vmul.f32 $1.442695020e+00, v33;
	v31 =	vadd.f32 v52, v26;
	v27 =	vadd.f32 v63, v27  }
0x128: {  	v53 =	vperm.xlane v29, v7;
	v30 =	vmul.f32 $1.442695020e+00, v30;
	v28 =	vadd.f32 v28, v48  }
0x129: {  	s30 =	sadd.s32 $0x100, s0;
	v43 =	vperm.xlane v31, v8;
	v50 =	vperm.xlane v27, v7  }
0x12a: {  	s4 =	sadd.s32 $0x100, s4;
	v44 =	vld [tilespmem:s30+$0x60];
	(erf) = vpow2.f32 v30;
	v51 =	vperm.xlane v28, v2  }
0x12b: {  	v26 =	vld [tilespmem:s4+$0x70];
	v32 =	vadd.f32 v53, v29;
	v31 =	vadd.f32 v43, v31  }
0x12c: {  	v29 =	vld [tilespmem:s4+$0x40];
	(erf) = vpow2.f32 v33;
	v27 =	vadd.f32 v50, v27;
	v30 =	vadd.f32 v51, v28  }
0x12d: {  	v43 =	vld [tilespmem:s30+$0x40];
	v55 =	vperm.xlane v32, v8;
	v59 =	vperm.xlane v31, v5  }
0x12e: {  	v47 =	vpop (erf);
	v28 =	vld [tilespmem:s4+$0x60];
	v54 =	vperm.xlane v27, v8;
	v42 =	vperm.xlane v30, v7  }
0x12f: {  	v53 =	vld [tilespmem:s30+$0x50];
	v49 =	vpop (erf);
	v50 =	vmul.f32 v1, v47;
	v32 =	vadd.f32 v55, v32;
	v48 =	vadd.f32 v59, v31  }
0x130: {  	v62 =	vmul.f32 v3, v49;
	v31 =	vld [tilespmem:s4+$0x0];
	v33 =	vadd.f32 v54, v27;
	v30 =	vadd.f32 v42, v30  }
0x131: {  	v6 =	vmov v3;
	v3 =	vmul.f32 v49, v39;
	v59 =	vld [tilespmem:s30+$0x30];
	v63 =	vperm.xlane v32, v5  }
0x132: {  	v27 =	vld [tilespmem:s4+$0x50];
	v57 =	vperm.xlane v33, v5;
	v58 =	vperm.xlane v30, v8  }
0x133: {  	v48 =	vmul.f32 $1.442695020e+00, v48;
	v42 =	vld [tilespmem:s30+$0x70];
	v51 =	vadd.f32 v63, v32;
	v39 =	vadd.f32 v44, v28;
	v54 =	vpop (erf)  }
0x134: {  	v9 =	vmovc v56;
	v32 =	vld [tilespmem:s4+$0x30];
	v33 =	vadd.f32 v57, v33;
	v56 =	vmul.f32 v56, v54;
	v61 =	vadd.f32 v58, v30  }
0x135: {  	v4 =	vmovc v1;
	v50 =	vadd.f32 v62, v50;
	v63 =	vld [tilespmem:s30+$0x10];
	v1 =	vmul.f32 v54, v34;
	v44 =	vmul.f32 $2.000000030e-01, v39  }
0x136: {  	v30 =	vld [tilespmem:s4+$0x10];
	v52 =	vmul.f32 $1.442695020e+00, v33;
	v57 =	vpop (erf);
	v55 =	vperm.xlane v61, v5  }
0x137: {  	v33 =	vld [tilespmem:s4+$0x20];
	v56 =	vadd.f32 v56, v50;
	v50 =	vmul.f32 v54, v35;
	v58 =	vmul.f32 v60, v57  }
0x138: {  	v60 =	vmul.f32 $1.442695020e+00, v51;
	v51 =	vmul.f32 v47, v41;
	v45 =	vadd.f32 v55, v61;
	v61 =	vld [tilespmem:s30+$0x0]  }
0x139: {  	v35 =	vadd.f32 v43, v29;
	(erf) = vpow2.f32 v52;
	v52 =	vmul.f32 v47, v40;
	v47 =	vld [tilespmem:s30+$0x20]  }
0x13a: {  	v41 =	vadd.f32 v42, v26;
	v42 =	vadd.f32 v53, v27;
	v53 =	vmul.f32 v57, v37  }
0x13b: {  	v44 =	vmax.f32 v39, v44;
	(erf) = vpow2.f32 v48;
	v48 =	vmul.f32 v49, v38  }
0x13c: {  	v38 =	vadd.f32 v59, v32;
	(erf) = vpow2.f32 v60;
	v60 =	vadd.f32 v63, v30  }
0x13d: {  	v59 =	vmul.f32 $2.000000030e-01, v42;
	v62 =	vmul.f32 $1.442695020e+00, v45;
	v34 =	vadd.f32 v61, v31  }
0x13e: {  	v45 =	vmul.f32 $2.000000030e-01, v41;
	v63 =	vmul.f32 $2.000000030e-01, v60;
	v40 =	vadd.f32 v47, v33  }
0x13f: {  	v56 =	vadd.f32 v58, v56;
	(erf) = vpow2.f32 v62;
	v61 =	vmul.f32 $2.000000030e-01, v34  }
0x140: {  	v47 =	vmul.f32 $2.000000030e-01, v38;
	v43 =	vmax.f32 v60, v63;
	v46 =	vmul.f32 $2.000000030e-01, v40  }
0x141: {  	v62 =	vmul.f32 $2.000000030e-01, v35;
	v43 =	vmul.f32 v43, v12;
	v49 =	vmax.f32 v34, v61  }
0x142: {  	v39 =	vld [tilespmem:s4+$0xFFFFFF80];
	v38 =	vmax.f32 v38, v47;
	v40 =	vmax.f32 v40, v46;
	v49 =	vmul.f32 v49, v11  }
0x143: {  	v55 =	vld [tilespmem:s30+$0xFFFFFF80];
	v42 =	vmax.f32 v42, v59;
	v38 =	vmul.f32 v38, v14;
	v40 =	vmul.f32 v40, v13  }
0x144: {  	v58 =	vld [tilespmem:s30+$0xFFFFFF90];
	v42 =	vmul.f32 v42, v16;
	v35 =	vmax.f32 v35, v62;
	v43 =	vadd.f32 v43, v49  }
0x145: {  	v41 =	vmax.f32 v41, v45;
	v60 =	vmul.f32 v35, v15;
	v34 =	vld [tilespmem:s4+$0xFFFFFF90];
	v38 =	vadd.f32 v38, v40  }
0x146: {  	v37 =	vld [tilespmem:s4+$0xFFFFFFC0];
	v41 =	vmul.f32 v41, v10;
	v62 =	vperm.xlane v43, v2  }
0x147: {  	v59 =	vld [tilespmem:s30+$0xFFFFFFC0];
	v61 =	vmul.f32 v44, v17;
	v49 =	vadd.f32 v42, v60;
	v63 =	vperm.xlane v38, v2  }
0x148: {  	v54 =	vmul.f32 v57, v36;
	v45 =	vld [tilespmem:s30+$0xFFFFFFA0];
	v43 =	vadd.f32 v62, v43  }
0x149: {  	v35 =	vld [tilespmem:s4+$0xFFFFFFA0];
	v40 =	vadd.f32 v41, v61;
	v47 =	vperm.xlane v49, v2;
	v38 =	vadd.f32 v63, v38  }
0x14a: {  	v36 =	vld [tilespmem:s4+$0xFFFFFFB0];
	v41 =	vadd.f32 v55, v39;
	v55 =	vadd.f32 v58, v34;
	v58 =	vperm.xlane v43, v7  }
0x14b: {  	v44 =	vld [tilespmem:s30+$0xFFFFFFB0];
	v42 =	vpop (erf);
	v57 =	vperm.xlane v40, v2;
	v49 =	vadd.f32 v47, v49;
	v60 =	vperm.xlane v38, v7  }
0x14c: {  	v59 =	vadd.f32 v59, v37;
	v61 =	vmul.f32 v4, v42;
	v43 =	vadd.f32 v58, v43  }
0x14d: {  	v40 =	vadd.f32 v57, v40;
	v58 =	vadd.f32 v60, v38;
	v60 =	vperm.xlane v49, v7  }
0x14e: {  	v57 =	vmul.f32 $2.000000030e-01, v41;
	v47 =	vadd.f32 v45, v35;
	v62 =	vperm.xlane v43, v8  }
0x14f: {  	v0 =	vperm.xlane v58, v8;
	v49 =	vadd.f32 v60, v49;
	v60 =	vperm.xlane v40, v7  }
0x150: {  	v45 =	vadd.f32 v44, v36;
	v46 =	vmul.f32 $2.000000030e-01, v55;
	v43 =	vadd.f32 v62, v43  }
0x151: {  	v63 =	vld [tilespmem:s30+$0xFFFFFFD0];
	v0 =	vadd.f32 v0, v58;
	v58 =	vperm.xlane v49, v8;
	v60 =	vadd.f32 v60, v40  }
0x152: {  	v57 =	vmax.f32 v41, v57;
	v38 =	vld [tilespmem:s4+$0xFFFFFFD0];
	v62 =	vmul.f32 $2.000000030e-01, v47;
	v41 =	vperm.xlane v43, v5  }
0x153: {  	v44 =	vperm.xlane v0, v5;
	v49 =	vadd.f32 v58, v49;
	v58 =	vperm.xlane v60, v8  }
0x154: {  	v46 =	vmax.f32 v55, v46;
	v55 =	vmul.f32 $2.000000030e-01, v45;
	v40 =	vld [tilespmem:s4+$0xFFFFFFE0];
	v43 =	vadd.f32 v41, v43  }
0x155: {  	v47 =	vmax.f32 v47, v62;
	v62 =	vld [tilespmem:s30+$0xFFFFFFF0];
	v0 =	vadd.f32 v44, v0;
	v44 =	vadd.f32 v58, v60  }
0x156: {  	v46 =	vmul.f32 v46, v12;
	v45 =	vmax.f32 v45, v55;
	v58 =	vld [tilespmem:s30+$0xFFFFFFE0];
	v60 =	vperm.xlane v49, v5  }
0x157: {  	v63 =	vadd.f32 v63, v38;
	v41 =	vld [tilespmem:s4+$0xFFFFFFF0];
	v43 =	vmul.f32 $1.442695020e+00, v43;
	v55 =	vperm.xlane v44, v5  }
0x158: {  	v0 =	vmul.f32 $1.442695020e+00, v0;
	v49 =	vadd.f32 v60, v49;
	v60 =	vmul.f32 $2.000000030e-01, v59  }
0x159: {  	v47 =	vmul.f32 v47, v13;
	(erf) = vpow2.f32 v43;
	v44 =	vadd.f32 v55, v44  }
0x15a: {  	v43 =	vmax.f32 v59, v60;
	v49 =	vmul.f32 $1.442695020e+00, v49;
	(erf) = vpow2.f32 v0  }
0x15b: {  	s7 =	smul.u32 $0x4800, s28;
	v60 =	vmul.f32 v57, v11;
	v0 =	vmul.f32 $2.000000030e-01, v63;
	v57 =	vadd.f32 v58, v40  }
0x15c: {  	v58 =	vadd.f32 v62, v41;
	v44 =	vmul.f32 $1.442695020e+00, v44;
	(erf) = vpow2.f32 v49  }
0x15d: {  	s7 =	sshrl.u32 s7, $0x2;
	v49 =	vmul.f32 v45, v14;
	v46 =	vadd.f32 v46, v60;
	v60 =	vmul.f32 v43, v15  }
0x15e: {  	s2 =	sor.u32 $0x41B0, s7;
	v59 =	vmul.f32 $2.000000030e-01, v57;
	v0 =	vmax.f32 v63, v0;
	v55 =	vmul.f32 $2.000000030e-01, v58  }
0x15f: {  	[tilespmem:s2+$0x30] =	vst v3;
	v45 =	vpop (erf);
	(erf) = vpow2.f32 v44;
	v47 =	vadd.f32 v49, v47;
	v0 =	vmul.f32 v0, v16  }
0x160: {  	[tilespmem:s2+$0x50] =	vst v1;
	v63 =	vperm.xlane v46, v2;
	v57 =	vmax.f32 v57, v59;
	v55 =	vmax.f32 v58, v55;
	v44 =	vpop (erf)  }
0x161: {  	[tilespmem:s2+$0x40] =	vst v50;
	v58 =	vmul.f32 v6, v45;
	v62 =	vperm.xlane v47, v2;
	v0 =	vadd.f32 v0, v60;
	v43 =	vpop (erf)  }
0x162: {  	[tilespmem:s2+$0x0] =	vst v51;
	v59 =	vadd.f32 v63, v46;
	v63 =	vmul.f32 v57, v17;
	v55 =	vmul.f32 v55, v10;
	v49 =	vpop (erf)  }
0x163: {  	[tilespmem:s2+$0x10] =	vst v52;
	v57 =	vadd.f32 v62, v47;
	v47 =	vadd.f32 v58, v61;
	v61 =	vperm.xlane v0, v2;
	v46 =	vpop (erf)  }
0x164: {  	[tilespmem:s2+$0x80] =	vst v56;
	v56 =	vadd.f32 v55, v63;
	v55 =	vmul.f32 v4, v49;
	v58 =	vmul.f32 v6, v46  }
0x165: {  	[tilespmem:s2+$0x20] =	vst v48  }
0x166: {  	v1 =	vld [tilespmem:$0x1FFF0];
	[tilespmem:s2+$0x60] =	vst v54;
	v58 =	vadd.f32 v58, v55;
	v55 =	vadd.f32 v61, v0;
	v0 =	vperm.xlane v56, v2  }
0x167: {  	s8 =	smul.u32 $0xAAAB, s29;
	[tilespmem:s2+$0x70] =	vst v53  }
0x168: {  	v51 =	vmul.f32 v9, v44;
	v60 =	vperm.xlane v59, v7;
	v48 =	vpop (erf);
	v54 =	vadd.f32 v0, v56;
	v0 =	vld [tilespmem:$0x1FFF0]  }
0x169: {  	s0 =	sshrl.u32 s8, $0x11;
	v62 =	vperm.xlane v57, v7;
	v63 =	vmul.f32 v9, v48  }
0x16a: {  	s0 =	smul.u32 $0x3, s0;
	v52 =	vadd.f32 v51, v47;
	v51 =	vadd.f32 v60, v59;
	v47 =	vpop (erf)  }
0x16b: {  	v50 =	vadd.f32 v62, v57;
	v61 =	vmul.f32 v1, v47;
	v60 =	vadd.f32 v63, v58  }
0x16c: {  	s0 =	ssub.s32 s29, s0;
	s29 =	sor.u32 $0x4120, s7;
	v57 =	vperm.xlane v51, v8;
	v59 =	vperm.xlane v55, v7  }
0x16d: {  	s7 =	simm.s32 $0x2;
	s8 =	sadd.s32 $0x100, s4;
	s4 =	smov.u32 s2;
	v58 =	vperm.xlane v50, v8;
	v53 =	vadd.f32 v61, v60;
	v56 =	vmul.f32 v0, v43  }
.LBB2_5:
0x16e: {  	v0 =	vld [tilespmem:s8+$0x60];
	s2 =	sadd.s32 $0x120, s2  }
0x16f: {  	s30 =	sadd.s32 $0x100, s30;
	v63 =	vmul.f32 v42, v18;
	v1 =	vmul.f32 v43, v25;
	v55 =	vadd.f32 v59, v55;
	v59 =	vld [tilespmem:s8+$0x70];
	[tilespmem:s2+$0x80] =	vst v53  }
0x170: {  	v18 =	vmovc v34;
	v51 =	vadd.f32 v57, v51;
	v57 =	vperm.xlane v54, v7;
	v52 =	vadd.f32 v56, v52;
	v56 =	vld [tilespmem:s30+$0x60]  }
0x171: {  	v33 =	vmul.f32 v46, v33;
	v50 =	vadd.f32 v58, v50;
	v53 =	vmul.f32 v42, v21;
	v21 =	vmovc v39;
	v39 =	vld [tilespmem:s30+$0x70]  }
0x172: {  	v34 =	vld [tilespmem:s8+$0x40];
	[tilespmem:s4+$0xFFFFFF80] =	vst v63;
	v58 =	vperm.xlane v51, v5;
	v60 =	vperm.xlane v55, v8;
	v54 =	vadd.f32 v57, v54  }
0x173: {  	v25 =	vmov v41;
	v32 =	vmul.f32 v46, v32;
	v41 =	vld [tilespmem:s30+$0x0];
	v62 =	vperm.xlane v50, v5;
	[tilespmem:s4+$0xFFFFFFF0] =	vst v52  }
0x174: {  	[tilespmem:s4+$0xFFFFFF70] =	vst v53;
	v53 =	vld [tilespmem:s8+$0x50];
	v51 =	vadd.f32 v58, v51;
	v52 =	vadd.f32 v60, v55;
	v61 =	vperm.xlane v54, v8  }
0x175: {  	[tilespmem:s4+$0xFFFFFFE0] =	vst v1;
	v57 =	vld [tilespmem:s30+$0x40];
	v50 =	vadd.f32 v62, v50;
	v62 =	vmul.f32 v45, v19;
	v45 =	vmul.f32 v45, v22  }
0x176: {  	v58 =	vmul.f32 v44, v23;
	v23 =	vmovc v38;
	v38 =	vld [tilespmem:s8+$0x20];
	v63 =	vperm.xlane v52, v5;
	v54 =	vadd.f32 v61, v54  }
0x177: {  	v51 =	vmul.f32 $1.442695020e+00, v51;
	[tilespmem:s4+$0xFFFFFF90] =	vst v62;
	v61 =	vmul.f32 v44, v20;
	v20 =	vmov v37;
	v37 =	vld [tilespmem:s8+$0x0]  }
0x178: {  	v60 =	vmul.f32 $1.442695020e+00, v50;
	[tilespmem:s4+$0xFFFFFFC0] =	vst v58;
	v58 =	vld [tilespmem:s30+$0x20];
	v62 =	vadd.f32 v63, v52;
	v63 =	vperm.xlane v54, v5  }
0x179: {  	v1 =	vmul.f32 v48, v29;
	v22 =	vmov v36;
	v36 =	vld [tilespmem:s30+$0x50];
	[tilespmem:s4+$0xFFFFFFA0] =	vst v45;
	(erf) = vpow2.f32 v51  }
0x17a: {  	v45 =	vld [tilespmem:s8+$0x10];
	[tilespmem:s4+$0xFFFFFFB0] =	vst v61;
	(erf) = vpow2.f32 v60;
	v61 =	vadd.f32 v63, v54;
	v63 =	vmul.f32 v49, v31  }
0x17b: {  	v29 =	vmovc v34;
	v60 =	vmul.f32 $1.442695020e+00, v62;
	v62 =	vmul.f32 v43, v24;
	v24 =	vmov v40;
	v40 =	vld [tilespmem:s8+$0x30]  }
0x17c: {  	v55 =	vmul.f32 v49, v30;
	v50 =	vadd.f32 v57, v29;
	v54 =	vld [tilespmem:s30+$0x10];
	v49 =	vadd.f32 v39, v59;
	[tilespmem:s2+$0x0] =	vst v63  }
0x17d: {  	v31 =	vmovc v37;
	v37 =	vadd.f32 v58, v38;
	v52 =	vmul.f32 $1.442695020e+00, v61;
	(erf) = vpow2.f32 v60;
	v61 =	vld [tilespmem:s30+$0x30]  }
0x17e: {  	[tilespmem:s4+$0xFFFFFFD0] =	vst v62;
	v62 =	vmul.f32 v48, v27;
	v48 =	vadd.f32 v56, v0;
	v63 =	vmul.f32 v47, v28  }
0x17f: {  	v27 =	vmovc v53;
	v60 =	vmul.f32 v47, v26;
	v41 =	vadd.f32 v41, v31;
	v56 =	vmul.f32 $2.000000030e-01, v50  }
0x180: {  	v30 =	vmovc v45;
	v51 =	vadd.f32 v36, v27;
	(erf) = vpow2.f32 v52;
	v53 =	vmul.f32 $2.000000030e-01, v48  }
0x181: {  	[tilespmem:s2+$0x10] =	vst v55;
	v34 =	vld [tilespmem:s8+$0xFFFFFF90];
	v46 =	vmul.f32 $2.000000030e-01, v41;
	v50 =	vmax.f32 v50, v56;
	v43 =	vadd.f32 v54, v30  }
0x182: {  	v28 =	vmovc v0;
	v36 =	vld [tilespmem:s8+$0xFFFFFFB0];
	[tilespmem:s2+$0x70] =	vst v60;
	v54 =	vmul.f32 $2.000000030e-01, v49;
	v60 =	vmul.f32 $2.000000030e-01, v51;
	v55 =	vadd.f32 v61, v40  }
0x183: {  	[tilespmem:s2+$0x20] =	vst v33;
	v0 =	vld [tilespmem:s30+$0xFFFFFF90];
	v33 =	vmovc v38;
	v50 =	vmul.f32 v50, v15;
	v41 =	vmax.f32 v41, v46;
	v38 =	vmul.f32 $2.000000030e-01, v43  }
0x184: {  	v26 =	vmovc v59;
	[tilespmem:s2+$0x30] =	vst v32;
	v58 =	vld [tilespmem:s30+$0xFFFFFFB0];
	v32 =	vmovc v40;
	v48 =	vmax.f32 v48, v53;
	v40 =	vmul.f32 $2.000000030e-01, v37;
	v59 =	vmul.f32 $2.000000030e-01, v55  }
0x185: {  	v39 =	vld [tilespmem:s8+$0xFFFFFF80];
	v41 =	vmul.f32 v41, v11;
	v48 =	vmul.f32 v48, v17;
	v38 =	vmax.f32 v43, v38  }
0x186: {  	v52 =	vld [tilespmem:s30+$0xFFFFFF80];
	v40 =	vmax.f32 v37, v40;
	v61 =	vmul.f32 v38, v12;
	v55 =	vmax.f32 v55, v59  }
0x187: {  	v42 =	vpop (erf);
	v51 =	vmax.f32 v51, v60;
	v40 =	vmul.f32 v40, v13;
	v55 =	vmul.f32 v55, v14  }
0x188: {  	v19 =	vmovc v35;
	v35 =	vld [tilespmem:s8+$0xFFFFFFA0];
	v49 =	vmax.f32 v49, v54;
	v47 =	vmul.f32 v4, v42;
	v46 =	vadd.f32 v61, v41  }
0x189: {  	v57 =	vld [tilespmem:s30+$0xFFFFFFA0];
	v51 =	vmul.f32 v51, v16;
	v49 =	vmul.f32 v49, v10;
	v55 =	vadd.f32 v55, v40  }
0x18a: {  	[tilespmem:s2+$0x50] =	vst v62;
	v0 =	vadd.f32 v0, v34;
	v58 =	vadd.f32 v58, v36;
	v62 =	vperm.xlane v46, v2  }
0x18b: {  	v45 =	vpop (erf);
	v52 =	vadd.f32 v52, v39;
	v50 =	vadd.f32 v51, v50;
	v59 =	vperm.xlane v55, v2  }
0x18c: {  	v53 =	vld [tilespmem:s30+$0xFFFFFFC0];
	v54 =	vmul.f32 v6, v45;
	v3 =	vmul.f32 $2.000000030e-01, v58;
	v46 =	vadd.f32 v62, v46  }
0x18d: {  	v37 =	vld [tilespmem:s8+$0xFFFFFFC0];
	v48 =	vadd.f32 v49, v48;
	v55 =	vadd.f32 v59, v55;
	v59 =	vperm.xlane v50, v2  }
0x18e: {  	v56 =	vld [tilespmem:s30+$0xFFFFFFD0];
	v49 =	vadd.f32 v57, v35;
	v3 =	vmax.f32 v58, v3;
	v57 =	vperm.xlane v46, v7  }
0x18f: {  	v38 =	vld [tilespmem:s8+$0xFFFFFFD0];
	v61 =	vperm.xlane v55, v7;
	v50 =	vadd.f32 v59, v50;
	v59 =	vperm.xlane v48, v2  }
0x190: {  	[tilespmem:s2+$0x40] =	vst v1;
	v1 =	vmul.f32 $2.000000030e-01, v49;
	v3 =	vmul.f32 v3, v14;
	v46 =	vadd.f32 v57, v46  }
0x191: {  	v55 =	vadd.f32 v61, v55;
	v57 =	vperm.xlane v50, v7;
	v48 =	vadd.f32 v59, v48  }
0x192: {  	v1 =	vmax.f32 v49, v1;
	v53 =	vadd.f32 v53, v37;
	v61 =	vperm.xlane v46, v8  }
0x193: {  	[tilespmem:s2+$0x60] =	vst v63;
	v63 =	vperm.xlane v55, v8;
	v50 =	vadd.f32 v57, v50;
	v57 =	vperm.xlane v48, v7  }
0x194: {  	v51 =	vld [tilespmem:s30+$0xFFFFFFE0];
	v56 =	vadd.f32 v56, v38;
	v62 =	vmul.f32 $2.000000030e-01, v52;
	v46 =	vadd.f32 v61, v46  }
0x195: {  	v40 =	vld [tilespmem:s8+$0xFFFFFFE0];
	v55 =	vadd.f32 v63, v55;
	v61 =	vperm.xlane v50, v8;
	v48 =	vadd.f32 v57, v48  }
0x196: {  	v1 =	vmul.f32 v1, v13;
	v52 =	vmax.f32 v52, v62;
	v57 =	vperm.xlane v46, v5  }
0x197: {  	v62 =	vperm.xlane v55, v5;
	v50 =	vadd.f32 v61, v50;
	v61 =	vperm.xlane v48, v8  }
0x198: {  	v58 =	vmul.f32 $2.000000030e-01, v56;
	v1 =	vadd.f32 v3, v1;
	v46 =	vadd.f32 v57, v46  }
0x199: {  	v60 =	vld [tilespmem:s30+$0xFFFFFFF0];
	v63 =	vadd.f32 v62, v55;
	v62 =	vperm.xlane v50, v5;
	v48 =	vadd.f32 v61, v48  }
0x19a: {  	v41 =	vld [tilespmem:s8+$0xFFFFFFF0];
	v51 =	vadd.f32 v51, v40;
	v59 =	vmul.f32 $2.000000030e-01, v0;
	v46 =	vmul.f32 $1.442695020e+00, v46  }
0x19b: {  	v44 =	vpop (erf);
	v49 =	vmul.f32 $1.442695020e+00, v63;
	v50 =	vadd.f32 v62, v50;
	v63 =	vperm.xlane v48, v5  }
0x19c: {  	v43 =	vpop (erf);
	v0 =	vmax.f32 v0, v59;
	v57 =	vmul.f32 $2.000000030e-01, v53;
	(erf) = vpow2.f32 v46  }
0x19d: {  	v59 =	vmul.f32 $1.442695020e+00, v50;
	v48 =	vadd.f32 v63, v48;
	(erf) = vpow2.f32 v49  }
0x19e: {  	v0 =	vmul.f32 v0, v12;
	v57 =	vmax.f32 v53, v57;
	v49 =	vmul.f32 v52, v11  }
0x19f: {  	v50 =	vadd.f32 v60, v41;
	v48 =	vmul.f32 $1.442695020e+00, v48;
	(erf) = vpow2.f32 v59  }
0x1a0: {  	v61 =	vmul.f32 $2.000000030e-01, v51;
	v62 =	vmul.f32 v57, v15;
	v59 =	vmax.f32 v56, v58  }
0x1a1: {  	v0 =	vadd.f32 v0, v49;
	v63 =	vmul.f32 $2.000000030e-01, v50;
	(erf) = vpow2.f32 v48  }
0x1a2: {  	v47 =	vadd.f32 v54, v47;
	v3 =	vmul.f32 v59, v16;
	v59 =	vperm.xlane v1, v2  }
0x1a3: {  	v56 =	vmax.f32 v51, v61;
	v57 =	vperm.xlane v0, v2;
	v55 =	vmax.f32 v50, v63  }
0x1a4: {  	v3 =	vadd.f32 v3, v62;
	v1 =	vadd.f32 v59, v1;
	v62 =	vmul.f32 v9, v44  }
0x1a5: {  	v60 =	vld [tilespmem:$0x1FFF0];
	v58 =	vmul.f32 v56, v17;
	v61 =	vmul.f32 v55, v10;
	v49 =	vpop (erf)  }
0x1a6: {  	v0 =	vadd.f32 v57, v0;
	v52 =	vadd.f32 v62, v47;
	v62 =	vperm.xlane v1, v7;
	v46 =	vpop (erf)  }
0x1a7: {  	s7 =	sadd.s32 $0x2, s7;
	v51 =	vmul.f32 v4, v49;
	v63 =	vmul.f32 v6, v46  }
0x1a8: {  	p0 =	slt.u32 s7, $0x1E;
	v53 =	vadd.f32 v61, v58;
	v61 =	vperm.xlane v3, v2;
	v55 =	vperm.xlane v0, v7;
	v48 =	vpop (erf)  }
.Ltmp1:
0x1a9: {  	v50 =	vadd.f32 v62, v1;
	v54 =	vadd.f32 v63, v51;
	v63 =	vmul.f32 v9, v48;
	(pc) =	sbr.rel @p0 .LBB2_5-.Ltmp1, $4  }
0x1aa: {  	v56 =	vmul.f32 v60, v43;
	v51 =	vadd.f32 v55, v0;
	v55 =	vadd.f32 v61, v3;
	v47 =	vpop (erf)  }
0x1ab: {  	v0 =	vperm.xlane v53, v2;
	v1 =	vadd.f32 v63, v54;
	v3 =	vmul.f32 v60, v47  }
0x1ac: {  	v58 =	vperm.xlane v50, v8;
	v57 =	vperm.xlane v51, v8  }
0x1ad: {  	s4 =	smov.u32 s2;
	s8 =	sadd.s32 $0x100, s8;
	v59 =	vperm.xlane v55, v7;
	v54 =	vadd.f32 v0, v53;
	v53 =	vadd.f32 v3, v1  }
0x1ae: {  	_ = 	snop  }
0x1af: {  	v0 =	vadd.f32 v59, v55  }
0x1b0: {  	v1 =	vperm.xlane v54, v7  }
0x1b1: {  	v3 =	vadd.f32 v57, v51;
	v50 =	vadd.f32 v58, v50;
	v58 =	vperm.xlane v0, v8  }
0x1b2: {  	v1 =	vadd.f32 v1, v54  }
0x1b3: {  	v59 =	vperm.xlane v3, v5;
	v0 =	vadd.f32 v58, v0  }
0x1b4: {  	v61 =	vperm.xlane v50, v5;
	v62 =	vperm.xlane v1, v8  }
0x1b5: {  	v3 =	vadd.f32 v59, v3;
	v63 =	vperm.xlane v0, v5  }
0x1b6: {  	v50 =	vadd.f32 v61, v50;
	v1 =	vadd.f32 v62, v1  }
0x1b7: {  	v3 =	vmul.f32 $1.442695020e+00, v3;
	v0 =	vadd.f32 v63, v0  }
0x1b8: {  	v50 =	vmul.f32 $1.442695020e+00, v50;
	v51 =	vperm.xlane v1, v5  }
0x1b9: {  	s2 =	sadd.s32 $0x120, s2;
	v52 =	vadd.f32 v56, v52;
	(erf) = vpow2.f32 v3;
	v0 =	vmul.f32 $1.442695020e+00, v0  }
0x1ba: {  	v21 =	vmul.f32 v42, v21;
	[tilespmem:s2+$0x80] =	vst v53;
	(erf) = vpow2.f32 v50;
	v1 =	vadd.f32 v51, v1  }
0x1bb: {  	[tilespmem:s4+$0xFFFFFFF0] =	vst v52;
	(erf) = vpow2.f32 v0;
	v0 =	vmul.f32 v45, v22  }
0x1bc: {  	[tilespmem:s4+$0xFFFFFF70] =	vst v21;
	v3 =	vmul.f32 v42, v18;
	v1 =	vmul.f32 $1.442695020e+00, v1  }
0x1bd: {  	v18 =	vmul.f32 v45, v19;
	[tilespmem:s4+$0xFFFFFFA0] =	vst v0;
	v0 =	vmul.f32 v44, v23  }
0x1be: {  	[tilespmem:s4+$0xFFFFFF80] =	vst v3;
	(erf) = vpow2.f32 v1;
	v1 =	vmul.f32 v43, v24  }
0x1bf: {  	v3 =	vmul.f32 v44, v20;
	[tilespmem:s4+$0xFFFFFFC0] =	vst v0;
	v0 =	vmul.f32 v43, v25  }
0x1c0: {  	[tilespmem:s4+$0xFFFFFF90] =	vst v18  }
0x1c1: {  	v18 =	vmul.f32 v49, v30;
	[tilespmem:s4+$0xFFFFFFB0] =	vst v3  }
0x1c2: {  	v3 =	vmul.f32 v49, v31;
	[tilespmem:s4+$0xFFFFFFD0] =	vst v1;
	v1 =	vpop (erf)  }
0x1c3: {  	v19 =	vmul.f32 v46, v33;
	[tilespmem:s4+$0xFFFFFFE0] =	vst v0;
	v0 =	vpop (erf)  }
0x1c4: {  	[tilespmem:s2+$0x0] =	vst v3;
	v3 =	vmul.f32 v4, v1;
	v56 =	vmul.f32 v6, v0  }
0x1c5: {  	v57 =	vmul.f32 v46, v32;
	[tilespmem:s2+$0x10] =	vst v18;
	v18 =	vpop (erf)  }
0x1c6: {  	v59 =	vmul.f32 v48, v27;
	[tilespmem:s2+$0x20] =	vst v19;
	v19 =	vmul.f32 v9, v18;
	v3 =	vadd.f32 v56, v3  }
0x1c7: {  	[tilespmem:s2+$0x30] =	vst v57;
	v58 =	vmul.f32 v48, v29;
	v61 =	vpop (erf)  }
0x1c8: {  	[tilespmem:s2+$0x50] =	vst v59;
	v62 =	vmul.f32 v47, v28;
	v3 =	vadd.f32 v19, v3;
	v19 =	vmul.f32 v60, v61  }
0x1c9: {  	[tilespmem:s2+$0x40] =	vst v58;
	v63 =	vmul.f32 v47, v26  }
0x1ca: {  	[tilespmem:s2+$0x60] =	vst v62;
	v3 =	vadd.f32 v19, v3  }
0x1cb: {  	[tilespmem:s2+$0x70] =	vst v63;
	v19 =	vmul.f32 v1, v39  }
0x1cc: {  	v1 =	vmul.f32 v1, v34;
	[tilespmem:s2+$0xFFFFFFF0] =	vst v3  }
0x1cd: {  	[tilespmem:s2+$0xFFFFFF70] =	vst v19;
	v3 =	vmul.f32 v0, v35  }
0x1ce: {  	[tilespmem:s2+$0xFFFFFF80] =	vst v1;
	v0 =	vmul.f32 v0, v36  }
0x1cf: {  	v1 =	vmul.f32 v18, v37;
	[tilespmem:s2+$0xFFFFFF90] =	vst v3  }
0x1d0: {  	[tilespmem:s2+$0xFFFFFFA0] =	vst v0;
	v0 =	vmul.f32 v18, v38  }
0x1d1: {  	p0 =	slt.u32 s31, $0x271;
	[tilespmem:s2+$0xFFFFFFB0] =	vst v1;
	v1 =	vmul.f32 v61, v40  }
.Ltmp2:
0x1d2: {  	s0 =	sshll.u32 s0, $0x5;
	[tilespmem:s2+$0xFFFFFFC0] =	vst v0;
	v0 =	vmul.f32 v61, v41;
	(pc) =	sbr.rel @p0 .LBB2_4-.Ltmp2, $4  }
0x1d3: {  	s0 =	sand.u32 $0x3FE0, s0;
	[tilespmem:s2+$0xFFFFFFD0] =	vst v1  }
0x1d4: {  	s30 =	sor.u32 $0x6, s28;
	s0 =	sadd.s32 $0xC0, s0;
	[tilespmem:s2+$0xFFFFFFE0] =	vst v0  }
0x1d5: {  	[spmem:s1] =	stream.indirect.scatter.add.f32 [tilespmem:s29], [sflag:s30], $0x90, s0, s26, $0xb8;
	[tilespmem:$0x1CDA0] =	vst v63  }
0x1d6: {  	v56 =	vmov v9;
	v3 =	vmov v6;
	v1 =	vmov v4;
	s29 =	smov.u32 s31  }
0x1d7: {  	s0 =	simm.s32 $0x6  }
0x1d8: {  	_ =	swait.ge [sflag:s0], $0x1200  }
0x1d9: {  	[sflag:s0] =	ssyncset.done $0x0  }
0x1da: {  	s29 =	simm.s32 $0x7;
	[sflag:s0] =	ssyncadd.s32 $0xFFFFEE00  }
0x1db: {  	_ =	swait.ge [sflag:s29], $0x1200  }
0x1dc: {  	[sflag:s29] =	ssyncset.done $0x0  }
0x1dd: {  	s2 =	stileid.u32;
	[sflag:s29] =	ssyncadd.s32 $0xFFFFEE00  }
0x1de: {  	s0 =	sshll.u32 s2, $0x6;
	[bflag:$0x0] =	sbarrier.arrive $0xFFFF  }
0x1df: {  	s2 =	sshrl.u32 s9, $0x3;
	s0 =	sor.u32 $0x1C08, s0;
	s4 =	rddreg [dreg:$0x3]  }
0x1e0: {  	[hbm:s4], [sflag:s0] =	dma.local [spmem:s2], $0x240  }
0x1e1: {  	_ =	swait.ge [sflag:s24], $0x240  }
0x1e2: {  	[sflag:s24] =	ssyncset.done $0x0  }
0x1e3: {  	s4 =	sshrl.u32 s10, $0x3;
	s7 =	rddreg [dreg:$0x4];
	[sflag:s24] =	ssyncadd.s32 $0xFFFFFDC0  }
0x1e4: {  	[hbm:s7], [sflag:s0] =	dma.local [spmem:s4], $0x240  }
0x1e5: {  	_ =	swait.ge [sflag:s24], $0x240  }
0x1e6: {  	s30 =	smov.u32 s9;
	[sflag:s24] =	ssyncset.done $0x0;
	s8 =	rddreg [dreg:$0x18]  }
0x1e7: {  	s9 =	rddreg [dreg:$0x5];
	[sflag:s24] =	ssyncadd.s32 $0xFFFFFDC0;
	s2 =	sshrl.u32 s8, $0x3  }
0x1e8: {  	[hbm:s9], [sflag:s0] =	dma.local [spmem:s2], $0x240  }
0x1e9: {  	_ =	swait.ge [sflag:s24], $0x240  }
0x1ea: {  	s31 =	smov.u32 s10;
	s10 =	sshrl.u32 s11, $0x3;
	[sflag:s24] =	ssyncset.done $0x0  }
0x1eb: {  	s7 =	smov.u32 s11;
	s11 =	rddreg [dreg:$0x6];
	[sflag:s24] =	ssyncadd.s32 $0xFFFFFDC0  }
0x1ec: {  	[hbm:s11], [sflag:s0] =	dma.local [spmem:s10], $0x240  }
0x1ed: {  	_ =	swait.ge [sflag:s24], $0x240  }
0x1ee: {  	[sflag:s24] =	ssyncset.done $0x0  }
0x1ef: {  	s28 =	sshrl.u32 s12, $0x3;
	s29 =	rddreg [dreg:$0x7];
	[sflag:s24] =	ssyncadd.s32 $0xFFFFFDC0  }
0x1f0: {  	[hbm:s29], [sflag:s0] =	dma.local [spmem:s28], $0x240  }
0x1f1: {  	_ =	swait.ge [sflag:s24], $0x240  }
0x1f2: {  	[sflag:s24] =	ssyncset.done $0x0;
	s9 =	rddreg [dreg:$0x19]  }
0x1f3: {  	s10 =	rddreg [dreg:$0x8];
	[sflag:s24] =	ssyncadd.s32 $0xFFFFFDC0;
	s2 =	sshrl.u32 s9, $0x3  }
0x1f4: {  	[hbm:s10], [sflag:s0] =	dma.local [spmem:s2], $0x240  }
0x1f5: {  	_ =	swait.ge [sflag:s24], $0x240  }
0x1f6: {  	s8 =	smov.u32 s12;
	[sflag:s24] =	ssyncset.done $0x0;
	s11 =	rddreg [dreg:$0x1a]  }
0x1f7: {  	s12 =	rddreg [dreg:$0x9];
	[sflag:s24] =	ssyncadd.s32 $0xFFFFFDC0;
	s2 =	sshrl.u32 s11, $0x3  }
0x1f8: {  	[hbm:s12], [sflag:s0] =	dma.local [spmem:s2], $0x240  }
0x1f9: {  	_ =	swait.ge [sflag:s24], $0x240  }
0x1fa: {  	[sflag:s24] =	ssyncset.done $0x0;
	s28 =	rddreg [dreg:$0x1b]  }
0x1fb: {  	s29 =	rddreg [dreg:$0xa];
	[sflag:s24] =	ssyncadd.s32 $0xFFFFFDC0;
	s2 =	sshrl.u32 s28, $0x3  }
0x1fc: {  	[hbm:s29], [sflag:s0] =	dma.local [spmem:s2], $0x240  }
0x1fd: {  	_ =	swait.ge [sflag:s24], $0x240  }
0x1fe: {  	[sflag:s24] =	ssyncset.done $0x0;
	s9 =	rddreg [dreg:$0x1c]  }
0x1ff: {  	s10 =	rddreg [dreg:$0xb];
	[sflag:s24] =	ssyncadd.s32 $0xFFFFFDC0;
	s2 =	sshrl.u32 s9, $0x3  }
0x200: {  	[hbm:s10], [sflag:s0] =	dma.local [spmem:s2], $0x240  }
0x201: {  	_ =	swait.ge [sflag:s24], $0x240  }
0x202: {  	[sflag:s24] =	ssyncset.done $0x0;
	s11 =	rddreg [dreg:$0x1d]  }
0x203: {  	s12 =	rddreg [dreg:$0xc];
	[sflag:s24] =	ssyncadd.s32 $0xFFFFFDC0;
	s2 =	sshrl.u32 s11, $0x3  }
0x204: {  	[hbm:s12], [sflag:s0] =	dma.local [spmem:s2], $0x240  }
0x205: {  	_ =	swait.ge [sflag:s24], $0x240  }
0x206: {  	[sflag:s24] =	ssyncset.done $0x0;
	s28 =	rddreg [dreg:$0x1e]  }
0x207: {  	s29 =	rddreg [dreg:$0xd];
	[sflag:s24] =	ssyncadd.s32 $0xFFFFFDC0;
	s2 =	sshrl.u32 s28, $0x3  }
0x208: {  	[hbm:s29], [sflag:s0] =	dma.local [spmem:s2], $0x240  }
0x209: {  	_ =	swait.ge [sflag:s24], $0x240  }
0x20a: {  	[sflag:s24] =	ssyncset.done $0x0;
	s9 =	rddreg [dreg:$0x1f]  }
0x20b: {  	s10 =	rddreg [dreg:$0xe];
	[sflag:s24] =	ssyncadd.s32 $0xFFFFFDC0;
	s2 =	sshrl.u32 s9, $0x3  }
0x20c: {  	[hbm:s10], [sflag:s0] =	dma.local [spmem:s2], $0x240  }
0x20d: {  	_ =	swait.ge [sflag:s24], $0x240  }
0x20e: {  	[sflag:s24] =	ssyncset.done $0x0  }
0x20f: {  	s11 =	sshrl.u32 s13, $0x3;
	s12 =	rddreg [dreg:$0xf];
	[sflag:s24] =	ssyncadd.s32 $0xFFFFFDC0  }
0x210: {  	[hbm:s12], [sflag:s0] =	dma.local [spmem:s11], $0x240  }
0x211: {  	_ =	swait.ge [sflag:s24], $0x240  }
0x212: {  	[sflag:s24] =	ssyncset.done $0x0  }
0x213: {  	s28 =	sshrl.u32 s14, $0x3;
	s29 =	rddreg [dreg:$0x10];
	[sflag:s24] =	ssyncadd.s32 $0xFFFFFDC0  }
0x214: {  	[hbm:s29], [sflag:s0] =	dma.local [spmem:s28], $0x240  }
0x215: {  	_ =	swait.ge [sflag:s24], $0x240  }
0x216: {  	[sflag:s24] =	ssyncset.done $0x0  }
0x217: {  	s9 =	sshrl.u32 s15, $0x3;
	s10 =	rddreg [dreg:$0x11];
	[sflag:s24] =	ssyncadd.s32 $0xFFFFFDC0  }
0x218: {  	[hbm:s10], [sflag:s0] =	dma.local [spmem:s9], $0x240  }
0x219: {  	_ =	swait.ge [sflag:s24], $0x240  }
0x21a: {  	[sflag:s24] =	ssyncset.done $0x0  }
0x21b: {  	s11 =	sshrl.u32 s16, $0x3;
	s12 =	rddreg [dreg:$0x12];
	[sflag:s24] =	ssyncadd.s32 $0xFFFFFDC0  }
0x21c: {  	[hbm:s12], [sflag:s0] =	dma.local [spmem:s11], $0x240  }
0x21d: {  	_ =	swait.ge [sflag:s24], $0x240  }
0x21e: {  	[sflag:s24] =	ssyncset.done $0x0  }
0x21f: {  	s28 =	sshrl.u32 s17, $0x3;
	s29 =	rddreg [dreg:$0x13];
	[sflag:s24] =	ssyncadd.s32 $0xFFFFFDC0  }
0x220: {  	[hbm:s29], [sflag:s0] =	dma.local [spmem:s28], $0x240  }
0x221: {  	_ =	swait.ge [sflag:s24], $0x240  }
0x222: {  	[sflag:s24] =	ssyncset.done $0x0  }
0x223: {  	s4 =	sshrl.u32 s18, $0x3;
	s9 =	rddreg [dreg:$0x14];
	[sflag:s24] =	ssyncadd.s32 $0xFFFFFDC0  }
0x224: {  	[hbm:s9], [sflag:s0] =	dma.local [spmem:s4], $0x240  }
0x225: {  	_ =	swait.ge [sflag:s24], $0x240  }
0x226: {  	[sflag:s24] =	ssyncset.done $0x0  }
0x227: {  	s10 =	sshrl.u32 s19, $0x3;
	s11 =	rddreg [dreg:$0x15];
	[sflag:s24] =	ssyncadd.s32 $0xFFFFFDC0  }
0x228: {  	[hbm:s11], [sflag:s0] =	dma.local [spmem:s10], $0x240  }
0x229: {  	_ =	swait.ge [sflag:s24], $0x240  }
0x22a: {  	[sflag:s24] =	ssyncset.done $0x0  }
0x22b: {  	s12 =	sshrl.u32 s20, $0x3;
	s28 =	rddreg [dreg:$0x16];
	[sflag:s24] =	ssyncadd.s32 $0xFFFFFDC0  }
0x22c: {  	[hbm:s28], [sflag:s0] =	dma.local [spmem:s12], $0x240  }
0x22d: {  	_ =	swait.ge [sflag:s24], $0x240  }
0x22e: {  	s29 =	sld [smem:$0x7F9];
	_ =	sdelay $0x1  }
0x22f: {  	s21 =	sadd.s32 $0x1, s21  }
0x230: {  	p0 =	sne.s32 s21, s29  }
.Ltmp3:
0x231: {  	_ = 	snop;
	(pc) =	sbr.rel @p0 .LBB2_1-.Ltmp3, $3  }
0x232: {  	_ =	sdelay $0x1  }
0x233: {  	[sflag:s24] =	ssyncset.done $0x0  }
0x234: {  	v0 =	vimm.f32 $0.0e+00;
	[sflag:s24] =	ssyncadd.s32 $0xFFFFFDC0  }
0x235: {  	_ =	sfence.sel $0x180000  }
0x236: {  	[bflag:$0x0] =	sbarrier.arrive $0xFFFF  }
0x237: {  	_ =	strace $0x90000047  }
0x238: {  	s0 =	stileid.u32;
	[bflag:$0x2] =	sbarrier.arrive $0xFFFF  }
0x239: {  	p0 =	sne.s32 s0, $0x0;
	s0 =	rddreg [dreg:$0x2]  }
0x23a: {  	s0 =	sadd.s32 @!p0 $0x100000, s0  }
0x23b: {  	[sflag:s0] =	ssyncadd.tile.s32 @!p0 $0x1;
	_ =	shalt  }
.Lfunc_end2:
_tile_overlayer_lowered:
.L_overlay_start_2:
0x23c: {  	(tag) =	ssettag $0x2  }
0x23d: {  	s0 =	rddreg [dreg:$0x0];
	s2 =	stileid.u32  }
0x23e: {  	s1 =	rddreg [dreg:$0x1];
	p0 =	sne.s32 s2, $0x0  }
0x23f: {  	s3 =	rddreg [dreg:$0x2];
	[bflag:$0x3] =	sbarrier.arrive $0xFFFF;
	s2 =	simm.s32 @!p0 $0x1C08  }
0x240: {  	[timem:s3], [sflag:s2] =	dma.local @!p0 [hbm:s0], s1  }
0x241: {  	s0 =	simm.s32 @!p0 $0x8  }
0x242: {  	_ =	swait.ge @!p0 [sflag:s0], s1  }
0x243: {  	s1 =	ssub.s32 @!p0 $0x0, s1;
	[sflag:s0] =	ssyncset.done @!p0 $0x0  }
0x244: {  	[sflag:s0] =	ssyncadd.s32 @!p0 s1  }
0x245: {  	[bflag:$0x3] =	sbarrier.arrive $0xFFFF  }
0x246: {  	_ =	shalt  }

</sc_bundles>
